<compile_context>
chip_gen: v7x
topology: tpu7x:2x2x1
jax: 0.10.2.dev20260603
libtpu: 0.0.44.dev20260713+nightly
codegen_flags: <defaults>
</compile_context>

<pallas_src>
import functools

import jax
import jax.numpy as jnp
from jax import lax
from jax.experimental import pallas as pl
from jax.experimental.pallas import tpu as pltpu
from jax.experimental.pallas import tpu_sc as plsc

N = 10000
E = 320000
H = 128
NP = 10240
NC = 2
NS = 16
NW = NC * NS
EP = E // NW
TRASH = 10200

CH = 128
NCHUNK = 160
EPT = NCHUNK * CH
ROWS_PER_TILE = NP // NS
FH = H // NC
NBUF = 5

_sc_mesh = functools.partial(
    plsc.VectorSubcoreMesh, core_axis_name="c", subcore_axis_name="s",
    num_cores=NC, num_subcores=NS)
_sc_params = pltpu.CompilerParams(needs_layout_passes=False,
                                  use_tc_tiling_on_sc=False)


SLICE = NP // NS


def _zero_vec(ref, n):
    zero16 = jnp.zeros((16,), jnp.float32)

    def zbody(i, _):
        ref[pl.ds(i * 16, 16)] = zero16
        return ()
    lax.fori_loop(0, n // 16, zbody, (), unroll=8)


def _reduce_core(s, acc, spart, tmp_v, red_v, out_hbm, out_base):
    pltpu.sync_copy(acc, spart.at[pl.ds(s * NP, NP)])
    plsc.subcore_barrier()
    cbase = s * SLICE
    pltpu.sync_copy(spart.at[pl.ds(cbase, SLICE)], red_v)

    def pbody(p, _):
        pltpu.sync_copy(spart.at[pl.ds(p * NP + cbase, SLICE)], tmp_v)

        def abody(k, _):
            red_v[pl.ds(k * 16, 16)] = (red_v[pl.ds(k * 16, 16)]
                                        + tmp_v[pl.ds(k * 16, 16)])
            return ()
        lax.fori_loop(0, SLICE // 16, abody, (), unroll=8)
        return ()
    lax.fori_loop(1, NS, pbody, ())
    pltpu.sync_copy(red_v, out_hbm.at[pl.ds(out_base + cbase, SLICE)])


EPC = E // NS


def _rsqrt16(x):
    i = plsc.bitcast(x, jnp.int32)
    i = 0x5F3759DF - lax.shift_right_arithmetic(i, 1)
    y = plsc.bitcast(i, jnp.float32)
    for _ in range(3):
        y = y * (1.5 - 0.5 * x * y * y)
    return y


def _sc_scalar(src, dst):
    @functools.partial(
        pl.kernel,
        out_type=(jax.ShapeDtypeStruct((NP,), jnp.float32),
                  jax.ShapeDtypeStruct((NP,), jnp.float32),
                  jax.ShapeDtypeStruct((NC * NP,), jnp.float32)),
        mesh=_sc_mesh(),
        compiler_params=_sc_params,
        scratch_types=[
            pltpu.VMEM((EPC,), jnp.int32),
            pltpu.VMEM((EPC,), jnp.int32),
            pltpu.VMEM((NP,), jnp.float32),
            pltpu.VMEM((NP,), jnp.float32),
            pltpu.VMEM((NP,), jnp.float32),
            pltpu.VMEM((SLICE,), jnp.float32),
            pltpu.VMEM((SLICE,), jnp.float32),
            pltpu.VMEM_SHARED((NS * NP,), jnp.float32),
            pltpu.VMEM_SHARED((NS * NP,), jnp.float32),
            pltpu.VMEM_SHARED((NP,), jnp.float32),
        ],
    )
    def k(src_hbm, dst_hbm, ideg_hbm, odeg_hbm, part_hbm,
          src_v, dst_v, iacc, oacc, f0_v, tmp_v, red_v, ispart, ospart,
          f0_sh):
        c = lax.axis_index("c")
        s = lax.axis_index("s")
        base = s * EPC
        pltpu.sync_copy(src_hbm.at[pl.ds(base, EPC)], src_v)
        pltpu.sync_copy(dst_hbm.at[pl.ds(base, EPC)], dst_v)

        _zero_vec(iacc, NP)
        _zero_vec(oacc, NP)

        ones16 = jnp.ones((16,), jnp.float32)

        def ebody(i, _):
            sv = src_v[pl.ds(i * 16, 16)]
            dv = dst_v[pl.ds(i * 16, 16)]
            plsc.addupdate_scatter(oacc, [sv], ones16)
            plsc.addupdate_scatter(iacc, [dv], ones16)
            return ()
        lax.fori_loop(0, EPC // 16, ebody, (), unroll=8)

        cbase = s * SLICE
        pltpu.sync_copy(iacc, ispart.at[pl.ds(s * NP, NP)])
        pltpu.sync_copy(oacc, ospart.at[pl.ds(s * NP, NP)])
        plsc.subcore_barrier()

        def red_slice(spart, out_v):
            pltpu.sync_copy(spart.at[pl.ds(cbase, SLICE)], out_v)

            def pbody(p, _):
                pltpu.sync_copy(spart.at[pl.ds(p * NP + cbase, SLICE)], tmp_v)

                def abody(kk, _):
                    out_v[pl.ds(kk * 16, 16)] = (out_v[pl.ds(kk * 16, 16)]
                                                 + tmp_v[pl.ds(kk * 16, 16)])
                    return ()
                lax.fori_loop(0, SLICE // 16, abody, (), unroll=8)
                return ()
            lax.fori_loop(1, NS, pbody, ())

        red_slice(ispart, red_v)

        odeg_slice = iacc
        pltpu.sync_copy(ospart.at[pl.ds(cbase, SLICE)],
                        odeg_slice.at[pl.ds(0, SLICE)])

        def pbody2(p, _):
            pltpu.sync_copy(ospart.at[pl.ds(p * NP + cbase, SLICE)], tmp_v)

            def abody(kk, _):
                odeg_slice[pl.ds(kk * 16, 16)] = (
                    odeg_slice[pl.ds(kk * 16, 16)] + tmp_v[pl.ds(kk * 16, 16)])
                return ()
            lax.fori_loop(0, SLICE // 16, abody, (), unroll=8)
            return ()
        lax.fori_loop(1, NS, pbody2, ())

        @pl.when(c == 0)
        def _():
            pltpu.sync_copy(red_v, ideg_hbm.at[pl.ds(cbase, SLICE)])

        @pl.when(c == 1)
        def _():
            pltpu.sync_copy(odeg_slice.at[pl.ds(0, SLICE)],
                            odeg_hbm.at[pl.ds(cbase, SLICE)])

        def fbody(kk, _):
            ideg16 = red_v[pl.ds(kk * 16, 16)]
            odeg16 = odeg_slice[pl.ds(kk * 16, 16)]
            f016 = ideg16 * _rsqrt16(jnp.maximum(odeg16, 1.0))
            tmp_v[pl.ds(kk * 16, 16)] = f016
            return ()
        lax.fori_loop(0, SLICE // 16, fbody, (), unroll=8)
        pltpu.sync_copy(tmp_v, f0_sh.at[pl.ds(cbase, SLICE)])
        plsc.subcore_barrier()

        pltpu.sync_copy(f0_sh, f0_v)
        acc = oacc
        _zero_vec(acc, NP)

        abase = c * EP

        def gbody(i, _):
            sv = src_v[pl.ds(abase + i * 16, 16)]
            dv = dst_v[pl.ds(abase + i * 16, 16)]
            vals = plsc.load_gather(f0_v, [sv])
            plsc.addupdate_scatter(acc, [dv], vals)
            return ()
        lax.fori_loop(0, EP // 16, gbody, (), unroll=8)

        _reduce_core(s, acc, ispart, tmp_v, red_v, part_hbm, c * NP)

    return k(src, dst)


def _sc_agg2(srcp, dstp, t0, t1, zrows):
    @functools.partial(
        pl.kernel,
        out_type=(jax.ShapeDtypeStruct((NP, FH), jnp.float32),
                  jax.ShapeDtypeStruct((NP, FH), jnp.float32)),
        mesh=_sc_mesh(),
        compiler_params=_sc_params,
        scratch_types=[
            pltpu.VMEM((NCHUNK, CH), jnp.int32),
            pltpu.VMEM((NCHUNK, CH), jnp.int32),
        ] + [pltpu.VMEM((CH, FH), jnp.float32)] * NBUF
          + [pltpu.VMEM_SHARED((NP, FH), jnp.float32)]
          + [pltpu.SemaphoreType.DMA] * (2 * NBUF),
    )
    def k(src_hbm, dst_hbm, t0_hbm, t1_hbm, z_hbm, o0_hbm, o1_hbm,
          src_v, dst_v, *rest):
        gbufs = rest[:NBUF]
        acc = rest[NBUF]
        gsems = rest[NBUF + 1:2 * NBUF + 1]
        ssems = rest[2 * NBUF + 1:]
        c = lax.axis_index("c")
        s = lax.axis_index("s")
        rbase = s * ROWS_PER_TILE

        pltpu.sync_copy(z_hbm, gbufs[0])
        for zk in range(ROWS_PER_TILE // CH):
            pltpu.sync_copy(gbufs[0], acc.at[pl.ds(rbase + zk * CH, CH)])

        pltpu.sync_copy(src_hbm.at[pl.ds(s * NCHUNK, NCHUNK)], src_v)
        pltpu.sync_copy(dst_hbm.at[pl.ds(s * NCHUNK, NCHUNK)], dst_v)
        plsc.subcore_barrier()

        def fire_gather(j, b):
            @pl.when(c == 0)
            def _():
                pltpu.async_copy(t0_hbm.at[src_v.at[j]], gbufs[b], gsems[b])

            @pl.when(c == 1)
            def _():
                pltpu.async_copy(t1_hbm.at[src_v.at[j]], gbufs[b], gsems[b])

        def wait_gather(j, b):
            @pl.when(c == 0)
            def _():
                pltpu.make_async_copy(
                    t0_hbm.at[src_v.at[j]], gbufs[b], gsems[b]).wait()

            @pl.when(c == 1)
            def _():
                pltpu.make_async_copy(
                    t1_hbm.at[src_v.at[j]], gbufs[b], gsems[b]).wait()

        def fire_scatter(j, b):
            pltpu.async_copy(gbufs[b], acc.at[dst_v.at[j]], ssems[b],
                             add=True)

        def wait_scatter(j, b):
            pltpu.make_async_copy(gbufs[b], acc.at[dst_v.at[j]],
                                  ssems[b]).wait()

        for b in range(NBUF):
            fire_gather(b, b)

        def body(jj, _):
            j = NBUF * jj
            for b in range(NBUF):
                wait_gather(j + b, b)
                fire_scatter(j + b, b)
            for b in range(NBUF):
                wait_scatter(j + b, b)
                fire_gather(j + NBUF + b, b)
            return ()
        lax.fori_loop(0, (NCHUNK - NBUF) // NBUF, body, ())

        j_last = NCHUNK - NBUF
        for b in range(NBUF):
            wait_gather(j_last + b, b)
            fire_scatter(j_last + b, b)
        for b in range(NBUF):
            wait_scatter(j_last + b, b)

        plsc.subcore_barrier()

        for zk in range(ROWS_PER_TILE // CH):
            buf = gbufs[zk % NBUF]
            pltpu.sync_copy(acc.at[pl.ds(rbase + zk * CH, CH)], buf)

            @pl.when(c == 0)
            def _():
                pltpu.sync_copy(buf, o0_hbm.at[pl.ds(rbase + zk * CH, CH)])

            @pl.when(c == 1)
            def _():
                pltpu.sync_copy(buf, o1_hbm.at[pl.ds(rbase + zk * CH, CH)])

    return k(srcp, dstp, t0, t1, zrows)


def _tc_h1_body(a1p_ref, ideg_ref, odeg_ref, w1_ref, b1_ref,
                t0_ref, t1_ref, nd_ref):
    nd = lax.rsqrt(jnp.maximum(ideg_ref[...], 1.0))
    ns_ = lax.rsqrt(jnp.maximum(odeg_ref[...], 1.0))
    a1 = jnp.sum(a1p_ref[...], axis=0) * nd
    hs = jnp.maximum(a1 * w1_ref[...] + b1_ref[...], 0.0) * ns_
    t0_ref[...] = hs[:, :FH]
    t1_ref[...] = hs[:, FH:]
    nd_ref[...] = nd


def _tc_h1(a1parts, ideg, odeg, w1, b1r):
    return pl.pallas_call(
        _tc_h1_body,
        out_shape=(jax.ShapeDtypeStruct((NP, FH), jnp.float32),
                   jax.ShapeDtypeStruct((NP, FH), jnp.float32),
                   jax.ShapeDtypeStruct((NP, 1), jnp.float32)),
    )(a1parts, ideg, odeg, w1, b1r)


def _tc_head_body(o0_ref, o1_ref, nd_ref, w2_ref, b2_ref,
                  wc0_ref, bc0_ref, wc1_ref, bc1_ref, wc2_ref, bc2_ref,
                  wc3_ref, bc3_ref, wc4_ref, bc4_ref, out_ref):
    agg = jnp.concatenate([o0_ref[...], o1_ref[...]], axis=1) * nd_ref[...]
    h2 = jnp.dot(agg, w2_ref[...], preferred_element_type=jnp.float32)
    h2 = jnp.maximum(h2 + b2_ref[...], 0.0)
    rid = lax.broadcasted_iota(jnp.int32, (NP, 1), 0)
    h2 = jnp.where(rid < N, h2, 0.0)
    hg = jnp.sum(h2, axis=0, keepdims=True) * (1.0 / N)

    x = jnp.maximum(
        jnp.dot(hg, wc0_ref[...], preferred_element_type=jnp.float32)
        + bc0_ref[...], 0.0)
    x = jnp.maximum(
        jnp.dot(x, wc1_ref[...], preferred_element_type=jnp.float32)
        + bc1_ref[...], 0.0)
    x = jnp.maximum(
        jnp.dot(x, wc2_ref[...], preferred_element_type=jnp.float32)
        + bc2_ref[...], 0.0)
    x = jnp.maximum(
        jnp.dot(x, wc3_ref[...], preferred_element_type=jnp.float32)
        + bc3_ref[...], 0.0)
    logits = (jnp.dot(x, wc4_ref[...], preferred_element_type=jnp.float32)
              + bc4_ref[...])
    m = jnp.max(logits, axis=-1, keepdims=True)
    e = jnp.exp(logits - m)
    out_ref[...] = e / jnp.sum(e, axis=-1, keepdims=True)


def _tc_head(o0, o1, nd, w2, b2r, wc0, bc0r, wc1, bc1r, wc2, bc2r,
             wc3, bc3r, wc4, bc4r):
    return pl.pallas_call(
        _tc_head_body,
        out_shape=jax.ShapeDtypeStruct((1, 10), jnp.float32),
    )(o0, o1, nd, w2, b2r, wc0, bc0r, wc1, bc1r, wc2, bc2r, wc3, bc3r,
      wc4, bc4r)


def kernel(edge_index, W1, b1, W2, b2, Wc0, bc0, Wc1, bc1, Wc2, bc2,
           Wc3, bc3, Wc4, bc4):
    src = edge_index[0]
    dst = edge_index[1]

    pad = EPT - E // NS
    srcp = jnp.concatenate(
        [src.reshape(NS, E // NS),
         jnp.zeros((NS, pad), jnp.int32)], axis=1).reshape(NS * NCHUNK, CH)
    trash_fill = jnp.broadcast_to(
        10016 + (jnp.arange(pad, dtype=jnp.int32) % 224), (NS, pad))
    dstp = jnp.concatenate(
        [dst.reshape(NS, E // NS), trash_fill], axis=1).reshape(
             NS * NCHUNK, CH)
    zrows = jnp.zeros((CH, FH), jnp.float32)

    ideg, odeg, a1parts = _sc_scalar(src, dst)
    t0, t1, nd = _tc_h1(a1parts.reshape(NC, NP, 1), ideg.reshape(NP, 1),
                        odeg.reshape(NP, 1), W1, b1.reshape(1, H))
    o0, o1 = _sc_agg2(srcp, dstp, t0, t1, zrows)
    return _tc_head(o0, o1, nd, W2, b2.reshape(1, H),
                    Wc0, bc0.reshape(1, -1), Wc1, bc1.reshape(1, -1),
                    Wc2, bc2.reshape(1, -1), Wc3, bc3.reshape(1, -1),
                    Wc4, bc4.reshape(1, -1))

# --- scband reference (transcript-rebuilt; emitter-appended) ---
"""Pipeline reference for scband-classifier-74792560492870 (READ-ONLY COPY).

The authoritative reference and input builder live on the scoring server;
editing this copy changes nothing except your own understanding.
"""

import jax, jax.numpy as jnp
import numpy as np

N_NODES = 10000
E_EDGES = 320000
HIDDEN = 128
N_CLASSES = 10


def _init(key, shape, fan_in):
    return jax.random.normal(key, shape, dtype=jnp.float32) * (1.0 / np.sqrt(fan_in))


def setup_inputs(seed: int = 0):
    key = jax.random.key(seed)
    ks = jax.random.split(key, 16)
    edge_index = jax.random.randint(ks[0], (2, E_EDGES), 0, N_NODES, dtype=jnp.int32)
    inp = {"edge_index": edge_index}
    inp["W1"] = _init(ks[1], (1, HIDDEN), 1)
    inp["b1"] = jnp.zeros((HIDDEN,), jnp.float32)
    inp["W2"] = _init(ks[2], (HIDDEN, HIDDEN), HIDDEN)
    inp["b2"] = jnp.zeros((HIDDEN,), jnp.float32)
    dims = [(HIDDEN, 512), (512, 1024), (1024, 1024), (1024, 512), (512, N_CLASSES)]
    for i, (di, do) in enumerate(dims):
        inp[f"Wc{i}"] = _init(ks[3 + i], (di, do), di)
        inp[f"bc{i}"] = jnp.zeros((do,), jnp.float32)
    return inp


def _graph_conv(h, src, dst, in_deg, out_deg, W, b):
    # DGL GraphConv norm='both': D_src^{-1/2} A D_dst^{-1/2} X W + b
    norm_src = jnp.maximum(out_deg, 1.0) ** -0.5
    hs = h * norm_src[:, None]
    agg = jax.ops.segment_sum(hs[src], dst, num_segments=N_NODES)
    norm_dst = jnp.maximum(in_deg, 1.0) ** -0.5
    return (agg * norm_dst[:, None]) @ W + b


def reference(edge_index, W1, b1, W2, b2, Wc0, bc0, Wc1, bc1, Wc2, bc2, Wc3, bc3, Wc4, bc4):
    src = edge_index[0]
    dst = edge_index[1]
    ones = jnp.ones((edge_index.shape[1],), jnp.float32)
    in_deg = jax.ops.segment_sum(ones, dst, num_segments=N_NODES)
    out_deg = jax.ops.segment_sum(ones, src, num_segments=N_NODES)
    # h = g.in_degrees().view(-1, 1).float()
    h = in_deg[:, None]
    h = jax.nn.relu(_graph_conv(h, src, dst, in_deg, out_deg, W1, b1))
    h = jax.nn.relu(_graph_conv(h, src, dst, in_deg, out_deg, W2, b2))
    # readout == 'mean' over the (single batched) graph
    hg = jnp.mean(h, axis=0, keepdims=True)
    x = jax.nn.relu(hg @ Wc0 + bc0)
    x = jax.nn.relu(x @ Wc1 + bc1)
    x = jax.nn.relu(x @ Wc2 + bc2)
    x = jax.nn.relu(x @ Wc3 + bc3)
    x = jax.nn.softmax(x @ Wc4 + bc4, axis=-1)
    return x

if __name__ == "__main__":
    import jax
    _d = setup_inputs()
    print(jax.jit(kernel)(*tuple(_d.values())))

</pallas_src>

<mosaic_0001>
#map = affine_map<(d0, d1) -> (0)>
module attributes {stable_mosaic.version = 14 : i64} {
  func.func @k(%arg0: i32, %arg1: i32, %arg2: memref<320000xi32, #tpu.memory_space<hbm>>, %arg3: memref<320000xi32, #tpu.memory_space<hbm>>, %arg4: memref<10240xf32, #tpu.memory_space<hbm>>, %arg5: memref<10240xf32, #tpu.memory_space<hbm>>, %arg6: memref<20480xf32, #tpu.memory_space<hbm>>, %arg7: memref<20000xi32, #tpu.memory_space<vmem>>, %arg8: memref<20000xi32, #tpu.memory_space<vmem>>, %arg9: memref<10240xf32, #tpu.memory_space<vmem>>, %arg10: memref<10240xf32, #tpu.memory_space<vmem>>, %arg11: memref<10240xf32, #tpu.memory_space<vmem>>, %arg12: memref<640xf32, #tpu.memory_space<vmem>>, %arg13: memref<640xf32, #tpu.memory_space<vmem>>, %arg14: memref<163840xf32, #tpu.memory_space<vmem_shared>>, %arg15: memref<163840xf32, #tpu.memory_space<vmem_shared>>, %arg16: memref<10240xf32, #tpu.memory_space<vmem_shared>>) attributes {dimension_semantics = [#tpu.dimension_semantics<core_parallel>, #tpu.dimension_semantics<subcore_parallel>], iteration_bounds = array<i64: 2, 16>, scalar_prefetch = 0 : i64, scratch_operands = 10 : i64, tpu.core_type = #tpu.core_type<sc_vector_subcore>, window_params = [{transform_indices = #map}, {transform_indices = #map}, {transform_indices = #map}, {transform_indices = #map}, {transform_indices = #map}]} {
    %mul3A = arith.constant 20000 : i32
    %mul3A_0 = arith.muli %arg1, %mul3A : i32
    "tpu.region"() ({
      %run_scoped3A = tpu.sem_alloc : memref<!tpu.dma_semaphore, #tpu.memory_space<semaphore_mem>>
      %dma_start3A = tpu.memref_slice %arg2[%mul3A_0] : memref<320000xi32, #tpu.memory_space<hbm>> -> memref<20000xi32, #tpu.memory_space<hbm>>
      %dma_start3A_106 = tpu.memref_slice %arg2[%mul3A_0] : memref<320000xi32, #tpu.memory_space<hbm>> -> memref<20000xi32, #tpu.memory_space<hbm>>
      tpu.enqueue_dma source(%dma_start3A_106 : memref<20000xi32, #tpu.memory_space<hbm>>) target(%arg7 : memref<20000xi32, #tpu.memory_space<vmem>>) target_semaphore(%run_scoped3A : memref<!tpu.dma_semaphore, #tpu.memory_space<semaphore_mem>>)
      %dma_wait3A = tpu.memref_slice %arg2[%mul3A_0] : memref<320000xi32, #tpu.memory_space<hbm>> -> memref<20000xi32, #tpu.memory_space<hbm>>
      %dma_wait3A_107 = tpu.memref_slice %arg2[%mul3A_0] : memref<320000xi32, #tpu.memory_space<hbm>> -> memref<20000xi32, #tpu.memory_space<hbm>>
      tpu.wait_dma2 semaphore(%run_scoped3A : memref<!tpu.dma_semaphore, #tpu.memory_space<semaphore_mem>>) src(%dma_wait3A_107 : memref<20000xi32, #tpu.memory_space<hbm>>) dst(%arg7 : memref<20000xi32, #tpu.memory_space<vmem>>)
      tpu.yield
    }) : () -> ()
    "tpu.region"() ({
      %run_scoped3A = tpu.sem_alloc : memref<!tpu.dma_semaphore, #tpu.memory_space<semaphore_mem>>
      %dma_start3A = tpu.memref_slice %arg3[%mul3A_0] : memref<320000xi32, #tpu.memory_space<hbm>> -> memref<20000xi32, #tpu.memory_space<hbm>>
      %dma_start3A_106 = tpu.memref_slice %arg3[%mul3A_0] : memref<320000xi32, #tpu.memory_space<hbm>> -> memref<20000xi32, #tpu.memory_space<hbm>>
      tpu.enqueue_dma source(%dma_start3A_106 : memref<20000xi32, #tpu.memory_space<hbm>>) target(%arg8 : memref<20000xi32, #tpu.memory_space<vmem>>) target_semaphore(%run_scoped3A : memref<!tpu.dma_semaphore, #tpu.memory_space<semaphore_mem>>)
      %dma_wait3A = tpu.memref_slice %arg3[%mul3A_0] : memref<320000xi32, #tpu.memory_space<hbm>> -> memref<20000xi32, #tpu.memory_space<hbm>>
      %dma_wait3A_107 = tpu.memref_slice %arg3[%mul3A_0] : memref<320000xi32, #tpu.memory_space<hbm>> -> memref<20000xi32, #tpu.memory_space<hbm>>
      tpu.wait_dma2 semaphore(%run_scoped3A : memref<!tpu.dma_semaphore, #tpu.memory_space<semaphore_mem>>) src(%dma_wait3A_107 : memref<20000xi32, #tpu.memory_space<hbm>>) dst(%arg8 : memref<20000xi32, #tpu.memory_space<vmem>>)
      tpu.yield
    }) : () -> ()
    %broadcast_in_dim3A = arith.constant 0.000000e+00 : f32
    %broadcast_in_dim3A_1 = vector.broadcast %broadcast_in_dim3A : f32 to vector<16xf32>
    %scan3A = arith.constant 0 : i32
    %scan3A_2 = arith.constant 640 : i32
    %scan3A_3 = arith.addi %scan3A, %scan3A_2 : i32
    %scan3A_4 = arith.constant 8 : i32
    scf.for %scan3A_106 = %scan3A to %scan3A_3 step %scan3A_4  : i32 {
      %mul3A_107 = arith.constant 16 : i32
      %mul3A_108 = arith.muli %scan3A_106, %mul3A_107 : i32
      %swap3A = arith.index_cast %mul3A_108 : i32 to index
      %swap3A_109 = tpu.vector_load %arg9[%swap3A] {strides = array<i32>} : memref<10240xf32, #tpu.memory_space<vmem>>, vector<16xf32>,
      tpu.vector_store %arg9[%swap3A], %broadcast_in_dim3A_1 {strides = array<i32>} : memref<10240xf32, #tpu.memory_space<vmem>>, vector<16xf32>,
      %scan3A_110 = arith.constant 1 : i32
      %scan3A_111 = arith.addi %scan3A_106, %scan3A_110 : i32
      %mul3A_112 = arith.constant 16 : i32
      %mul3A_113 = arith.muli %scan3A_111, %mul3A_112 : i32
      %swap3A_114 = arith.index_cast %mul3A_113 : i32 to index
      %swap3A_115 = tpu.vector_load %arg9[%swap3A_114] {strides = array<i32>} : memref<10240xf32, #tpu.memory_space<vmem>>, vector<16xf32>,
      tpu.vector_store %arg9[%swap3A_114], %broadcast_in_dim3A_1 {strides = array<i32>} : memref<10240xf32, #tpu.memory_space<vmem>>, vector<16xf32>,
      %scan3A_116 = arith.constant 2 : i32
      %scan3A_117 = arith.addi %scan3A_106, %scan3A_116 : i32
      %mul3A_118 = arith.constant 16 : i32
      %mul3A_119 = arith.muli %scan3A_117, %mul3A_118 : i32
      %swap3A_120 = arith.index_cast %mul3A_119 : i32 to index
      %swap3A_121 = tpu.vector_load %arg9[%swap3A_120] {strides = array<i32>} : memref<10240xf32, #tpu.memory_space<vmem>>, vector<16xf32>,
      tpu.vector_store %arg9[%swap3A_120], %broadcast_in_dim3A_1 {strides = array<i32>} : memref<10240xf32, #tpu.memory_space<vmem>>, vector<16xf32>,
      %scan3A_122 = arith.constant 3 : i32
      %scan3A_123 = arith.addi %scan3A_106, %scan3A_122 : i32
      %mul3A_124 = arith.constant 16 : i32
      %mul3A_125 = arith.muli %scan3A_123, %mul3A_124 : i32
      %swap3A_126 = arith.index_cast %mul3A_125 : i32 to index
      %swap3A_127 = tpu.vector_load %arg9[%swap3A_126] {strides = array<i32>} : memref<10240xf32, #tpu.memory_space<vmem>>, vector<16xf32>,
      tpu.vector_store %arg9[%swap3A_126], %broadcast_in_dim3A_1 {strides = array<i32>} : memref<10240xf32, #tpu.memory_space<vmem>>, vector<16xf32>,
      %scan3A_128 = arith.constant 4 : i32
      %scan3A_129 = arith.addi %scan3A_106, %scan3A_128 : i32
      %mul3A_130 = arith.constant 16 : i32
      %mul3A_131 = arith.muli %scan3A_129, %mul3A_130 : i32
      %swap3A_132 = arith.index_cast %mul3A_131 : i32 to index
      %swap3A_133 = tpu.vector_load %arg9[%swap3A_132] {strides = array<i32>} : memref<10240xf32, #tpu.memory_space<vmem>>, vector<16xf32>,
      tpu.vector_store %arg9[%swap3A_132], %broadcast_in_dim3A_1 {strides = array<i32>} : memref<10240xf32, #tpu.memory_space<vmem>>, vector<16xf32>,
      %scan3A_134 = arith.constant 5 : i32
      %scan3A_135 = arith.addi %scan3A_106, %scan3A_134 : i32
      %mul3A_136 = arith.constant 16 : i32
      %mul3A_137 = arith.muli %scan3A_135, %mul3A_136 : i32
      %swap3A_138 = arith.index_cast %mul3A_137 : i32 to index
      %swap3A_139 = tpu.vector_load %arg9[%swap3A_138] {strides = array<i32>} : memref<10240xf32, #tpu.memory_space<vmem>>, vector<16xf32>,
      tpu.vector_store %arg9[%swap3A_138], %broadcast_in_dim3A_1 {strides = array<i32>} : memref<10240xf32, #tpu.memory_space<vmem>>, vector<16xf32>,
      %scan3A_140 = arith.constant 6 : i32
      %scan3A_141 = arith.addi %scan3A_106, %scan3A_140 : i32
      %mul3A_142 = arith.constant 16 : i32
      %mul3A_143 = arith.muli %scan3A_141, %mul3A_142 : i32
      %swap3A_144 = arith.index_cast %mul3A_143 : i32 to index
      %swap3A_145 = tpu.vector_load %arg9[%swap3A_144] {strides = array<i32>} : memref<10240xf32, #tpu.memory_space<vmem>>, vector<16xf32>,
      tpu.vector_store %arg9[%swap3A_144], %broadcast_in_dim3A_1 {strides = array<i32>} : memref<10240xf32, #tpu.memory_space<vmem>>, vector<16xf32>,
      %scan3A_146 = arith.constant 7 : i32
      %scan3A_147 = arith.addi %scan3A_106, %scan3A_146 : i32
      %mul3A_148 = arith.constant 16 : i32
      %mul3A_149 = arith.muli %scan3A_147, %mul3A_148 : i32
      %swap3A_150 = arith.index_cast %mul3A_149 : i32 to index
      %swap3A_151 = tpu.vector_load %arg9[%swap3A_150] {strides = array<i32>} : memref<10240xf32, #tpu.memory_space<vmem>>, vector<16xf32>,
      tpu.vector_store %arg9[%swap3A_150], %broadcast_in_dim3A_1 {strides = array<i32>} : memref<10240xf32, #tpu.memory_space<vmem>>, vector<16xf32>,
    }
    %scan3A_5 = arith.constant 640 : i32
    %broadcast_in_dim3A_6 = arith.constant 0.000000e+00 : f32
    %broadcast_in_dim3A_7 = vector.broadcast %broadcast_in_dim3A_6 : f32 to vector<16xf32>
    %scan3A_8 = arith.constant 0 : i32
    %scan3A_9 = arith.constant 640 : i32
    %scan3A_10 = arith.addi %scan3A_8, %scan3A_9 : i32
    %scan3A_11 = arith.constant 8 : i32
    scf.for %scan3A_106 = %scan3A_8 to %scan3A_10 step %scan3A_11  : i32 {
      %mul3A_107 = arith.constant 16 : i32
      %mul3A_108 = arith.muli %scan3A_106, %mul3A_107 : i32
      %swap3A = arith.index_cast %mul3A_108 : i32 to index
      %swap3A_109 = tpu.vector_load %arg10[%swap3A] {strides = array<i32>} : memref<10240xf32, #tpu.memory_space<vmem>>, vector<16xf32>,
      tpu.vector_store %arg10[%swap3A], %broadcast_in_dim3A_7 {strides = array<i32>} : memref<10240xf32, #tpu.memory_space<vmem>>, vector<16xf32>,
      %scan3A_110 = arith.constant 1 : i32
      %scan3A_111 = arith.addi %scan3A_106, %scan3A_110 : i32
      %mul3A_112 = arith.constant 16 : i32
      %mul3A_113 = arith.muli %scan3A_111, %mul3A_112 : i32
      %swap3A_114 = arith.index_cast %mul3A_113 : i32 to index
      %swap3A_115 = tpu.vector_load %arg10[%swap3A_114] {strides = array<i32>} : memref<10240xf32, #tpu.memory_space<vmem>>, vector<16xf32>,
      tpu.vector_store %arg10[%swap3A_114], %broadcast_in_dim3A_7 {strides = array<i32>} : memref<10240xf32, #tpu.memory_space<vmem>>, vector<16xf32>,
      %scan3A_116 = arith.constant 2 : i32
      %scan3A_117 = arith.addi %scan3A_106, %scan3A_116 : i32
      %mul3A_118 = arith.constant 16 : i32
      %mul3A_119 = arith.muli %scan3A_117, %mul3A_118 : i32
      %swap3A_120 = arith.index_cast %mul3A_119 : i32 to index
      %swap3A_121 = tpu.vector_load %arg10[%swap3A_120] {strides = array<i32>} : memref<10240xf32, #tpu.memory_space<vmem>>, vector<16xf32>,
      tpu.vector_store %arg10[%swap3A_120], %broadcast_in_dim3A_7 {strides = array<i32>} : memref<10240xf32, #tpu.memory_space<vmem>>, vector<16xf32>,
      %scan3A_122 = arith.constant 3 : i32
      %scan3A_123 = arith.addi %scan3A_106, %scan3A_122 : i32
      %mul3A_124 = arith.constant 16 : i32
      %mul3A_125 = arith.muli %scan3A_123, %mul3A_124 : i32
      %swap3A_126 = arith.index_cast %mul3A_125 : i32 to index
      %swap3A_127 = tpu.vector_load %arg10[%swap3A_126] {strides = array<i32>} : memref<10240xf32, #tpu.memory_space<vmem>>, vector<16xf32>,
      tpu.vector_store %arg10[%swap3A_126], %broadcast_in_dim3A_7 {strides = array<i32>} : memref<10240xf32, #tpu.memory_space<vmem>>, vector<16xf32>,
      %scan3A_128 = arith.constant 4 : i32
      %scan3A_129 = arith.addi %scan3A_106, %scan3A_128 : i32
      %mul3A_130 = arith.constant 16 : i32
      %mul3A_131 = arith.muli %scan3A_129, %mul3A_130 : i32
      %swap3A_132 = arith.index_cast %mul3A_131 : i32 to index
      %swap3A_133 = tpu.vector_load %arg10[%swap3A_132] {strides = array<i32>} : memref<10240xf32, #tpu.memory_space<vmem>>, vector<16xf32>,
      tpu.vector_store %arg10[%swap3A_132], %broadcast_in_dim3A_7 {strides = array<i32>} : memref<10240xf32, #tpu.memory_space<vmem>>, vector<16xf32>,
      %scan3A_134 = arith.constant 5 : i32
      %scan3A_135 = arith.addi %scan3A_106, %scan3A_134 : i32
      %mul3A_136 = arith.constant 16 : i32
      %mul3A_137 = arith.muli %scan3A_135, %mul3A_136 : i32
      %swap3A_138 = arith.index_cast %mul3A_137 : i32 to index
      %swap3A_139 = tpu.vector_load %arg10[%swap3A_138] {strides = array<i32>} : memref<10240xf32, #tpu.memory_space<vmem>>, vector<16xf32>,
      tpu.vector_store %arg10[%swap3A_138], %broadcast_in_dim3A_7 {strides = array<i32>} : memref<10240xf32, #tpu.memory_space<vmem>>, vector<16xf32>,
      %scan3A_140 = arith.constant 6 : i32
      %scan3A_141 = arith.addi %scan3A_106, %scan3A_140 : i32
      %mul3A_142 = arith.constant 16 : i32
      %mul3A_143 = arith.muli %scan3A_141, %mul3A_142 : i32
      %swap3A_144 = arith.index_cast %mul3A_143 : i32 to index
      %swap3A_145 = tpu.vector_load %arg10[%swap3A_144] {strides = array<i32>} : memref<10240xf32, #tpu.memory_space<vmem>>, vector<16xf32>,
      tpu.vector_store %arg10[%swap3A_144], %broadcast_in_dim3A_7 {strides = array<i32>} : memref<10240xf32, #tpu.memory_space<vmem>>, vector<16xf32>,
      %scan3A_146 = arith.constant 7 : i32
      %scan3A_147 = arith.addi %scan3A_106, %scan3A_146 : i32
      %mul3A_148 = arith.constant 16 : i32
      %mul3A_149 = arith.muli %scan3A_147, %mul3A_148 : i32
      %swap3A_150 = arith.index_cast %mul3A_149 : i32 to index
      %swap3A_151 = tpu.vector_load %arg10[%swap3A_150] {strides = array<i32>} : memref<10240xf32, #tpu.memory_space<vmem>>, vector<16xf32>,
      tpu.vector_store %arg10[%swap3A_150], %broadcast_in_dim3A_7 {strides = array<i32>} : memref<10240xf32, #tpu.memory_space<vmem>>, vector<16xf32>,
    }
    %scan3A_12 = arith.constant 640 : i32
    %broadcast_in_dim3A_13 = arith.constant 1.000000e+00 : f32
    %broadcast_in_dim3A_14 = vector.broadcast %broadcast_in_dim3A_13 : f32 to vector<16xf32>
    %scan3A_15 = arith.constant 0 : i32
    %scan3A_16 = arith.constant 1248 : i32
    %scan3A_17 = arith.addi %scan3A_15, %scan3A_16 : i32
    %scan3A_18 = arith.constant 8 : i32
    scf.for %scan3A_106 = %scan3A_15 to %scan3A_17 step %scan3A_18  : i32 {
      %mul3A_107 = arith.constant 16 : i32
      %mul3A_108 = arith.muli %scan3A_106, %mul3A_107 : i32
      %get3A_109 = arith.index_cast %mul3A_108 : i32 to index
      %get3A_110 = tpu.vector_load %arg7[%get3A_109] {strides = array<i32>} : memref<20000xi32, #tpu.memory_space<vmem>>, vector<16xi32>,
      %mul3A_111 = arith.constant 16 : i32
      %mul3A_112 = arith.muli %scan3A_106, %mul3A_111 : i32
      %get3A_113 = arith.index_cast %mul3A_112 : i32 to index
      %get3A_114 = tpu.vector_load %arg8[%get3A_113] {strides = array<i32>} : memref<20000xi32, #tpu.memory_space<vmem>>, vector<16xi32>,
      tpu.vector_store_idx %arg10[%get3A_110], %broadcast_in_dim3A_14 {add = true} : memref<10240xf32, #tpu.memory_space<vmem>>[vector<16xi32>], vector<16xf32>,
      tpu.vector_store_idx %arg9[%get3A_114], %broadcast_in_dim3A_14 {add = true} : memref<10240xf32, #tpu.memory_space<vmem>>[vector<16xi32>], vector<16xf32>,
      %scan3A_115 = arith.constant 1 : i32
      %scan3A_116 = arith.addi %scan3A_106, %scan3A_115 : i32
      %mul3A_117 = arith.constant 16 : i32
      %mul3A_118 = arith.muli %scan3A_116, %mul3A_117 : i32
      %get3A_119 = arith.index_cast %mul3A_118 : i32 to index
      %get3A_120 = tpu.vector_load %arg7[%get3A_119] {strides = array<i32>} : memref<20000xi32, #tpu.memory_space<vmem>>, vector<16xi32>,
      %mul3A_121 = arith.constant 16 : i32
      %mul3A_122 = arith.muli %scan3A_116, %mul3A_121 : i32
      %get3A_123 = arith.index_cast %mul3A_122 : i32 to index
      %get3A_124 = tpu.vector_load %arg8[%get3A_123] {strides = array<i32>} : memref<20000xi32, #tpu.memory_space<vmem>>, vector<16xi32>,
      tpu.vector_store_idx %arg10[%get3A_120], %broadcast_in_dim3A_14 {add = true} : memref<10240xf32, #tpu.memory_space<vmem>>[vector<16xi32>], vector<16xf32>,
      tpu.vector_store_idx %arg9[%get3A_124], %broadcast_in_dim3A_14 {add = true} : memref<10240xf32, #tpu.memory_space<vmem>>[vector<16xi32>], vector<16xf32>,
      %scan3A_125 = arith.constant 2 : i32
      %scan3A_126 = arith.addi %scan3A_106, %scan3A_125 : i32
      %mul3A_127 = arith.constant 16 : i32
      %mul3A_128 = arith.muli %scan3A_126, %mul3A_127 : i32
      %get3A_129 = arith.index_cast %mul3A_128 : i32 to index
      %get3A_130 = tpu.vector_load %arg7[%get3A_129] {strides = array<i32>} : memref<20000xi32, #tpu.memory_space<vmem>>, vector<16xi32>,
      %mul3A_131 = arith.constant 16 : i32
      %mul3A_132 = arith.muli %scan3A_126, %mul3A_131 : i32
      %get3A_133 = arith.index_cast %mul3A_132 : i32 to index
      %get3A_134 = tpu.vector_load %arg8[%get3A_133] {strides = array<i32>} : memref<20000xi32, #tpu.memory_space<vmem>>, vector<16xi32>,
      tpu.vector_store_idx %arg10[%get3A_130], %broadcast_in_dim3A_14 {add = true} : memref<10240xf32, #tpu.memory_space<vmem>>[vector<16xi32>], vector<16xf32>,
      tpu.vector_store_idx %arg9[%get3A_134], %broadcast_in_dim3A_14 {add = true} : memref<10240xf32, #tpu.memory_space<vmem>>[vector<16xi32>], vector<16xf32>,
      %scan3A_135 = arith.constant 3 : i32
      %scan3A_136 = arith.addi %scan3A_106, %scan3A_135 : i32
      %mul3A_137 = arith.constant 16 : i32
      %mul3A_138 = arith.muli %scan3A_136, %mul3A_137 : i32
      %get3A_139 = arith.index_cast %mul3A_138 : i32 to index
      %get3A_140 = tpu.vector_load %arg7[%get3A_139] {strides = array<i32>} : memref<20000xi32, #tpu.memory_space<vmem>>, vector<16xi32>,
      %mul3A_141 = arith.constant 16 : i32
      %mul3A_142 = arith.muli %scan3A_136, %mul3A_141 : i32
      %get3A_143 = arith.index_cast %mul3A_142 : i32 to index
      %get3A_144 = tpu.vector_load %arg8[%get3A_143] {strides = array<i32>} : memref<20000xi32, #tpu.memory_space<vmem>>, vector<16xi32>,
      tpu.vector_store_idx %arg10[%get3A_140], %broadcast_in_dim3A_14 {add = true} : memref<10240xf32, #tpu.memory_space<vmem>>[vector<16xi32>], vector<16xf32>,
      tpu.vector_store_idx %arg9[%get3A_144], %broadcast_in_dim3A_14 {add = true} : memref<10240xf32, #tpu.memory_space<vmem>>[vector<16xi32>], vector<16xf32>,
      %scan3A_145 = arith.constant 4 : i32
      %scan3A_146 = arith.addi %scan3A_106, %scan3A_145 : i32
      %mul3A_147 = arith.constant 16 : i32
      %mul3A_148 = arith.muli %scan3A_146, %mul3A_147 : i32
      %get3A_149 = arith.index_cast %mul3A_148 : i32 to index
      %get3A_150 = tpu.vector_load %arg7[%get3A_149] {strides = array<i32>} : memref<20000xi32, #tpu.memory_space<vmem>>, vector<16xi32>,
      %mul3A_151 = arith.constant 16 : i32
      %mul3A_152 = arith.muli %scan3A_146, %mul3A_151 : i32
      %get3A_153 = arith.index_cast %mul3A_152 : i32 to index
      %get3A_154 = tpu.vector_load %arg8[%get3A_153] {strides = array<i32>} : memref<20000xi32, #tpu.memory_space<vmem>>, vector<16xi32>,
      tpu.vector_store_idx %arg10[%get3A_150], %broadcast_in_dim3A_14 {add = true} : memref<10240xf32, #tpu.memory_space<vmem>>[vector<16xi32>], vector<16xf32>,
      tpu.vector_store_idx %arg9[%get3A_154], %broadcast_in_dim3A_14 {add = true} : memref<10240xf32, #tpu.memory_space<vmem>>[vector<16xi32>], vector<16xf32>,
      %scan3A_155 = arith.constant 5 : i32
      %scan3A_156 = arith.addi %scan3A_106, %scan3A_155 : i32
      %mul3A_157 = arith.constant 16 : i32
      %mul3A_158 = arith.muli %scan3A_156, %mul3A_157 : i32
      %get3A_159 = arith.index_cast %mul3A_158 : i32 to index
      %get3A_160 = tpu.vector_load %arg7[%get3A_159] {strides = array<i32>} : memref<20000xi32, #tpu.memory_space<vmem>>, vector<16xi32>,
      %mul3A_161 = arith.constant 16 : i32
      %mul3A_162 = arith.muli %scan3A_156, %mul3A_161 : i32
      %get3A_163 = arith.index_cast %mul3A_162 : i32 to index
      %get3A_164 = tpu.vector_load %arg8[%get3A_163] {strides = array<i32>} : memref<20000xi32, #tpu.memory_space<vmem>>, vector<16xi32>,
      tpu.vector_store_idx %arg10[%get3A_160], %broadcast_in_dim3A_14 {add = true} : memref<10240xf32, #tpu.memory_space<vmem>>[vector<16xi32>], vector<16xf32>,
      tpu.vector_store_idx %arg9[%get3A_164], %broadcast_in_dim3A_14 {add = true} : memref<10240xf32, #tpu.memory_space<vmem>>[vector<16xi32>], vector<16xf32>,
      %scan3A_165 = arith.constant 6 : i32
      %scan3A_166 = arith.addi %scan3A_106, %scan3A_165 : i32
      %mul3A_167 = arith.constant 16 : i32
      %mul3A_168 = arith.muli %scan3A_166, %mul3A_167 : i32
      %get3A_169 = arith.index_cast %mul3A_168 : i32 to index
      %get3A_170 = tpu.vector_load %arg7[%get3A_169] {strides = array<i32>} : memref<20000xi32, #tpu.memory_space<vmem>>, vector<16xi32>,
      %mul3A_171 = arith.constant 16 : i32
      %mul3A_172 = arith.muli %scan3A_166, %mul3A_171 : i32
      %get3A_173 = arith.index_cast %mul3A_172 : i32 to index
      %get3A_174 = tpu.vector_load %arg8[%get3A_173] {strides = array<i32>} : memref<20000xi32, #tpu.memory_space<vmem>>, vector<16xi32>,
      tpu.vector_store_idx %arg10[%get3A_170], %broadcast_in_dim3A_14 {add = true} : memref<10240xf32, #tpu.memory_space<vmem>>[vector<16xi32>], vector<16xf32>,
      tpu.vector_store_idx %arg9[%get3A_174], %broadcast_in_dim3A_14 {add = true} : memref<10240xf32, #tpu.memory_space<vmem>>[vector<16xi32>], vector<16xf32>,
      %scan3A_175 = arith.constant 7 : i32
      %scan3A_176 = arith.addi %scan3A_106, %scan3A_175 : i32
      %mul3A_177 = arith.constant 16 : i32
      %mul3A_178 = arith.muli %scan3A_176, %mul3A_177 : i32
      %get3A_179 = arith.index_cast %mul3A_178 : i32 to index
      %get3A_180 = tpu.vector_load %arg7[%get3A_179] {strides = array<i32>} : memref<20000xi32, #tpu.memory_space<vmem>>, vector<16xi32>,
      %mul3A_181 = arith.constant 16 : i32
      %mul3A_182 = arith.muli %scan3A_176, %mul3A_181 : i32
      %get3A_183 = arith.index_cast %mul3A_182 : i32 to index
      %get3A_184 = tpu.vector_load %arg8[%get3A_183] {strides = array<i32>} : memref<20000xi32, #tpu.memory_space<vmem>>, vector<16xi32>,
      tpu.vector_store_idx %arg10[%get3A_180], %broadcast_in_dim3A_14 {add = true} : memref<10240xf32, #tpu.memory_space<vmem>>[vector<16xi32>], vector<16xf32>,
      tpu.vector_store_idx %arg9[%get3A_184], %broadcast_in_dim3A_14 {add = true} : memref<10240xf32, #tpu.memory_space<vmem>>[vector<16xi32>], vector<16xf32>,
    }
    %scan3A_19 = arith.constant 1248 : i32
    %scan3A_20 = arith.addi %scan3A_15, %scan3A_19 : i32
    %mul3A_21 = arith.constant 16 : i32
    %mul3A_22 = arith.muli %scan3A_20, %mul3A_21 : i32
    %get3A = arith.index_cast %mul3A_22 : i32 to index
    %get3A_23 = tpu.vector_load %arg7[%get3A] {strides = array<i32>} : memref<20000xi32, #tpu.memory_space<vmem>>, vector<16xi32>,
    %mul3A_24 = arith.constant 16 : i32
    %mul3A_25 = arith.muli %scan3A_20, %mul3A_24 : i32
    %get3A_26 = arith.index_cast %mul3A_25 : i32 to index
    %get3A_27 = tpu.vector_load %arg8[%get3A_26] {strides = array<i32>} : memref<20000xi32, #tpu.memory_space<vmem>>, vector<16xi32>,
    tpu.vector_store_idx %arg10[%get3A_23], %broadcast_in_dim3A_14 {add = true} : memref<10240xf32, #tpu.memory_space<vmem>>[vector<16xi32>], vector<16xf32>,
    tpu.vector_store_idx %arg9[%get3A_27], %broadcast_in_dim3A_14 {add = true} : memref<10240xf32, #tpu.memory_space<vmem>>[vector<16xi32>], vector<16xf32>,
    %scan3A_28 = arith.constant 1249 : i32
    %scan3A_29 = arith.addi %scan3A_15, %scan3A_28 : i32
    %mul3A_30 = arith.constant 16 : i32
    %mul3A_31 = arith.muli %scan3A_29, %mul3A_30 : i32
    %get3A_32 = arith.index_cast %mul3A_31 : i32 to index
    %get3A_33 = tpu.vector_load %arg7[%get3A_32] {strides = array<i32>} : memref<20000xi32, #tpu.memory_space<vmem>>, vector<16xi32>,
    %mul3A_34 = arith.constant 16 : i32
    %mul3A_35 = arith.muli %scan3A_29, %mul3A_34 : i32
    %get3A_36 = arith.index_cast %mul3A_35 : i32 to index
    %get3A_37 = tpu.vector_load %arg8[%get3A_36] {strides = array<i32>} : memref<20000xi32, #tpu.memory_space<vmem>>, vector<16xi32>,
    tpu.vector_store_idx %arg10[%get3A_33], %broadcast_in_dim3A_14 {add = true} : memref<10240xf32, #tpu.memory_space<vmem>>[vector<16xi32>], vector<16xf32>,
    tpu.vector_store_idx %arg9[%get3A_37], %broadcast_in_dim3A_14 {add = true} : memref<10240xf32, #tpu.memory_space<vmem>>[vector<16xi32>], vector<16xf32>,
    %scan3A_38 = arith.constant 1250 : i32
    %mul3A_39 = arith.constant 640 : i32
    %mul3A_40 = arith.muli %arg1, %mul3A_39 : i32
    %mul3A_41 = arith.constant 10240 : i32
    %mul3A_42 = arith.muli %arg1, %mul3A_41 : i32
    "tpu.region"() ({
      %run_scoped3A = tpu.sem_alloc : memref<!tpu.dma_semaphore, #tpu.memory_space<semaphore_mem>>
      %dma_start3A = tpu.memref_slice %arg14[%mul3A_42] : memref<163840xf32, #tpu.memory_space<vmem_shared>> -> memref<10240xf32, #tpu.memory_space<vmem_shared>>
      %dma_start3A_106 = tpu.memref_slice %arg14[%mul3A_42] : memref<163840xf32, #tpu.memory_space<vmem_shared>> -> memref<10240xf32, #tpu.memory_space<vmem_shared>>
      tpu.enqueue_dma source(%arg9 : memref<10240xf32, #tpu.memory_space<vmem>>) target(%dma_start3A_106 : memref<10240xf32, #tpu.memory_space<vmem_shared>>) target_semaphore(%run_scoped3A : memref<!tpu.dma_semaphore, #tpu.memory_space<semaphore_mem>>)
      %dma_wait3A = tpu.memref_slice %arg14[%mul3A_42] : memref<163840xf32, #tpu.memory_space<vmem_shared>> -> memref<10240xf32, #tpu.memory_space<vmem_shared>>
      %dma_wait3A_107 = tpu.memref_slice %arg14[%mul3A_42] : memref<163840xf32, #tpu.memory_space<vmem_shared>> -> memref<10240xf32, #tpu.memory_space<vmem_shared>>
      tpu.wait_dma2 semaphore(%run_scoped3A : memref<!tpu.dma_semaphore, #tpu.memory_space<semaphore_mem>>) src(%arg9 : memref<10240xf32, #tpu.memory_space<vmem>>) dst(%dma_wait3A_107 : memref<10240xf32, #tpu.memory_space<vmem_shared>>)
      tpu.yield
    }) : () -> ()
    %mul3A_43 = arith.constant 10240 : i32
    %mul3A_44 = arith.muli %arg1, %mul3A_43 : i32
    "tpu.region"() ({
      %run_scoped3A = tpu.sem_alloc : memref<!tpu.dma_semaphore, #tpu.memory_space<semaphore_mem>>
      %dma_start3A = tpu.memref_slice %arg15[%mul3A_44] : memref<163840xf32, #tpu.memory_space<vmem_shared>> -> memref<10240xf32, #tpu.memory_space<vmem_shared>>
      %dma_start3A_106 = tpu.memref_slice %arg15[%mul3A_44] : memref<163840xf32, #tpu.memory_space<vmem_shared>> -> memref<10240xf32, #tpu.memory_space<vmem_shared>>
      tpu.enqueue_dma source(%arg10 : memref<10240xf32, #tpu.memory_space<vmem>>) target(%dma_start3A_106 : memref<10240xf32, #tpu.memory_space<vmem_shared>>) target_semaphore(%run_scoped3A : memref<!tpu.dma_semaphore, #tpu.memory_space<semaphore_mem>>)
      %dma_wait3A = tpu.memref_slice %arg15[%mul3A_44] : memref<163840xf32, #tpu.memory_space<vmem_shared>> -> memref<10240xf32, #tpu.memory_space<vmem_shared>>
      %dma_wait3A_107 = tpu.memref_slice %arg15[%mul3A_44] : memref<163840xf32, #tpu.memory_space<vmem_shared>> -> memref<10240xf32, #tpu.memory_space<vmem_shared>>
      tpu.wait_dma2 semaphore(%run_scoped3A : memref<!tpu.dma_semaphore, #tpu.memory_space<semaphore_mem>>) src(%arg10 : memref<10240xf32, #tpu.memory_space<vmem>>) dst(%dma_wait3A_107 : memref<10240xf32, #tpu.memory_space<vmem_shared>>)
      tpu.yield
    }) : () -> ()
    %barrier3A = arith.constant 0 : index
    tpu.barrier barrier_id(%barrier3A)
    "tpu.region"() ({
      %run_scoped3A = tpu.sem_alloc : memref<!tpu.dma_semaphore, #tpu.memory_space<semaphore_mem>>
      %dma_start3A = tpu.memref_slice %arg14[%mul3A_40] : memref<163840xf32, #tpu.memory_space<vmem_shared>> -> memref<640xf32, #tpu.memory_space<vmem_shared>>
      %dma_start3A_106 = tpu.memref_slice %arg14[%mul3A_40] : memref<163840xf32, #tpu.memory_space<vmem_shared>> -> memref<640xf32, #tpu.memory_space<vmem_shared>>
      tpu.enqueue_dma source(%dma_start3A_106 : memref<640xf32, #tpu.memory_space<vmem_shared>>) target(%arg13 : memref<640xf32, #tpu.memory_space<vmem>>) target_semaphore(%run_scoped3A : memref<!tpu.dma_semaphore, #tpu.memory_space<semaphore_mem>>)
      %dma_wait3A = tpu.memref_slice %arg14[%mul3A_40] : memref<163840xf32, #tpu.memory_space<vmem_shared>> -> memref<640xf32, #tpu.memory_space<vmem_shared>>
      %dma_wait3A_107 = tpu.memref_slice %arg14[%mul3A_40] : memref<163840xf32, #tpu.memory_space<vmem_shared>> -> memref<640xf32, #tpu.memory_space<vmem_shared>>
      tpu.wait_dma2 semaphore(%run_scoped3A : memref<!tpu.dma_semaphore, #tpu.memory_space<semaphore_mem>>) src(%dma_wait3A_107 : memref<640xf32, #tpu.memory_space<vmem_shared>>) dst(%arg13 : memref<640xf32, #tpu.memory_space<vmem>>)
      tpu.yield
    }) : () -> ()
    %scan3A_45 = arith.constant 1 : i32
    %scan3A_46 = arith.constant 15 : i32
    %scan3A_47 = arith.addi %scan3A_45, %scan3A_46 : i32
    %scan3A_48 = arith.constant 1 : i32
    scf.for %scan3A_106 = %scan3A_45 to %scan3A_47 step %scan3A_48  : i32 {
      %mul3A_107 = arith.constant 10240 : i32
      %mul3A_108 = arith.muli %scan3A_106, %mul3A_107 : i32
      %add3A_109 = arith.addi %mul3A_108, %mul3A_40 : i32
      "tpu.region"() ({
        %run_scoped3A = tpu.sem_alloc : memref<!tpu.dma_semaphore, #tpu.memory_space<semaphore_mem>>
        %dma_start3A = tpu.memref_slice %arg14[%add3A_109] : memref<163840xf32, #tpu.memory_space<vmem_shared>> -> memref<640xf32, #tpu.memory_space<vmem_shared>>
        %dma_start3A_115 = tpu.memref_slice %arg14[%add3A_109] : memref<163840xf32, #tpu.memory_space<vmem_shared>> -> memref<640xf32, #tpu.memory_space<vmem_shared>>
        tpu.enqueue_dma source(%dma_start3A_115 : memref<640xf32, #tpu.memory_space<vmem_shared>>) target(%arg12 : memref<640xf32, #tpu.memory_space<vmem>>) target_semaphore(%run_scoped3A : memref<!tpu.dma_semaphore, #tpu.memory_space<semaphore_mem>>)
        %dma_wait3A = tpu.memref_slice %arg14[%add3A_109] : memref<163840xf32, #tpu.memory_space<vmem_shared>> -> memref<640xf32, #tpu.memory_space<vmem_shared>>
        %dma_wait3A_116 = tpu.memref_slice %arg14[%add3A_109] : memref<163840xf32, #tpu.memory_space<vmem_shared>> -> memref<640xf32, #tpu.memory_space<vmem_shared>>
        tpu.wait_dma2 semaphore(%run_scoped3A : memref<!tpu.dma_semaphore, #tpu.memory_space<semaphore_mem>>) src(%dma_wait3A_116 : memref<640xf32, #tpu.memory_space<vmem_shared>>) dst(%arg12 : memref<640xf32, #tpu.memory_space<vmem>>)
        tpu.yield
      }) : () -> ()
      %scan3A_110 = arith.constant 0 : i32
      %scan3A_111 = arith.constant 40 : i32
      %scan3A_112 = arith.addi %scan3A_110, %scan3A_111 : i32
      %scan3A_113 = arith.constant 8 : i32
      scf.for %scan3A_115 = %scan3A_110 to %scan3A_112 step %scan3A_113  : i32 {
        %mul3A_116 = arith.constant 16 : i32
        %mul3A_117 = arith.muli %scan3A_115, %mul3A_116 : i32
        %get3A_118 = arith.index_cast %mul3A_117 : i32 to index
        %get3A_119 = tpu.vector_load %arg13[%get3A_118] {strides = array<i32>} : memref<640xf32, #tpu.memory_space<vmem>>, vector<16xf32>,
        %mul3A_120 = arith.constant 16 : i32
        %mul3A_121 = arith.muli %scan3A_115, %mul3A_120 : i32
        %get3A_122 = arith.index_cast %mul3A_121 : i32 to index
        %get3A_123 = tpu.vector_load %arg12[%get3A_122] {strides = array<i32>} : memref<640xf32, #tpu.memory_space<vmem>>, vector<16xf32>,
        %add3A_124 = arith.addf %get3A_119, %get3A_123 : vector<16xf32>
        %mul3A_125 = arith.constant 16 : i32
        %mul3A_126 = arith.muli %scan3A_115, %mul3A_125 : i32
        %swap3A = arith.index_cast %mul3A_126 : i32 to index
        %swap3A_127 = tpu.vector_load %arg13[%swap3A] {strides = array<i32>} : memref<640xf32, #tpu.memory_space<vmem>>, vector<16xf32>,
        tpu.vector_store %arg13[%swap3A], %add3A_124 {strides = array<i32>} : memref<640xf32, #tpu.memory_space<vmem>>, vector<16xf32>,
        %scan3A_128 = arith.constant 1 : i32
        %scan3A_129 = arith.addi %scan3A_115, %scan3A_128 : i32
        %mul3A_130 = arith.constant 16 : i32
        %mul3A_131 = arith.muli %scan3A_129, %mul3A_130 : i32
        %get3A_132 = arith.index_cast %mul3A_131 : i32 to index
        %get3A_133 = tpu.vector_load %arg13[%get3A_132] {strides = array<i32>} : memref<640xf32, #tpu.memory_space<vmem>>, vector<16xf32>,
        %mul3A_134 = arith.constant 16 : i32
        %mul3A_135 = arith.muli %scan3A_129, %mul3A_134 : i32
        %get3A_136 = arith.index_cast %mul3A_135 : i32 to index
        %get3A_137 = tpu.vector_load %arg12[%get3A_136] {strides = array<i32>} : memref<640xf32, #tpu.memory_space<vmem>>, vector<16xf32>,
        %add3A_138 = arith.addf %get3A_133, %get3A_137 : vector<16xf32>
        %mul3A_139 = arith.constant 16 : i32
        %mul3A_140 = arith.muli %scan3A_129, %mul3A_139 : i32
        %swap3A_141 = arith.index_cast %mul3A_140 : i32 to index
        %swap3A_142 = tpu.vector_load %arg13[%swap3A_141] {strides = array<i32>} : memref<640xf32, #tpu.memory_space<vmem>>, vector<16xf32>,
        tpu.vector_store %arg13[%swap3A_141], %add3A_138 {strides = array<i32>} : memref<640xf32, #tpu.memory_space<vmem>>, vector<16xf32>,
        %scan3A_143 = arith.constant 2 : i32
        %scan3A_144 = arith.addi %scan3A_115, %scan3A_143 : i32
        %mul3A_145 = arith.constant 16 : i32
        %mul3A_146 = arith.muli %scan3A_144, %mul3A_145 : i32
        %get3A_147 = arith.index_cast %mul3A_146 : i32 to index
        %get3A_148 = tpu.vector_load %arg13[%get3A_147] {strides = array<i32>} : memref<640xf32, #tpu.memory_space<vmem>>, vector<16xf32>,
        %mul3A_149 = arith.constant 16 : i32
        %mul3A_150 = arith.muli %scan3A_144, %mul3A_149 : i32
        %get3A_151 = arith.index_cast %mul3A_150 : i32 to index
        %get3A_152 = tpu.vector_load %arg12[%get3A_151] {strides = array<i32>} : memref<640xf32, #tpu.memory_space<vmem>>, vector<16xf32>,
        %add3A_153 = arith.addf %get3A_148, %get3A_152 : vector<16xf32>
        %mul3A_154 = arith.constant 16 : i32
        %mul3A_155 = arith.muli %scan3A_144, %mul3A_154 : i32
        %swap3A_156 = arith.index_cast %mul3A_155 : i32 to index
        %swap3A_157 = tpu.vector_load %arg13[%swap3A_156] {strides = array<i32>} : memref<640xf32, #tpu.memory_space<vmem>>, vector<16xf32>,
        tpu.vector_store %arg13[%swap3A_156], %add3A_153 {strides = array<i32>} : memref<640xf32, #tpu.memory_space<vmem>>, vector<16xf32>,
        %scan3A_158 = arith.constant 3 : i32
        %scan3A_159 = arith.addi %scan3A_115, %scan3A_158 : i32
        %mul3A_160 = arith.constant 16 : i32
        %mul3A_161 = arith.muli %scan3A_159, %mul3A_160 : i32
        %get3A_162 = arith.index_cast %mul3A_161 : i32 to index
        %get3A_163 = tpu.vector_load %arg13[%get3A_162] {strides = array<i32>} : memref<640xf32, #tpu.memory_space<vmem>>, vector<16xf32>,
        %mul3A_164 = arith.constant 16 : i32
        %mul3A_165 = arith.muli %scan3A_159, %mul3A_164 : i32
        %get3A_166 = arith.index_cast %mul3A_165 : i32 to index
        %get3A_167 = tpu.vector_load %arg12[%get3A_166] {strides = array<i32>} : memref<640xf32, #tpu.memory_space<vmem>>, vector<16xf32>,
        %add3A_168 = arith.addf %get3A_163, %get3A_167 : vector<16xf32>
        %mul3A_169 = arith.constant 16 : i32
        %mul3A_170 = arith.muli %scan3A_159, %mul3A_169 : i32
        %swap3A_171 = arith.index_cast %mul3A_170 : i32 to index
        %swap3A_172 = tpu.vector_load %arg13[%swap3A_171] {strides = array<i32>} : memref<640xf32, #tpu.memory_space<vmem>>, vector<16xf32>,
        tpu.vector_store %arg13[%swap3A_171], %add3A_168 {strides = array<i32>} : memref<640xf32, #tpu.memory_space<vmem>>, vector<16xf32>,
        %scan3A_173 = arith.constant 4 : i32
        %scan3A_174 = arith.addi %scan3A_115, %scan3A_173 : i32
        %mul3A_175 = arith.constant 16 : i32
        %mul3A_176 = arith.muli %scan3A_174, %mul3A_175 : i32
        %get3A_177 = arith.index_cast %mul3A_176 : i32 to index
        %get3A_178 = tpu.vector_load %arg13[%get3A_177] {strides = array<i32>} : memref<640xf32, #tpu.memory_space<vmem>>, vector<16xf32>,
        %mul3A_179 = arith.constant 16 : i32
        %mul3A_180 = arith.muli %scan3A_174, %mul3A_179 : i32
        %get3A_181 = arith.index_cast %mul3A_180 : i32 to index
        %get3A_182 = tpu.vector_load %arg12[%get3A_181] {strides = array<i32>} : memref<640xf32, #tpu.memory_space<vmem>>, vector<16xf32>,
        %add3A_183 = arith.addf %get3A_178, %get3A_182 : vector<16xf32>
        %mul3A_184 = arith.constant 16 : i32
        %mul3A_185 = arith.muli %scan3A_174, %mul3A_184 : i32
        %swap3A_186 = arith.index_cast %mul3A_185 : i32 to index
        %swap3A_187 = tpu.vector_load %arg13[%swap3A_186] {strides = array<i32>} : memref<640xf32, #tpu.memory_space<vmem>>, vector<16xf32>,
        tpu.vector_store %arg13[%swap3A_186], %add3A_183 {strides = array<i32>} : memref<640xf32, #tpu.memory_space<vmem>>, vector<16xf32>,
        %scan3A_188 = arith.constant 5 : i32
        %scan3A_189 = arith.addi %scan3A_115, %scan3A_188 : i32
        %mul3A_190 = arith.constant 16 : i32
        %mul3A_191 = arith.muli %scan3A_189, %mul3A_190 : i32
        %get3A_192 = arith.index_cast %mul3A_191 : i32 to index
        %get3A_193 = tpu.vector_load %arg13[%get3A_192] {strides = array<i32>} : memref<640xf32, #tpu.memory_space<vmem>>, vector<16xf32>,
        %mul3A_194 = arith.constant 16 : i32
        %mul3A_195 = arith.muli %scan3A_189, %mul3A_194 : i32
        %get3A_196 = arith.index_cast %mul3A_195 : i32 to index
        %get3A_197 = tpu.vector_load %arg12[%get3A_196] {strides = array<i32>} : memref<640xf32, #tpu.memory_space<vmem>>, vector<16xf32>,
        %add3A_198 = arith.addf %get3A_193, %get3A_197 : vector<16xf32>
        %mul3A_199 = arith.constant 16 : i32
        %mul3A_200 = arith.muli %scan3A_189, %mul3A_199 : i32
        %swap3A_201 = arith.index_cast %mul3A_200 : i32 to index
        %swap3A_202 = tpu.vector_load %arg13[%swap3A_201] {strides = array<i32>} : memref<640xf32, #tpu.memory_space<vmem>>, vector<16xf32>,
        tpu.vector_store %arg13[%swap3A_201], %add3A_198 {strides = array<i32>} : memref<640xf32, #tpu.memory_space<vmem>>, vector<16xf32>,
        %scan3A_203 = arith.constant 6 : i32
        %scan3A_204 = arith.addi %scan3A_115, %scan3A_203 : i32
        %mul3A_205 = arith.constant 16 : i32
        %mul3A_206 = arith.muli %scan3A_204, %mul3A_205 : i32
        %get3A_207 = arith.index_cast %mul3A_206 : i32 to index
        %get3A_208 = tpu.vector_load %arg13[%get3A_207] {strides = array<i32>} : memref<640xf32, #tpu.memory_space<vmem>>, vector<16xf32>,
        %mul3A_209 = arith.constant 16 : i32
        %mul3A_210 = arith.muli %scan3A_204, %mul3A_209 : i32
        %get3A_211 = arith.index_cast %mul3A_210 : i32 to index
        %get3A_212 = tpu.vector_load %arg12[%get3A_211] {strides = array<i32>} : memref<640xf32, #tpu.memory_space<vmem>>, vector<16xf32>,
        %add3A_213 = arith.addf %get3A_208, %get3A_212 : vector<16xf32>
        %mul3A_214 = arith.constant 16 : i32
        %mul3A_215 = arith.muli %scan3A_204, %mul3A_214 : i32
        %swap3A_216 = arith.index_cast %mul3A_215 : i32 to index
        %swap3A_217 = tpu.vector_load %arg13[%swap3A_216] {strides = array<i32>} : memref<640xf32, #tpu.memory_space<vmem>>, vector<16xf32>,
        tpu.vector_store %arg13[%swap3A_216], %add3A_213 {strides = array<i32>} : memref<640xf32, #tpu.memory_space<vmem>>, vector<16xf32>,
        %scan3A_218 = arith.constant 7 : i32
        %scan3A_219 = arith.addi %scan3A_115, %scan3A_218 : i32
        %mul3A_220 = arith.constant 16 : i32
        %mul3A_221 = arith.muli %scan3A_219, %mul3A_220 : i32
        %get3A_222 = arith.index_cast %mul3A_221 : i32 to index
        %get3A_223 = tpu.vector_load %arg13[%get3A_222] {strides = array<i32>} : memref<640xf32, #tpu.memory_space<vmem>>, vector<16xf32>,
        %mul3A_224 = arith.constant 16 : i32
        %mul3A_225 = arith.muli %scan3A_219, %mul3A_224 : i32
        %get3A_226 = arith.index_cast %mul3A_225 : i32 to index
        %get3A_227 = tpu.vector_load %arg12[%get3A_226] {strides = array<i32>} : memref<640xf32, #tpu.memory_space<vmem>>, vector<16xf32>,
        %add3A_228 = arith.addf %get3A_223, %get3A_227 : vector<16xf32>
        %mul3A_229 = arith.constant 16 : i32
        %mul3A_230 = arith.muli %scan3A_219, %mul3A_229 : i32
        %swap3A_231 = arith.index_cast %mul3A_230 : i32 to index
        %swap3A_232 = tpu.vector_load %arg13[%swap3A_231] {strides = array<i32>} : memref<640xf32, #tpu.memory_space<vmem>>, vector<16xf32>,
        tpu.vector_store %arg13[%swap3A_231], %add3A_228 {strides = array<i32>} : memref<640xf32, #tpu.memory_space<vmem>>, vector<16xf32>,
      }
      %scan3A_114 = arith.constant 40 : i32
    }
    %scan3A_49 = arith.constant 15 : i32
    "tpu.region"() ({
      %run_scoped3A = tpu.sem_alloc : memref<!tpu.dma_semaphore, #tpu.memory_space<semaphore_mem>>
      %dma_start3A = arith.constant 0 : i32
      %dma_start3A_106 = tpu.memref_slice %arg9[%dma_start3A] : memref<10240xf32, #tpu.memory_space<vmem>> -> memref<640xf32, #tpu.memory_space<vmem>>
      %dma_start3A_107 = tpu.memref_slice %arg15[%mul3A_40] : memref<163840xf32, #tpu.memory_space<vmem_shared>> -> memref<640xf32, #tpu.memory_space<vmem_shared>>
      %dma_start3A_108 = arith.constant 0 : i32
      %dma_start3A_109 = tpu.memref_slice %arg9[%dma_start3A_108] : memref<10240xf32, #tpu.memory_space<vmem>> -> memref<640xf32, #tpu.memory_space<vmem>>
      %dma_start3A_110 = tpu.memref_slice %arg15[%mul3A_40] : memref<163840xf32, #tpu.memory_space<vmem_shared>> -> memref<640xf32, #tpu.memory_space<vmem_shared>>
      tpu.enqueue_dma source(%dma_start3A_110 : memref<640xf32, #tpu.memory_space<vmem_shared>>) target(%dma_start3A_109 : memref<640xf32, #tpu.memory_space<vmem>>) target_semaphore(%run_scoped3A : memref<!tpu.dma_semaphore, #tpu.memory_space<semaphore_mem>>)
      %dma_wait3A = arith.constant 0 : i32
      %dma_wait3A_111 = tpu.memref_slice %arg9[%dma_wait3A] : memref<10240xf32, #tpu.memory_space<vmem>> -> memref<640xf32, #tpu.memory_space<vmem>>
      %dma_wait3A_112 = tpu.memref_slice %arg15[%mul3A_40] : memref<163840xf32, #tpu.memory_space<vmem_shared>> -> memref<640xf32, #tpu.memory_space<vmem_shared>>
      %dma_wait3A_113 = arith.constant 0 : i32
      %dma_wait3A_114 = tpu.memref_slice %arg9[%dma_wait3A_113] : memref<10240xf32, #tpu.memory_space<vmem>> -> memref<640xf32, #tpu.memory_space<vmem>>
      %dma_wait3A_115 = tpu.memref_slice %arg15[%mul3A_40] : memref<163840xf32, #tpu.memory_space<vmem_shared>> -> memref<640xf32, #tpu.memory_space<vmem_shared>>
      tpu.wait_dma2 semaphore(%run_scoped3A : memref<!tpu.dma_semaphore, #tpu.memory_space<semaphore_mem>>) src(%dma_wait3A_115 : memref<640xf32, #tpu.memory_space<vmem_shared>>) dst(%dma_wait3A_114 : memref<640xf32, #tpu.memory_space<vmem>>)
      tpu.yield
    }) : () -> ()
    %scan3A_50 = arith.constant 1 : i32
    %scan3A_51 = arith.constant 15 : i32
    %scan3A_52 = arith.addi %scan3A_50, %scan3A_51 : i32
    %scan3A_53 = arith.constant 1 : i32
    scf.for %scan3A_106 = %scan3A_50 to %scan3A_52 step %scan3A_53  : i32 {
      %mul3A_107 = arith.constant 10240 : i32
      %mul3A_108 = arith.muli %scan3A_106, %mul3A_107 : i32
      %add3A_109 = arith.addi %mul3A_108, %mul3A_40 : i32
      "tpu.region"() ({
        %run_scoped3A = tpu.sem_alloc : memref<!tpu.dma_semaphore, #tpu.memory_space<semaphore_mem>>
        %dma_start3A = tpu.memref_slice %arg15[%add3A_109] : memref<163840xf32, #tpu.memory_space<vmem_shared>> -> memref<640xf32, #tpu.memory_space<vmem_shared>>
        %dma_start3A_115 = tpu.memref_slice %arg15[%add3A_109] : memref<163840xf32, #tpu.memory_space<vmem_shared>> -> memref<640xf32, #tpu.memory_space<vmem_shared>>
        tpu.enqueue_dma source(%dma_start3A_115 : memref<640xf32, #tpu.memory_space<vmem_shared>>) target(%arg12 : memref<640xf32, #tpu.memory_space<vmem>>) target_semaphore(%run_scoped3A : memref<!tpu.dma_semaphore, #tpu.memory_space<semaphore_mem>>)
        %dma_wait3A = tpu.memref_slice %arg15[%add3A_109] : memref<163840xf32, #tpu.memory_space<vmem_shared>> -> memref<640xf32, #tpu.memory_space<vmem_shared>>
        %dma_wait3A_116 = tpu.memref_slice %arg15[%add3A_109] : memref<163840xf32, #tpu.memory_space<vmem_shared>> -> memref<640xf32, #tpu.memory_space<vmem_shared>>
        tpu.wait_dma2 semaphore(%run_scoped3A : memref<!tpu.dma_semaphore, #tpu.memory_space<semaphore_mem>>) src(%dma_wait3A_116 : memref<640xf32, #tpu.memory_space<vmem_shared>>) dst(%arg12 : memref<640xf32, #tpu.memory_space<vmem>>)
        tpu.yield
      }) : () -> ()
      %scan3A_110 = arith.constant 0 : i32
      %scan3A_111 = arith.constant 40 : i32
      %scan3A_112 = arith.addi %scan3A_110, %scan3A_111 : i32
      %scan3A_113 = arith.constant 8 : i32
      scf.for %scan3A_115 = %scan3A_110 to %scan3A_112 step %scan3A_113  : i32 {
        %mul3A_116 = arith.constant 16 : i32
        %mul3A_117 = arith.muli %scan3A_115, %mul3A_116 : i32
        %get3A_118 = arith.index_cast %mul3A_117 : i32 to index
        %get3A_119 = tpu.vector_load %arg9[%get3A_118] {strides = array<i32>} : memref<10240xf32, #tpu.memory_space<vmem>>, vector<16xf32>,
        %mul3A_120 = arith.constant 16 : i32
        %mul3A_121 = arith.muli %scan3A_115, %mul3A_120 : i32
        %get3A_122 = arith.index_cast %mul3A_121 : i32 to index
        %get3A_123 = tpu.vector_load %arg12[%get3A_122] {strides = array<i32>} : memref<640xf32, #tpu.memory_space<vmem>>, vector<16xf32>,
        %add3A_124 = arith.addf %get3A_119, %get3A_123 : vector<16xf32>
        %mul3A_125 = arith.constant 16 : i32
        %mul3A_126 = arith.muli %scan3A_115, %mul3A_125 : i32
        %swap3A = arith.index_cast %mul3A_126 : i32 to index
        %swap3A_127 = tpu.vector_load %arg9[%swap3A] {strides = array<i32>} : memref<10240xf32, #tpu.memory_space<vmem>>, vector<16xf32>,
        tpu.vector_store %arg9[%swap3A], %add3A_124 {strides = array<i32>} : memref<10240xf32, #tpu.memory_space<vmem>>, vector<16xf32>,
        %scan3A_128 = arith.constant 1 : i32
        %scan3A_129 = arith.addi %scan3A_115, %scan3A_128 : i32
        %mul3A_130 = arith.constant 16 : i32
        %mul3A_131 = arith.muli %scan3A_129, %mul3A_130 : i32
        %get3A_132 = arith.index_cast %mul3A_131 : i32 to index
        %get3A_133 = tpu.vector_load %arg9[%get3A_132] {strides = array<i32>} : memref<10240xf32, #tpu.memory_space<vmem>>, vector<16xf32>,
        %mul3A_134 = arith.constant 16 : i32
        %mul3A_135 = arith.muli %scan3A_129, %mul3A_134 : i32
        %get3A_136 = arith.index_cast %mul3A_135 : i32 to index
        %get3A_137 = tpu.vector_load %arg12[%get3A_136] {strides = array<i32>} : memref<640xf32, #tpu.memory_space<vmem>>, vector<16xf32>,
        %add3A_138 = arith.addf %get3A_133, %get3A_137 : vector<16xf32>
        %mul3A_139 = arith.constant 16 : i32
        %mul3A_140 = arith.muli %scan3A_129, %mul3A_139 : i32
        %swap3A_141 = arith.index_cast %mul3A_140 : i32 to index
        %swap3A_142 = tpu.vector_load %arg9[%swap3A_141] {strides = array<i32>} : memref<10240xf32, #tpu.memory_space<vmem>>, vector<16xf32>,
        tpu.vector_store %arg9[%swap3A_141], %add3A_138 {strides = array<i32>} : memref<10240xf32, #tpu.memory_space<vmem>>, vector<16xf32>,
        %scan3A_143 = arith.constant 2 : i32
        %scan3A_144 = arith.addi %scan3A_115, %scan3A_143 : i32
        %mul3A_145 = arith.constant 16 : i32
        %mul3A_146 = arith.muli %scan3A_144, %mul3A_145 : i32
        %get3A_147 = arith.index_cast %mul3A_146 : i32 to index
        %get3A_148 = tpu.vector_load %arg9[%get3A_147] {strides = array<i32>} : memref<10240xf32, #tpu.memory_space<vmem>>, vector<16xf32>,
        %mul3A_149 = arith.constant 16 : i32
        %mul3A_150 = arith.muli %scan3A_144, %mul3A_149 : i32
        %get3A_151 = arith.index_cast %mul3A_150 : i32 to index
        %get3A_152 = tpu.vector_load %arg12[%get3A_151] {strides = array<i32>} : memref<640xf32, #tpu.memory_space<vmem>>, vector<16xf32>,
        %add3A_153 = arith.addf %get3A_148, %get3A_152 : vector<16xf32>
        %mul3A_154 = arith.constant 16 : i32
        %mul3A_155 = arith.muli %scan3A_144, %mul3A_154 : i32
        %swap3A_156 = arith.index_cast %mul3A_155 : i32 to index
        %swap3A_157 = tpu.vector_load %arg9[%swap3A_156] {strides = array<i32>} : memref<10240xf32, #tpu.memory_space<vmem>>, vector<16xf32>,
        tpu.vector_store %arg9[%swap3A_156], %add3A_153 {strides = array<i32>} : memref<10240xf32, #tpu.memory_space<vmem>>, vector<16xf32>,
        %scan3A_158 = arith.constant 3 : i32
        %scan3A_159 = arith.addi %scan3A_115, %scan3A_158 : i32
        %mul3A_160 = arith.constant 16 : i32
        %mul3A_161 = arith.muli %scan3A_159, %mul3A_160 : i32
        %get3A_162 = arith.index_cast %mul3A_161 : i32 to index
        %get3A_163 = tpu.vector_load %arg9[%get3A_162] {strides = array<i32>} : memref<10240xf32, #tpu.memory_space<vmem>>, vector<16xf32>,
        %mul3A_164 = arith.constant 16 : i32
        %mul3A_165 = arith.muli %scan3A_159, %mul3A_164 : i32
        %get3A_166 = arith.index_cast %mul3A_165 : i32 to index
        %get3A_167 = tpu.vector_load %arg12[%get3A_166] {strides = array<i32>} : memref<640xf32, #tpu.memory_space<vmem>>, vector<16xf32>,
        %add3A_168 = arith.addf %get3A_163, %get3A_167 : vector<16xf32>
        %mul3A_169 = arith.constant 16 : i32
        %mul3A_170 = arith.muli %scan3A_159, %mul3A_169 : i32
        %swap3A_171 = arith.index_cast %mul3A_170 : i32 to index
        %swap3A_172 = tpu.vector_load %arg9[%swap3A_171] {strides = array<i32>} : memref<10240xf32, #tpu.memory_space<vmem>>, vector<16xf32>,
        tpu.vector_store %arg9[%swap3A_171], %add3A_168 {strides = array<i32>} : memref<10240xf32, #tpu.memory_space<vmem>>, vector<16xf32>,
        %scan3A_173 = arith.constant 4 : i32
        %scan3A_174 = arith.addi %scan3A_115, %scan3A_173 : i32
        %mul3A_175 = arith.constant 16 : i32
        %mul3A_176 = arith.muli %scan3A_174, %mul3A_175 : i32
        %get3A_177 = arith.index_cast %mul3A_176 : i32 to index
        %get3A_178 = tpu.vector_load %arg9[%get3A_177] {strides = array<i32>} : memref<10240xf32, #tpu.memory_space<vmem>>, vector<16xf32>,
        %mul3A_179 = arith.constant 16 : i32
        %mul3A_180 = arith.muli %scan3A_174, %mul3A_179 : i32
        %get3A_181 = arith.index_cast %mul3A_180 : i32 to index
        %get3A_182 = tpu.vector_load %arg12[%get3A_181] {strides = array<i32>} : memref<640xf32, #tpu.memory_space<vmem>>, vector<16xf32>,
        %add3A_183 = arith.addf %get3A_178, %get3A_182 : vector<16xf32>
        %mul3A_184 = arith.constant 16 : i32
        %mul3A_185 = arith.muli %scan3A_174, %mul3A_184 : i32
        %swap3A_186 = arith.index_cast %mul3A_185 : i32 to index
        %swap3A_187 = tpu.vector_load %arg9[%swap3A_186] {strides = array<i32>} : memref<10240xf32, #tpu.memory_space<vmem>>, vector<16xf32>,
        tpu.vector_store %arg9[%swap3A_186], %add3A_183 {strides = array<i32>} : memref<10240xf32, #tpu.memory_space<vmem>>, vector<16xf32>,
        %scan3A_188 = arith.constant 5 : i32
        %scan3A_189 = arith.addi %scan3A_115, %scan3A_188 : i32
        %mul3A_190 = arith.constant 16 : i32
        %mul3A_191 = arith.muli %scan3A_189, %mul3A_190 : i32
        %get3A_192 = arith.index_cast %mul3A_191 : i32 to index
        %get3A_193 = tpu.vector_load %arg9[%get3A_192] {strides = array<i32>} : memref<10240xf32, #tpu.memory_space<vmem>>, vector<16xf32>,
        %mul3A_194 = arith.constant 16 : i32
        %mul3A_195 = arith.muli %scan3A_189, %mul3A_194 : i32
        %get3A_196 = arith.index_cast %mul3A_195 : i32 to index
        %get3A_197 = tpu.vector_load %arg12[%get3A_196] {strides = array<i32>} : memref<640xf32, #tpu.memory_space<vmem>>, vector<16xf32>,
        %add3A_198 = arith.addf %get3A_193, %get3A_197 : vector<16xf32>
        %mul3A_199 = arith.constant 16 : i32
        %mul3A_200 = arith.muli %scan3A_189, %mul3A_199 : i32
        %swap3A_201 = arith.index_cast %mul3A_200 : i32 to index
        %swap3A_202 = tpu.vector_load %arg9[%swap3A_201] {strides = array<i32>} : memref<10240xf32, #tpu.memory_space<vmem>>, vector<16xf32>,
        tpu.vector_store %arg9[%swap3A_201], %add3A_198 {strides = array<i32>} : memref<10240xf32, #tpu.memory_space<vmem>>, vector<16xf32>,
        %scan3A_203 = arith.constant 6 : i32
        %scan3A_204 = arith.addi %scan3A_115, %scan3A_203 : i32
        %mul3A_205 = arith.constant 16 : i32
        %mul3A_206 = arith.muli %scan3A_204, %mul3A_205 : i32
        %get3A_207 = arith.index_cast %mul3A_206 : i32 to index
        %get3A_208 = tpu.vector_load %arg9[%get3A_207] {strides = array<i32>} : memref<10240xf32, #tpu.memory_space<vmem>>, vector<16xf32>,
        %mul3A_209 = arith.constant 16 : i32
        %mul3A_210 = arith.muli %scan3A_204, %mul3A_209 : i32
        %get3A_211 = arith.index_cast %mul3A_210 : i32 to index
        %get3A_212 = tpu.vector_load %arg12[%get3A_211] {strides = array<i32>} : memref<640xf32, #tpu.memory_space<vmem>>, vector<16xf32>,
        %add3A_213 = arith.addf %get3A_208, %get3A_212 : vector<16xf32>
        %mul3A_214 = arith.constant 16 : i32
        %mul3A_215 = arith.muli %scan3A_204, %mul3A_214 : i32
        %swap3A_216 = arith.index_cast %mul3A_215 : i32 to index
        %swap3A_217 = tpu.vector_load %arg9[%swap3A_216] {strides = array<i32>} : memref<10240xf32, #tpu.memory_space<vmem>>, vector<16xf32>,
        tpu.vector_store %arg9[%swap3A_216], %add3A_213 {strides = array<i32>} : memref<10240xf32, #tpu.memory_space<vmem>>, vector<16xf32>,
        %scan3A_218 = arith.constant 7 : i32
        %scan3A_219 = arith.addi %scan3A_115, %scan3A_218 : i32
        %mul3A_220 = arith.constant 16 : i32
        %mul3A_221 = arith.muli %scan3A_219, %mul3A_220 : i32
        %get3A_222 = arith.index_cast %mul3A_221 : i32 to index
        %get3A_223 = tpu.vector_load %arg9[%get3A_222] {strides = array<i32>} : memref<10240xf32, #tpu.memory_space<vmem>>, vector<16xf32>,
        %mul3A_224 = arith.constant 16 : i32
        %mul3A_225 = arith.muli %scan3A_219, %mul3A_224 : i32
        %get3A_226 = arith.index_cast %mul3A_225 : i32 to index
        %get3A_227 = tpu.vector_load %arg12[%get3A_226] {strides = array<i32>} : memref<640xf32, #tpu.memory_space<vmem>>, vector<16xf32>,
        %add3A_228 = arith.addf %get3A_223, %get3A_227 : vector<16xf32>
        %mul3A_229 = arith.constant 16 : i32
        %mul3A_230 = arith.muli %scan3A_219, %mul3A_229 : i32
        %swap3A_231 = arith.index_cast %mul3A_230 : i32 to index
        %swap3A_232 = tpu.vector_load %arg9[%swap3A_231] {strides = array<i32>} : memref<10240xf32, #tpu.memory_space<vmem>>, vector<16xf32>,
        tpu.vector_store %arg9[%swap3A_231], %add3A_228 {strides = array<i32>} : memref<10240xf32, #tpu.memory_space<vmem>>, vector<16xf32>,
      }
      %scan3A_114 = arith.constant 40 : i32
    }
    %scan3A_54 = arith.constant 15 : i32
    %eq3A = arith.constant 0 : i32
    %eq3A_55 = arith.cmpi eq, %arg0, %eq3A : i32
    %convert_element_type3A = arith.extui %eq3A_55 : i1 to i32
    %cond3A = arith.constant 0 : i32
    %cond3A_56 = arith.cmpi ne, %convert_element_type3A, %cond3A : i32
    scf.if %cond3A_56 {
      "tpu.region"() ({
        %run_scoped3A = tpu.sem_alloc : memref<!tpu.dma_semaphore, #tpu.memory_space<semaphore_mem>>
        %dma_start3A = tpu.memref_slice %arg4[%mul3A_40] : memref<10240xf32, #tpu.memory_space<hbm>> -> memref<640xf32, #tpu.memory_space<hbm>>
        %dma_start3A_106 = tpu.memref_slice %arg4[%mul3A_40] : memref<10240xf32, #tpu.memory_space<hbm>> -> memref<640xf32, #tpu.memory_space<hbm>>
        tpu.enqueue_dma source(%arg13 : memref<640xf32, #tpu.memory_space<vmem>>) target(%dma_start3A_106 : memref<640xf32, #tpu.memory_space<hbm>>) target_semaphore(%run_scoped3A : memref<!tpu.dma_semaphore, #tpu.memory_space<semaphore_mem>>)
        %dma_wait3A = tpu.memref_slice %arg4[%mul3A_40] : memref<10240xf32, #tpu.memory_space<hbm>> -> memref<640xf32, #tpu.memory_space<hbm>>
        %dma_wait3A_107 = tpu.memref_slice %arg4[%mul3A_40] : memref<10240xf32, #tpu.memory_space<hbm>> -> memref<640xf32, #tpu.memory_space<hbm>>
        tpu.wait_dma2 semaphore(%run_scoped3A : memref<!tpu.dma_semaphore, #tpu.memory_space<semaphore_mem>>) src(%arg13 : memref<640xf32, #tpu.memory_space<vmem>>) dst(%dma_wait3A_107 : memref<640xf32, #tpu.memory_space<hbm>>)
        tpu.yield
      }) : () -> ()
    } else {
    }
    %eq3A_57 = arith.constant 1 : i32
    %eq3A_58 = arith.cmpi eq, %arg0, %eq3A_57 : i32
    %convert_element_type3A_59 = arith.extui %eq3A_58 : i1 to i32
    %cond3A_60 = arith.constant 0 : i32
    %cond3A_61 = arith.cmpi ne, %convert_element_type3A_59, %cond3A_60 : i32
    scf.if %cond3A_61 {
      "tpu.region"() ({
        %run_scoped3A = tpu.sem_alloc : memref<!tpu.dma_semaphore, #tpu.memory_space<semaphore_mem>>
        %dma_start3A = arith.constant 0 : i32
        %dma_start3A_106 = tpu.memref_slice %arg9[%dma_start3A] : memref<10240xf32, #tpu.memory_space<vmem>> -> memref<640xf32, #tpu.memory_space<vmem>>
        %dma_start3A_107 = tpu.memref_slice %arg5[%mul3A_40] : memref<10240xf32, #tpu.memory_space<hbm>> -> memref<640xf32, #tpu.memory_space<hbm>>
        %dma_start3A_108 = tpu.memref_slice %arg5[%mul3A_40] : memref<10240xf32, #tpu.memory_space<hbm>> -> memref<640xf32, #tpu.memory_space<hbm>>
        %dma_start3A_109 = arith.constant 0 : i32
        %dma_start3A_110 = tpu.memref_slice %arg9[%dma_start3A_109] : memref<10240xf32, #tpu.memory_space<vmem>> -> memref<640xf32, #tpu.memory_space<vmem>>
        tpu.enqueue_dma source(%dma_start3A_110 : memref<640xf32, #tpu.memory_space<vmem>>) target(%dma_start3A_108 : memref<640xf32, #tpu.memory_space<hbm>>) target_semaphore(%run_scoped3A : memref<!tpu.dma_semaphore, #tpu.memory_space<semaphore_mem>>)
        %dma_wait3A = arith.constant 0 : i32
        %dma_wait3A_111 = tpu.memref_slice %arg9[%dma_wait3A] : memref<10240xf32, #tpu.memory_space<vmem>> -> memref<640xf32, #tpu.memory_space<vmem>>
        %dma_wait3A_112 = tpu.memref_slice %arg5[%mul3A_40] : memref<10240xf32, #tpu.memory_space<hbm>> -> memref<640xf32, #tpu.memory_space<hbm>>
        %dma_wait3A_113 = tpu.memref_slice %arg5[%mul3A_40] : memref<10240xf32, #tpu.memory_space<hbm>> -> memref<640xf32, #tpu.memory_space<hbm>>
        %dma_wait3A_114 = arith.constant 0 : i32
        %dma_wait3A_115 = tpu.memref_slice %arg9[%dma_wait3A_114] : memref<10240xf32, #tpu.memory_space<vmem>> -> memref<640xf32, #tpu.memory_space<vmem>>
        tpu.wait_dma2 semaphore(%run_scoped3A : memref<!tpu.dma_semaphore, #tpu.memory_space<semaphore_mem>>) src(%dma_wait3A_115 : memref<640xf32, #tpu.memory_space<vmem>>) dst(%dma_wait3A_113 : memref<640xf32, #tpu.memory_space<hbm>>)
        tpu.yield
      }) : () -> ()
    } else {
    }
    %scan3A_62 = arith.constant 0 : i32
    %scan3A_63 = arith.constant 40 : i32
    %scan3A_64 = arith.addi %scan3A_62, %scan3A_63 : i32
    %scan3A_65 = arith.constant 8 : i32
    scf.for %scan3A_106 = %scan3A_62 to %scan3A_64 step %scan3A_65  : i32 {
      %mul3A_107 = arith.constant 16 : i32
      %mul3A_108 = arith.muli %scan3A_106, %mul3A_107 : i32
      %get3A_109 = arith.index_cast %mul3A_108 : i32 to index
      %get3A_110 = tpu.vector_load %arg13[%get3A_109] {strides = array<i32>} : memref<640xf32, #tpu.memory_space<vmem>>, vector<16xf32>,
      %mul3A_111 = arith.constant 16 : i32
      %mul3A_112 = arith.muli %scan3A_106, %mul3A_111 : i32
      %get3A_113 = arith.index_cast %mul3A_112 : i32 to index
      %get3A_114 = tpu.vector_load %arg9[%get3A_113] {strides = array<i32>} : memref<10240xf32, #tpu.memory_space<vmem>>, vector<16xf32>,
      %max3A = arith.constant 1.000000e+00 : f32
      %max3A_115 = vector.broadcast %max3A : f32 to vector<16xf32>
      %max3A_116 = arith.maximumf %get3A_114, %max3A_115 : vector<16xf32>
      %bitcast3A = vector.bitcast %max3A_116 : vector<16xf32> to vector<16xi32>
      %shift_right_arithmetic3A = arith.constant 1 : i32
      %shift_right_arithmetic3A_117 = vector.broadcast %shift_right_arithmetic3A : i32 to vector<16xi32>
      %shift_right_arithmetic3A_118 = arith.shrsi %bitcast3A, %shift_right_arithmetic3A_117 : vector<16xi32>
      %sub3A = arith.constant 1597463007 : i32
      %sub3A_119 = vector.broadcast %sub3A : i32 to vector<16xi32>
      %sub3A_120 = arith.subi %sub3A_119, %shift_right_arithmetic3A_118 : vector<16xi32>
      %bitcast3A_121 = vector.bitcast %sub3A_120 : vector<16xi32> to vector<16xf32>
      %mul3A_122 = arith.constant 5.000000e-01 : f32
      %mul3A_123 = vector.broadcast %mul3A_122 : f32 to vector<16xf32>
      %mul3A_124 = arith.mulf %mul3A_123, %max3A_116 : vector<16xf32>
      %mul3A_125 = arith.mulf %mul3A_124, %bitcast3A_121 : vector<16xf32>
      %mul3A_126 = arith.mulf %mul3A_125, %bitcast3A_121 : vector<16xf32>
      %sub3A_127 = arith.constant 1.500000e+00 : f32
      %sub3A_128 = vector.broadcast %sub3A_127 : f32 to vector<16xf32>
      %sub3A_129 = arith.subf %sub3A_128, %mul3A_126 : vector<16xf32>
      %mul3A_130 = arith.mulf %bitcast3A_121, %sub3A_129 : vector<16xf32>
      %mul3A_131 = arith.constant 5.000000e-01 : f32
      %mul3A_132 = vector.broadcast %mul3A_131 : f32 to vector<16xf32>
      %mul3A_133 = arith.mulf %mul3A_132, %max3A_116 : vector<16xf32>
      %mul3A_134 = arith.mulf %mul3A_133, %mul3A_130 : vector<16xf32>
      %mul3A_135 = arith.mulf %mul3A_134, %mul3A_130 : vector<16xf32>
      %sub3A_136 = arith.constant 1.500000e+00 : f32
      %sub3A_137 = vector.broadcast %sub3A_136 : f32 to vector<16xf32>
      %sub3A_138 = arith.subf %sub3A_137, %mul3A_135 : vector<16xf32>
      %mul3A_139 = arith.mulf %mul3A_130, %sub3A_138 : vector<16xf32>
      %mul3A_140 = arith.constant 5.000000e-01 : f32
      %mul3A_141 = vector.broadcast %mul3A_140 : f32 to vector<16xf32>
      %mul3A_142 = arith.mulf %mul3A_141, %max3A_116 : vector<16xf32>
      %mul3A_143 = arith.mulf %mul3A_142, %mul3A_139 : vector<16xf32>
      %mul3A_144 = arith.mulf %mul3A_143, %mul3A_139 : vector<16xf32>
      %sub3A_145 = arith.constant 1.500000e+00 : f32
      %sub3A_146 = vector.broadcast %sub3A_145 : f32 to vector<16xf32>
      %sub3A_147 = arith.subf %sub3A_146, %mul3A_144 : vector<16xf32>
      %mul3A_148 = arith.mulf %mul3A_139, %sub3A_147 : vector<16xf32>
      %mul3A_149 = arith.mulf %get3A_110, %mul3A_148 : vector<16xf32>
      %mul3A_150 = arith.constant 16 : i32
      %mul3A_151 = arith.muli %scan3A_106, %mul3A_150 : i32
      %swap3A = arith.index_cast %mul3A_151 : i32 to index
      %swap3A_152 = tpu.vector_load %arg12[%swap3A] {strides = array<i32>} : memref<640xf32, #tpu.memory_space<vmem>>, vector<16xf32>,
      tpu.vector_store %arg12[%swap3A], %mul3A_149 {strides = array<i32>} : memref<640xf32, #tpu.memory_space<vmem>>, vector<16xf32>,
      %scan3A_153 = arith.constant 1 : i32
      %scan3A_154 = arith.addi %scan3A_106, %scan3A_153 : i32
      %mul3A_155 = arith.constant 16 : i32
      %mul3A_156 = arith.muli %scan3A_154, %mul3A_155 : i32
      %get3A_157 = arith.index_cast %mul3A_156 : i32 to index
      %get3A_158 = tpu.vector_load %arg13[%get3A_157] {strides = array<i32>} : memref<640xf32, #tpu.memory_space<vmem>>, vector<16xf32>,
      %mul3A_159 = arith.constant 16 : i32
      %mul3A_160 = arith.muli %scan3A_154, %mul3A_159 : i32
      %get3A_161 = arith.index_cast %mul3A_160 : i32 to index
      %get3A_162 = tpu.vector_load %arg9[%get3A_161] {strides = array<i32>} : memref<10240xf32, #tpu.memory_space<vmem>>, vector<16xf32>,
      %max3A_163 = arith.constant 1.000000e+00 : f32
      %max3A_164 = vector.broadcast %max3A_163 : f32 to vector<16xf32>
      %max3A_165 = arith.maximumf %get3A_162, %max3A_164 : vector<16xf32>
      %bitcast3A_166 = vector.bitcast %max3A_165 : vector<16xf32> to vector<16xi32>
      %shift_right_arithmetic3A_167 = arith.constant 1 : i32
      %shift_right_arithmetic3A_168 = vector.broadcast %shift_right_arithmetic3A_167 : i32 to vector<16xi32>
      %shift_right_arithmetic3A_169 = arith.shrsi %bitcast3A_166, %shift_right_arithmetic3A_168 : vector<16xi32>
      %sub3A_170 = arith.constant 1597463007 : i32
      %sub3A_171 = vector.broadcast %sub3A_170 : i32 to vector<16xi32>
      %sub3A_172 = arith.subi %sub3A_171, %shift_right_arithmetic3A_169 : vector<16xi32>
      %bitcast3A_173 = vector.bitcast %sub3A_172 : vector<16xi32> to vector<16xf32>
      %mul3A_174 = arith.constant 5.000000e-01 : f32
      %mul3A_175 = vector.broadcast %mul3A_174 : f32 to vector<16xf32>
      %mul3A_176 = arith.mulf %mul3A_175, %max3A_165 : vector<16xf32>
      %mul3A_177 = arith.mulf %mul3A_176, %bitcast3A_173 : vector<16xf32>
      %mul3A_178 = arith.mulf %mul3A_177, %bitcast3A_173 : vector<16xf32>
      %sub3A_179 = arith.constant 1.500000e+00 : f32
      %sub3A_180 = vector.broadcast %sub3A_179 : f32 to vector<16xf32>
      %sub3A_181 = arith.subf %sub3A_180, %mul3A_178 : vector<16xf32>
      %mul3A_182 = arith.mulf %bitcast3A_173, %sub3A_181 : vector<16xf32>
      %mul3A_183 = arith.constant 5.000000e-01 : f32
      %mul3A_184 = vector.broadcast %mul3A_183 : f32 to vector<16xf32>
      %mul3A_185 = arith.mulf %mul3A_184, %max3A_165 : vector<16xf32>
      %mul3A_186 = arith.mulf %mul3A_185, %mul3A_182 : vector<16xf32>
      %mul3A_187 = arith.mulf %mul3A_186, %mul3A_182 : vector<16xf32>
      %sub3A_188 = arith.constant 1.500000e+00 : f32
      %sub3A_189 = vector.broadcast %sub3A_188 : f32 to vector<16xf32>
      %sub3A_190 = arith.subf %sub3A_189, %mul3A_187 : vector<16xf32>
      %mul3A_191 = arith.mulf %mul3A_182, %sub3A_190 : vector<16xf32>
      %mul3A_192 = arith.constant 5.000000e-01 : f32
      %mul3A_193 = vector.broadcast %mul3A_192 : f32 to vector<16xf32>
      %mul3A_194 = arith.mulf %mul3A_193, %max3A_165 : vector<16xf32>
      %mul3A_195 = arith.mulf %mul3A_194, %mul3A_191 : vector<16xf32>
      %mul3A_196 = arith.mulf %mul3A_195, %mul3A_191 : vector<16xf32>
      %sub3A_197 = arith.constant 1.500000e+00 : f32
      %sub3A_198 = vector.broadcast %sub3A_197 : f32 to vector<16xf32>
      %sub3A_199 = arith.subf %sub3A_198, %mul3A_196 : vector<16xf32>
      %mul3A_200 = arith.mulf %mul3A_191, %sub3A_199 : vector<16xf32>
      %mul3A_201 = arith.mulf %get3A_158, %mul3A_200 : vector<16xf32>
      %mul3A_202 = arith.constant 16 : i32
      %mul3A_203 = arith.muli %scan3A_154, %mul3A_202 : i32
      %swap3A_204 = arith.index_cast %mul3A_203 : i32 to index
      %swap3A_205 = tpu.vector_load %arg12[%swap3A_204] {strides = array<i32>} : memref<640xf32, #tpu.memory_space<vmem>>, vector<16xf32>,
      tpu.vector_store %arg12[%swap3A_204], %mul3A_201 {strides = array<i32>} : memref<640xf32, #tpu.memory_space<vmem>>, vector<16xf32>,
      %scan3A_206 = arith.constant 2 : i32
      %scan3A_207 = arith.addi %scan3A_106, %scan3A_206 : i32
      %mul3A_208 = arith.constant 16 : i32
      %mul3A_209 = arith.muli %scan3A_207, %mul3A_208 : i32
      %get3A_210 = arith.index_cast %mul3A_209 : i32 to index
      %get3A_211 = tpu.vector_load %arg13[%get3A_210] {strides = array<i32>} : memref<640xf32, #tpu.memory_space<vmem>>, vector<16xf32>,
      %mul3A_212 = arith.constant 16 : i32
      %mul3A_213 = arith.muli %scan3A_207, %mul3A_212 : i32
      %get3A_214 = arith.index_cast %mul3A_213 : i32 to index
      %get3A_215 = tpu.vector_load %arg9[%get3A_214] {strides = array<i32>} : memref<10240xf32, #tpu.memory_space<vmem>>, vector<16xf32>,
      %max3A_216 = arith.constant 1.000000e+00 : f32
      %max3A_217 = vector.broadcast %max3A_216 : f32 to vector<16xf32>
      %max3A_218 = arith.maximumf %get3A_215, %max3A_217 : vector<16xf32>
      %bitcast3A_219 = vector.bitcast %max3A_218 : vector<16xf32> to vector<16xi32>
      %shift_right_arithmetic3A_220 = arith.constant 1 : i32
      %shift_right_arithmetic3A_221 = vector.broadcast %shift_right_arithmetic3A_220 : i32 to vector<16xi32>
      %shift_right_arithmetic3A_222 = arith.shrsi %bitcast3A_219, %shift_right_arithmetic3A_221 : vector<16xi32>
      %sub3A_223 = arith.constant 1597463007 : i32
      %sub3A_224 = vector.broadcast %sub3A_223 : i32 to vector<16xi32>
      %sub3A_225 = arith.subi %sub3A_224, %shift_right_arithmetic3A_222 : vector<16xi32>
      %bitcast3A_226 = vector.bitcast %sub3A_225 : vector<16xi32> to vector<16xf32>
      %mul3A_227 = arith.constant 5.000000e-01 : f32
      %mul3A_228 = vector.broadcast %mul3A_227 : f32 to vector<16xf32>
      %mul3A_229 = arith.mulf %mul3A_228, %max3A_218 : vector<16xf32>
      %mul3A_230 = arith.mulf %mul3A_229, %bitcast3A_226 : vector<16xf32>
      %mul3A_231 = arith.mulf %mul3A_230, %bitcast3A_226 : vector<16xf32>
      %sub3A_232 = arith.constant 1.500000e+00 : f32
      %sub3A_233 = vector.broadcast %sub3A_232 : f32 to vector<16xf32>
      %sub3A_234 = arith.subf %sub3A_233, %mul3A_231 : vector<16xf32>
      %mul3A_235 = arith.mulf %bitcast3A_226, %sub3A_234 : vector<16xf32>
      %mul3A_236 = arith.constant 5.000000e-01 : f32
      %mul3A_237 = vector.broadcast %mul3A_236 : f32 to vector<16xf32>
      %mul3A_238 = arith.mulf %mul3A_237, %max3A_218 : vector<16xf32>
      %mul3A_239 = arith.mulf %mul3A_238, %mul3A_235 : vector<16xf32>
      %mul3A_240 = arith.mulf %mul3A_239, %mul3A_235 : vector<16xf32>
      %sub3A_241 = arith.constant 1.500000e+00 : f32
      %sub3A_242 = vector.broadcast %sub3A_241 : f32 to vector<16xf32>
      %sub3A_243 = arith.subf %sub3A_242, %mul3A_240 : vector<16xf32>
      %mul3A_244 = arith.mulf %mul3A_235, %sub3A_243 : vector<16xf32>
      %mul3A_245 = arith.constant 5.000000e-01 : f32
      %mul3A_246 = vector.broadcast %mul3A_245 : f32 to vector<16xf32>
      %mul3A_247 = arith.mulf %mul3A_246, %max3A_218 : vector<16xf32>
      %mul3A_248 = arith.mulf %mul3A_247, %mul3A_244 : vector<16xf32>
      %mul3A_249 = arith.mulf %mul3A_248, %mul3A_244 : vector<16xf32>
      %sub3A_250 = arith.constant 1.500000e+00 : f32
      %sub3A_251 = vector.broadcast %sub3A_250 : f32 to vector<16xf32>
      %sub3A_252 = arith.subf %sub3A_251, %mul3A_249 : vector<16xf32>
      %mul3A_253 = arith.mulf %mul3A_244, %sub3A_252 : vector<16xf32>
      %mul3A_254 = arith.mulf %get3A_211, %mul3A_253 : vector<16xf32>
      %mul3A_255 = arith.constant 16 : i32
      %mul3A_256 = arith.muli %scan3A_207, %mul3A_255 : i32
      %swap3A_257 = arith.index_cast %mul3A_256 : i32 to index
      %swap3A_258 = tpu.vector_load %arg12[%swap3A_257] {strides = array<i32>} : memref<640xf32, #tpu.memory_space<vmem>>, vector<16xf32>,
      tpu.vector_store %arg12[%swap3A_257], %mul3A_254 {strides = array<i32>} : memref<640xf32, #tpu.memory_space<vmem>>, vector<16xf32>,
      %scan3A_259 = arith.constant 3 : i32
      %scan3A_260 = arith.addi %scan3A_106, %scan3A_259 : i32
      %mul3A_261 = arith.constant 16 : i32
      %mul3A_262 = arith.muli %scan3A_260, %mul3A_261 : i32
      %get3A_263 = arith.index_cast %mul3A_262 : i32 to index
      %get3A_264 = tpu.vector_load %arg13[%get3A_263] {strides = array<i32>} : memref<640xf32, #tpu.memory_space<vmem>>, vector<16xf32>,
      %mul3A_265 = arith.constant 16 : i32
      %mul3A_266 = arith.muli %scan3A_260, %mul3A_265 : i32
      %get3A_267 = arith.index_cast %mul3A_266 : i32 to index
      %get3A_268 = tpu.vector_load %arg9[%get3A_267] {strides = array<i32>} : memref<10240xf32, #tpu.memory_space<vmem>>, vector<16xf32>,
      %max3A_269 = arith.constant 1.000000e+00 : f32
      %max3A_270 = vector.broadcast %max3A_269 : f32 to vector<16xf32>
      %max3A_271 = arith.maximumf %get3A_268, %max3A_270 : vector<16xf32>
      %bitcast3A_272 = vector.bitcast %max3A_271 : vector<16xf32> to vector<16xi32>
      %shift_right_arithmetic3A_273 = arith.constant 1 : i32
      %shift_right_arithmetic3A_274 = vector.broadcast %shift_right_arithmetic3A_273 : i32 to vector<16xi32>
      %shift_right_arithmetic3A_275 = arith.shrsi %bitcast3A_272, %shift_right_arithmetic3A_274 : vector<16xi32>
      %sub3A_276 = arith.constant 1597463007 : i32
      %sub3A_277 = vector.broadcast %sub3A_276 : i32 to vector<16xi32>
      %sub3A_278 = arith.subi %sub3A_277, %shift_right_arithmetic3A_275 : vector<16xi32>
      %bitcast3A_279 = vector.bitcast %sub3A_278 : vector<16xi32> to vector<16xf32>
      %mul3A_280 = arith.constant 5.000000e-01 : f32
      %mul3A_281 = vector.broadcast %mul3A_280 : f32 to vector<16xf32>
      %mul3A_282 = arith.mulf %mul3A_281, %max3A_271 : vector<16xf32>
      %mul3A_283 = arith.mulf %mul3A_282, %bitcast3A_279 : vector<16xf32>
      %mul3A_284 = arith.mulf %mul3A_283, %bitcast3A_279 : vector<16xf32>
      %sub3A_285 = arith.constant 1.500000e+00 : f32
      %sub3A_286 = vector.broadcast %sub3A_285 : f32 to vector<16xf32>
      %sub3A_287 = arith.subf %sub3A_286, %mul3A_284 : vector<16xf32>
      %mul3A_288 = arith.mulf %bitcast3A_279, %sub3A_287 : vector<16xf32>
      %mul3A_289 = arith.constant 5.000000e-01 : f32
      %mul3A_290 = vector.broadcast %mul3A_289 : f32 to vector<16xf32>
      %mul3A_291 = arith.mulf %mul3A_290, %max3A_271 : vector<16xf32>
      %mul3A_292 = arith.mulf %mul3A_291, %mul3A_288 : vector<16xf32>
      %mul3A_293 = arith.mulf %mul3A_292, %mul3A_288 : vector<16xf32>
      %sub3A_294 = arith.constant 1.500000e+00 : f32
      %sub3A_295 = vector.broadcast %sub3A_294 : f32 to vector<16xf32>
      %sub3A_296 = arith.subf %sub3A_295, %mul3A_293 : vector<16xf32>
      %mul3A_297 = arith.mulf %mul3A_288, %sub3A_296 : vector<16xf32>
      %mul3A_298 = arith.constant 5.000000e-01 : f32
      %mul3A_299 = vector.broadcast %mul3A_298 : f32 to vector<16xf32>
      %mul3A_300 = arith.mulf %mul3A_299, %max3A_271 : vector<16xf32>
      %mul3A_301 = arith.mulf %mul3A_300, %mul3A_297 : vector<16xf32>
      %mul3A_302 = arith.mulf %mul3A_301, %mul3A_297 : vector<16xf32>
      %sub3A_303 = arith.constant 1.500000e+00 : f32
      %sub3A_304 = vector.broadcast %sub3A_303 : f32 to vector<16xf32>
      %sub3A_305 = arith.subf %sub3A_304, %mul3A_302 : vector<16xf32>
      %mul3A_306 = arith.mulf %mul3A_297, %sub3A_305 : vector<16xf32>
      %mul3A_307 = arith.mulf %get3A_264, %mul3A_306 : vector<16xf32>
      %mul3A_308 = arith.constant 16 : i32
      %mul3A_309 = arith.muli %scan3A_260, %mul3A_308 : i32
      %swap3A_310 = arith.index_cast %mul3A_309 : i32 to index
      %swap3A_311 = tpu.vector_load %arg12[%swap3A_310] {strides = array<i32>} : memref<640xf32, #tpu.memory_space<vmem>>, vector<16xf32>,
      tpu.vector_store %arg12[%swap3A_310], %mul3A_307 {strides = array<i32>} : memref<640xf32, #tpu.memory_space<vmem>>, vector<16xf32>,
      %scan3A_312 = arith.constant 4 : i32
      %scan3A_313 = arith.addi %scan3A_106, %scan3A_312 : i32
      %mul3A_314 = arith.constant 16 : i32
      %mul3A_315 = arith.muli %scan3A_313, %mul3A_314 : i32
      %get3A_316 = arith.index_cast %mul3A_315 : i32 to index
      %get3A_317 = tpu.vector_load %arg13[%get3A_316] {strides = array<i32>} : memref<640xf32, #tpu.memory_space<vmem>>, vector<16xf32>,
      %mul3A_318 = arith.constant 16 : i32
      %mul3A_319 = arith.muli %scan3A_313, %mul3A_318 : i32
      %get3A_320 = arith.index_cast %mul3A_319 : i32 to index
      %get3A_321 = tpu.vector_load %arg9[%get3A_320] {strides = array<i32>} : memref<10240xf32, #tpu.memory_space<vmem>>, vector<16xf32>,
      %max3A_322 = arith.constant 1.000000e+00 : f32
      %max3A_323 = vector.broadcast %max3A_322 : f32 to vector<16xf32>
      %max3A_324 = arith.maximumf %get3A_321, %max3A_323 : vector<16xf32>
      %bitcast3A_325 = vector.bitcast %max3A_324 : vector<16xf32> to vector<16xi32>
      %shift_right_arithmetic3A_326 = arith.constant 1 : i32
      %shift_right_arithmetic3A_327 = vector.broadcast %shift_right_arithmetic3A_326 : i32 to vector<16xi32>
      %shift_right_arithmetic3A_328 = arith.shrsi %bitcast3A_325, %shift_right_arithmetic3A_327 : vector<16xi32>
      %sub3A_329 = arith.constant 1597463007 : i32
      %sub3A_330 = vector.broadcast %sub3A_329 : i32 to vector<16xi32>
      %sub3A_331 = arith.subi %sub3A_330, %shift_right_arithmetic3A_328 : vector<16xi32>
      %bitcast3A_332 = vector.bitcast %sub3A_331 : vector<16xi32> to vector<16xf32>
      %mul3A_333 = arith.constant 5.000000e-01 : f32
      %mul3A_334 = vector.broadcast %mul3A_333 : f32 to vector<16xf32>
      %mul3A_335 = arith.mulf %mul3A_334, %max3A_324 : vector<16xf32>
      %mul3A_336 = arith.mulf %mul3A_335, %bitcast3A_332 : vector<16xf32>
      %mul3A_337 = arith.mulf %mul3A_336, %bitcast3A_332 : vector<16xf32>
      %sub3A_338 = arith.constant 1.500000e+00 : f32
      %sub3A_339 = vector.broadcast %sub3A_338 : f32 to vector<16xf32>
      %sub3A_340 = arith.subf %sub3A_339, %mul3A_337 : vector<16xf32>
      %mul3A_341 = arith.mulf %bitcast3A_332, %sub3A_340 : vector<16xf32>
      %mul3A_342 = arith.constant 5.000000e-01 : f32
      %mul3A_343 = vector.broadcast %mul3A_342 : f32 to vector<16xf32>
      %mul3A_344 = arith.mulf %mul3A_343, %max3A_324 : vector<16xf32>
      %mul3A_345 = arith.mulf %mul3A_344, %mul3A_341 : vector<16xf32>
      %mul3A_346 = arith.mulf %mul3A_345, %mul3A_341 : vector<16xf32>
      %sub3A_347 = arith.constant 1.500000e+00 : f32
      %sub3A_348 = vector.broadcast %sub3A_347 : f32 to vector<16xf32>
      %sub3A_349 = arith.subf %sub3A_348, %mul3A_346 : vector<16xf32>
      %mul3A_350 = arith.mulf %mul3A_341, %sub3A_349 : vector<16xf32>
      %mul3A_351 = arith.constant 5.000000e-01 : f32
      %mul3A_352 = vector.broadcast %mul3A_351 : f32 to vector<16xf32>
      %mul3A_353 = arith.mulf %mul3A_352, %max3A_324 : vector<16xf32>
      %mul3A_354 = arith.mulf %mul3A_353, %mul3A_350 : vector<16xf32>
      %mul3A_355 = arith.mulf %mul3A_354, %mul3A_350 : vector<16xf32>
      %sub3A_356 = arith.constant 1.500000e+00 : f32
      %sub3A_357 = vector.broadcast %sub3A_356 : f32 to vector<16xf32>
      %sub3A_358 = arith.subf %sub3A_357, %mul3A_355 : vector<16xf32>
      %mul3A_359 = arith.mulf %mul3A_350, %sub3A_358 : vector<16xf32>
      %mul3A_360 = arith.mulf %get3A_317, %mul3A_359 : vector<16xf32>
      %mul3A_361 = arith.constant 16 : i32
      %mul3A_362 = arith.muli %scan3A_313, %mul3A_361 : i32
      %swap3A_363 = arith.index_cast %mul3A_362 : i32 to index
      %swap3A_364 = tpu.vector_load %arg12[%swap3A_363] {strides = array<i32>} : memref<640xf32, #tpu.memory_space<vmem>>, vector<16xf32>,
      tpu.vector_store %arg12[%swap3A_363], %mul3A_360 {strides = array<i32>} : memref<640xf32, #tpu.memory_space<vmem>>, vector<16xf32>,
      %scan3A_365 = arith.constant 5 : i32
      %scan3A_366 = arith.addi %scan3A_106, %scan3A_365 : i32
      %mul3A_367 = arith.constant 16 : i32
      %mul3A_368 = arith.muli %scan3A_366, %mul3A_367 : i32
      %get3A_369 = arith.index_cast %mul3A_368 : i32 to index
      %get3A_370 = tpu.vector_load %arg13[%get3A_369] {strides = array<i32>} : memref<640xf32, #tpu.memory_space<vmem>>, vector<16xf32>,
      %mul3A_371 = arith.constant 16 : i32
      %mul3A_372 = arith.muli %scan3A_366, %mul3A_371 : i32
      %get3A_373 = arith.index_cast %mul3A_372 : i32 to index
      %get3A_374 = tpu.vector_load %arg9[%get3A_373] {strides = array<i32>} : memref<10240xf32, #tpu.memory_space<vmem>>, vector<16xf32>,
      %max3A_375 = arith.constant 1.000000e+00 : f32
      %max3A_376 = vector.broadcast %max3A_375 : f32 to vector<16xf32>
      %max3A_377 = arith.maximumf %get3A_374, %max3A_376 : vector<16xf32>
      %bitcast3A_378 = vector.bitcast %max3A_377 : vector<16xf32> to vector<16xi32>
      %shift_right_arithmetic3A_379 = arith.constant 1 : i32
      %shift_right_arithmetic3A_380 = vector.broadcast %shift_right_arithmetic3A_379 : i32 to vector<16xi32>
      %shift_right_arithmetic3A_381 = arith.shrsi %bitcast3A_378, %shift_right_arithmetic3A_380 : vector<16xi32>
      %sub3A_382 = arith.constant 1597463007 : i32
      %sub3A_383 = vector.broadcast %sub3A_382 : i32 to vector<16xi32>
      %sub3A_384 = arith.subi %sub3A_383, %shift_right_arithmetic3A_381 : vector<16xi32>
      %bitcast3A_385 = vector.bitcast %sub3A_384 : vector<16xi32> to vector<16xf32>
      %mul3A_386 = arith.constant 5.000000e-01 : f32
      %mul3A_387 = vector.broadcast %mul3A_386 : f32 to vector<16xf32>
      %mul3A_388 = arith.mulf %mul3A_387, %max3A_377 : vector<16xf32>
      %mul3A_389 = arith.mulf %mul3A_388, %bitcast3A_385 : vector<16xf32>
      %mul3A_390 = arith.mulf %mul3A_389, %bitcast3A_385 : vector<16xf32>
      %sub3A_391 = arith.constant 1.500000e+00 : f32
      %sub3A_392 = vector.broadcast %sub3A_391 : f32 to vector<16xf32>
      %sub3A_393 = arith.subf %sub3A_392, %mul3A_390 : vector<16xf32>
      %mul3A_394 = arith.mulf %bitcast3A_385, %sub3A_393 : vector<16xf32>
      %mul3A_395 = arith.constant 5.000000e-01 : f32
      %mul3A_396 = vector.broadcast %mul3A_395 : f32 to vector<16xf32>
      %mul3A_397 = arith.mulf %mul3A_396, %max3A_377 : vector<16xf32>
      %mul3A_398 = arith.mulf %mul3A_397, %mul3A_394 : vector<16xf32>
      %mul3A_399 = arith.mulf %mul3A_398, %mul3A_394 : vector<16xf32>
      %sub3A_400 = arith.constant 1.500000e+00 : f32
      %sub3A_401 = vector.broadcast %sub3A_400 : f32 to vector<16xf32>
      %sub3A_402 = arith.subf %sub3A_401, %mul3A_399 : vector<16xf32>
      %mul3A_403 = arith.mulf %mul3A_394, %sub3A_402 : vector<16xf32>
      %mul3A_404 = arith.constant 5.000000e-01 : f32
      %mul3A_405 = vector.broadcast %mul3A_404 : f32 to vector<16xf32>
      %mul3A_406 = arith.mulf %mul3A_405, %max3A_377 : vector<16xf32>
      %mul3A_407 = arith.mulf %mul3A_406, %mul3A_403 : vector<16xf32>
      %mul3A_408 = arith.mulf %mul3A_407, %mul3A_403 : vector<16xf32>
      %sub3A_409 = arith.constant 1.500000e+00 : f32
      %sub3A_410 = vector.broadcast %sub3A_409 : f32 to vector<16xf32>
      %sub3A_411 = arith.subf %sub3A_410, %mul3A_408 : vector<16xf32>
      %mul3A_412 = arith.mulf %mul3A_403, %sub3A_411 : vector<16xf32>
      %mul3A_413 = arith.mulf %get3A_370, %mul3A_412 : vector<16xf32>
      %mul3A_414 = arith.constant 16 : i32
      %mul3A_415 = arith.muli %scan3A_366, %mul3A_414 : i32
      %swap3A_416 = arith.index_cast %mul3A_415 : i32 to index
      %swap3A_417 = tpu.vector_load %arg12[%swap3A_416] {strides = array<i32>} : memref<640xf32, #tpu.memory_space<vmem>>, vector<16xf32>,
      tpu.vector_store %arg12[%swap3A_416], %mul3A_413 {strides = array<i32>} : memref<640xf32, #tpu.memory_space<vmem>>, vector<16xf32>,
      %scan3A_418 = arith.constant 6 : i32
      %scan3A_419 = arith.addi %scan3A_106, %scan3A_418 : i32
      %mul3A_420 = arith.constant 16 : i32
      %mul3A_421 = arith.muli %scan3A_419, %mul3A_420 : i32
      %get3A_422 = arith.index_cast %mul3A_421 : i32 to index
      %get3A_423 = tpu.vector_load %arg13[%get3A_422] {strides = array<i32>} : memref<640xf32, #tpu.memory_space<vmem>>, vector<16xf32>,
      %mul3A_424 = arith.constant 16 : i32
      %mul3A_425 = arith.muli %scan3A_419, %mul3A_424 : i32
      %get3A_426 = arith.index_cast %mul3A_425 : i32 to index
      %get3A_427 = tpu.vector_load %arg9[%get3A_426] {strides = array<i32>} : memref<10240xf32, #tpu.memory_space<vmem>>, vector<16xf32>,
      %max3A_428 = arith.constant 1.000000e+00 : f32
      %max3A_429 = vector.broadcast %max3A_428 : f32 to vector<16xf32>
      %max3A_430 = arith.maximumf %get3A_427, %max3A_429 : vector<16xf32>
      %bitcast3A_431 = vector.bitcast %max3A_430 : vector<16xf32> to vector<16xi32>
      %shift_right_arithmetic3A_432 = arith.constant 1 : i32
      %shift_right_arithmetic3A_433 = vector.broadcast %shift_right_arithmetic3A_432 : i32 to vector<16xi32>
      %shift_right_arithmetic3A_434 = arith.shrsi %bitcast3A_431, %shift_right_arithmetic3A_433 : vector<16xi32>
      %sub3A_435 = arith.constant 1597463007 : i32
      %sub3A_436 = vector.broadcast %sub3A_435 : i32 to vector<16xi32>
      %sub3A_437 = arith.subi %sub3A_436, %shift_right_arithmetic3A_434 : vector<16xi32>
      %bitcast3A_438 = vector.bitcast %sub3A_437 : vector<16xi32> to vector<16xf32>
      %mul3A_439 = arith.constant 5.000000e-01 : f32
      %mul3A_440 = vector.broadcast %mul3A_439 : f32 to vector<16xf32>
      %mul3A_441 = arith.mulf %mul3A_440, %max3A_430 : vector<16xf32>
      %mul3A_442 = arith.mulf %mul3A_441, %bitcast3A_438 : vector<16xf32>
      %mul3A_443 = arith.mulf %mul3A_442, %bitcast3A_438 : vector<16xf32>
      %sub3A_444 = arith.constant 1.500000e+00 : f32
      %sub3A_445 = vector.broadcast %sub3A_444 : f32 to vector<16xf32>
      %sub3A_446 = arith.subf %sub3A_445, %mul3A_443 : vector<16xf32>
      %mul3A_447 = arith.mulf %bitcast3A_438, %sub3A_446 : vector<16xf32>
      %mul3A_448 = arith.constant 5.000000e-01 : f32
      %mul3A_449 = vector.broadcast %mul3A_448 : f32 to vector<16xf32>
      %mul3A_450 = arith.mulf %mul3A_449, %max3A_430 : vector<16xf32>
      %mul3A_451 = arith.mulf %mul3A_450, %mul3A_447 : vector<16xf32>
      %mul3A_452 = arith.mulf %mul3A_451, %mul3A_447 : vector<16xf32>
      %sub3A_453 = arith.constant 1.500000e+00 : f32
      %sub3A_454 = vector.broadcast %sub3A_453 : f32 to vector<16xf32>
      %sub3A_455 = arith.subf %sub3A_454, %mul3A_452 : vector<16xf32>
      %mul3A_456 = arith.mulf %mul3A_447, %sub3A_455 : vector<16xf32>
      %mul3A_457 = arith.constant 5.000000e-01 : f32
      %mul3A_458 = vector.broadcast %mul3A_457 : f32 to vector<16xf32>
      %mul3A_459 = arith.mulf %mul3A_458, %max3A_430 : vector<16xf32>
      %mul3A_460 = arith.mulf %mul3A_459, %mul3A_456 : vector<16xf32>
      %mul3A_461 = arith.mulf %mul3A_460, %mul3A_456 : vector<16xf32>
      %sub3A_462 = arith.constant 1.500000e+00 : f32
      %sub3A_463 = vector.broadcast %sub3A_462 : f32 to vector<16xf32>
      %sub3A_464 = arith.subf %sub3A_463, %mul3A_461 : vector<16xf32>
      %mul3A_465 = arith.mulf %mul3A_456, %sub3A_464 : vector<16xf32>
      %mul3A_466 = arith.mulf %get3A_423, %mul3A_465 : vector<16xf32>
      %mul3A_467 = arith.constant 16 : i32
      %mul3A_468 = arith.muli %scan3A_419, %mul3A_467 : i32
      %swap3A_469 = arith.index_cast %mul3A_468 : i32 to index
      %swap3A_470 = tpu.vector_load %arg12[%swap3A_469] {strides = array<i32>} : memref<640xf32, #tpu.memory_space<vmem>>, vector<16xf32>,
      tpu.vector_store %arg12[%swap3A_469], %mul3A_466 {strides = array<i32>} : memref<640xf32, #tpu.memory_space<vmem>>, vector<16xf32>,
      %scan3A_471 = arith.constant 7 : i32
      %scan3A_472 = arith.addi %scan3A_106, %scan3A_471 : i32
      %mul3A_473 = arith.constant 16 : i32
      %mul3A_474 = arith.muli %scan3A_472, %mul3A_473 : i32
      %get3A_475 = arith.index_cast %mul3A_474 : i32 to index
      %get3A_476 = tpu.vector_load %arg13[%get3A_475] {strides = array<i32>} : memref<640xf32, #tpu.memory_space<vmem>>, vector<16xf32>,
      %mul3A_477 = arith.constant 16 : i32
      %mul3A_478 = arith.muli %scan3A_472, %mul3A_477 : i32
      %get3A_479 = arith.index_cast %mul3A_478 : i32 to index
      %get3A_480 = tpu.vector_load %arg9[%get3A_479] {strides = array<i32>} : memref<10240xf32, #tpu.memory_space<vmem>>, vector<16xf32>,
      %max3A_481 = arith.constant 1.000000e+00 : f32
      %max3A_482 = vector.broadcast %max3A_481 : f32 to vector<16xf32>
      %max3A_483 = arith.maximumf %get3A_480, %max3A_482 : vector<16xf32>
      %bitcast3A_484 = vector.bitcast %max3A_483 : vector<16xf32> to vector<16xi32>
      %shift_right_arithmetic3A_485 = arith.constant 1 : i32
      %shift_right_arithmetic3A_486 = vector.broadcast %shift_right_arithmetic3A_485 : i32 to vector<16xi32>
      %shift_right_arithmetic3A_487 = arith.shrsi %bitcast3A_484, %shift_right_arithmetic3A_486 : vector<16xi32>
      %sub3A_488 = arith.constant 1597463007 : i32
      %sub3A_489 = vector.broadcast %sub3A_488 : i32 to vector<16xi32>
      %sub3A_490 = arith.subi %sub3A_489, %shift_right_arithmetic3A_487 : vector<16xi32>
      %bitcast3A_491 = vector.bitcast %sub3A_490 : vector<16xi32> to vector<16xf32>
      %mul3A_492 = arith.constant 5.000000e-01 : f32
      %mul3A_493 = vector.broadcast %mul3A_492 : f32 to vector<16xf32>
      %mul3A_494 = arith.mulf %mul3A_493, %max3A_483 : vector<16xf32>
      %mul3A_495 = arith.mulf %mul3A_494, %bitcast3A_491 : vector<16xf32>
      %mul3A_496 = arith.mulf %mul3A_495, %bitcast3A_491 : vector<16xf32>
      %sub3A_497 = arith.constant 1.500000e+00 : f32
      %sub3A_498 = vector.broadcast %sub3A_497 : f32 to vector<16xf32>
      %sub3A_499 = arith.subf %sub3A_498, %mul3A_496 : vector<16xf32>
      %mul3A_500 = arith.mulf %bitcast3A_491, %sub3A_499 : vector<16xf32>
      %mul3A_501 = arith.constant 5.000000e-01 : f32
      %mul3A_502 = vector.broadcast %mul3A_501 : f32 to vector<16xf32>
      %mul3A_503 = arith.mulf %mul3A_502, %max3A_483 : vector<16xf32>
      %mul3A_504 = arith.mulf %mul3A_503, %mul3A_500 : vector<16xf32>
      %mul3A_505 = arith.mulf %mul3A_504, %mul3A_500 : vector<16xf32>
      %sub3A_506 = arith.constant 1.500000e+00 : f32
      %sub3A_507 = vector.broadcast %sub3A_506 : f32 to vector<16xf32>
      %sub3A_508 = arith.subf %sub3A_507, %mul3A_505 : vector<16xf32>
      %mul3A_509 = arith.mulf %mul3A_500, %sub3A_508 : vector<16xf32>
      %mul3A_510 = arith.constant 5.000000e-01 : f32
      %mul3A_511 = vector.broadcast %mul3A_510 : f32 to vector<16xf32>
      %mul3A_512 = arith.mulf %mul3A_511, %max3A_483 : vector<16xf32>
      %mul3A_513 = arith.mulf %mul3A_512, %mul3A_509 : vector<16xf32>
      %mul3A_514 = arith.mulf %mul3A_513, %mul3A_509 : vector<16xf32>
      %sub3A_515 = arith.constant 1.500000e+00 : f32
      %sub3A_516 = vector.broadcast %sub3A_515 : f32 to vector<16xf32>
      %sub3A_517 = arith.subf %sub3A_516, %mul3A_514 : vector<16xf32>
      %mul3A_518 = arith.mulf %mul3A_509, %sub3A_517 : vector<16xf32>
      %mul3A_519 = arith.mulf %get3A_476, %mul3A_518 : vector<16xf32>
      %mul3A_520 = arith.constant 16 : i32
      %mul3A_521 = arith.muli %scan3A_472, %mul3A_520 : i32
      %swap3A_522 = arith.index_cast %mul3A_521 : i32 to index
      %swap3A_523 = tpu.vector_load %arg12[%swap3A_522] {strides = array<i32>} : memref<640xf32, #tpu.memory_space<vmem>>, vector<16xf32>,
      tpu.vector_store %arg12[%swap3A_522], %mul3A_519 {strides = array<i32>} : memref<640xf32, #tpu.memory_space<vmem>>, vector<16xf32>,
    }
    %scan3A_66 = arith.constant 40 : i32
    "tpu.region"() ({
      %run_scoped3A = tpu.sem_alloc : memref<!tpu.dma_semaphore, #tpu.memory_space<semaphore_mem>>
      %dma_start3A = tpu.memref_slice %arg16[%mul3A_40] : memref<10240xf32, #tpu.memory_space<vmem_shared>> -> memref<640xf32, #tpu.memory_space<vmem_shared>>
      %dma_start3A_106 = tpu.memref_slice %arg16[%mul3A_40] : memref<10240xf32, #tpu.memory_space<vmem_shared>> -> memref<640xf32, #tpu.memory_space<vmem_shared>>
      tpu.enqueue_dma source(%arg12 : memref<640xf32, #tpu.memory_space<vmem>>) target(%dma_start3A_106 : memref<640xf32, #tpu.memory_space<vmem_shared>>) target_semaphore(%run_scoped3A : memref<!tpu.dma_semaphore, #tpu.memory_space<semaphore_mem>>)
      %dma_wait3A = tpu.memref_slice %arg16[%mul3A_40] : memref<10240xf32, #tpu.memory_space<vmem_shared>> -> memref<640xf32, #tpu.memory_space<vmem_shared>>
      %dma_wait3A_107 = tpu.memref_slice %arg16[%mul3A_40] : memref<10240xf32, #tpu.memory_space<vmem_shared>> -> memref<640xf32, #tpu.memory_space<vmem_shared>>
      tpu.wait_dma2 semaphore(%run_scoped3A : memref<!tpu.dma_semaphore, #tpu.memory_space<semaphore_mem>>) src(%arg12 : memref<640xf32, #tpu.memory_space<vmem>>) dst(%dma_wait3A_107 : memref<640xf32, #tpu.memory_space<vmem_shared>>)
      tpu.yield
    }) : () -> ()
    %barrier3A_67 = arith.constant 0 : index
    tpu.barrier barrier_id(%barrier3A_67)
    "tpu.region"() ({
      %run_scoped3A = tpu.sem_alloc : memref<!tpu.dma_semaphore, #tpu.memory_space<semaphore_mem>>
      tpu.enqueue_dma source(%arg16 : memref<10240xf32, #tpu.memory_space<vmem_shared>>) target(%arg11 : memref<10240xf32, #tpu.memory_space<vmem>>) target_semaphore(%run_scoped3A : memref<!tpu.dma_semaphore, #tpu.memory_space<semaphore_mem>>)
      tpu.wait_dma2 semaphore(%run_scoped3A : memref<!tpu.dma_semaphore, #tpu.memory_space<semaphore_mem>>) src(%arg16 : memref<10240xf32, #tpu.memory_space<vmem_shared>>) dst(%arg11 : memref<10240xf32, #tpu.memory_space<vmem>>)
      tpu.yield
    }) : () -> ()
    %broadcast_in_dim3A_68 = arith.constant 0.000000e+00 : f32
    %broadcast_in_dim3A_69 = vector.broadcast %broadcast_in_dim3A_68 : f32 to vector<16xf32>
    %scan3A_70 = arith.constant 0 : i32
    %scan3A_71 = arith.constant 640 : i32
    %scan3A_72 = arith.addi %scan3A_70, %scan3A_71 : i32
    %scan3A_73 = arith.constant 8 : i32
    scf.for %scan3A_106 = %scan3A_70 to %scan3A_72 step %scan3A_73  : i32 {
      %mul3A_107 = arith.constant 16 : i32
      %mul3A_108 = arith.muli %scan3A_106, %mul3A_107 : i32
      %swap3A = arith.index_cast %mul3A_108 : i32 to index
      %swap3A_109 = tpu.vector_load %arg10[%swap3A] {strides = array<i32>} : memref<10240xf32, #tpu.memory_space<vmem>>, vector<16xf32>,
      tpu.vector_store %arg10[%swap3A], %broadcast_in_dim3A_69 {strides = array<i32>} : memref<10240xf32, #tpu.memory_space<vmem>>, vector<16xf32>,
      %scan3A_110 = arith.constant 1 : i32
      %scan3A_111 = arith.addi %scan3A_106, %scan3A_110 : i32
      %mul3A_112 = arith.constant 16 : i32
      %mul3A_113 = arith.muli %scan3A_111, %mul3A_112 : i32
      %swap3A_114 = arith.index_cast %mul3A_113 : i32 to index
      %swap3A_115 = tpu.vector_load %arg10[%swap3A_114] {strides = array<i32>} : memref<10240xf32, #tpu.memory_space<vmem>>, vector<16xf32>,
      tpu.vector_store %arg10[%swap3A_114], %broadcast_in_dim3A_69 {strides = array<i32>} : memref<10240xf32, #tpu.memory_space<vmem>>, vector<16xf32>,
      %scan3A_116 = arith.constant 2 : i32
      %scan3A_117 = arith.addi %scan3A_106, %scan3A_116 : i32
      %mul3A_118 = arith.constant 16 : i32
      %mul3A_119 = arith.muli %scan3A_117, %mul3A_118 : i32
      %swap3A_120 = arith.index_cast %mul3A_119 : i32 to index
      %swap3A_121 = tpu.vector_load %arg10[%swap3A_120] {strides = array<i32>} : memref<10240xf32, #tpu.memory_space<vmem>>, vector<16xf32>,
      tpu.vector_store %arg10[%swap3A_120], %broadcast_in_dim3A_69 {strides = array<i32>} : memref<10240xf32, #tpu.memory_space<vmem>>, vector<16xf32>,
      %scan3A_122 = arith.constant 3 : i32
      %scan3A_123 = arith.addi %scan3A_106, %scan3A_122 : i32
      %mul3A_124 = arith.constant 16 : i32
      %mul3A_125 = arith.muli %scan3A_123, %mul3A_124 : i32
      %swap3A_126 = arith.index_cast %mul3A_125 : i32 to index
      %swap3A_127 = tpu.vector_load %arg10[%swap3A_126] {strides = array<i32>} : memref<10240xf32, #tpu.memory_space<vmem>>, vector<16xf32>,
      tpu.vector_store %arg10[%swap3A_126], %broadcast_in_dim3A_69 {strides = array<i32>} : memref<10240xf32, #tpu.memory_space<vmem>>, vector<16xf32>,
      %scan3A_128 = arith.constant 4 : i32
      %scan3A_129 = arith.addi %scan3A_106, %scan3A_128 : i32
      %mul3A_130 = arith.constant 16 : i32
      %mul3A_131 = arith.muli %scan3A_129, %mul3A_130 : i32
      %swap3A_132 = arith.index_cast %mul3A_131 : i32 to index
      %swap3A_133 = tpu.vector_load %arg10[%swap3A_132] {strides = array<i32>} : memref<10240xf32, #tpu.memory_space<vmem>>, vector<16xf32>,
      tpu.vector_store %arg10[%swap3A_132], %broadcast_in_dim3A_69 {strides = array<i32>} : memref<10240xf32, #tpu.memory_space<vmem>>, vector<16xf32>,
      %scan3A_134 = arith.constant 5 : i32
      %scan3A_135 = arith.addi %scan3A_106, %scan3A_134 : i32
      %mul3A_136 = arith.constant 16 : i32
      %mul3A_137 = arith.muli %scan3A_135, %mul3A_136 : i32
      %swap3A_138 = arith.index_cast %mul3A_137 : i32 to index
      %swap3A_139 = tpu.vector_load %arg10[%swap3A_138] {strides = array<i32>} : memref<10240xf32, #tpu.memory_space<vmem>>, vector<16xf32>,
      tpu.vector_store %arg10[%swap3A_138], %broadcast_in_dim3A_69 {strides = array<i32>} : memref<10240xf32, #tpu.memory_space<vmem>>, vector<16xf32>,
      %scan3A_140 = arith.constant 6 : i32
      %scan3A_141 = arith.addi %scan3A_106, %scan3A_140 : i32
      %mul3A_142 = arith.constant 16 : i32
      %mul3A_143 = arith.muli %scan3A_141, %mul3A_142 : i32
      %swap3A_144 = arith.index_cast %mul3A_143 : i32 to index
      %swap3A_145 = tpu.vector_load %arg10[%swap3A_144] {strides = array<i32>} : memref<10240xf32, #tpu.memory_space<vmem>>, vector<16xf32>,
      tpu.vector_store %arg10[%swap3A_144], %broadcast_in_dim3A_69 {strides = array<i32>} : memref<10240xf32, #tpu.memory_space<vmem>>, vector<16xf32>,
      %scan3A_146 = arith.constant 7 : i32
      %scan3A_147 = arith.addi %scan3A_106, %scan3A_146 : i32
      %mul3A_148 = arith.constant 16 : i32
      %mul3A_149 = arith.muli %scan3A_147, %mul3A_148 : i32
      %swap3A_150 = arith.index_cast %mul3A_149 : i32 to index
      %swap3A_151 = tpu.vector_load %arg10[%swap3A_150] {strides = array<i32>} : memref<10240xf32, #tpu.memory_space<vmem>>, vector<16xf32>,
      tpu.vector_store %arg10[%swap3A_150], %broadcast_in_dim3A_69 {strides = array<i32>} : memref<10240xf32, #tpu.memory_space<vmem>>, vector<16xf32>,
    }
    %scan3A_74 = arith.constant 640 : i32
    %mul3A_75 = arith.constant 10000 : i32
    %mul3A_76 = arith.muli %arg0, %mul3A_75 : i32
    %scan3A_77 = arith.constant 0 : i32
    %scan3A_78 = arith.constant 624 : i32
    %scan3A_79 = arith.addi %scan3A_77, %scan3A_78 : i32
    %scan3A_80 = arith.constant 8 : i32
    scf.for %scan3A_106 = %scan3A_77 to %scan3A_79 step %scan3A_80  : i32 {
      %mul3A_107 = arith.constant 16 : i32
      %mul3A_108 = arith.muli %scan3A_106, %mul3A_107 : i32
      %add3A_109 = arith.addi %mul3A_76, %mul3A_108 : i32
      %get3A_110 = arith.index_cast %add3A_109 : i32 to index
      %get3A_111 = tpu.vector_load %arg7[%get3A_110] {strides = array<i32>} : memref<20000xi32, #tpu.memory_space<vmem>>, vector<16xi32>,
      %mul3A_112 = arith.constant 16 : i32
      %mul3A_113 = arith.muli %scan3A_106, %mul3A_112 : i32
      %add3A_114 = arith.addi %mul3A_76, %mul3A_113 : i32
      %get3A_115 = arith.index_cast %add3A_114 : i32 to index
      %get3A_116 = tpu.vector_load %arg8[%get3A_115] {strides = array<i32>} : memref<20000xi32, #tpu.memory_space<vmem>>, vector<16xi32>,
      %gather3A_117 = tpu.vector_load_idx %arg11[%get3A_111] : memref<10240xf32, #tpu.memory_space<vmem>>[vector<16xi32>], vector<16xf32>,
      tpu.vector_store_idx %arg10[%get3A_116], %gather3A_117 {add = true} : memref<10240xf32, #tpu.memory_space<vmem>>[vector<16xi32>], vector<16xf32>,
      %scan3A_118 = arith.constant 1 : i32
      %scan3A_119 = arith.addi %scan3A_106, %scan3A_118 : i32
      %mul3A_120 = arith.constant 16 : i32
      %mul3A_121 = arith.muli %scan3A_119, %mul3A_120 : i32
      %add3A_122 = arith.addi %mul3A_76, %mul3A_121 : i32
      %get3A_123 = arith.index_cast %add3A_122 : i32 to index
      %get3A_124 = tpu.vector_load %arg7[%get3A_123] {strides = array<i32>} : memref<20000xi32, #tpu.memory_space<vmem>>, vector<16xi32>,
      %mul3A_125 = arith.constant 16 : i32
      %mul3A_126 = arith.muli %scan3A_119, %mul3A_125 : i32
      %add3A_127 = arith.addi %mul3A_76, %mul3A_126 : i32
      %get3A_128 = arith.index_cast %add3A_127 : i32 to index
      %get3A_129 = tpu.vector_load %arg8[%get3A_128] {strides = array<i32>} : memref<20000xi32, #tpu.memory_space<vmem>>, vector<16xi32>,
      %gather3A_130 = tpu.vector_load_idx %arg11[%get3A_124] : memref<10240xf32, #tpu.memory_space<vmem>>[vector<16xi32>], vector<16xf32>,
      tpu.vector_store_idx %arg10[%get3A_129], %gather3A_130 {add = true} : memref<10240xf32, #tpu.memory_space<vmem>>[vector<16xi32>], vector<16xf32>,
      %scan3A_131 = arith.constant 2 : i32
      %scan3A_132 = arith.addi %scan3A_106, %scan3A_131 : i32
      %mul3A_133 = arith.constant 16 : i32
      %mul3A_134 = arith.muli %scan3A_132, %mul3A_133 : i32
      %add3A_135 = arith.addi %mul3A_76, %mul3A_134 : i32
      %get3A_136 = arith.index_cast %add3A_135 : i32 to index
      %get3A_137 = tpu.vector_load %arg7[%get3A_136] {strides = array<i32>} : memref<20000xi32, #tpu.memory_space<vmem>>, vector<16xi32>,
      %mul3A_138 = arith.constant 16 : i32
      %mul3A_139 = arith.muli %scan3A_132, %mul3A_138 : i32
      %add3A_140 = arith.addi %mul3A_76, %mul3A_139 : i32
      %get3A_141 = arith.index_cast %add3A_140 : i32 to index
      %get3A_142 = tpu.vector_load %arg8[%get3A_141] {strides = array<i32>} : memref<20000xi32, #tpu.memory_space<vmem>>, vector<16xi32>,
      %gather3A_143 = tpu.vector_load_idx %arg11[%get3A_137] : memref<10240xf32, #tpu.memory_space<vmem>>[vector<16xi32>], vector<16xf32>,
      tpu.vector_store_idx %arg10[%get3A_142], %gather3A_143 {add = true} : memref<10240xf32, #tpu.memory_space<vmem>>[vector<16xi32>], vector<16xf32>,
      %scan3A_144 = arith.constant 3 : i32
      %scan3A_145 = arith.addi %scan3A_106, %scan3A_144 : i32
      %mul3A_146 = arith.constant 16 : i32
      %mul3A_147 = arith.muli %scan3A_145, %mul3A_146 : i32
      %add3A_148 = arith.addi %mul3A_76, %mul3A_147 : i32
      %get3A_149 = arith.index_cast %add3A_148 : i32 to index
      %get3A_150 = tpu.vector_load %arg7[%get3A_149] {strides = array<i32>} : memref<20000xi32, #tpu.memory_space<vmem>>, vector<16xi32>,
      %mul3A_151 = arith.constant 16 : i32
      %mul3A_152 = arith.muli %scan3A_145, %mul3A_151 : i32
      %add3A_153 = arith.addi %mul3A_76, %mul3A_152 : i32
      %get3A_154 = arith.index_cast %add3A_153 : i32 to index
      %get3A_155 = tpu.vector_load %arg8[%get3A_154] {strides = array<i32>} : memref<20000xi32, #tpu.memory_space<vmem>>, vector<16xi32>,
      %gather3A_156 = tpu.vector_load_idx %arg11[%get3A_150] : memref<10240xf32, #tpu.memory_space<vmem>>[vector<16xi32>], vector<16xf32>,
      tpu.vector_store_idx %arg10[%get3A_155], %gather3A_156 {add = true} : memref<10240xf32, #tpu.memory_space<vmem>>[vector<16xi32>], vector<16xf32>,
      %scan3A_157 = arith.constant 4 : i32
      %scan3A_158 = arith.addi %scan3A_106, %scan3A_157 : i32
      %mul3A_159 = arith.constant 16 : i32
      %mul3A_160 = arith.muli %scan3A_158, %mul3A_159 : i32
      %add3A_161 = arith.addi %mul3A_76, %mul3A_160 : i32
      %get3A_162 = arith.index_cast %add3A_161 : i32 to index
      %get3A_163 = tpu.vector_load %arg7[%get3A_162] {strides = array<i32>} : memref<20000xi32, #tpu.memory_space<vmem>>, vector<16xi32>,
      %mul3A_164 = arith.constant 16 : i32
      %mul3A_165 = arith.muli %scan3A_158, %mul3A_164 : i32
      %add3A_166 = arith.addi %mul3A_76, %mul3A_165 : i32
      %get3A_167 = arith.index_cast %add3A_166 : i32 to index
      %get3A_168 = tpu.vector_load %arg8[%get3A_167] {strides = array<i32>} : memref<20000xi32, #tpu.memory_space<vmem>>, vector<16xi32>,
      %gather3A_169 = tpu.vector_load_idx %arg11[%get3A_163] : memref<10240xf32, #tpu.memory_space<vmem>>[vector<16xi32>], vector<16xf32>,
      tpu.vector_store_idx %arg10[%get3A_168], %gather3A_169 {add = true} : memref<10240xf32, #tpu.memory_space<vmem>>[vector<16xi32>], vector<16xf32>,
      %scan3A_170 = arith.constant 5 : i32
      %scan3A_171 = arith.addi %scan3A_106, %scan3A_170 : i32
      %mul3A_172 = arith.constant 16 : i32
      %mul3A_173 = arith.muli %scan3A_171, %mul3A_172 : i32
      %add3A_174 = arith.addi %mul3A_76, %mul3A_173 : i32
      %get3A_175 = arith.index_cast %add3A_174 : i32 to index
      %get3A_176 = tpu.vector_load %arg7[%get3A_175] {strides = array<i32>} : memref<20000xi32, #tpu.memory_space<vmem>>, vector<16xi32>,
      %mul3A_177 = arith.constant 16 : i32
      %mul3A_178 = arith.muli %scan3A_171, %mul3A_177 : i32
      %add3A_179 = arith.addi %mul3A_76, %mul3A_178 : i32
      %get3A_180 = arith.index_cast %add3A_179 : i32 to index
      %get3A_181 = tpu.vector_load %arg8[%get3A_180] {strides = array<i32>} : memref<20000xi32, #tpu.memory_space<vmem>>, vector<16xi32>,
      %gather3A_182 = tpu.vector_load_idx %arg11[%get3A_176] : memref<10240xf32, #tpu.memory_space<vmem>>[vector<16xi32>], vector<16xf32>,
      tpu.vector_store_idx %arg10[%get3A_181], %gather3A_182 {add = true} : memref<10240xf32, #tpu.memory_space<vmem>>[vector<16xi32>], vector<16xf32>,
      %scan3A_183 = arith.constant 6 : i32
      %scan3A_184 = arith.addi %scan3A_106, %scan3A_183 : i32
      %mul3A_185 = arith.constant 16 : i32
      %mul3A_186 = arith.muli %scan3A_184, %mul3A_185 : i32
      %add3A_187 = arith.addi %mul3A_76, %mul3A_186 : i32
      %get3A_188 = arith.index_cast %add3A_187 : i32 to index
      %get3A_189 = tpu.vector_load %arg7[%get3A_188] {strides = array<i32>} : memref<20000xi32, #tpu.memory_space<vmem>>, vector<16xi32>,
      %mul3A_190 = arith.constant 16 : i32
      %mul3A_191 = arith.muli %scan3A_184, %mul3A_190 : i32
      %add3A_192 = arith.addi %mul3A_76, %mul3A_191 : i32
      %get3A_193 = arith.index_cast %add3A_192 : i32 to index
      %get3A_194 = tpu.vector_load %arg8[%get3A_193] {strides = array<i32>} : memref<20000xi32, #tpu.memory_space<vmem>>, vector<16xi32>,
      %gather3A_195 = tpu.vector_load_idx %arg11[%get3A_189] : memref<10240xf32, #tpu.memory_space<vmem>>[vector<16xi32>], vector<16xf32>,
      tpu.vector_store_idx %arg10[%get3A_194], %gather3A_195 {add = true} : memref<10240xf32, #tpu.memory_space<vmem>>[vector<16xi32>], vector<16xf32>,
      %scan3A_196 = arith.constant 7 : i32
      %scan3A_197 = arith.addi %scan3A_106, %scan3A_196 : i32
      %mul3A_198 = arith.constant 16 : i32
      %mul3A_199 = arith.muli %scan3A_197, %mul3A_198 : i32
      %add3A_200 = arith.addi %mul3A_76, %mul3A_199 : i32
      %get3A_201 = arith.index_cast %add3A_200 : i32 to index
      %get3A_202 = tpu.vector_load %arg7[%get3A_201] {strides = array<i32>} : memref<20000xi32, #tpu.memory_space<vmem>>, vector<16xi32>,
      %mul3A_203 = arith.constant 16 : i32
      %mul3A_204 = arith.muli %scan3A_197, %mul3A_203 : i32
      %add3A_205 = arith.addi %mul3A_76, %mul3A_204 : i32
      %get3A_206 = arith.index_cast %add3A_205 : i32 to index
      %get3A_207 = tpu.vector_load %arg8[%get3A_206] {strides = array<i32>} : memref<20000xi32, #tpu.memory_space<vmem>>, vector<16xi32>,
      %gather3A_208 = tpu.vector_load_idx %arg11[%get3A_202] : memref<10240xf32, #tpu.memory_space<vmem>>[vector<16xi32>], vector<16xf32>,
      tpu.vector_store_idx %arg10[%get3A_207], %gather3A_208 {add = true} : memref<10240xf32, #tpu.memory_space<vmem>>[vector<16xi32>], vector<16xf32>,
    }
    %scan3A_81 = arith.constant 624 : i32
    %scan3A_82 = arith.addi %scan3A_77, %scan3A_81 : i32
    %mul3A_83 = arith.constant 16 : i32
    %mul3A_84 = arith.muli %scan3A_82, %mul3A_83 : i32
    %add3A = arith.addi %mul3A_76, %mul3A_84 : i32
    %get3A_85 = arith.index_cast %add3A : i32 to index
    %get3A_86 = tpu.vector_load %arg7[%get3A_85] {strides = array<i32>} : memref<20000xi32, #tpu.memory_space<vmem>>, vector<16xi32>,
    %mul3A_87 = arith.constant 16 : i32
    %mul3A_88 = arith.muli %scan3A_82, %mul3A_87 : i32
    %add3A_89 = arith.addi %mul3A_76, %mul3A_88 : i32
    %get3A_90 = arith.index_cast %add3A_89 : i32 to index
    %get3A_91 = tpu.vector_load %arg8[%get3A_90] {strides = array<i32>} : memref<20000xi32, #tpu.memory_space<vmem>>, vector<16xi32>,
    %gather3A = tpu.vector_load_idx %arg11[%get3A_86] : memref<10240xf32, #tpu.memory_space<vmem>>[vector<16xi32>], vector<16xf32>,
    tpu.vector_store_idx %arg10[%get3A_91], %gather3A {add = true} : memref<10240xf32, #tpu.memory_space<vmem>>[vector<16xi32>], vector<16xf32>,
    %scan3A_92 = arith.constant 625 : i32
    %mul3A_93 = arith.constant 10240 : i32
    %mul3A_94 = arith.muli %arg0, %mul3A_93 : i32
    %mul3A_95 = arith.constant 10240 : i32
    %mul3A_96 = arith.muli %arg1, %mul3A_95 : i32
    "tpu.region"() ({
      %run_scoped3A = tpu.sem_alloc : memref<!tpu.dma_semaphore, #tpu.memory_space<semaphore_mem>>
      %dma_start3A = tpu.memref_slice %arg14[%mul3A_96] : memref<163840xf32, #tpu.memory_space<vmem_shared>> -> memref<10240xf32, #tpu.memory_space<vmem_shared>>
      %dma_start3A_106 = tpu.memref_slice %arg14[%mul3A_96] : memref<163840xf32, #tpu.memory_space<vmem_shared>> -> memref<10240xf32, #tpu.memory_space<vmem_shared>>
      tpu.enqueue_dma source(%arg10 : memref<10240xf32, #tpu.memory_space<vmem>>) target(%dma_start3A_106 : memref<10240xf32, #tpu.memory_space<vmem_shared>>) target_semaphore(%run_scoped3A : memref<!tpu.dma_semaphore, #tpu.memory_space<semaphore_mem>>)
      %dma_wait3A = tpu.memref_slice %arg14[%mul3A_96] : memref<163840xf32, #tpu.memory_space<vmem_shared>> -> memref<10240xf32, #tpu.memory_space<vmem_shared>>
      %dma_wait3A_107 = tpu.memref_slice %arg14[%mul3A_96] : memref<163840xf32, #tpu.memory_space<vmem_shared>> -> memref<10240xf32, #tpu.memory_space<vmem_shared>>
      tpu.wait_dma2 semaphore(%run_scoped3A : memref<!tpu.dma_semaphore, #tpu.memory_space<semaphore_mem>>) src(%arg10 : memref<10240xf32, #tpu.memory_space<vmem>>) dst(%dma_wait3A_107 : memref<10240xf32, #tpu.memory_space<vmem_shared>>)
      tpu.yield
    }) : () -> ()
    %barrier3A_97 = arith.constant 0 : index
    tpu.barrier barrier_id(%barrier3A_97)
    %mul3A_98 = arith.constant 640 : i32
    %mul3A_99 = arith.muli %arg1, %mul3A_98 : i32
    "tpu.region"() ({
      %run_scoped3A = tpu.sem_alloc : memref<!tpu.dma_semaphore, #tpu.memory_space<semaphore_mem>>
      %dma_start3A = tpu.memref_slice %arg14[%mul3A_99] : memref<163840xf32, #tpu.memory_space<vmem_shared>> -> memref<640xf32, #tpu.memory_space<vmem_shared>>
      %dma_start3A_106 = tpu.memref_slice %arg14[%mul3A_99] : memref<163840xf32, #tpu.memory_space<vmem_shared>> -> memref<640xf32, #tpu.memory_space<vmem_shared>>
      tpu.enqueue_dma source(%dma_start3A_106 : memref<640xf32, #tpu.memory_space<vmem_shared>>) target(%arg13 : memref<640xf32, #tpu.memory_space<vmem>>) target_semaphore(%run_scoped3A : memref<!tpu.dma_semaphore, #tpu.memory_space<semaphore_mem>>)
      %dma_wait3A = tpu.memref_slice %arg14[%mul3A_99] : memref<163840xf32, #tpu.memory_space<vmem_shared>> -> memref<640xf32, #tpu.memory_space<vmem_shared>>
      %dma_wait3A_107 = tpu.memref_slice %arg14[%mul3A_99] : memref<163840xf32, #tpu.memory_space<vmem_shared>> -> memref<640xf32, #tpu.memory_space<vmem_shared>>
      tpu.wait_dma2 semaphore(%run_scoped3A : memref<!tpu.dma_semaphore, #tpu.memory_space<semaphore_mem>>) src(%dma_wait3A_107 : memref<640xf32, #tpu.memory_space<vmem_shared>>) dst(%arg13 : memref<640xf32, #tpu.memory_space<vmem>>)
      tpu.yield
    }) : () -> ()
    %scan3A_100 = arith.constant 1 : i32
    %scan3A_101 = arith.constant 15 : i32
    %scan3A_102 = arith.addi %scan3A_100, %scan3A_101 : i32
    %scan3A_103 = arith.constant 1 : i32
    scf.for %scan3A_106 = %scan3A_100 to %scan3A_102 step %scan3A_103  : i32 {
      %mul3A_107 = arith.constant 10240 : i32
      %mul3A_108 = arith.muli %scan3A_106, %mul3A_107 : i32
      %add3A_109 = arith.addi %mul3A_108, %mul3A_99 : i32
      "tpu.region"() ({
        %run_scoped3A = tpu.sem_alloc : memref<!tpu.dma_semaphore, #tpu.memory_space<semaphore_mem>>
        %dma_start3A = tpu.memref_slice %arg14[%add3A_109] : memref<163840xf32, #tpu.memory_space<vmem_shared>> -> memref<640xf32, #tpu.memory_space<vmem_shared>>
        %dma_start3A_115 = tpu.memref_slice %arg14[%add3A_109] : memref<163840xf32, #tpu.memory_space<vmem_shared>> -> memref<640xf32, #tpu.memory_space<vmem_shared>>
        tpu.enqueue_dma source(%dma_start3A_115 : memref<640xf32, #tpu.memory_space<vmem_shared>>) target(%arg12 : memref<640xf32, #tpu.memory_space<vmem>>) target_semaphore(%run_scoped3A : memref<!tpu.dma_semaphore, #tpu.memory_space<semaphore_mem>>)
        %dma_wait3A = tpu.memref_slice %arg14[%add3A_109] : memref<163840xf32, #tpu.memory_space<vmem_shared>> -> memref<640xf32, #tpu.memory_space<vmem_shared>>
        %dma_wait3A_116 = tpu.memref_slice %arg14[%add3A_109] : memref<163840xf32, #tpu.memory_space<vmem_shared>> -> memref<640xf32, #tpu.memory_space<vmem_shared>>
        tpu.wait_dma2 semaphore(%run_scoped3A : memref<!tpu.dma_semaphore, #tpu.memory_space<semaphore_mem>>) src(%dma_wait3A_116 : memref<640xf32, #tpu.memory_space<vmem_shared>>) dst(%arg12 : memref<640xf32, #tpu.memory_space<vmem>>)
        tpu.yield
      }) : () -> ()
      %scan3A_110 = arith.constant 0 : i32
      %scan3A_111 = arith.constant 40 : i32
      %scan3A_112 = arith.addi %scan3A_110, %scan3A_111 : i32
      %scan3A_113 = arith.constant 8 : i32
      scf.for %scan3A_115 = %scan3A_110 to %scan3A_112 step %scan3A_113  : i32 {
        %mul3A_116 = arith.constant 16 : i32
        %mul3A_117 = arith.muli %scan3A_115, %mul3A_116 : i32
        %get3A_118 = arith.index_cast %mul3A_117 : i32 to index
        %get3A_119 = tpu.vector_load %arg13[%get3A_118] {strides = array<i32>} : memref<640xf32, #tpu.memory_space<vmem>>, vector<16xf32>,
        %mul3A_120 = arith.constant 16 : i32
        %mul3A_121 = arith.muli %scan3A_115, %mul3A_120 : i32
        %get3A_122 = arith.index_cast %mul3A_121 : i32 to index
        %get3A_123 = tpu.vector_load %arg12[%get3A_122] {strides = array<i32>} : memref<640xf32, #tpu.memory_space<vmem>>, vector<16xf32>,
        %add3A_124 = arith.addf %get3A_119, %get3A_123 : vector<16xf32>
        %mul3A_125 = arith.constant 16 : i32
        %mul3A_126 = arith.muli %scan3A_115, %mul3A_125 : i32
        %swap3A = arith.index_cast %mul3A_126 : i32 to index
        %swap3A_127 = tpu.vector_load %arg13[%swap3A] {strides = array<i32>} : memref<640xf32, #tpu.memory_space<vmem>>, vector<16xf32>,
        tpu.vector_store %arg13[%swap3A], %add3A_124 {strides = array<i32>} : memref<640xf32, #tpu.memory_space<vmem>>, vector<16xf32>,
        %scan3A_128 = arith.constant 1 : i32
        %scan3A_129 = arith.addi %scan3A_115, %scan3A_128 : i32
        %mul3A_130 = arith.constant 16 : i32
        %mul3A_131 = arith.muli %scan3A_129, %mul3A_130 : i32
        %get3A_132 = arith.index_cast %mul3A_131 : i32 to index
        %get3A_133 = tpu.vector_load %arg13[%get3A_132] {strides = array<i32>} : memref<640xf32, #tpu.memory_space<vmem>>, vector<16xf32>,
        %mul3A_134 = arith.constant 16 : i32
        %mul3A_135 = arith.muli %scan3A_129, %mul3A_134 : i32
        %get3A_136 = arith.index_cast %mul3A_135 : i32 to index
        %get3A_137 = tpu.vector_load %arg12[%get3A_136] {strides = array<i32>} : memref<640xf32, #tpu.memory_space<vmem>>, vector<16xf32>,
        %add3A_138 = arith.addf %get3A_133, %get3A_137 : vector<16xf32>
        %mul3A_139 = arith.constant 16 : i32
        %mul3A_140 = arith.muli %scan3A_129, %mul3A_139 : i32
        %swap3A_141 = arith.index_cast %mul3A_140 : i32 to index
        %swap3A_142 = tpu.vector_load %arg13[%swap3A_141] {strides = array<i32>} : memref<640xf32, #tpu.memory_space<vmem>>, vector<16xf32>,
        tpu.vector_store %arg13[%swap3A_141], %add3A_138 {strides = array<i32>} : memref<640xf32, #tpu.memory_space<vmem>>, vector<16xf32>,
        %scan3A_143 = arith.constant 2 : i32
        %scan3A_144 = arith.addi %scan3A_115, %scan3A_143 : i32
        %mul3A_145 = arith.constant 16 : i32
        %mul3A_146 = arith.muli %scan3A_144, %mul3A_145 : i32
        %get3A_147 = arith.index_cast %mul3A_146 : i32 to index
        %get3A_148 = tpu.vector_load %arg13[%get3A_147] {strides = array<i32>} : memref<640xf32, #tpu.memory_space<vmem>>, vector<16xf32>,
        %mul3A_149 = arith.constant 16 : i32
        %mul3A_150 = arith.muli %scan3A_144, %mul3A_149 : i32
        %get3A_151 = arith.index_cast %mul3A_150 : i32 to index
        %get3A_152 = tpu.vector_load %arg12[%get3A_151] {strides = array<i32>} : memref<640xf32, #tpu.memory_space<vmem>>, vector<16xf32>,
        %add3A_153 = arith.addf %get3A_148, %get3A_152 : vector<16xf32>
        %mul3A_154 = arith.constant 16 : i32
        %mul3A_155 = arith.muli %scan3A_144, %mul3A_154 : i32
        %swap3A_156 = arith.index_cast %mul3A_155 : i32 to index
        %swap3A_157 = tpu.vector_load %arg13[%swap3A_156] {strides = array<i32>} : memref<640xf32, #tpu.memory_space<vmem>>, vector<16xf32>,
        tpu.vector_store %arg13[%swap3A_156], %add3A_153 {strides = array<i32>} : memref<640xf32, #tpu.memory_space<vmem>>, vector<16xf32>,
        %scan3A_158 = arith.constant 3 : i32
        %scan3A_159 = arith.addi %scan3A_115, %scan3A_158 : i32
        %mul3A_160 = arith.constant 16 : i32
        %mul3A_161 = arith.muli %scan3A_159, %mul3A_160 : i32
        %get3A_162 = arith.index_cast %mul3A_161 : i32 to index
        %get3A_163 = tpu.vector_load %arg13[%get3A_162] {strides = array<i32>} : memref<640xf32, #tpu.memory_space<vmem>>, vector<16xf32>,
        %mul3A_164 = arith.constant 16 : i32
        %mul3A_165 = arith.muli %scan3A_159, %mul3A_164 : i32
        %get3A_166 = arith.index_cast %mul3A_165 : i32 to index
        %get3A_167 = tpu.vector_load %arg12[%get3A_166] {strides = array<i32>} : memref<640xf32, #tpu.memory_space<vmem>>, vector<16xf32>,
        %add3A_168 = arith.addf %get3A_163, %get3A_167 : vector<16xf32>
        %mul3A_169 = arith.constant 16 : i32
        %mul3A_170 = arith.muli %scan3A_159, %mul3A_169 : i32
        %swap3A_171 = arith.index_cast %mul3A_170 : i32 to index
        %swap3A_172 = tpu.vector_load %arg13[%swap3A_171] {strides = array<i32>} : memref<640xf32, #tpu.memory_space<vmem>>, vector<16xf32>,
        tpu.vector_store %arg13[%swap3A_171], %add3A_168 {strides = array<i32>} : memref<640xf32, #tpu.memory_space<vmem>>, vector<16xf32>,
        %scan3A_173 = arith.constant 4 : i32
        %scan3A_174 = arith.addi %scan3A_115, %scan3A_173 : i32
        %mul3A_175 = arith.constant 16 : i32
        %mul3A_176 = arith.muli %scan3A_174, %mul3A_175 : i32
        %get3A_177 = arith.index_cast %mul3A_176 : i32 to index
        %get3A_178 = tpu.vector_load %arg13[%get3A_177] {strides = array<i32>} : memref<640xf32, #tpu.memory_space<vmem>>, vector<16xf32>,
        %mul3A_179 = arith.constant 16 : i32
        %mul3A_180 = arith.muli %scan3A_174, %mul3A_179 : i32
        %get3A_181 = arith.index_cast %mul3A_180 : i32 to index
        %get3A_182 = tpu.vector_load %arg12[%get3A_181] {strides = array<i32>} : memref<640xf32, #tpu.memory_space<vmem>>, vector<16xf32>,
        %add3A_183 = arith.addf %get3A_178, %get3A_182 : vector<16xf32>
        %mul3A_184 = arith.constant 16 : i32
        %mul3A_185 = arith.muli %scan3A_174, %mul3A_184 : i32
        %swap3A_186 = arith.index_cast %mul3A_185 : i32 to index
        %swap3A_187 = tpu.vector_load %arg13[%swap3A_186] {strides = array<i32>} : memref<640xf32, #tpu.memory_space<vmem>>, vector<16xf32>,
        tpu.vector_store %arg13[%swap3A_186], %add3A_183 {strides = array<i32>} : memref<640xf32, #tpu.memory_space<vmem>>, vector<16xf32>,
        %scan3A_188 = arith.constant 5 : i32
        %scan3A_189 = arith.addi %scan3A_115, %scan3A_188 : i32
        %mul3A_190 = arith.constant 16 : i32
        %mul3A_191 = arith.muli %scan3A_189, %mul3A_190 : i32
        %get3A_192 = arith.index_cast %mul3A_191 : i32 to index
        %get3A_193 = tpu.vector_load %arg13[%get3A_192] {strides = array<i32>} : memref<640xf32, #tpu.memory_space<vmem>>, vector<16xf32>,
        %mul3A_194 = arith.constant 16 : i32
        %mul3A_195 = arith.muli %scan3A_189, %mul3A_194 : i32
        %get3A_196 = arith.index_cast %mul3A_195 : i32 to index
        %get3A_197 = tpu.vector_load %arg12[%get3A_196] {strides = array<i32>} : memref<640xf32, #tpu.memory_space<vmem>>, vector<16xf32>,
        %add3A_198 = arith.addf %get3A_193, %get3A_197 : vector<16xf32>
        %mul3A_199 = arith.constant 16 : i32
        %mul3A_200 = arith.muli %scan3A_189, %mul3A_199 : i32
        %swap3A_201 = arith.index_cast %mul3A_200 : i32 to index
        %swap3A_202 = tpu.vector_load %arg13[%swap3A_201] {strides = array<i32>} : memref<640xf32, #tpu.memory_space<vmem>>, vector<16xf32>,
        tpu.vector_store %arg13[%swap3A_201], %add3A_198 {strides = array<i32>} : memref<640xf32, #tpu.memory_space<vmem>>, vector<16xf32>,
        %scan3A_203 = arith.constant 6 : i32
        %scan3A_204 = arith.addi %scan3A_115, %scan3A_203 : i32
        %mul3A_205 = arith.constant 16 : i32
        %mul3A_206 = arith.muli %scan3A_204, %mul3A_205 : i32
        %get3A_207 = arith.index_cast %mul3A_206 : i32 to index
        %get3A_208 = tpu.vector_load %arg13[%get3A_207] {strides = array<i32>} : memref<640xf32, #tpu.memory_space<vmem>>, vector<16xf32>,
        %mul3A_209 = arith.constant 16 : i32
        %mul3A_210 = arith.muli %scan3A_204, %mul3A_209 : i32
        %get3A_211 = arith.index_cast %mul3A_210 : i32 to index
        %get3A_212 = tpu.vector_load %arg12[%get3A_211] {strides = array<i32>} : memref<640xf32, #tpu.memory_space<vmem>>, vector<16xf32>,
        %add3A_213 = arith.addf %get3A_208, %get3A_212 : vector<16xf32>
        %mul3A_214 = arith.constant 16 : i32
        %mul3A_215 = arith.muli %scan3A_204, %mul3A_214 : i32
        %swap3A_216 = arith.index_cast %mul3A_215 : i32 to index
        %swap3A_217 = tpu.vector_load %arg13[%swap3A_216] {strides = array<i32>} : memref<640xf32, #tpu.memory_space<vmem>>, vector<16xf32>,
        tpu.vector_store %arg13[%swap3A_216], %add3A_213 {strides = array<i32>} : memref<640xf32, #tpu.memory_space<vmem>>, vector<16xf32>,
        %scan3A_218 = arith.constant 7 : i32
        %scan3A_219 = arith.addi %scan3A_115, %scan3A_218 : i32
        %mul3A_220 = arith.constant 16 : i32
        %mul3A_221 = arith.muli %scan3A_219, %mul3A_220 : i32
        %get3A_222 = arith.index_cast %mul3A_221 : i32 to index
        %get3A_223 = tpu.vector_load %arg13[%get3A_222] {strides = array<i32>} : memref<640xf32, #tpu.memory_space<vmem>>, vector<16xf32>,
        %mul3A_224 = arith.constant 16 : i32
        %mul3A_225 = arith.muli %scan3A_219, %mul3A_224 : i32
        %get3A_226 = arith.index_cast %mul3A_225 : i32 to index
        %get3A_227 = tpu.vector_load %arg12[%get3A_226] {strides = array<i32>} : memref<640xf32, #tpu.memory_space<vmem>>, vector<16xf32>,
        %add3A_228 = arith.addf %get3A_223, %get3A_227 : vector<16xf32>
        %mul3A_229 = arith.constant 16 : i32
        %mul3A_230 = arith.muli %scan3A_219, %mul3A_229 : i32
        %swap3A_231 = arith.index_cast %mul3A_230 : i32 to index
        %swap3A_232 = tpu.vector_load %arg13[%swap3A_231] {strides = array<i32>} : memref<640xf32, #tpu.memory_space<vmem>>, vector<16xf32>,
        tpu.vector_store %arg13[%swap3A_231], %add3A_228 {strides = array<i32>} : memref<640xf32, #tpu.memory_space<vmem>>, vector<16xf32>,
      }
      %scan3A_114 = arith.constant 40 : i32
    }
    %scan3A_104 = arith.constant 15 : i32
    %add3A_105 = arith.addi %mul3A_94, %mul3A_99 : i32
    "tpu.region"() ({
      %run_scoped3A = tpu.sem_alloc : memref<!tpu.dma_semaphore, #tpu.memory_space<semaphore_mem>>
      %dma_start3A = tpu.memref_slice %arg6[%add3A_105] : memref<20480xf32, #tpu.memory_space<hbm>> -> memref<640xf32, #tpu.memory_space<hbm>>
      %dma_start3A_106 = tpu.memref_slice %arg6[%add3A_105] : memref<20480xf32, #tpu.memory_space<hbm>> -> memref<640xf32, #tpu.memory_space<hbm>>
      tpu.enqueue_dma source(%arg13 : memref<640xf32, #tpu.memory_space<vmem>>) target(%dma_start3A_106 : memref<640xf32, #tpu.memory_space<hbm>>) target_semaphore(%run_scoped3A : memref<!tpu.dma_semaphore, #tpu.memory_space<semaphore_mem>>)
      %dma_wait3A = tpu.memref_slice %arg6[%add3A_105] : memref<20480xf32, #tpu.memory_space<hbm>> -> memref<640xf32, #tpu.memory_space<hbm>>
      %dma_wait3A_107 = tpu.memref_slice %arg6[%add3A_105] : memref<20480xf32, #tpu.memory_space<hbm>> -> memref<640xf32, #tpu.memory_space<hbm>>
      tpu.wait_dma2 semaphore(%run_scoped3A : memref<!tpu.dma_semaphore, #tpu.memory_space<semaphore_mem>>) src(%arg13 : memref<640xf32, #tpu.memory_space<vmem>>) dst(%dma_wait3A_107 : memref<640xf32, #tpu.memory_space<hbm>>)
      tpu.yield
    }) : () -> ()
    return
  }
}

#map = affine_map<(d0, d1) -> (0, 0)>
module attributes {stable_mosaic.version = 14 : i64} {
  func.func @k(%arg0: i32, %arg1: i32, %arg2: memref<2560x128xi32, #tpu.memory_space<hbm>>, %arg3: memref<2560x128xi32, #tpu.memory_space<hbm>>, %arg4: memref<10240x64xf32, #tpu.memory_space<hbm>>, %arg5: memref<10240x64xf32, #tpu.memory_space<hbm>>, %arg6: memref<128x64xf32, #tpu.memory_space<hbm>>, %arg7: memref<10240x64xf32, #tpu.memory_space<hbm>>, %arg8: memref<10240x64xf32, #tpu.memory_space<hbm>>, %arg9: memref<160x128xi32, #tpu.memory_space<vmem>>, %arg10: memref<160x128xi32, #tpu.memory_space<vmem>>, %arg11: memref<128x64xf32, #tpu.memory_space<vmem>>, %arg12: memref<128x64xf32, #tpu.memory_space<vmem>>, %arg13: memref<128x64xf32, #tpu.memory_space<vmem>>, %arg14: memref<128x64xf32, #tpu.memory_space<vmem>>, %arg15: memref<128x64xf32, #tpu.memory_space<vmem>>, %arg16: memref<10240x64xf32, #tpu.memory_space<vmem_shared>>, %arg17: memref<!tpu.dma_semaphore, #tpu.memory_space<semaphore_mem>>, %arg18: memref<!tpu.dma_semaphore, #tpu.memory_space<semaphore_mem>>, %arg19: memref<!tpu.dma_semaphore, #tpu.memory_space<semaphore_mem>>, %arg20: memref<!tpu.dma_semaphore, #tpu.memory_space<semaphore_mem>>, %arg21: memref<!tpu.dma_semaphore, #tpu.memory_space<semaphore_mem>>, %arg22: memref<!tpu.dma_semaphore, #tpu.memory_space<semaphore_mem>>, %arg23: memref<!tpu.dma_semaphore, #tpu.memory_space<semaphore_mem>>, %arg24: memref<!tpu.dma_semaphore, #tpu.memory_space<semaphore_mem>>, %arg25: memref<!tpu.dma_semaphore, #tpu.memory_space<semaphore_mem>>, %arg26: memref<!tpu.dma_semaphore, #tpu.memory_space<semaphore_mem>>) attributes {dimension_semantics = [#tpu.dimension_semantics<core_parallel>, #tpu.dimension_semantics<subcore_parallel>], iteration_bounds = array<i64: 2, 16>, scalar_prefetch = 0 : i64, scratch_operands = 18 : i64, tpu.core_type = #tpu.core_type<sc_vector_subcore>, window_params = [{transform_indices = #map}, {transform_indices = #map}, {transform_indices = #map}, {transform_indices = #map}, {transform_indices = #map}, {transform_indices = #map}, {transform_indices = #map}]} {
    %mul3A = arith.constant 640 : i32
    %mul3A_0 = arith.muli %arg1, %mul3A : i32
    "tpu.region"() ({
      %run_scoped3A = tpu.sem_alloc : memref<!tpu.dma_semaphore, #tpu.memory_space<semaphore_mem>>
      tpu.enqueue_dma source(%arg6 : memref<128x64xf32, #tpu.memory_space<hbm>>) target(%arg11 : memref<128x64xf32, #tpu.memory_space<vmem>>) target_semaphore(%run_scoped3A : memref<!tpu.dma_semaphore, #tpu.memory_space<semaphore_mem>>)
      tpu.wait_dma2 semaphore(%run_scoped3A : memref<!tpu.dma_semaphore, #tpu.memory_space<semaphore_mem>>) src(%arg6 : memref<128x64xf32, #tpu.memory_space<hbm>>) dst(%arg11 : memref<128x64xf32, #tpu.memory_space<vmem>>)
      tpu.yield
    }) : () -> ()
    %add3A = arith.constant 0 : i32
    %add3A_1 = arith.addi %mul3A_0, %add3A : i32
    "tpu.region"() ({
      %run_scoped3A = tpu.sem_alloc : memref<!tpu.dma_semaphore, #tpu.memory_space<semaphore_mem>>
      %dma_start3A_244 = arith.constant 0 : i32
      %dma_start3A_245 = tpu.memref_slice %arg16[%add3A_1, %dma_start3A_244] : memref<10240x64xf32, #tpu.memory_space<vmem_shared>> -> memref<128x64xf32, #tpu.memory_space<vmem_shared>>
      %dma_start3A_246 = arith.constant 0 : i32
      %dma_start3A_247 = tpu.memref_slice %arg16[%add3A_1, %dma_start3A_246] : memref<10240x64xf32, #tpu.memory_space<vmem_shared>> -> memref<128x64xf32, #tpu.memory_space<vmem_shared>>
      tpu.enqueue_dma source(%arg11 : memref<128x64xf32, #tpu.memory_space<vmem>>) target(%dma_start3A_247 : memref<128x64xf32, #tpu.memory_space<vmem_shared>>) target_semaphore(%run_scoped3A : memref<!tpu.dma_semaphore, #tpu.memory_space<semaphore_mem>>)
      %dma_wait3A_248 = arith.constant 0 : i32
      %dma_wait3A_249 = tpu.memref_slice %arg16[%add3A_1, %dma_wait3A_248] : memref<10240x64xf32, #tpu.memory_space<vmem_shared>> -> memref<128x64xf32, #tpu.memory_space<vmem_shared>>
      %dma_wait3A_250 = arith.constant 0 : i32
      %dma_wait3A_251 = tpu.memref_slice %arg16[%add3A_1, %dma_wait3A_250] : memref<10240x64xf32, #tpu.memory_space<vmem_shared>> -> memref<128x64xf32, #tpu.memory_space<vmem_shared>>
      tpu.wait_dma2 semaphore(%run_scoped3A : memref<!tpu.dma_semaphore, #tpu.memory_space<semaphore_mem>>) src(%arg11 : memref<128x64xf32, #tpu.memory_space<vmem>>) dst(%dma_wait3A_251 : memref<128x64xf32, #tpu.memory_space<vmem_shared>>)
      tpu.yield
    }) : () -> ()
    %add3A_2 = arith.constant 128 : i32
    %add3A_3 = arith.addi %mul3A_0, %add3A_2 : i32
    "tpu.region"() ({
      %run_scoped3A = tpu.sem_alloc : memref<!tpu.dma_semaphore, #tpu.memory_space<semaphore_mem>>
      %dma_start3A_244 = arith.constant 0 : i32
      %dma_start3A_245 = tpu.memref_slice %arg16[%add3A_3, %dma_start3A_244] : memref<10240x64xf32, #tpu.memory_space<vmem_shared>> -> memref<128x64xf32, #tpu.memory_space<vmem_shared>>
      %dma_start3A_246 = arith.constant 0 : i32
      %dma_start3A_247 = tpu.memref_slice %arg16[%add3A_3, %dma_start3A_246] : memref<10240x64xf32, #tpu.memory_space<vmem_shared>> -> memref<128x64xf32, #tpu.memory_space<vmem_shared>>
      tpu.enqueue_dma source(%arg11 : memref<128x64xf32, #tpu.memory_space<vmem>>) target(%dma_start3A_247 : memref<128x64xf32, #tpu.memory_space<vmem_shared>>) target_semaphore(%run_scoped3A : memref<!tpu.dma_semaphore, #tpu.memory_space<semaphore_mem>>)
      %dma_wait3A_248 = arith.constant 0 : i32
      %dma_wait3A_249 = tpu.memref_slice %arg16[%add3A_3, %dma_wait3A_248] : memref<10240x64xf32, #tpu.memory_space<vmem_shared>> -> memref<128x64xf32, #tpu.memory_space<vmem_shared>>
      %dma_wait3A_250 = arith.constant 0 : i32
      %dma_wait3A_251 = tpu.memref_slice %arg16[%add3A_3, %dma_wait3A_250] : memref<10240x64xf32, #tpu.memory_space<vmem_shared>> -> memref<128x64xf32, #tpu.memory_space<vmem_shared>>
      tpu.wait_dma2 semaphore(%run_scoped3A : memref<!tpu.dma_semaphore, #tpu.memory_space<semaphore_mem>>) src(%arg11 : memref<128x64xf32, #tpu.memory_space<vmem>>) dst(%dma_wait3A_251 : memref<128x64xf32, #tpu.memory_space<vmem_shared>>)
      tpu.yield
    }) : () -> ()
    %add3A_4 = arith.constant 256 : i32
    %add3A_5 = arith.addi %mul3A_0, %add3A_4 : i32
    "tpu.region"() ({
      %run_scoped3A = tpu.sem_alloc : memref<!tpu.dma_semaphore, #tpu.memory_space<semaphore_mem>>
      %dma_start3A_244 = arith.constant 0 : i32
      %dma_start3A_245 = tpu.memref_slice %arg16[%add3A_5, %dma_start3A_244] : memref<10240x64xf32, #tpu.memory_space<vmem_shared>> -> memref<128x64xf32, #tpu.memory_space<vmem_shared>>
      %dma_start3A_246 = arith.constant 0 : i32
      %dma_start3A_247 = tpu.memref_slice %arg16[%add3A_5, %dma_start3A_246] : memref<10240x64xf32, #tpu.memory_space<vmem_shared>> -> memref<128x64xf32, #tpu.memory_space<vmem_shared>>
      tpu.enqueue_dma source(%arg11 : memref<128x64xf32, #tpu.memory_space<vmem>>) target(%dma_start3A_247 : memref<128x64xf32, #tpu.memory_space<vmem_shared>>) target_semaphore(%run_scoped3A : memref<!tpu.dma_semaphore, #tpu.memory_space<semaphore_mem>>)
      %dma_wait3A_248 = arith.constant 0 : i32
      %dma_wait3A_249 = tpu.memref_slice %arg16[%add3A_5, %dma_wait3A_248] : memref<10240x64xf32, #tpu.memory_space<vmem_shared>> -> memref<128x64xf32, #tpu.memory_space<vmem_shared>>
      %dma_wait3A_250 = arith.constant 0 : i32
      %dma_wait3A_251 = tpu.memref_slice %arg16[%add3A_5, %dma_wait3A_250] : memref<10240x64xf32, #tpu.memory_space<vmem_shared>> -> memref<128x64xf32, #tpu.memory_space<vmem_shared>>
      tpu.wait_dma2 semaphore(%run_scoped3A : memref<!tpu.dma_semaphore, #tpu.memory_space<semaphore_mem>>) src(%arg11 : memref<128x64xf32, #tpu.memory_space<vmem>>) dst(%dma_wait3A_251 : memref<128x64xf32, #tpu.memory_space<vmem_shared>>)
      tpu.yield
    }) : () -> ()
    %add3A_6 = arith.constant 384 : i32
    %add3A_7 = arith.addi %mul3A_0, %add3A_6 : i32
    "tpu.region"() ({
      %run_scoped3A = tpu.sem_alloc : memref<!tpu.dma_semaphore, #tpu.memory_space<semaphore_mem>>
      %dma_start3A_244 = arith.constant 0 : i32
      %dma_start3A_245 = tpu.memref_slice %arg16[%add3A_7, %dma_start3A_244] : memref<10240x64xf32, #tpu.memory_space<vmem_shared>> -> memref<128x64xf32, #tpu.memory_space<vmem_shared>>
      %dma_start3A_246 = arith.constant 0 : i32
      %dma_start3A_247 = tpu.memref_slice %arg16[%add3A_7, %dma_start3A_246] : memref<10240x64xf32, #tpu.memory_space<vmem_shared>> -> memref<128x64xf32, #tpu.memory_space<vmem_shared>>
      tpu.enqueue_dma source(%arg11 : memref<128x64xf32, #tpu.memory_space<vmem>>) target(%dma_start3A_247 : memref<128x64xf32, #tpu.memory_space<vmem_shared>>) target_semaphore(%run_scoped3A : memref<!tpu.dma_semaphore, #tpu.memory_space<semaphore_mem>>)
      %dma_wait3A_248 = arith.constant 0 : i32
      %dma_wait3A_249 = tpu.memref_slice %arg16[%add3A_7, %dma_wait3A_248] : memref<10240x64xf32, #tpu.memory_space<vmem_shared>> -> memref<128x64xf32, #tpu.memory_space<vmem_shared>>
      %dma_wait3A_250 = arith.constant 0 : i32
      %dma_wait3A_251 = tpu.memref_slice %arg16[%add3A_7, %dma_wait3A_250] : memref<10240x64xf32, #tpu.memory_space<vmem_shared>> -> memref<128x64xf32, #tpu.memory_space<vmem_shared>>
      tpu.wait_dma2 semaphore(%run_scoped3A : memref<!tpu.dma_semaphore, #tpu.memory_space<semaphore_mem>>) src(%arg11 : memref<128x64xf32, #tpu.memory_space<vmem>>) dst(%dma_wait3A_251 : memref<128x64xf32, #tpu.memory_space<vmem_shared>>)
      tpu.yield
    }) : () -> ()
    %add3A_8 = arith.constant 512 : i32
    %add3A_9 = arith.addi %mul3A_0, %add3A_8 : i32
    "tpu.region"() ({
      %run_scoped3A = tpu.sem_alloc : memref<!tpu.dma_semaphore, #tpu.memory_space<semaphore_mem>>
      %dma_start3A_244 = arith.constant 0 : i32
      %dma_start3A_245 = tpu.memref_slice %arg16[%add3A_9, %dma_start3A_244] : memref<10240x64xf32, #tpu.memory_space<vmem_shared>> -> memref<128x64xf32, #tpu.memory_space<vmem_shared>>
      %dma_start3A_246 = arith.constant 0 : i32
      %dma_start3A_247 = tpu.memref_slice %arg16[%add3A_9, %dma_start3A_246] : memref<10240x64xf32, #tpu.memory_space<vmem_shared>> -> memref<128x64xf32, #tpu.memory_space<vmem_shared>>
      tpu.enqueue_dma source(%arg11 : memref<128x64xf32, #tpu.memory_space<vmem>>) target(%dma_start3A_247 : memref<128x64xf32, #tpu.memory_space<vmem_shared>>) target_semaphore(%run_scoped3A : memref<!tpu.dma_semaphore, #tpu.memory_space<semaphore_mem>>)
      %dma_wait3A_248 = arith.constant 0 : i32
      %dma_wait3A_249 = tpu.memref_slice %arg16[%add3A_9, %dma_wait3A_248] : memref<10240x64xf32, #tpu.memory_space<vmem_shared>> -> memref<128x64xf32, #tpu.memory_space<vmem_shared>>
      %dma_wait3A_250 = arith.constant 0 : i32
      %dma_wait3A_251 = tpu.memref_slice %arg16[%add3A_9, %dma_wait3A_250] : memref<10240x64xf32, #tpu.memory_space<vmem_shared>> -> memref<128x64xf32, #tpu.memory_space<vmem_shared>>
      tpu.wait_dma2 semaphore(%run_scoped3A : memref<!tpu.dma_semaphore, #tpu.memory_space<semaphore_mem>>) src(%arg11 : memref<128x64xf32, #tpu.memory_space<vmem>>) dst(%dma_wait3A_251 : memref<128x64xf32, #tpu.memory_space<vmem_shared>>)
      tpu.yield
    }) : () -> ()
    %mul3A_10 = arith.constant 160 : i32
    %mul3A_11 = arith.muli %arg1, %mul3A_10 : i32
    "tpu.region"() ({
      %run_scoped3A = tpu.sem_alloc : memref<!tpu.dma_semaphore, #tpu.memory_space<semaphore_mem>>
      %dma_start3A_244 = arith.constant 0 : i32
      %dma_start3A_245 = tpu.memref_slice %arg2[%mul3A_11, %dma_start3A_244] : memref<2560x128xi32, #tpu.memory_space<hbm>> -> memref<160x128xi32, #tpu.memory_space<hbm>>
      %dma_start3A_246 = arith.constant 0 : i32
      %dma_start3A_247 = tpu.memref_slice %arg2[%mul3A_11, %dma_start3A_246] : memref<2560x128xi32, #tpu.memory_space<hbm>> -> memref<160x128xi32, #tpu.memory_space<hbm>>
      tpu.enqueue_dma source(%dma_start3A_247 : memref<160x128xi32, #tpu.memory_space<hbm>>) target(%arg9 : memref<160x128xi32, #tpu.memory_space<vmem>>) target_semaphore(%run_scoped3A : memref<!tpu.dma_semaphore, #tpu.memory_space<semaphore_mem>>)
      %dma_wait3A_248 = arith.constant 0 : i32
      %dma_wait3A_249 = tpu.memref_slice %arg2[%mul3A_11, %dma_wait3A_248] : memref<2560x128xi32, #tpu.memory_space<hbm>> -> memref<160x128xi32, #tpu.memory_space<hbm>>
      %dma_wait3A_250 = arith.constant 0 : i32
      %dma_wait3A_251 = tpu.memref_slice %arg2[%mul3A_11, %dma_wait3A_250] : memref<2560x128xi32, #tpu.memory_space<hbm>> -> memref<160x128xi32, #tpu.memory_space<hbm>>
      tpu.wait_dma2 semaphore(%run_scoped3A : memref<!tpu.dma_semaphore, #tpu.memory_space<semaphore_mem>>) src(%dma_wait3A_251 : memref<160x128xi32, #tpu.memory_space<hbm>>) dst(%arg9 : memref<160x128xi32, #tpu.memory_space<vmem>>)
      tpu.yield
    }) : () -> ()
    %mul3A_12 = arith.constant 160 : i32
    %mul3A_13 = arith.muli %arg1, %mul3A_12 : i32
    "tpu.region"() ({
      %run_scoped3A = tpu.sem_alloc : memref<!tpu.dma_semaphore, #tpu.memory_space<semaphore_mem>>
      %dma_start3A_244 = arith.constant 0 : i32
      %dma_start3A_245 = tpu.memref_slice %arg3[%mul3A_13, %dma_start3A_244] : memref<2560x128xi32, #tpu.memory_space<hbm>> -> memref<160x128xi32, #tpu.memory_space<hbm>>
      %dma_start3A_246 = arith.constant 0 : i32
      %dma_start3A_247 = tpu.memref_slice %arg3[%mul3A_13, %dma_start3A_246] : memref<2560x128xi32, #tpu.memory_space<hbm>> -> memref<160x128xi32, #tpu.memory_space<hbm>>
      tpu.enqueue_dma source(%dma_start3A_247 : memref<160x128xi32, #tpu.memory_space<hbm>>) target(%arg10 : memref<160x128xi32, #tpu.memory_space<vmem>>) target_semaphore(%run_scoped3A : memref<!tpu.dma_semaphore, #tpu.memory_space<semaphore_mem>>)
      %dma_wait3A_248 = arith.constant 0 : i32
      %dma_wait3A_249 = tpu.memref_slice %arg3[%mul3A_13, %dma_wait3A_248] : memref<2560x128xi32, #tpu.memory_space<hbm>> -> memref<160x128xi32, #tpu.memory_space<hbm>>
      %dma_wait3A_250 = arith.constant 0 : i32
      %dma_wait3A_251 = tpu.memref_slice %arg3[%mul3A_13, %dma_wait3A_250] : memref<2560x128xi32, #tpu.memory_space<hbm>> -> memref<160x128xi32, #tpu.memory_space<hbm>>
      tpu.wait_dma2 semaphore(%run_scoped3A : memref<!tpu.dma_semaphore, #tpu.memory_space<semaphore_mem>>) src(%dma_wait3A_251 : memref<160x128xi32, #tpu.memory_space<hbm>>) dst(%arg10 : memref<160x128xi32, #tpu.memory_space<vmem>>)
      tpu.yield
    }) : () -> ()
    %barrier3A = arith.constant 0 : index
    tpu.barrier barrier_id(%barrier3A)
    %eq3A = arith.constant 0 : i32
    %eq3A_14 = arith.cmpi eq, %arg0, %eq3A : i32
    %convert_element_type3A = arith.extui %eq3A_14 : i1 to i32
    %cond3A = arith.constant 0 : i32
    %cond3A_15 = arith.cmpi ne, %convert_element_type3A, %cond3A : i32
    scf.if %cond3A_15 {
      %dma_start3A_244 = arith.constant 0 : i32
      %dma_start3A_245 = arith.constant 0 : i32
      %dma_start3A_246 = tpu.memref_slice %arg9[%dma_start3A_244, %dma_start3A_245] : memref<160x128xi32, #tpu.memory_space<vmem>> -> memref<1x128xi32, #tpu.memory_space<vmem>>
      %dma_start3A_247 = tpu.memref_squeeze %dma_start3A_246 : memref<1x128xi32, #tpu.memory_space<vmem>> -> memref<128xi32, #tpu.memory_space<vmem>>
      %dma_start3A_248 = arith.constant 0 : i32
      %dma_start3A_249 = arith.constant 0 : i32
      %dma_start3A_250 = tpu.memref_slice %arg4[%dma_start3A_248, %dma_start3A_249] : memref<10240x64xf32, #tpu.memory_space<hbm>> -> memref<10240x64xf32, #tpu.memory_space<hbm>>
      tpu.enqueue_indirect_dma source(%dma_start3A_250 : memref<10240x64xf32, #tpu.memory_space<hbm>>) target(%arg11 : memref<128x64xf32, #tpu.memory_space<vmem>>) offsets(%dma_start3A_247 : memref<128xi32, #tpu.memory_space<vmem>>) semaphore(%arg17 : memref<!tpu.dma_semaphore, #tpu.memory_space<semaphore_mem>>)
    } else {
    }
    %eq3A_16 = arith.constant 1 : i32
    %eq3A_17 = arith.cmpi eq, %arg0, %eq3A_16 : i32
    %convert_element_type3A_18 = arith.extui %eq3A_17 : i1 to i32
    %cond3A_19 = arith.constant 0 : i32
    %cond3A_20 = arith.cmpi ne, %convert_element_type3A_18, %cond3A_19 : i32
    scf.if %cond3A_20 {
      %dma_start3A_244 = arith.constant 0 : i32
      %dma_start3A_245 = arith.constant 0 : i32
      %dma_start3A_246 = tpu.memref_slice %arg9[%dma_start3A_244, %dma_start3A_245] : memref<160x128xi32, #tpu.memory_space<vmem>> -> memref<1x128xi32, #tpu.memory_space<vmem>>
      %dma_start3A_247 = tpu.memref_squeeze %dma_start3A_246 : memref<1x128xi32, #tpu.memory_space<vmem>> -> memref<128xi32, #tpu.memory_space<vmem>>
      %dma_start3A_248 = arith.constant 0 : i32
      %dma_start3A_249 = arith.constant 0 : i32
      %dma_start3A_250 = tpu.memref_slice %arg5[%dma_start3A_248, %dma_start3A_249] : memref<10240x64xf32, #tpu.memory_space<hbm>> -> memref<10240x64xf32, #tpu.memory_space<hbm>>
      tpu.enqueue_indirect_dma source(%dma_start3A_250 : memref<10240x64xf32, #tpu.memory_space<hbm>>) target(%arg11 : memref<128x64xf32, #tpu.memory_space<vmem>>) offsets(%dma_start3A_247 : memref<128xi32, #tpu.memory_space<vmem>>) semaphore(%arg17 : memref<!tpu.dma_semaphore, #tpu.memory_space<semaphore_mem>>)
    } else {
    }
    %eq3A_21 = arith.constant 0 : i32
    %eq3A_22 = arith.cmpi eq, %arg0, %eq3A_21 : i32
    %convert_element_type3A_23 = arith.extui %eq3A_22 : i1 to i32
    %cond3A_24 = arith.constant 0 : i32
    %cond3A_25 = arith.cmpi ne, %convert_element_type3A_23, %cond3A_24 : i32
    scf.if %cond3A_25 {
      %dma_start3A_244 = arith.constant 1 : i32
      %dma_start3A_245 = arith.constant 0 : i32
      %dma_start3A_246 = tpu.memref_slice %arg9[%dma_start3A_244, %dma_start3A_245] : memref<160x128xi32, #tpu.memory_space<vmem>> -> memref<1x128xi32, #tpu.memory_space<vmem>>
      %dma_start3A_247 = tpu.memref_squeeze %dma_start3A_246 : memref<1x128xi32, #tpu.memory_space<vmem>> -> memref<128xi32, #tpu.memory_space<vmem>>
      %dma_start3A_248 = arith.constant 0 : i32
      %dma_start3A_249 = arith.constant 0 : i32
      %dma_start3A_250 = tpu.memref_slice %arg4[%dma_start3A_248, %dma_start3A_249] : memref<10240x64xf32, #tpu.memory_space<hbm>> -> memref<10240x64xf32, #tpu.memory_space<hbm>>
      tpu.enqueue_indirect_dma source(%dma_start3A_250 : memref<10240x64xf32, #tpu.memory_space<hbm>>) target(%arg12 : memref<128x64xf32, #tpu.memory_space<vmem>>) offsets(%dma_start3A_247 : memref<128xi32, #tpu.memory_space<vmem>>) semaphore(%arg18 : memref<!tpu.dma_semaphore, #tpu.memory_space<semaphore_mem>>)
    } else {
    }
    %eq3A_26 = arith.constant 1 : i32
    %eq3A_27 = arith.cmpi eq, %arg0, %eq3A_26 : i32
    %convert_element_type3A_28 = arith.extui %eq3A_27 : i1 to i32
    %cond3A_29 = arith.constant 0 : i32
    %cond3A_30 = arith.cmpi ne, %convert_element_type3A_28, %cond3A_29 : i32
    scf.if %cond3A_30 {
      %dma_start3A_244 = arith.constant 1 : i32
      %dma_start3A_245 = arith.constant 0 : i32
      %dma_start3A_246 = tpu.memref_slice %arg9[%dma_start3A_244, %dma_start3A_245] : memref<160x128xi32, #tpu.memory_space<vmem>> -> memref<1x128xi32, #tpu.memory_space<vmem>>
      %dma_start3A_247 = tpu.memref_squeeze %dma_start3A_246 : memref<1x128xi32, #tpu.memory_space<vmem>> -> memref<128xi32, #tpu.memory_space<vmem>>
      %dma_start3A_248 = arith.constant 0 : i32
      %dma_start3A_249 = arith.constant 0 : i32
      %dma_start3A_250 = tpu.memref_slice %arg5[%dma_start3A_248, %dma_start3A_249] : memref<10240x64xf32, #tpu.memory_space<hbm>> -> memref<10240x64xf32, #tpu.memory_space<hbm>>
      tpu.enqueue_indirect_dma source(%dma_start3A_250 : memref<10240x64xf32, #tpu.memory_space<hbm>>) target(%arg12 : memref<128x64xf32, #tpu.memory_space<vmem>>) offsets(%dma_start3A_247 : memref<128xi32, #tpu.memory_space<vmem>>) semaphore(%arg18 : memref<!tpu.dma_semaphore, #tpu.memory_space<semaphore_mem>>)
    } else {
    }
    %eq3A_31 = arith.constant 0 : i32
    %eq3A_32 = arith.cmpi eq, %arg0, %eq3A_31 : i32
    %convert_element_type3A_33 = arith.extui %eq3A_32 : i1 to i32
    %cond3A_34 = arith.constant 0 : i32
    %cond3A_35 = arith.cmpi ne, %convert_element_type3A_33, %cond3A_34 : i32
    scf.if %cond3A_35 {
      %dma_start3A_244 = arith.constant 2 : i32
      %dma_start3A_245 = arith.constant 0 : i32
      %dma_start3A_246 = tpu.memref_slice %arg9[%dma_start3A_244, %dma_start3A_245] : memref<160x128xi32, #tpu.memory_space<vmem>> -> memref<1x128xi32, #tpu.memory_space<vmem>>
      %dma_start3A_247 = tpu.memref_squeeze %dma_start3A_246 : memref<1x128xi32, #tpu.memory_space<vmem>> -> memref<128xi32, #tpu.memory_space<vmem>>
      %dma_start3A_248 = arith.constant 0 : i32
      %dma_start3A_249 = arith.constant 0 : i32
      %dma_start3A_250 = tpu.memref_slice %arg4[%dma_start3A_248, %dma_start3A_249] : memref<10240x64xf32, #tpu.memory_space<hbm>> -> memref<10240x64xf32, #tpu.memory_space<hbm>>
      tpu.enqueue_indirect_dma source(%dma_start3A_250 : memref<10240x64xf32, #tpu.memory_space<hbm>>) target(%arg13 : memref<128x64xf32, #tpu.memory_space<vmem>>) offsets(%dma_start3A_247 : memref<128xi32, #tpu.memory_space<vmem>>) semaphore(%arg19 : memref<!tpu.dma_semaphore, #tpu.memory_space<semaphore_mem>>)
    } else {
    }
    %eq3A_36 = arith.constant 1 : i32
    %eq3A_37 = arith.cmpi eq, %arg0, %eq3A_36 : i32
    %convert_element_type3A_38 = arith.extui %eq3A_37 : i1 to i32
    %cond3A_39 = arith.constant 0 : i32
    %cond3A_40 = arith.cmpi ne, %convert_element_type3A_38, %cond3A_39 : i32
    scf.if %cond3A_40 {
      %dma_start3A_244 = arith.constant 2 : i32
      %dma_start3A_245 = arith.constant 0 : i32
      %dma_start3A_246 = tpu.memref_slice %arg9[%dma_start3A_244, %dma_start3A_245] : memref<160x128xi32, #tpu.memory_space<vmem>> -> memref<1x128xi32, #tpu.memory_space<vmem>>
      %dma_start3A_247 = tpu.memref_squeeze %dma_start3A_246 : memref<1x128xi32, #tpu.memory_space<vmem>> -> memref<128xi32, #tpu.memory_space<vmem>>
      %dma_start3A_248 = arith.constant 0 : i32
      %dma_start3A_249 = arith.constant 0 : i32
      %dma_start3A_250 = tpu.memref_slice %arg5[%dma_start3A_248, %dma_start3A_249] : memref<10240x64xf32, #tpu.memory_space<hbm>> -> memref<10240x64xf32, #tpu.memory_space<hbm>>
      tpu.enqueue_indirect_dma source(%dma_start3A_250 : memref<10240x64xf32, #tpu.memory_space<hbm>>) target(%arg13 : memref<128x64xf32, #tpu.memory_space<vmem>>) offsets(%dma_start3A_247 : memref<128xi32, #tpu.memory_space<vmem>>) semaphore(%arg19 : memref<!tpu.dma_semaphore, #tpu.memory_space<semaphore_mem>>)
    } else {
    }
    %eq3A_41 = arith.constant 0 : i32
    %eq3A_42 = arith.cmpi eq, %arg0, %eq3A_41 : i32
    %convert_element_type3A_43 = arith.extui %eq3A_42 : i1 to i32
    %cond3A_44 = arith.constant 0 : i32
    %cond3A_45 = arith.cmpi ne, %convert_element_type3A_43, %cond3A_44 : i32
    scf.if %cond3A_45 {
      %dma_start3A_244 = arith.constant 3 : i32
      %dma_start3A_245 = arith.constant 0 : i32
      %dma_start3A_246 = tpu.memref_slice %arg9[%dma_start3A_244, %dma_start3A_245] : memref<160x128xi32, #tpu.memory_space<vmem>> -> memref<1x128xi32, #tpu.memory_space<vmem>>
      %dma_start3A_247 = tpu.memref_squeeze %dma_start3A_246 : memref<1x128xi32, #tpu.memory_space<vmem>> -> memref<128xi32, #tpu.memory_space<vmem>>
      %dma_start3A_248 = arith.constant 0 : i32
      %dma_start3A_249 = arith.constant 0 : i32
      %dma_start3A_250 = tpu.memref_slice %arg4[%dma_start3A_248, %dma_start3A_249] : memref<10240x64xf32, #tpu.memory_space<hbm>> -> memref<10240x64xf32, #tpu.memory_space<hbm>>
      tpu.enqueue_indirect_dma source(%dma_start3A_250 : memref<10240x64xf32, #tpu.memory_space<hbm>>) target(%arg14 : memref<128x64xf32, #tpu.memory_space<vmem>>) offsets(%dma_start3A_247 : memref<128xi32, #tpu.memory_space<vmem>>) semaphore(%arg20 : memref<!tpu.dma_semaphore, #tpu.memory_space<semaphore_mem>>)
    } else {
    }
    %eq3A_46 = arith.constant 1 : i32
    %eq3A_47 = arith.cmpi eq, %arg0, %eq3A_46 : i32
    %convert_element_type3A_48 = arith.extui %eq3A_47 : i1 to i32
    %cond3A_49 = arith.constant 0 : i32
    %cond3A_50 = arith.cmpi ne, %convert_element_type3A_48, %cond3A_49 : i32
    scf.if %cond3A_50 {
      %dma_start3A_244 = arith.constant 3 : i32
      %dma_start3A_245 = arith.constant 0 : i32
      %dma_start3A_246 = tpu.memref_slice %arg9[%dma_start3A_244, %dma_start3A_245] : memref<160x128xi32, #tpu.memory_space<vmem>> -> memref<1x128xi32, #tpu.memory_space<vmem>>
      %dma_start3A_247 = tpu.memref_squeeze %dma_start3A_246 : memref<1x128xi32, #tpu.memory_space<vmem>> -> memref<128xi32, #tpu.memory_space<vmem>>
      %dma_start3A_248 = arith.constant 0 : i32
      %dma_start3A_249 = arith.constant 0 : i32
      %dma_start3A_250 = tpu.memref_slice %arg5[%dma_start3A_248, %dma_start3A_249] : memref<10240x64xf32, #tpu.memory_space<hbm>> -> memref<10240x64xf32, #tpu.memory_space<hbm>>
      tpu.enqueue_indirect_dma source(%dma_start3A_250 : memref<10240x64xf32, #tpu.memory_space<hbm>>) target(%arg14 : memref<128x64xf32, #tpu.memory_space<vmem>>) offsets(%dma_start3A_247 : memref<128xi32, #tpu.memory_space<vmem>>) semaphore(%arg20 : memref<!tpu.dma_semaphore, #tpu.memory_space<semaphore_mem>>)
    } else {
    }
    %eq3A_51 = arith.constant 0 : i32
    %eq3A_52 = arith.cmpi eq, %arg0, %eq3A_51 : i32
    %convert_element_type3A_53 = arith.extui %eq3A_52 : i1 to i32
    %cond3A_54 = arith.constant 0 : i32
    %cond3A_55 = arith.cmpi ne, %convert_element_type3A_53, %cond3A_54 : i32
    scf.if %cond3A_55 {
      %dma_start3A_244 = arith.constant 4 : i32
      %dma_start3A_245 = arith.constant 0 : i32
      %dma_start3A_246 = tpu.memref_slice %arg9[%dma_start3A_244, %dma_start3A_245] : memref<160x128xi32, #tpu.memory_space<vmem>> -> memref<1x128xi32, #tpu.memory_space<vmem>>
      %dma_start3A_247 = tpu.memref_squeeze %dma_start3A_246 : memref<1x128xi32, #tpu.memory_space<vmem>> -> memref<128xi32, #tpu.memory_space<vmem>>
      %dma_start3A_248 = arith.constant 0 : i32
      %dma_start3A_249 = arith.constant 0 : i32
      %dma_start3A_250 = tpu.memref_slice %arg4[%dma_start3A_248, %dma_start3A_249] : memref<10240x64xf32, #tpu.memory_space<hbm>> -> memref<10240x64xf32, #tpu.memory_space<hbm>>
      tpu.enqueue_indirect_dma source(%dma_start3A_250 : memref<10240x64xf32, #tpu.memory_space<hbm>>) target(%arg15 : memref<128x64xf32, #tpu.memory_space<vmem>>) offsets(%dma_start3A_247 : memref<128xi32, #tpu.memory_space<vmem>>) semaphore(%arg21 : memref<!tpu.dma_semaphore, #tpu.memory_space<semaphore_mem>>)
    } else {
    }
    %eq3A_56 = arith.constant 1 : i32
    %eq3A_57 = arith.cmpi eq, %arg0, %eq3A_56 : i32
    %convert_element_type3A_58 = arith.extui %eq3A_57 : i1 to i32
    %cond3A_59 = arith.constant 0 : i32
    %cond3A_60 = arith.cmpi ne, %convert_element_type3A_58, %cond3A_59 : i32
    scf.if %cond3A_60 {
      %dma_start3A_244 = arith.constant 4 : i32
      %dma_start3A_245 = arith.constant 0 : i32
      %dma_start3A_246 = tpu.memref_slice %arg9[%dma_start3A_244, %dma_start3A_245] : memref<160x128xi32, #tpu.memory_space<vmem>> -> memref<1x128xi32, #tpu.memory_space<vmem>>
      %dma_start3A_247 = tpu.memref_squeeze %dma_start3A_246 : memref<1x128xi32, #tpu.memory_space<vmem>> -> memref<128xi32, #tpu.memory_space<vmem>>
      %dma_start3A_248 = arith.constant 0 : i32
      %dma_start3A_249 = arith.constant 0 : i32
      %dma_start3A_250 = tpu.memref_slice %arg5[%dma_start3A_248, %dma_start3A_249] : memref<10240x64xf32, #tpu.memory_space<hbm>> -> memref<10240x64xf32, #tpu.memory_space<hbm>>
      tpu.enqueue_indirect_dma source(%dma_start3A_250 : memref<10240x64xf32, #tpu.memory_space<hbm>>) target(%arg15 : memref<128x64xf32, #tpu.memory_space<vmem>>) offsets(%dma_start3A_247 : memref<128xi32, #tpu.memory_space<vmem>>) semaphore(%arg21 : memref<!tpu.dma_semaphore, #tpu.memory_space<semaphore_mem>>)
    } else {
    }
    %scan3A = arith.constant 0 : i32
    %scan3A_61 = arith.constant 31 : i32
    %scan3A_62 = arith.addi %scan3A, %scan3A_61 : i32
    %scan3A_63 = arith.constant 1 : i32
    scf.for %scan3A_244 = %scan3A to %scan3A_62 step %scan3A_63  : i32 {
      %mul3A_245 = arith.constant 5 : i32
      %mul3A_246 = arith.muli %mul3A_245, %scan3A_244 : i32
      %add3A_247 = arith.constant 0 : i32
      %add3A_248 = arith.addi %mul3A_246, %add3A_247 : i32
      %eq3A_249 = arith.constant 0 : i32
      %eq3A_250 = arith.cmpi eq, %arg0, %eq3A_249 : i32
      %convert_element_type3A_251 = arith.extui %eq3A_250 : i1 to i32
      %cond3A_252 = arith.constant 0 : i32
      %cond3A_253 = arith.cmpi ne, %convert_element_type3A_251, %cond3A_252 : i32
      scf.if %cond3A_253 {
        %dma_wait3A_457 = arith.constant 0 : i32
        %dma_wait3A_458 = tpu.memref_slice %arg9[%add3A_248, %dma_wait3A_457] : memref<160x128xi32, #tpu.memory_space<vmem>> -> memref<1x128xi32, #tpu.memory_space<vmem>>
        %dma_wait3A_459 = tpu.memref_squeeze %dma_wait3A_458 : memref<1x128xi32, #tpu.memory_space<vmem>> -> memref<128xi32, #tpu.memory_space<vmem>>
        %dma_wait3A_460 = arith.constant 0 : i32
        %dma_wait3A_461 = arith.constant 0 : i32
        %dma_wait3A_462 = tpu.memref_slice %arg4[%dma_wait3A_460, %dma_wait3A_461] : memref<10240x64xf32, #tpu.memory_space<hbm>> -> memref<10240x64xf32, #tpu.memory_space<hbm>>
        tpu.wait_indirect_dma semaphore(%arg17 : memref<!tpu.dma_semaphore, #tpu.memory_space<semaphore_mem>>) src(%dma_wait3A_462 : memref<10240x64xf32, #tpu.memory_space<hbm>>) dst(%arg11 : memref<128x64xf32, #tpu.memory_space<vmem>>)
      } else {
      }
      %eq3A_254 = arith.constant 1 : i32
      %eq3A_255 = arith.cmpi eq, %arg0, %eq3A_254 : i32
      %convert_element_type3A_256 = arith.extui %eq3A_255 : i1 to i32
      %cond3A_257 = arith.constant 0 : i32
      %cond3A_258 = arith.cmpi ne, %convert_element_type3A_256, %cond3A_257 : i32
      scf.if %cond3A_258 {
        %dma_wait3A_457 = arith.constant 0 : i32
        %dma_wait3A_458 = tpu.memref_slice %arg9[%add3A_248, %dma_wait3A_457] : memref<160x128xi32, #tpu.memory_space<vmem>> -> memref<1x128xi32, #tpu.memory_space<vmem>>
        %dma_wait3A_459 = tpu.memref_squeeze %dma_wait3A_458 : memref<1x128xi32, #tpu.memory_space<vmem>> -> memref<128xi32, #tpu.memory_space<vmem>>
        %dma_wait3A_460 = arith.constant 0 : i32
        %dma_wait3A_461 = arith.constant 0 : i32
        %dma_wait3A_462 = tpu.memref_slice %arg5[%dma_wait3A_460, %dma_wait3A_461] : memref<10240x64xf32, #tpu.memory_space<hbm>> -> memref<10240x64xf32, #tpu.memory_space<hbm>>
        tpu.wait_indirect_dma semaphore(%arg17 : memref<!tpu.dma_semaphore, #tpu.memory_space<semaphore_mem>>) src(%dma_wait3A_462 : memref<10240x64xf32, #tpu.memory_space<hbm>>) dst(%arg11 : memref<128x64xf32, #tpu.memory_space<vmem>>)
      } else {
      }
      %add3A_259 = arith.constant 0 : i32
      %add3A_260 = arith.addi %mul3A_246, %add3A_259 : i32
      %dma_start3A_261 = arith.constant 0 : i32
      %dma_start3A_262 = tpu.memref_slice %arg10[%add3A_260, %dma_start3A_261] : memref<160x128xi32, #tpu.memory_space<vmem>> -> memref<1x128xi32, #tpu.memory_space<vmem>>
      %dma_start3A_263 = tpu.memref_squeeze %dma_start3A_262 : memref<1x128xi32, #tpu.memory_space<vmem>> -> memref<128xi32, #tpu.memory_space<vmem>>
      %dma_start3A_264 = arith.constant 0 : i32
      %dma_start3A_265 = arith.constant 0 : i32
      %dma_start3A_266 = tpu.memref_slice %arg16[%dma_start3A_264, %dma_start3A_265] : memref<10240x64xf32, #tpu.memory_space<vmem_shared>> -> memref<10240x64xf32, #tpu.memory_space<vmem_shared>>
      tpu.enqueue_indirect_dma source(%arg11 : memref<128x64xf32, #tpu.memory_space<vmem>>) target(%dma_start3A_266 : memref<10240x64xf32, #tpu.memory_space<vmem_shared>>) offsets(%dma_start3A_263 : memref<128xi32, #tpu.memory_space<vmem>>) semaphore(%arg22 : memref<!tpu.dma_semaphore, #tpu.memory_space<semaphore_mem>>) {add = true}
      %add3A_267 = arith.constant 1 : i32
      %add3A_268 = arith.addi %mul3A_246, %add3A_267 : i32
      %eq3A_269 = arith.constant 0 : i32
      %eq3A_270 = arith.cmpi eq, %arg0, %eq3A_269 : i32
      %convert_element_type3A_271 = arith.extui %eq3A_270 : i1 to i32
      %cond3A_272 = arith.constant 0 : i32
      %cond3A_273 = arith.cmpi ne, %convert_element_type3A_271, %cond3A_272 : i32
      scf.if %cond3A_273 {
        %dma_wait3A_457 = arith.constant 0 : i32
        %dma_wait3A_458 = tpu.memref_slice %arg9[%add3A_268, %dma_wait3A_457] : memref<160x128xi32, #tpu.memory_space<vmem>> -> memref<1x128xi32, #tpu.memory_space<vmem>>
        %dma_wait3A_459 = tpu.memref_squeeze %dma_wait3A_458 : memref<1x128xi32, #tpu.memory_space<vmem>> -> memref<128xi32, #tpu.memory_space<vmem>>
        %dma_wait3A_460 = arith.constant 0 : i32
        %dma_wait3A_461 = arith.constant 0 : i32
        %dma_wait3A_462 = tpu.memref_slice %arg4[%dma_wait3A_460, %dma_wait3A_461] : memref<10240x64xf32, #tpu.memory_space<hbm>> -> memref<10240x64xf32, #tpu.memory_space<hbm>>
        tpu.wait_indirect_dma semaphore(%arg18 : memref<!tpu.dma_semaphore, #tpu.memory_space<semaphore_mem>>) src(%dma_wait3A_462 : memref<10240x64xf32, #tpu.memory_space<hbm>>) dst(%arg12 : memref<128x64xf32, #tpu.memory_space<vmem>>)
      } else {
      }
      %eq3A_274 = arith.constant 1 : i32
      %eq3A_275 = arith.cmpi eq, %arg0, %eq3A_274 : i32
      %convert_element_type3A_276 = arith.extui %eq3A_275 : i1 to i32
      %cond3A_277 = arith.constant 0 : i32
      %cond3A_278 = arith.cmpi ne, %convert_element_type3A_276, %cond3A_277 : i32
      scf.if %cond3A_278 {
        %dma_wait3A_457 = arith.constant 0 : i32
        %dma_wait3A_458 = tpu.memref_slice %arg9[%add3A_268, %dma_wait3A_457] : memref<160x128xi32, #tpu.memory_space<vmem>> -> memref<1x128xi32, #tpu.memory_space<vmem>>
        %dma_wait3A_459 = tpu.memref_squeeze %dma_wait3A_458 : memref<1x128xi32, #tpu.memory_space<vmem>> -> memref<128xi32, #tpu.memory_space<vmem>>
        %dma_wait3A_460 = arith.constant 0 : i32
        %dma_wait3A_461 = arith.constant 0 : i32
        %dma_wait3A_462 = tpu.memref_slice %arg5[%dma_wait3A_460, %dma_wait3A_461] : memref<10240x64xf32, #tpu.memory_space<hbm>> -> memref<10240x64xf32, #tpu.memory_space<hbm>>
        tpu.wait_indirect_dma semaphore(%arg18 : memref<!tpu.dma_semaphore, #tpu.memory_space<semaphore_mem>>) src(%dma_wait3A_462 : memref<10240x64xf32, #tpu.memory_space<hbm>>) dst(%arg12 : memref<128x64xf32, #tpu.memory_space<vmem>>)
      } else {
      }
      %add3A_279 = arith.constant 1 : i32
      %add3A_280 = arith.addi %mul3A_246, %add3A_279 : i32
      %dma_start3A_281 = arith.constant 0 : i32
      %dma_start3A_282 = tpu.memref_slice %arg10[%add3A_280, %dma_start3A_281] : memref<160x128xi32, #tpu.memory_space<vmem>> -> memref<1x128xi32, #tpu.memory_space<vmem>>
      %dma_start3A_283 = tpu.memref_squeeze %dma_start3A_282 : memref<1x128xi32, #tpu.memory_space<vmem>> -> memref<128xi32, #tpu.memory_space<vmem>>
      %dma_start3A_284 = arith.constant 0 : i32
      %dma_start3A_285 = arith.constant 0 : i32
      %dma_start3A_286 = tpu.memref_slice %arg16[%dma_start3A_284, %dma_start3A_285] : memref<10240x64xf32, #tpu.memory_space<vmem_shared>> -> memref<10240x64xf32, #tpu.memory_space<vmem_shared>>
      tpu.enqueue_indirect_dma source(%arg12 : memref<128x64xf32, #tpu.memory_space<vmem>>) target(%dma_start3A_286 : memref<10240x64xf32, #tpu.memory_space<vmem_shared>>) offsets(%dma_start3A_283 : memref<128xi32, #tpu.memory_space<vmem>>) semaphore(%arg23 : memref<!tpu.dma_semaphore, #tpu.memory_space<semaphore_mem>>) {add = true}
      %add3A_287 = arith.constant 2 : i32
      %add3A_288 = arith.addi %mul3A_246, %add3A_287 : i32
      %eq3A_289 = arith.constant 0 : i32
      %eq3A_290 = arith.cmpi eq, %arg0, %eq3A_289 : i32
      %convert_element_type3A_291 = arith.extui %eq3A_290 : i1 to i32
      %cond3A_292 = arith.constant 0 : i32
      %cond3A_293 = arith.cmpi ne, %convert_element_type3A_291, %cond3A_292 : i32
      scf.if %cond3A_293 {
        %dma_wait3A_457 = arith.constant 0 : i32
        %dma_wait3A_458 = tpu.memref_slice %arg9[%add3A_288, %dma_wait3A_457] : memref<160x128xi32, #tpu.memory_space<vmem>> -> memref<1x128xi32, #tpu.memory_space<vmem>>
        %dma_wait3A_459 = tpu.memref_squeeze %dma_wait3A_458 : memref<1x128xi32, #tpu.memory_space<vmem>> -> memref<128xi32, #tpu.memory_space<vmem>>
        %dma_wait3A_460 = arith.constant 0 : i32
        %dma_wait3A_461 = arith.constant 0 : i32
        %dma_wait3A_462 = tpu.memref_slice %arg4[%dma_wait3A_460, %dma_wait3A_461] : memref<10240x64xf32, #tpu.memory_space<hbm>> -> memref<10240x64xf32, #tpu.memory_space<hbm>>
        tpu.wait_indirect_dma semaphore(%arg19 : memref<!tpu.dma_semaphore, #tpu.memory_space<semaphore_mem>>) src(%dma_wait3A_462 : memref<10240x64xf32, #tpu.memory_space<hbm>>) dst(%arg13 : memref<128x64xf32, #tpu.memory_space<vmem>>)
      } else {
      }
      %eq3A_294 = arith.constant 1 : i32
      %eq3A_295 = arith.cmpi eq, %arg0, %eq3A_294 : i32
      %convert_element_type3A_296 = arith.extui %eq3A_295 : i1 to i32
      %cond3A_297 = arith.constant 0 : i32
      %cond3A_298 = arith.cmpi ne, %convert_element_type3A_296, %cond3A_297 : i32
      scf.if %cond3A_298 {
        %dma_wait3A_457 = arith.constant 0 : i32
        %dma_wait3A_458 = tpu.memref_slice %arg9[%add3A_288, %dma_wait3A_457] : memref<160x128xi32, #tpu.memory_space<vmem>> -> memref<1x128xi32, #tpu.memory_space<vmem>>
        %dma_wait3A_459 = tpu.memref_squeeze %dma_wait3A_458 : memref<1x128xi32, #tpu.memory_space<vmem>> -> memref<128xi32, #tpu.memory_space<vmem>>
        %dma_wait3A_460 = arith.constant 0 : i32
        %dma_wait3A_461 = arith.constant 0 : i32
        %dma_wait3A_462 = tpu.memref_slice %arg5[%dma_wait3A_460, %dma_wait3A_461] : memref<10240x64xf32, #tpu.memory_space<hbm>> -> memref<10240x64xf32, #tpu.memory_space<hbm>>
        tpu.wait_indirect_dma semaphore(%arg19 : memref<!tpu.dma_semaphore, #tpu.memory_space<semaphore_mem>>) src(%dma_wait3A_462 : memref<10240x64xf32, #tpu.memory_space<hbm>>) dst(%arg13 : memref<128x64xf32, #tpu.memory_space<vmem>>)
      } else {
      }
      %add3A_299 = arith.constant 2 : i32
      %add3A_300 = arith.addi %mul3A_246, %add3A_299 : i32
      %dma_start3A_301 = arith.constant 0 : i32
      %dma_start3A_302 = tpu.memref_slice %arg10[%add3A_300, %dma_start3A_301] : memref<160x128xi32, #tpu.memory_space<vmem>> -> memref<1x128xi32, #tpu.memory_space<vmem>>
      %dma_start3A_303 = tpu.memref_squeeze %dma_start3A_302 : memref<1x128xi32, #tpu.memory_space<vmem>> -> memref<128xi32, #tpu.memory_space<vmem>>
      %dma_start3A_304 = arith.constant 0 : i32
      %dma_start3A_305 = arith.constant 0 : i32
      %dma_start3A_306 = tpu.memref_slice %arg16[%dma_start3A_304, %dma_start3A_305] : memref<10240x64xf32, #tpu.memory_space<vmem_shared>> -> memref<10240x64xf32, #tpu.memory_space<vmem_shared>>
      tpu.enqueue_indirect_dma source(%arg13 : memref<128x64xf32, #tpu.memory_space<vmem>>) target(%dma_start3A_306 : memref<10240x64xf32, #tpu.memory_space<vmem_shared>>) offsets(%dma_start3A_303 : memref<128xi32, #tpu.memory_space<vmem>>) semaphore(%arg24 : memref<!tpu.dma_semaphore, #tpu.memory_space<semaphore_mem>>) {add = true}
      %add3A_307 = arith.constant 3 : i32
      %add3A_308 = arith.addi %mul3A_246, %add3A_307 : i32
      %eq3A_309 = arith.constant 0 : i32
      %eq3A_310 = arith.cmpi eq, %arg0, %eq3A_309 : i32
      %convert_element_type3A_311 = arith.extui %eq3A_310 : i1 to i32
      %cond3A_312 = arith.constant 0 : i32
      %cond3A_313 = arith.cmpi ne, %convert_element_type3A_311, %cond3A_312 : i32
      scf.if %cond3A_313 {
        %dma_wait3A_457 = arith.constant 0 : i32
        %dma_wait3A_458 = tpu.memref_slice %arg9[%add3A_308, %dma_wait3A_457] : memref<160x128xi32, #tpu.memory_space<vmem>> -> memref<1x128xi32, #tpu.memory_space<vmem>>
        %dma_wait3A_459 = tpu.memref_squeeze %dma_wait3A_458 : memref<1x128xi32, #tpu.memory_space<vmem>> -> memref<128xi32, #tpu.memory_space<vmem>>
        %dma_wait3A_460 = arith.constant 0 : i32
        %dma_wait3A_461 = arith.constant 0 : i32
        %dma_wait3A_462 = tpu.memref_slice %arg4[%dma_wait3A_460, %dma_wait3A_461] : memref<10240x64xf32, #tpu.memory_space<hbm>> -> memref<10240x64xf32, #tpu.memory_space<hbm>>
        tpu.wait_indirect_dma semaphore(%arg20 : memref<!tpu.dma_semaphore, #tpu.memory_space<semaphore_mem>>) src(%dma_wait3A_462 : memref<10240x64xf32, #tpu.memory_space<hbm>>) dst(%arg14 : memref<128x64xf32, #tpu.memory_space<vmem>>)
      } else {
      }
      %eq3A_314 = arith.constant 1 : i32
      %eq3A_315 = arith.cmpi eq, %arg0, %eq3A_314 : i32
      %convert_element_type3A_316 = arith.extui %eq3A_315 : i1 to i32
      %cond3A_317 = arith.constant 0 : i32
      %cond3A_318 = arith.cmpi ne, %convert_element_type3A_316, %cond3A_317 : i32
      scf.if %cond3A_318 {
        %dma_wait3A_457 = arith.constant 0 : i32
        %dma_wait3A_458 = tpu.memref_slice %arg9[%add3A_308, %dma_wait3A_457] : memref<160x128xi32, #tpu.memory_space<vmem>> -> memref<1x128xi32, #tpu.memory_space<vmem>>
        %dma_wait3A_459 = tpu.memref_squeeze %dma_wait3A_458 : memref<1x128xi32, #tpu.memory_space<vmem>> -> memref<128xi32, #tpu.memory_space<vmem>>
        %dma_wait3A_460 = arith.constant 0 : i32
        %dma_wait3A_461 = arith.constant 0 : i32
        %dma_wait3A_462 = tpu.memref_slice %arg5[%dma_wait3A_460, %dma_wait3A_461] : memref<10240x64xf32, #tpu.memory_space<hbm>> -> memref<10240x64xf32, #tpu.memory_space<hbm>>
        tpu.wait_indirect_dma semaphore(%arg20 : memref<!tpu.dma_semaphore, #tpu.memory_space<semaphore_mem>>) src(%dma_wait3A_462 : memref<10240x64xf32, #tpu.memory_space<hbm>>) dst(%arg14 : memref<128x64xf32, #tpu.memory_space<vmem>>)
      } else {
      }
      %add3A_319 = arith.constant 3 : i32
      %add3A_320 = arith.addi %mul3A_246, %add3A_319 : i32
      %dma_start3A_321 = arith.constant 0 : i32
      %dma_start3A_322 = tpu.memref_slice %arg10[%add3A_320, %dma_start3A_321] : memref<160x128xi32, #tpu.memory_space<vmem>> -> memref<1x128xi32, #tpu.memory_space<vmem>>
      %dma_start3A_323 = tpu.memref_squeeze %dma_start3A_322 : memref<1x128xi32, #tpu.memory_space<vmem>> -> memref<128xi32, #tpu.memory_space<vmem>>
      %dma_start3A_324 = arith.constant 0 : i32
      %dma_start3A_325 = arith.constant 0 : i32
      %dma_start3A_326 = tpu.memref_slice %arg16[%dma_start3A_324, %dma_start3A_325] : memref<10240x64xf32, #tpu.memory_space<vmem_shared>> -> memref<10240x64xf32, #tpu.memory_space<vmem_shared>>
      tpu.enqueue_indirect_dma source(%arg14 : memref<128x64xf32, #tpu.memory_space<vmem>>) target(%dma_start3A_326 : memref<10240x64xf32, #tpu.memory_space<vmem_shared>>) offsets(%dma_start3A_323 : memref<128xi32, #tpu.memory_space<vmem>>) semaphore(%arg25 : memref<!tpu.dma_semaphore, #tpu.memory_space<semaphore_mem>>) {add = true}
      %add3A_327 = arith.constant 4 : i32
      %add3A_328 = arith.addi %mul3A_246, %add3A_327 : i32
      %eq3A_329 = arith.constant 0 : i32
      %eq3A_330 = arith.cmpi eq, %arg0, %eq3A_329 : i32
      %convert_element_type3A_331 = arith.extui %eq3A_330 : i1 to i32
      %cond3A_332 = arith.constant 0 : i32
      %cond3A_333 = arith.cmpi ne, %convert_element_type3A_331, %cond3A_332 : i32
      scf.if %cond3A_333 {
        %dma_wait3A_457 = arith.constant 0 : i32
        %dma_wait3A_458 = tpu.memref_slice %arg9[%add3A_328, %dma_wait3A_457] : memref<160x128xi32, #tpu.memory_space<vmem>> -> memref<1x128xi32, #tpu.memory_space<vmem>>
        %dma_wait3A_459 = tpu.memref_squeeze %dma_wait3A_458 : memref<1x128xi32, #tpu.memory_space<vmem>> -> memref<128xi32, #tpu.memory_space<vmem>>
        %dma_wait3A_460 = arith.constant 0 : i32
        %dma_wait3A_461 = arith.constant 0 : i32
        %dma_wait3A_462 = tpu.memref_slice %arg4[%dma_wait3A_460, %dma_wait3A_461] : memref<10240x64xf32, #tpu.memory_space<hbm>> -> memref<10240x64xf32, #tpu.memory_space<hbm>>
        tpu.wait_indirect_dma semaphore(%arg21 : memref<!tpu.dma_semaphore, #tpu.memory_space<semaphore_mem>>) src(%dma_wait3A_462 : memref<10240x64xf32, #tpu.memory_space<hbm>>) dst(%arg15 : memref<128x64xf32, #tpu.memory_space<vmem>>)
      } else {
      }
      %eq3A_334 = arith.constant 1 : i32
      %eq3A_335 = arith.cmpi eq, %arg0, %eq3A_334 : i32
      %convert_element_type3A_336 = arith.extui %eq3A_335 : i1 to i32
      %cond3A_337 = arith.constant 0 : i32
      %cond3A_338 = arith.cmpi ne, %convert_element_type3A_336, %cond3A_337 : i32
      scf.if %cond3A_338 {
        %dma_wait3A_457 = arith.constant 0 : i32
        %dma_wait3A_458 = tpu.memref_slice %arg9[%add3A_328, %dma_wait3A_457] : memref<160x128xi32, #tpu.memory_space<vmem>> -> memref<1x128xi32, #tpu.memory_space<vmem>>
        %dma_wait3A_459 = tpu.memref_squeeze %dma_wait3A_458 : memref<1x128xi32, #tpu.memory_space<vmem>> -> memref<128xi32, #tpu.memory_space<vmem>>
        %dma_wait3A_460 = arith.constant 0 : i32
        %dma_wait3A_461 = arith.constant 0 : i32
        %dma_wait3A_462 = tpu.memref_slice %arg5[%dma_wait3A_460, %dma_wait3A_461] : memref<10240x64xf32, #tpu.memory_space<hbm>> -> memref<10240x64xf32, #tpu.memory_space<hbm>>
        tpu.wait_indirect_dma semaphore(%arg21 : memref<!tpu.dma_semaphore, #tpu.memory_space<semaphore_mem>>) src(%dma_wait3A_462 : memref<10240x64xf32, #tpu.memory_space<hbm>>) dst(%arg15 : memref<128x64xf32, #tpu.memory_space<vmem>>)
      } else {
      }
      %add3A_339 = arith.constant 4 : i32
      %add3A_340 = arith.addi %mul3A_246, %add3A_339 : i32
      %dma_start3A_341 = arith.constant 0 : i32
      %dma_start3A_342 = tpu.memref_slice %arg10[%add3A_340, %dma_start3A_341] : memref<160x128xi32, #tpu.memory_space<vmem>> -> memref<1x128xi32, #tpu.memory_space<vmem>>
      %dma_start3A_343 = tpu.memref_squeeze %dma_start3A_342 : memref<1x128xi32, #tpu.memory_space<vmem>> -> memref<128xi32, #tpu.memory_space<vmem>>
      %dma_start3A_344 = arith.constant 0 : i32
      %dma_start3A_345 = arith.constant 0 : i32
      %dma_start3A_346 = tpu.memref_slice %arg16[%dma_start3A_344, %dma_start3A_345] : memref<10240x64xf32, #tpu.memory_space<vmem_shared>> -> memref<10240x64xf32, #tpu.memory_space<vmem_shared>>
      tpu.enqueue_indirect_dma source(%arg15 : memref<128x64xf32, #tpu.memory_space<vmem>>) target(%dma_start3A_346 : memref<10240x64xf32, #tpu.memory_space<vmem_shared>>) offsets(%dma_start3A_343 : memref<128xi32, #tpu.memory_space<vmem>>) semaphore(%arg26 : memref<!tpu.dma_semaphore, #tpu.memory_space<semaphore_mem>>) {add = true}
      %add3A_347 = arith.constant 0 : i32
      %add3A_348 = arith.addi %mul3A_246, %add3A_347 : i32
      %dma_wait3A_349 = arith.constant 0 : i32
      %dma_wait3A_350 = tpu.memref_slice %arg10[%add3A_348, %dma_wait3A_349] : memref<160x128xi32, #tpu.memory_space<vmem>> -> memref<1x128xi32, #tpu.memory_space<vmem>>
      %dma_wait3A_351 = tpu.memref_squeeze %dma_wait3A_350 : memref<1x128xi32, #tpu.memory_space<vmem>> -> memref<128xi32, #tpu.memory_space<vmem>>
      %dma_wait3A_352 = arith.constant 0 : i32
      %dma_wait3A_353 = arith.constant 0 : i32
      %dma_wait3A_354 = tpu.memref_slice %arg16[%dma_wait3A_352, %dma_wait3A_353] : memref<10240x64xf32, #tpu.memory_space<vmem_shared>> -> memref<10240x64xf32, #tpu.memory_space<vmem_shared>>
      tpu.wait_indirect_dma semaphore(%arg22 : memref<!tpu.dma_semaphore, #tpu.memory_space<semaphore_mem>>) src(%arg11 : memref<128x64xf32, #tpu.memory_space<vmem>>) dst(%dma_wait3A_354 : memref<10240x64xf32, #tpu.memory_space<vmem_shared>>)
      %add3A_355 = arith.constant 5 : i32
      %add3A_356 = arith.addi %mul3A_246, %add3A_355 : i32
      %add3A_357 = arith.constant 0 : i32
      %add3A_358 = arith.addi %add3A_356, %add3A_357 : i32
      %eq3A_359 = arith.constant 0 : i32
      %eq3A_360 = arith.cmpi eq, %arg0, %eq3A_359 : i32
      %convert_element_type3A_361 = arith.extui %eq3A_360 : i1 to i32
      %cond3A_362 = arith.constant 0 : i32
      %cond3A_363 = arith.cmpi ne, %convert_element_type3A_361, %cond3A_362 : i32
      scf.if %cond3A_363 {
        %dma_start3A_457 = arith.constant 0 : i32
        %dma_start3A_458 = tpu.memref_slice %arg9[%add3A_358, %dma_start3A_457] : memref<160x128xi32, #tpu.memory_space<vmem>> -> memref<1x128xi32, #tpu.memory_space<vmem>>
        %dma_start3A_459 = tpu.memref_squeeze %dma_start3A_458 : memref<1x128xi32, #tpu.memory_space<vmem>> -> memref<128xi32, #tpu.memory_space<vmem>>
        %dma_start3A_460 = arith.constant 0 : i32
        %dma_start3A_461 = arith.constant 0 : i32
        %dma_start3A_462 = tpu.memref_slice %arg4[%dma_start3A_460, %dma_start3A_461] : memref<10240x64xf32, #tpu.memory_space<hbm>> -> memref<10240x64xf32, #tpu.memory_space<hbm>>
        tpu.enqueue_indirect_dma source(%dma_start3A_462 : memref<10240x64xf32, #tpu.memory_space<hbm>>) target(%arg11 : memref<128x64xf32, #tpu.memory_space<vmem>>) offsets(%dma_start3A_459 : memref<128xi32, #tpu.memory_space<vmem>>) semaphore(%arg17 : memref<!tpu.dma_semaphore, #tpu.memory_space<semaphore_mem>>)
      } else {
      }
      %eq3A_364 = arith.constant 1 : i32
      %eq3A_365 = arith.cmpi eq, %arg0, %eq3A_364 : i32
      %convert_element_type3A_366 = arith.extui %eq3A_365 : i1 to i32
      %cond3A_367 = arith.constant 0 : i32
      %cond3A_368 = arith.cmpi ne, %convert_element_type3A_366, %cond3A_367 : i32
      scf.if %cond3A_368 {
        %dma_start3A_457 = arith.constant 0 : i32
        %dma_start3A_458 = tpu.memref_slice %arg9[%add3A_358, %dma_start3A_457] : memref<160x128xi32, #tpu.memory_space<vmem>> -> memref<1x128xi32, #tpu.memory_space<vmem>>
        %dma_start3A_459 = tpu.memref_squeeze %dma_start3A_458 : memref<1x128xi32, #tpu.memory_space<vmem>> -> memref<128xi32, #tpu.memory_space<vmem>>
        %dma_start3A_460 = arith.constant 0 : i32
        %dma_start3A_461 = arith.constant 0 : i32
        %dma_start3A_462 = tpu.memref_slice %arg5[%dma_start3A_460, %dma_start3A_461] : memref<10240x64xf32, #tpu.memory_space<hbm>> -> memref<10240x64xf32, #tpu.memory_space<hbm>>
        tpu.enqueue_indirect_dma source(%dma_start3A_462 : memref<10240x64xf32, #tpu.memory_space<hbm>>) target(%arg11 : memref<128x64xf32, #tpu.memory_space<vmem>>) offsets(%dma_start3A_459 : memref<128xi32, #tpu.memory_space<vmem>>) semaphore(%arg17 : memref<!tpu.dma_semaphore, #tpu.memory_space<semaphore_mem>>)
      } else {
      }
      %add3A_369 = arith.constant 1 : i32
      %add3A_370 = arith.addi %mul3A_246, %add3A_369 : i32
      %dma_wait3A_371 = arith.constant 0 : i32
      %dma_wait3A_372 = tpu.memref_slice %arg10[%add3A_370, %dma_wait3A_371] : memref<160x128xi32, #tpu.memory_space<vmem>> -> memref<1x128xi32, #tpu.memory_space<vmem>>
      %dma_wait3A_373 = tpu.memref_squeeze %dma_wait3A_372 : memref<1x128xi32, #tpu.memory_space<vmem>> -> memref<128xi32, #tpu.memory_space<vmem>>
      %dma_wait3A_374 = arith.constant 0 : i32
      %dma_wait3A_375 = arith.constant 0 : i32
      %dma_wait3A_376 = tpu.memref_slice %arg16[%dma_wait3A_374, %dma_wait3A_375] : memref<10240x64xf32, #tpu.memory_space<vmem_shared>> -> memref<10240x64xf32, #tpu.memory_space<vmem_shared>>
      tpu.wait_indirect_dma semaphore(%arg23 : memref<!tpu.dma_semaphore, #tpu.memory_space<semaphore_mem>>) src(%arg12 : memref<128x64xf32, #tpu.memory_space<vmem>>) dst(%dma_wait3A_376 : memref<10240x64xf32, #tpu.memory_space<vmem_shared>>)
      %add3A_377 = arith.constant 5 : i32
      %add3A_378 = arith.addi %mul3A_246, %add3A_377 : i32
      %add3A_379 = arith.constant 1 : i32
      %add3A_380 = arith.addi %add3A_378, %add3A_379 : i32
      %eq3A_381 = arith.constant 0 : i32
      %eq3A_382 = arith.cmpi eq, %arg0, %eq3A_381 : i32
      %convert_element_type3A_383 = arith.extui %eq3A_382 : i1 to i32
      %cond3A_384 = arith.constant 0 : i32
      %cond3A_385 = arith.cmpi ne, %convert_element_type3A_383, %cond3A_384 : i32
      scf.if %cond3A_385 {
        %dma_start3A_457 = arith.constant 0 : i32
        %dma_start3A_458 = tpu.memref_slice %arg9[%add3A_380, %dma_start3A_457] : memref<160x128xi32, #tpu.memory_space<vmem>> -> memref<1x128xi32, #tpu.memory_space<vmem>>
        %dma_start3A_459 = tpu.memref_squeeze %dma_start3A_458 : memref<1x128xi32, #tpu.memory_space<vmem>> -> memref<128xi32, #tpu.memory_space<vmem>>
        %dma_start3A_460 = arith.constant 0 : i32
        %dma_start3A_461 = arith.constant 0 : i32
        %dma_start3A_462 = tpu.memref_slice %arg4[%dma_start3A_460, %dma_start3A_461] : memref<10240x64xf32, #tpu.memory_space<hbm>> -> memref<10240x64xf32, #tpu.memory_space<hbm>>
        tpu.enqueue_indirect_dma source(%dma_start3A_462 : memref<10240x64xf32, #tpu.memory_space<hbm>>) target(%arg12 : memref<128x64xf32, #tpu.memory_space<vmem>>) offsets(%dma_start3A_459 : memref<128xi32, #tpu.memory_space<vmem>>) semaphore(%arg18 : memref<!tpu.dma_semaphore, #tpu.memory_space<semaphore_mem>>)
      } else {
      }
      %eq3A_386 = arith.constant 1 : i32
      %eq3A_387 = arith.cmpi eq, %arg0, %eq3A_386 : i32
      %convert_element_type3A_388 = arith.extui %eq3A_387 : i1 to i32
      %cond3A_389 = arith.constant 0 : i32
      %cond3A_390 = arith.cmpi ne, %convert_element_type3A_388, %cond3A_389 : i32
      scf.if %cond3A_390 {
        %dma_start3A_457 = arith.constant 0 : i32
        %dma_start3A_458 = tpu.memref_slice %arg9[%add3A_380, %dma_start3A_457] : memref<160x128xi32, #tpu.memory_space<vmem>> -> memref<1x128xi32, #tpu.memory_space<vmem>>
        %dma_start3A_459 = tpu.memref_squeeze %dma_start3A_458 : memref<1x128xi32, #tpu.memory_space<vmem>> -> memref<128xi32, #tpu.memory_space<vmem>>
        %dma_start3A_460 = arith.constant 0 : i32
        %dma_start3A_461 = arith.constant 0 : i32
        %dma_start3A_462 = tpu.memref_slice %arg5[%dma_start3A_460, %dma_start3A_461] : memref<10240x64xf32, #tpu.memory_space<hbm>> -> memref<10240x64xf32, #tpu.memory_space<hbm>>
        tpu.enqueue_indirect_dma source(%dma_start3A_462 : memref<10240x64xf32, #tpu.memory_space<hbm>>) target(%arg12 : memref<128x64xf32, #tpu.memory_space<vmem>>) offsets(%dma_start3A_459 : memref<128xi32, #tpu.memory_space<vmem>>) semaphore(%arg18 : memref<!tpu.dma_semaphore, #tpu.memory_space<semaphore_mem>>)
      } else {
      }
      %add3A_391 = arith.constant 2 : i32
      %add3A_392 = arith.addi %mul3A_246, %add3A_391 : i32
      %dma_wait3A_393 = arith.constant 0 : i32
      %dma_wait3A_394 = tpu.memref_slice %arg10[%add3A_392, %dma_wait3A_393] : memref<160x128xi32, #tpu.memory_space<vmem>> -> memref<1x128xi32, #tpu.memory_space<vmem>>
      %dma_wait3A_395 = tpu.memref_squeeze %dma_wait3A_394 : memref<1x128xi32, #tpu.memory_space<vmem>> -> memref<128xi32, #tpu.memory_space<vmem>>
      %dma_wait3A_396 = arith.constant 0 : i32
      %dma_wait3A_397 = arith.constant 0 : i32
      %dma_wait3A_398 = tpu.memref_slice %arg16[%dma_wait3A_396, %dma_wait3A_397] : memref<10240x64xf32, #tpu.memory_space<vmem_shared>> -> memref<10240x64xf32, #tpu.memory_space<vmem_shared>>
      tpu.wait_indirect_dma semaphore(%arg24 : memref<!tpu.dma_semaphore, #tpu.memory_space<semaphore_mem>>) src(%arg13 : memref<128x64xf32, #tpu.memory_space<vmem>>) dst(%dma_wait3A_398 : memref<10240x64xf32, #tpu.memory_space<vmem_shared>>)
      %add3A_399 = arith.constant 5 : i32
      %add3A_400 = arith.addi %mul3A_246, %add3A_399 : i32
      %add3A_401 = arith.constant 2 : i32
      %add3A_402 = arith.addi %add3A_400, %add3A_401 : i32
      %eq3A_403 = arith.constant 0 : i32
      %eq3A_404 = arith.cmpi eq, %arg0, %eq3A_403 : i32
      %convert_element_type3A_405 = arith.extui %eq3A_404 : i1 to i32
      %cond3A_406 = arith.constant 0 : i32
      %cond3A_407 = arith.cmpi ne, %convert_element_type3A_405, %cond3A_406 : i32
      scf.if %cond3A_407 {
        %dma_start3A_457 = arith.constant 0 : i32
        %dma_start3A_458 = tpu.memref_slice %arg9[%add3A_402, %dma_start3A_457] : memref<160x128xi32, #tpu.memory_space<vmem>> -> memref<1x128xi32, #tpu.memory_space<vmem>>
        %dma_start3A_459 = tpu.memref_squeeze %dma_start3A_458 : memref<1x128xi32, #tpu.memory_space<vmem>> -> memref<128xi32, #tpu.memory_space<vmem>>
        %dma_start3A_460 = arith.constant 0 : i32
        %dma_start3A_461 = arith.constant 0 : i32
        %dma_start3A_462 = tpu.memref_slice %arg4[%dma_start3A_460, %dma_start3A_461] : memref<10240x64xf32, #tpu.memory_space<hbm>> -> memref<10240x64xf32, #tpu.memory_space<hbm>>
        tpu.enqueue_indirect_dma source(%dma_start3A_462 : memref<10240x64xf32, #tpu.memory_space<hbm>>) target(%arg13 : memref<128x64xf32, #tpu.memory_space<vmem>>) offsets(%dma_start3A_459 : memref<128xi32, #tpu.memory_space<vmem>>) semaphore(%arg19 : memref<!tpu.dma_semaphore, #tpu.memory_space<semaphore_mem>>)
      } else {
      }
      %eq3A_408 = arith.constant 1 : i32
      %eq3A_409 = arith.cmpi eq, %arg0, %eq3A_408 : i32
      %convert_element_type3A_410 = arith.extui %eq3A_409 : i1 to i32
      %cond3A_411 = arith.constant 0 : i32
      %cond3A_412 = arith.cmpi ne, %convert_element_type3A_410, %cond3A_411 : i32
      scf.if %cond3A_412 {
        %dma_start3A_457 = arith.constant 0 : i32
        %dma_start3A_458 = tpu.memref_slice %arg9[%add3A_402, %dma_start3A_457] : memref<160x128xi32, #tpu.memory_space<vmem>> -> memref<1x128xi32, #tpu.memory_space<vmem>>
        %dma_start3A_459 = tpu.memref_squeeze %dma_start3A_458 : memref<1x128xi32, #tpu.memory_space<vmem>> -> memref<128xi32, #tpu.memory_space<vmem>>
        %dma_start3A_460 = arith.constant 0 : i32
        %dma_start3A_461 = arith.constant 0 : i32
        %dma_start3A_462 = tpu.memref_slice %arg5[%dma_start3A_460, %dma_start3A_461] : memref<10240x64xf32, #tpu.memory_space<hbm>> -> memref<10240x64xf32, #tpu.memory_space<hbm>>
        tpu.enqueue_indirect_dma source(%dma_start3A_462 : memref<10240x64xf32, #tpu.memory_space<hbm>>) target(%arg13 : memref<128x64xf32, #tpu.memory_space<vmem>>) offsets(%dma_start3A_459 : memref<128xi32, #tpu.memory_space<vmem>>) semaphore(%arg19 : memref<!tpu.dma_semaphore, #tpu.memory_space<semaphore_mem>>)
      } else {
      }
      %add3A_413 = arith.constant 3 : i32
      %add3A_414 = arith.addi %mul3A_246, %add3A_413 : i32
      %dma_wait3A_415 = arith.constant 0 : i32
      %dma_wait3A_416 = tpu.memref_slice %arg10[%add3A_414, %dma_wait3A_415] : memref<160x128xi32, #tpu.memory_space<vmem>> -> memref<1x128xi32, #tpu.memory_space<vmem>>
      %dma_wait3A_417 = tpu.memref_squeeze %dma_wait3A_416 : memref<1x128xi32, #tpu.memory_space<vmem>> -> memref<128xi32, #tpu.memory_space<vmem>>
      %dma_wait3A_418 = arith.constant 0 : i32
      %dma_wait3A_419 = arith.constant 0 : i32
      %dma_wait3A_420 = tpu.memref_slice %arg16[%dma_wait3A_418, %dma_wait3A_419] : memref<10240x64xf32, #tpu.memory_space<vmem_shared>> -> memref<10240x64xf32, #tpu.memory_space<vmem_shared>>
      tpu.wait_indirect_dma semaphore(%arg25 : memref<!tpu.dma_semaphore, #tpu.memory_space<semaphore_mem>>) src(%arg14 : memref<128x64xf32, #tpu.memory_space<vmem>>) dst(%dma_wait3A_420 : memref<10240x64xf32, #tpu.memory_space<vmem_shared>>)
      %add3A_421 = arith.constant 5 : i32
      %add3A_422 = arith.addi %mul3A_246, %add3A_421 : i32
      %add3A_423 = arith.constant 3 : i32
      %add3A_424 = arith.addi %add3A_422, %add3A_423 : i32
      %eq3A_425 = arith.constant 0 : i32
      %eq3A_426 = arith.cmpi eq, %arg0, %eq3A_425 : i32
      %convert_element_type3A_427 = arith.extui %eq3A_426 : i1 to i32
      %cond3A_428 = arith.constant 0 : i32
      %cond3A_429 = arith.cmpi ne, %convert_element_type3A_427, %cond3A_428 : i32
      scf.if %cond3A_429 {
        %dma_start3A_457 = arith.constant 0 : i32
        %dma_start3A_458 = tpu.memref_slice %arg9[%add3A_424, %dma_start3A_457] : memref<160x128xi32, #tpu.memory_space<vmem>> -> memref<1x128xi32, #tpu.memory_space<vmem>>
        %dma_start3A_459 = tpu.memref_squeeze %dma_start3A_458 : memref<1x128xi32, #tpu.memory_space<vmem>> -> memref<128xi32, #tpu.memory_space<vmem>>
        %dma_start3A_460 = arith.constant 0 : i32
        %dma_start3A_461 = arith.constant 0 : i32
        %dma_start3A_462 = tpu.memref_slice %arg4[%dma_start3A_460, %dma_start3A_461] : memref<10240x64xf32, #tpu.memory_space<hbm>> -> memref<10240x64xf32, #tpu.memory_space<hbm>>
        tpu.enqueue_indirect_dma source(%dma_start3A_462 : memref<10240x64xf32, #tpu.memory_space<hbm>>) target(%arg14 : memref<128x64xf32, #tpu.memory_space<vmem>>) offsets(%dma_start3A_459 : memref<128xi32, #tpu.memory_space<vmem>>) semaphore(%arg20 : memref<!tpu.dma_semaphore, #tpu.memory_space<semaphore_mem>>)
      } else {
      }
      %eq3A_430 = arith.constant 1 : i32
      %eq3A_431 = arith.cmpi eq, %arg0, %eq3A_430 : i32
      %convert_element_type3A_432 = arith.extui %eq3A_431 : i1 to i32
      %cond3A_433 = arith.constant 0 : i32
      %cond3A_434 = arith.cmpi ne, %convert_element_type3A_432, %cond3A_433 : i32
      scf.if %cond3A_434 {
        %dma_start3A_457 = arith.constant 0 : i32
        %dma_start3A_458 = tpu.memref_slice %arg9[%add3A_424, %dma_start3A_457] : memref<160x128xi32, #tpu.memory_space<vmem>> -> memref<1x128xi32, #tpu.memory_space<vmem>>
        %dma_start3A_459 = tpu.memref_squeeze %dma_start3A_458 : memref<1x128xi32, #tpu.memory_space<vmem>> -> memref<128xi32, #tpu.memory_space<vmem>>
        %dma_start3A_460 = arith.constant 0 : i32
        %dma_start3A_461 = arith.constant 0 : i32
        %dma_start3A_462 = tpu.memref_slice %arg5[%dma_start3A_460, %dma_start3A_461] : memref<10240x64xf32, #tpu.memory_space<hbm>> -> memref<10240x64xf32, #tpu.memory_space<hbm>>
        tpu.enqueue_indirect_dma source(%dma_start3A_462 : memref<10240x64xf32, #tpu.memory_space<hbm>>) target(%arg14 : memref<128x64xf32, #tpu.memory_space<vmem>>) offsets(%dma_start3A_459 : memref<128xi32, #tpu.memory_space<vmem>>) semaphore(%arg20 : memref<!tpu.dma_semaphore, #tpu.memory_space<semaphore_mem>>)
      } else {
      }
      %add3A_435 = arith.constant 4 : i32
      %add3A_436 = arith.addi %mul3A_246, %add3A_435 : i32
      %dma_wait3A_437 = arith.constant 0 : i32
      %dma_wait3A_438 = tpu.memref_slice %arg10[%add3A_436, %dma_wait3A_437] : memref<160x128xi32, #tpu.memory_space<vmem>> -> memref<1x128xi32, #tpu.memory_space<vmem>>
      %dma_wait3A_439 = tpu.memref_squeeze %dma_wait3A_438 : memref<1x128xi32, #tpu.memory_space<vmem>> -> memref<128xi32, #tpu.memory_space<vmem>>
      %dma_wait3A_440 = arith.constant 0 : i32
      %dma_wait3A_441 = arith.constant 0 : i32
      %dma_wait3A_442 = tpu.memref_slice %arg16[%dma_wait3A_440, %dma_wait3A_441] : memref<10240x64xf32, #tpu.memory_space<vmem_shared>> -> memref<10240x64xf32, #tpu.memory_space<vmem_shared>>
      tpu.wait_indirect_dma semaphore(%arg26 : memref<!tpu.dma_semaphore, #tpu.memory_space<semaphore_mem>>) src(%arg15 : memref<128x64xf32, #tpu.memory_space<vmem>>) dst(%dma_wait3A_442 : memref<10240x64xf32, #tpu.memory_space<vmem_shared>>)
      %add3A_443 = arith.constant 5 : i32
      %add3A_444 = arith.addi %mul3A_246, %add3A_443 : i32
      %add3A_445 = arith.constant 4 : i32
      %add3A_446 = arith.addi %add3A_444, %add3A_445 : i32
      %eq3A_447 = arith.constant 0 : i32
      %eq3A_448 = arith.cmpi eq, %arg0, %eq3A_447 : i32
      %convert_element_type3A_449 = arith.extui %eq3A_448 : i1 to i32
      %cond3A_450 = arith.constant 0 : i32
      %cond3A_451 = arith.cmpi ne, %convert_element_type3A_449, %cond3A_450 : i32
      scf.if %cond3A_451 {
        %dma_start3A_457 = arith.constant 0 : i32
        %dma_start3A_458 = tpu.memref_slice %arg9[%add3A_446, %dma_start3A_457] : memref<160x128xi32, #tpu.memory_space<vmem>> -> memref<1x128xi32, #tpu.memory_space<vmem>>
        %dma_start3A_459 = tpu.memref_squeeze %dma_start3A_458 : memref<1x128xi32, #tpu.memory_space<vmem>> -> memref<128xi32, #tpu.memory_space<vmem>>
        %dma_start3A_460 = arith.constant 0 : i32
        %dma_start3A_461 = arith.constant 0 : i32
        %dma_start3A_462 = tpu.memref_slice %arg4[%dma_start3A_460, %dma_start3A_461] : memref<10240x64xf32, #tpu.memory_space<hbm>> -> memref<10240x64xf32, #tpu.memory_space<hbm>>
        tpu.enqueue_indirect_dma source(%dma_start3A_462 : memref<10240x64xf32, #tpu.memory_space<hbm>>) target(%arg15 : memref<128x64xf32, #tpu.memory_space<vmem>>) offsets(%dma_start3A_459 : memref<128xi32, #tpu.memory_space<vmem>>) semaphore(%arg21 : memref<!tpu.dma_semaphore, #tpu.memory_space<semaphore_mem>>)
      } else {
      }
      %eq3A_452 = arith.constant 1 : i32
      %eq3A_453 = arith.cmpi eq, %arg0, %eq3A_452 : i32
      %convert_element_type3A_454 = arith.extui %eq3A_453 : i1 to i32
      %cond3A_455 = arith.constant 0 : i32
      %cond3A_456 = arith.cmpi ne, %convert_element_type3A_454, %cond3A_455 : i32
      scf.if %cond3A_456 {
        %dma_start3A_457 = arith.constant 0 : i32
        %dma_start3A_458 = tpu.memref_slice %arg9[%add3A_446, %dma_start3A_457] : memref<160x128xi32, #tpu.memory_space<vmem>> -> memref<1x128xi32, #tpu.memory_space<vmem>>
        %dma_start3A_459 = tpu.memref_squeeze %dma_start3A_458 : memref<1x128xi32, #tpu.memory_space<vmem>> -> memref<128xi32, #tpu.memory_space<vmem>>
        %dma_start3A_460 = arith.constant 0 : i32
        %dma_start3A_461 = arith.constant 0 : i32
        %dma_start3A_462 = tpu.memref_slice %arg5[%dma_start3A_460, %dma_start3A_461] : memref<10240x64xf32, #tpu.memory_space<hbm>> -> memref<10240x64xf32, #tpu.memory_space<hbm>>
        tpu.enqueue_indirect_dma source(%dma_start3A_462 : memref<10240x64xf32, #tpu.memory_space<hbm>>) target(%arg15 : memref<128x64xf32, #tpu.memory_space<vmem>>) offsets(%dma_start3A_459 : memref<128xi32, #tpu.memory_space<vmem>>) semaphore(%arg21 : memref<!tpu.dma_semaphore, #tpu.memory_space<semaphore_mem>>)
      } else {
      }
    }
    %scan3A_64 = arith.constant 31 : i32
    %eq3A_65 = arith.constant 0 : i32
    %eq3A_66 = arith.cmpi eq, %arg0, %eq3A_65 : i32
    %convert_element_type3A_67 = arith.extui %eq3A_66 : i1 to i32
    %cond3A_68 = arith.constant 0 : i32
    %cond3A_69 = arith.cmpi ne, %convert_element_type3A_67, %cond3A_68 : i32
    scf.if %cond3A_69 {
      %dma_wait3A_244 = arith.constant 155 : i32
      %dma_wait3A_245 = arith.constant 0 : i32
      %dma_wait3A_246 = tpu.memref_slice %arg9[%dma_wait3A_244, %dma_wait3A_245] : memref<160x128xi32, #tpu.memory_space<vmem>> -> memref<1x128xi32, #tpu.memory_space<vmem>>
      %dma_wait3A_247 = tpu.memref_squeeze %dma_wait3A_246 : memref<1x128xi32, #tpu.memory_space<vmem>> -> memref<128xi32, #tpu.memory_space<vmem>>
      %dma_wait3A_248 = arith.constant 0 : i32
      %dma_wait3A_249 = arith.constant 0 : i32
      %dma_wait3A_250 = tpu.memref_slice %arg4[%dma_wait3A_248, %dma_wait3A_249] : memref<10240x64xf32, #tpu.memory_space<hbm>> -> memref<10240x64xf32, #tpu.memory_space<hbm>>
      tpu.wait_indirect_dma semaphore(%arg17 : memref<!tpu.dma_semaphore, #tpu.memory_space<semaphore_mem>>) src(%dma_wait3A_250 : memref<10240x64xf32, #tpu.memory_space<hbm>>) dst(%arg11 : memref<128x64xf32, #tpu.memory_space<vmem>>)
    } else {
    }
    %eq3A_70 = arith.constant 1 : i32
    %eq3A_71 = arith.cmpi eq, %arg0, %eq3A_70 : i32
    %convert_element_type3A_72 = arith.extui %eq3A_71 : i1 to i32
    %cond3A_73 = arith.constant 0 : i32
    %cond3A_74 = arith.cmpi ne, %convert_element_type3A_72, %cond3A_73 : i32
    scf.if %cond3A_74 {
      %dma_wait3A_244 = arith.constant 155 : i32
      %dma_wait3A_245 = arith.constant 0 : i32
      %dma_wait3A_246 = tpu.memref_slice %arg9[%dma_wait3A_244, %dma_wait3A_245] : memref<160x128xi32, #tpu.memory_space<vmem>> -> memref<1x128xi32, #tpu.memory_space<vmem>>
      %dma_wait3A_247 = tpu.memref_squeeze %dma_wait3A_246 : memref<1x128xi32, #tpu.memory_space<vmem>> -> memref<128xi32, #tpu.memory_space<vmem>>
      %dma_wait3A_248 = arith.constant 0 : i32
      %dma_wait3A_249 = arith.constant 0 : i32
      %dma_wait3A_250 = tpu.memref_slice %arg5[%dma_wait3A_248, %dma_wait3A_249] : memref<10240x64xf32, #tpu.memory_space<hbm>> -> memref<10240x64xf32, #tpu.memory_space<hbm>>
      tpu.wait_indirect_dma semaphore(%arg17 : memref<!tpu.dma_semaphore, #tpu.memory_space<semaphore_mem>>) src(%dma_wait3A_250 : memref<10240x64xf32, #tpu.memory_space<hbm>>) dst(%arg11 : memref<128x64xf32, #tpu.memory_space<vmem>>)
    } else {
    }
    %dma_start3A = arith.constant 155 : i32
    %dma_start3A_75 = arith.constant 0 : i32
    %dma_start3A_76 = tpu.memref_slice %arg10[%dma_start3A, %dma_start3A_75] : memref<160x128xi32, #tpu.memory_space<vmem>> -> memref<1x128xi32, #tpu.memory_space<vmem>>
    %dma_start3A_77 = tpu.memref_squeeze %dma_start3A_76 : memref<1x128xi32, #tpu.memory_space<vmem>> -> memref<128xi32, #tpu.memory_space<vmem>>
    %dma_start3A_78 = arith.constant 0 : i32
    %dma_start3A_79 = arith.constant 0 : i32
    %dma_start3A_80 = tpu.memref_slice %arg16[%dma_start3A_78, %dma_start3A_79] : memref<10240x64xf32, #tpu.memory_space<vmem_shared>> -> memref<10240x64xf32, #tpu.memory_space<vmem_shared>>
    tpu.enqueue_indirect_dma source(%arg11 : memref<128x64xf32, #tpu.memory_space<vmem>>) target(%dma_start3A_80 : memref<10240x64xf32, #tpu.memory_space<vmem_shared>>) offsets(%dma_start3A_77 : memref<128xi32, #tpu.memory_space<vmem>>) semaphore(%arg22 : memref<!tpu.dma_semaphore, #tpu.memory_space<semaphore_mem>>) {add = true}
    %eq3A_81 = arith.constant 0 : i32
    %eq3A_82 = arith.cmpi eq, %arg0, %eq3A_81 : i32
    %convert_element_type3A_83 = arith.extui %eq3A_82 : i1 to i32
    %cond3A_84 = arith.constant 0 : i32
    %cond3A_85 = arith.cmpi ne, %convert_element_type3A_83, %cond3A_84 : i32
    scf.if %cond3A_85 {
      %dma_wait3A_244 = arith.constant 156 : i32
      %dma_wait3A_245 = arith.constant 0 : i32
      %dma_wait3A_246 = tpu.memref_slice %arg9[%dma_wait3A_244, %dma_wait3A_245] : memref<160x128xi32, #tpu.memory_space<vmem>> -> memref<1x128xi32, #tpu.memory_space<vmem>>
      %dma_wait3A_247 = tpu.memref_squeeze %dma_wait3A_246 : memref<1x128xi32, #tpu.memory_space<vmem>> -> memref<128xi32, #tpu.memory_space<vmem>>
      %dma_wait3A_248 = arith.constant 0 : i32
      %dma_wait3A_249 = arith.constant 0 : i32
      %dma_wait3A_250 = tpu.memref_slice %arg4[%dma_wait3A_248, %dma_wait3A_249] : memref<10240x64xf32, #tpu.memory_space<hbm>> -> memref<10240x64xf32, #tpu.memory_space<hbm>>
      tpu.wait_indirect_dma semaphore(%arg18 : memref<!tpu.dma_semaphore, #tpu.memory_space<semaphore_mem>>) src(%dma_wait3A_250 : memref<10240x64xf32, #tpu.memory_space<hbm>>) dst(%arg12 : memref<128x64xf32, #tpu.memory_space<vmem>>)
    } else {
    }
    %eq3A_86 = arith.constant 1 : i32
    %eq3A_87 = arith.cmpi eq, %arg0, %eq3A_86 : i32
    %convert_element_type3A_88 = arith.extui %eq3A_87 : i1 to i32
    %cond3A_89 = arith.constant 0 : i32
    %cond3A_90 = arith.cmpi ne, %convert_element_type3A_88, %cond3A_89 : i32
    scf.if %cond3A_90 {
      %dma_wait3A_244 = arith.constant 156 : i32
      %dma_wait3A_245 = arith.constant 0 : i32
      %dma_wait3A_246 = tpu.memref_slice %arg9[%dma_wait3A_244, %dma_wait3A_245] : memref<160x128xi32, #tpu.memory_space<vmem>> -> memref<1x128xi32, #tpu.memory_space<vmem>>
      %dma_wait3A_247 = tpu.memref_squeeze %dma_wait3A_246 : memref<1x128xi32, #tpu.memory_space<vmem>> -> memref<128xi32, #tpu.memory_space<vmem>>
      %dma_wait3A_248 = arith.constant 0 : i32
      %dma_wait3A_249 = arith.constant 0 : i32
      %dma_wait3A_250 = tpu.memref_slice %arg5[%dma_wait3A_248, %dma_wait3A_249] : memref<10240x64xf32, #tpu.memory_space<hbm>> -> memref<10240x64xf32, #tpu.memory_space<hbm>>
      tpu.wait_indirect_dma semaphore(%arg18 : memref<!tpu.dma_semaphore, #tpu.memory_space<semaphore_mem>>) src(%dma_wait3A_250 : memref<10240x64xf32, #tpu.memory_space<hbm>>) dst(%arg12 : memref<128x64xf32, #tpu.memory_space<vmem>>)
    } else {
    }
    %dma_start3A_91 = arith.constant 156 : i32
    %dma_start3A_92 = arith.constant 0 : i32
    %dma_start3A_93 = tpu.memref_slice %arg10[%dma_start3A_91, %dma_start3A_92] : memref<160x128xi32, #tpu.memory_space<vmem>> -> memref<1x128xi32, #tpu.memory_space<vmem>>
    %dma_start3A_94 = tpu.memref_squeeze %dma_start3A_93 : memref<1x128xi32, #tpu.memory_space<vmem>> -> memref<128xi32, #tpu.memory_space<vmem>>
    %dma_start3A_95 = arith.constant 0 : i32
    %dma_start3A_96 = arith.constant 0 : i32
    %dma_start3A_97 = tpu.memref_slice %arg16[%dma_start3A_95, %dma_start3A_96] : memref<10240x64xf32, #tpu.memory_space<vmem_shared>> -> memref<10240x64xf32, #tpu.memory_space<vmem_shared>>
    tpu.enqueue_indirect_dma source(%arg12 : memref<128x64xf32, #tpu.memory_space<vmem>>) target(%dma_start3A_97 : memref<10240x64xf32, #tpu.memory_space<vmem_shared>>) offsets(%dma_start3A_94 : memref<128xi32, #tpu.memory_space<vmem>>) semaphore(%arg23 : memref<!tpu.dma_semaphore, #tpu.memory_space<semaphore_mem>>) {add = true}
    %eq3A_98 = arith.constant 0 : i32
    %eq3A_99 = arith.cmpi eq, %arg0, %eq3A_98 : i32
    %convert_element_type3A_100 = arith.extui %eq3A_99 : i1 to i32
    %cond3A_101 = arith.constant 0 : i32
    %cond3A_102 = arith.cmpi ne, %convert_element_type3A_100, %cond3A_101 : i32
    scf.if %cond3A_102 {
      %dma_wait3A_244 = arith.constant 157 : i32
      %dma_wait3A_245 = arith.constant 0 : i32
      %dma_wait3A_246 = tpu.memref_slice %arg9[%dma_wait3A_244, %dma_wait3A_245] : memref<160x128xi32, #tpu.memory_space<vmem>> -> memref<1x128xi32, #tpu.memory_space<vmem>>
      %dma_wait3A_247 = tpu.memref_squeeze %dma_wait3A_246 : memref<1x128xi32, #tpu.memory_space<vmem>> -> memref<128xi32, #tpu.memory_space<vmem>>
      %dma_wait3A_248 = arith.constant 0 : i32
      %dma_wait3A_249 = arith.constant 0 : i32
      %dma_wait3A_250 = tpu.memref_slice %arg4[%dma_wait3A_248, %dma_wait3A_249] : memref<10240x64xf32, #tpu.memory_space<hbm>> -> memref<10240x64xf32, #tpu.memory_space<hbm>>
      tpu.wait_indirect_dma semaphore(%arg19 : memref<!tpu.dma_semaphore, #tpu.memory_space<semaphore_mem>>) src(%dma_wait3A_250 : memref<10240x64xf32, #tpu.memory_space<hbm>>) dst(%arg13 : memref<128x64xf32, #tpu.memory_space<vmem>>)
    } else {
    }
    %eq3A_103 = arith.constant 1 : i32
    %eq3A_104 = arith.cmpi eq, %arg0, %eq3A_103 : i32
    %convert_element_type3A_105 = arith.extui %eq3A_104 : i1 to i32
    %cond3A_106 = arith.constant 0 : i32
    %cond3A_107 = arith.cmpi ne, %convert_element_type3A_105, %cond3A_106 : i32
    scf.if %cond3A_107 {
      %dma_wait3A_244 = arith.constant 157 : i32
      %dma_wait3A_245 = arith.constant 0 : i32
      %dma_wait3A_246 = tpu.memref_slice %arg9[%dma_wait3A_244, %dma_wait3A_245] : memref<160x128xi32, #tpu.memory_space<vmem>> -> memref<1x128xi32, #tpu.memory_space<vmem>>
      %dma_wait3A_247 = tpu.memref_squeeze %dma_wait3A_246 : memref<1x128xi32, #tpu.memory_space<vmem>> -> memref<128xi32, #tpu.memory_space<vmem>>
      %dma_wait3A_248 = arith.constant 0 : i32
      %dma_wait3A_249 = arith.constant 0 : i32
      %dma_wait3A_250 = tpu.memref_slice %arg5[%dma_wait3A_248, %dma_wait3A_249] : memref<10240x64xf32, #tpu.memory_space<hbm>> -> memref<10240x64xf32, #tpu.memory_space<hbm>>
      tpu.wait_indirect_dma semaphore(%arg19 : memref<!tpu.dma_semaphore, #tpu.memory_space<semaphore_mem>>) src(%dma_wait3A_250 : memref<10240x64xf32, #tpu.memory_space<hbm>>) dst(%arg13 : memref<128x64xf32, #tpu.memory_space<vmem>>)
    } else {
    }
    %dma_start3A_108 = arith.constant 157 : i32
    %dma_start3A_109 = arith.constant 0 : i32
    %dma_start3A_110 = tpu.memref_slice %arg10[%dma_start3A_108, %dma_start3A_109] : memref<160x128xi32, #tpu.memory_space<vmem>> -> memref<1x128xi32, #tpu.memory_space<vmem>>
    %dma_start3A_111 = tpu.memref_squeeze %dma_start3A_110 : memref<1x128xi32, #tpu.memory_space<vmem>> -> memref<128xi32, #tpu.memory_space<vmem>>
    %dma_start3A_112 = arith.constant 0 : i32
    %dma_start3A_113 = arith.constant 0 : i32
    %dma_start3A_114 = tpu.memref_slice %arg16[%dma_start3A_112, %dma_start3A_113] : memref<10240x64xf32, #tpu.memory_space<vmem_shared>> -> memref<10240x64xf32, #tpu.memory_space<vmem_shared>>
    tpu.enqueue_indirect_dma source(%arg13 : memref<128x64xf32, #tpu.memory_space<vmem>>) target(%dma_start3A_114 : memref<10240x64xf32, #tpu.memory_space<vmem_shared>>) offsets(%dma_start3A_111 : memref<128xi32, #tpu.memory_space<vmem>>) semaphore(%arg24 : memref<!tpu.dma_semaphore, #tpu.memory_space<semaphore_mem>>) {add = true}
    %eq3A_115 = arith.constant 0 : i32
    %eq3A_116 = arith.cmpi eq, %arg0, %eq3A_115 : i32
    %convert_element_type3A_117 = arith.extui %eq3A_116 : i1 to i32
    %cond3A_118 = arith.constant 0 : i32
    %cond3A_119 = arith.cmpi ne, %convert_element_type3A_117, %cond3A_118 : i32
    scf.if %cond3A_119 {
      %dma_wait3A_244 = arith.constant 158 : i32
      %dma_wait3A_245 = arith.constant 0 : i32
      %dma_wait3A_246 = tpu.memref_slice %arg9[%dma_wait3A_244, %dma_wait3A_245] : memref<160x128xi32, #tpu.memory_space<vmem>> -> memref<1x128xi32, #tpu.memory_space<vmem>>
      %dma_wait3A_247 = tpu.memref_squeeze %dma_wait3A_246 : memref<1x128xi32, #tpu.memory_space<vmem>> -> memref<128xi32, #tpu.memory_space<vmem>>
      %dma_wait3A_248 = arith.constant 0 : i32
      %dma_wait3A_249 = arith.constant 0 : i32
      %dma_wait3A_250 = tpu.memref_slice %arg4[%dma_wait3A_248, %dma_wait3A_249] : memref<10240x64xf32, #tpu.memory_space<hbm>> -> memref<10240x64xf32, #tpu.memory_space<hbm>>
      tpu.wait_indirect_dma semaphore(%arg20 : memref<!tpu.dma_semaphore, #tpu.memory_space<semaphore_mem>>) src(%dma_wait3A_250 : memref<10240x64xf32, #tpu.memory_space<hbm>>) dst(%arg14 : memref<128x64xf32, #tpu.memory_space<vmem>>)
    } else {
    }
    %eq3A_120 = arith.constant 1 : i32
    %eq3A_121 = arith.cmpi eq, %arg0, %eq3A_120 : i32
    %convert_element_type3A_122 = arith.extui %eq3A_121 : i1 to i32
    %cond3A_123 = arith.constant 0 : i32
    %cond3A_124 = arith.cmpi ne, %convert_element_type3A_122, %cond3A_123 : i32
    scf.if %cond3A_124 {
      %dma_wait3A_244 = arith.constant 158 : i32
      %dma_wait3A_245 = arith.constant 0 : i32
      %dma_wait3A_246 = tpu.memref_slice %arg9[%dma_wait3A_244, %dma_wait3A_245] : memref<160x128xi32, #tpu.memory_space<vmem>> -> memref<1x128xi32, #tpu.memory_space<vmem>>
      %dma_wait3A_247 = tpu.memref_squeeze %dma_wait3A_246 : memref<1x128xi32, #tpu.memory_space<vmem>> -> memref<128xi32, #tpu.memory_space<vmem>>
      %dma_wait3A_248 = arith.constant 0 : i32
      %dma_wait3A_249 = arith.constant 0 : i32
      %dma_wait3A_250 = tpu.memref_slice %arg5[%dma_wait3A_248, %dma_wait3A_249] : memref<10240x64xf32, #tpu.memory_space<hbm>> -> memref<10240x64xf32, #tpu.memory_space<hbm>>
      tpu.wait_indirect_dma semaphore(%arg20 : memref<!tpu.dma_semaphore, #tpu.memory_space<semaphore_mem>>) src(%dma_wait3A_250 : memref<10240x64xf32, #tpu.memory_space<hbm>>) dst(%arg14 : memref<128x64xf32, #tpu.memory_space<vmem>>)
    } else {
    }
    %dma_start3A_125 = arith.constant 158 : i32
    %dma_start3A_126 = arith.constant 0 : i32
    %dma_start3A_127 = tpu.memref_slice %arg10[%dma_start3A_125, %dma_start3A_126] : memref<160x128xi32, #tpu.memory_space<vmem>> -> memref<1x128xi32, #tpu.memory_space<vmem>>
    %dma_start3A_128 = tpu.memref_squeeze %dma_start3A_127 : memref<1x128xi32, #tpu.memory_space<vmem>> -> memref<128xi32, #tpu.memory_space<vmem>>
    %dma_start3A_129 = arith.constant 0 : i32
    %dma_start3A_130 = arith.constant 0 : i32
    %dma_start3A_131 = tpu.memref_slice %arg16[%dma_start3A_129, %dma_start3A_130] : memref<10240x64xf32, #tpu.memory_space<vmem_shared>> -> memref<10240x64xf32, #tpu.memory_space<vmem_shared>>
    tpu.enqueue_indirect_dma source(%arg14 : memref<128x64xf32, #tpu.memory_space<vmem>>) target(%dma_start3A_131 : memref<10240x64xf32, #tpu.memory_space<vmem_shared>>) offsets(%dma_start3A_128 : memref<128xi32, #tpu.memory_space<vmem>>) semaphore(%arg25 : memref<!tpu.dma_semaphore, #tpu.memory_space<semaphore_mem>>) {add = true}
    %eq3A_132 = arith.constant 0 : i32
    %eq3A_133 = arith.cmpi eq, %arg0, %eq3A_132 : i32
    %convert_element_type3A_134 = arith.extui %eq3A_133 : i1 to i32
    %cond3A_135 = arith.constant 0 : i32
    %cond3A_136 = arith.cmpi ne, %convert_element_type3A_134, %cond3A_135 : i32
    scf.if %cond3A_136 {
      %dma_wait3A_244 = arith.constant 159 : i32
      %dma_wait3A_245 = arith.constant 0 : i32
      %dma_wait3A_246 = tpu.memref_slice %arg9[%dma_wait3A_244, %dma_wait3A_245] : memref<160x128xi32, #tpu.memory_space<vmem>> -> memref<1x128xi32, #tpu.memory_space<vmem>>
      %dma_wait3A_247 = tpu.memref_squeeze %dma_wait3A_246 : memref<1x128xi32, #tpu.memory_space<vmem>> -> memref<128xi32, #tpu.memory_space<vmem>>
      %dma_wait3A_248 = arith.constant 0 : i32
      %dma_wait3A_249 = arith.constant 0 : i32
      %dma_wait3A_250 = tpu.memref_slice %arg4[%dma_wait3A_248, %dma_wait3A_249] : memref<10240x64xf32, #tpu.memory_space<hbm>> -> memref<10240x64xf32, #tpu.memory_space<hbm>>
      tpu.wait_indirect_dma semaphore(%arg21 : memref<!tpu.dma_semaphore, #tpu.memory_space<semaphore_mem>>) src(%dma_wait3A_250 : memref<10240x64xf32, #tpu.memory_space<hbm>>) dst(%arg15 : memref<128x64xf32, #tpu.memory_space<vmem>>)
    } else {
    }
    %eq3A_137 = arith.constant 1 : i32
    %eq3A_138 = arith.cmpi eq, %arg0, %eq3A_137 : i32
    %convert_element_type3A_139 = arith.extui %eq3A_138 : i1 to i32
    %cond3A_140 = arith.constant 0 : i32
    %cond3A_141 = arith.cmpi ne, %convert_element_type3A_139, %cond3A_140 : i32
    scf.if %cond3A_141 {
      %dma_wait3A_244 = arith.constant 159 : i32
      %dma_wait3A_245 = arith.constant 0 : i32
      %dma_wait3A_246 = tpu.memref_slice %arg9[%dma_wait3A_244, %dma_wait3A_245] : memref<160x128xi32, #tpu.memory_space<vmem>> -> memref<1x128xi32, #tpu.memory_space<vmem>>
      %dma_wait3A_247 = tpu.memref_squeeze %dma_wait3A_246 : memref<1x128xi32, #tpu.memory_space<vmem>> -> memref<128xi32, #tpu.memory_space<vmem>>
      %dma_wait3A_248 = arith.constant 0 : i32
      %dma_wait3A_249 = arith.constant 0 : i32
      %dma_wait3A_250 = tpu.memref_slice %arg5[%dma_wait3A_248, %dma_wait3A_249] : memref<10240x64xf32, #tpu.memory_space<hbm>> -> memref<10240x64xf32, #tpu.memory_space<hbm>>
      tpu.wait_indirect_dma semaphore(%arg21 : memref<!tpu.dma_semaphore, #tpu.memory_space<semaphore_mem>>) src(%dma_wait3A_250 : memref<10240x64xf32, #tpu.memory_space<hbm>>) dst(%arg15 : memref<128x64xf32, #tpu.memory_space<vmem>>)
    } else {
    }
    %dma_start3A_142 = arith.constant 159 : i32
    %dma_start3A_143 = arith.constant 0 : i32
    %dma_start3A_144 = tpu.memref_slice %arg10[%dma_start3A_142, %dma_start3A_143] : memref<160x128xi32, #tpu.memory_space<vmem>> -> memref<1x128xi32, #tpu.memory_space<vmem>>
    %dma_start3A_145 = tpu.memref_squeeze %dma_start3A_144 : memref<1x128xi32, #tpu.memory_space<vmem>> -> memref<128xi32, #tpu.memory_space<vmem>>
    %dma_start3A_146 = arith.constant 0 : i32
    %dma_start3A_147 = arith.constant 0 : i32
    %dma_start3A_148 = tpu.memref_slice %arg16[%dma_start3A_146, %dma_start3A_147] : memref<10240x64xf32, #tpu.memory_space<vmem_shared>> -> memref<10240x64xf32, #tpu.memory_space<vmem_shared>>
    tpu.enqueue_indirect_dma source(%arg15 : memref<128x64xf32, #tpu.memory_space<vmem>>) target(%dma_start3A_148 : memref<10240x64xf32, #tpu.memory_space<vmem_shared>>) offsets(%dma_start3A_145 : memref<128xi32, #tpu.memory_space<vmem>>) semaphore(%arg26 : memref<!tpu.dma_semaphore, #tpu.memory_space<semaphore_mem>>) {add = true}
    %dma_wait3A = arith.constant 155 : i32
    %dma_wait3A_149 = arith.constant 0 : i32
    %dma_wait3A_150 = tpu.memref_slice %arg10[%dma_wait3A, %dma_wait3A_149] : memref<160x128xi32, #tpu.memory_space<vmem>> -> memref<1x128xi32, #tpu.memory_space<vmem>>
    %dma_wait3A_151 = tpu.memref_squeeze %dma_wait3A_150 : memref<1x128xi32, #tpu.memory_space<vmem>> -> memref<128xi32, #tpu.memory_space<vmem>>
    %dma_wait3A_152 = arith.constant 0 : i32
    %dma_wait3A_153 = arith.constant 0 : i32
    %dma_wait3A_154 = tpu.memref_slice %arg16[%dma_wait3A_152, %dma_wait3A_153] : memref<10240x64xf32, #tpu.memory_space<vmem_shared>> -> memref<10240x64xf32, #tpu.memory_space<vmem_shared>>
    tpu.wait_indirect_dma semaphore(%arg22 : memref<!tpu.dma_semaphore, #tpu.memory_space<semaphore_mem>>) src(%arg11 : memref<128x64xf32, #tpu.memory_space<vmem>>) dst(%dma_wait3A_154 : memref<10240x64xf32, #tpu.memory_space<vmem_shared>>)
    %dma_wait3A_155 = arith.constant 156 : i32
    %dma_wait3A_156 = arith.constant 0 : i32
    %dma_wait3A_157 = tpu.memref_slice %arg10[%dma_wait3A_155, %dma_wait3A_156] : memref<160x128xi32, #tpu.memory_space<vmem>> -> memref<1x128xi32, #tpu.memory_space<vmem>>
    %dma_wait3A_158 = tpu.memref_squeeze %dma_wait3A_157 : memref<1x128xi32, #tpu.memory_space<vmem>> -> memref<128xi32, #tpu.memory_space<vmem>>
    %dma_wait3A_159 = arith.constant 0 : i32
    %dma_wait3A_160 = arith.constant 0 : i32
    %dma_wait3A_161 = tpu.memref_slice %arg16[%dma_wait3A_159, %dma_wait3A_160] : memref<10240x64xf32, #tpu.memory_space<vmem_shared>> -> memref<10240x64xf32, #tpu.memory_space<vmem_shared>>
    tpu.wait_indirect_dma semaphore(%arg23 : memref<!tpu.dma_semaphore, #tpu.memory_space<semaphore_mem>>) src(%arg12 : memref<128x64xf32, #tpu.memory_space<vmem>>) dst(%dma_wait3A_161 : memref<10240x64xf32, #tpu.memory_space<vmem_shared>>)
    %dma_wait3A_162 = arith.constant 157 : i32
    %dma_wait3A_163 = arith.constant 0 : i32
    %dma_wait3A_164 = tpu.memref_slice %arg10[%dma_wait3A_162, %dma_wait3A_163] : memref<160x128xi32, #tpu.memory_space<vmem>> -> memref<1x128xi32, #tpu.memory_space<vmem>>
    %dma_wait3A_165 = tpu.memref_squeeze %dma_wait3A_164 : memref<1x128xi32, #tpu.memory_space<vmem>> -> memref<128xi32, #tpu.memory_space<vmem>>
    %dma_wait3A_166 = arith.constant 0 : i32
    %dma_wait3A_167 = arith.constant 0 : i32
    %dma_wait3A_168 = tpu.memref_slice %arg16[%dma_wait3A_166, %dma_wait3A_167] : memref<10240x64xf32, #tpu.memory_space<vmem_shared>> -> memref<10240x64xf32, #tpu.memory_space<vmem_shared>>
    tpu.wait_indirect_dma semaphore(%arg24 : memref<!tpu.dma_semaphore, #tpu.memory_space<semaphore_mem>>) src(%arg13 : memref<128x64xf32, #tpu.memory_space<vmem>>) dst(%dma_wait3A_168 : memref<10240x64xf32, #tpu.memory_space<vmem_shared>>)
    %dma_wait3A_169 = arith.constant 158 : i32
    %dma_wait3A_170 = arith.constant 0 : i32
    %dma_wait3A_171 = tpu.memref_slice %arg10[%dma_wait3A_169, %dma_wait3A_170] : memref<160x128xi32, #tpu.memory_space<vmem>> -> memref<1x128xi32, #tpu.memory_space<vmem>>
    %dma_wait3A_172 = tpu.memref_squeeze %dma_wait3A_171 : memref<1x128xi32, #tpu.memory_space<vmem>> -> memref<128xi32, #tpu.memory_space<vmem>>
    %dma_wait3A_173 = arith.constant 0 : i32
    %dma_wait3A_174 = arith.constant 0 : i32
    %dma_wait3A_175 = tpu.memref_slice %arg16[%dma_wait3A_173, %dma_wait3A_174] : memref<10240x64xf32, #tpu.memory_space<vmem_shared>> -> memref<10240x64xf32, #tpu.memory_space<vmem_shared>>
    tpu.wait_indirect_dma semaphore(%arg25 : memref<!tpu.dma_semaphore, #tpu.memory_space<semaphore_mem>>) src(%arg14 : memref<128x64xf32, #tpu.memory_space<vmem>>) dst(%dma_wait3A_175 : memref<10240x64xf32, #tpu.memory_space<vmem_shared>>)
    %dma_wait3A_176 = arith.constant 159 : i32
    %dma_wait3A_177 = arith.constant 0 : i32
    %dma_wait3A_178 = tpu.memref_slice %arg10[%dma_wait3A_176, %dma_wait3A_177] : memref<160x128xi32, #tpu.memory_space<vmem>> -> memref<1x128xi32, #tpu.memory_space<vmem>>
    %dma_wait3A_179 = tpu.memref_squeeze %dma_wait3A_178 : memref<1x128xi32, #tpu.memory_space<vmem>> -> memref<128xi32, #tpu.memory_space<vmem>>
    %dma_wait3A_180 = arith.constant 0 : i32
    %dma_wait3A_181 = arith.constant 0 : i32
    %dma_wait3A_182 = tpu.memref_slice %arg16[%dma_wait3A_180, %dma_wait3A_181] : memref<10240x64xf32, #tpu.memory_space<vmem_shared>> -> memref<10240x64xf32, #tpu.memory_space<vmem_shared>>
    tpu.wait_indirect_dma semaphore(%arg26 : memref<!tpu.dma_semaphore, #tpu.memory_space<semaphore_mem>>) src(%arg15 : memref<128x64xf32, #tpu.memory_space<vmem>>) dst(%dma_wait3A_182 : memref<10240x64xf32, #tpu.memory_space<vmem_shared>>)
    %barrier3A_183 = arith.constant 0 : index
    tpu.barrier barrier_id(%barrier3A_183)
    %add3A_184 = arith.constant 0 : i32
    %add3A_185 = arith.addi %mul3A_0, %add3A_184 : i32
    "tpu.region"() ({
      %run_scoped3A = tpu.sem_alloc : memref<!tpu.dma_semaphore, #tpu.memory_space<semaphore_mem>>
      %dma_start3A_244 = arith.constant 0 : i32
      %dma_start3A_245 = tpu.memref_slice %arg16[%add3A_185, %dma_start3A_244] : memref<10240x64xf32, #tpu.memory_space<vmem_shared>> -> memref<128x64xf32, #tpu.memory_space<vmem_shared>>
      %dma_start3A_246 = arith.constant 0 : i32
      %dma_start3A_247 = tpu.memref_slice %arg16[%add3A_185, %dma_start3A_246] : memref<10240x64xf32, #tpu.memory_space<vmem_shared>> -> memref<128x64xf32, #tpu.memory_space<vmem_shared>>
      tpu.enqueue_dma source(%dma_start3A_247 : memref<128x64xf32, #tpu.memory_space<vmem_shared>>) target(%arg11 : memref<128x64xf32, #tpu.memory_space<vmem>>) target_semaphore(%run_scoped3A : memref<!tpu.dma_semaphore, #tpu.memory_space<semaphore_mem>>)
      %dma_wait3A_248 = arith.constant 0 : i32
      %dma_wait3A_249 = tpu.memref_slice %arg16[%add3A_185, %dma_wait3A_248] : memref<10240x64xf32, #tpu.memory_space<vmem_shared>> -> memref<128x64xf32, #tpu.memory_space<vmem_shared>>
      %dma_wait3A_250 = arith.constant 0 : i32
      %dma_wait3A_251 = tpu.memref_slice %arg16[%add3A_185, %dma_wait3A_250] : memref<10240x64xf32, #tpu.memory_space<vmem_shared>> -> memref<128x64xf32, #tpu.memory_space<vmem_shared>>
      tpu.wait_dma2 semaphore(%run_scoped3A : memref<!tpu.dma_semaphore, #tpu.memory_space<semaphore_mem>>) src(%dma_wait3A_251 : memref<128x64xf32, #tpu.memory_space<vmem_shared>>) dst(%arg11 : memref<128x64xf32, #tpu.memory_space<vmem>>)
      tpu.yield
    }) : () -> ()
    %eq3A_186 = arith.constant 0 : i32
    %eq3A_187 = arith.cmpi eq, %arg0, %eq3A_186 : i32
    %convert_element_type3A_188 = arith.extui %eq3A_187 : i1 to i32
    %cond3A_189 = arith.constant 0 : i32
    %cond3A_190 = arith.cmpi ne, %convert_element_type3A_188, %cond3A_189 : i32
    scf.if %cond3A_190 {
      %add3A_244 = arith.constant 0 : i32
      %add3A_245 = arith.addi %mul3A_0, %add3A_244 : i32
      "tpu.region"() ({
        %run_scoped3A = tpu.sem_alloc : memref<!tpu.dma_semaphore, #tpu.memory_space<semaphore_mem>>
        %dma_start3A_246 = arith.constant 0 : i32
        %dma_start3A_247 = tpu.memref_slice %arg7[%add3A_245, %dma_start3A_246] : memref<10240x64xf32, #tpu.memory_space<hbm>> -> memref<128x64xf32, #tpu.memory_space<hbm>>
        %dma_start3A_248 = arith.constant 0 : i32
        %dma_start3A_249 = tpu.memref_slice %arg7[%add3A_245, %dma_start3A_248] : memref<10240x64xf32, #tpu.memory_space<hbm>> -> memref<128x64xf32, #tpu.memory_space<hbm>>
        tpu.enqueue_dma source(%arg11 : memref<128x64xf32, #tpu.memory_space<vmem>>) target(%dma_start3A_249 : memref<128x64xf32, #tpu.memory_space<hbm>>) target_semaphore(%run_scoped3A : memref<!tpu.dma_semaphore, #tpu.memory_space<semaphore_mem>>)
        %dma_wait3A_250 = arith.constant 0 : i32
        %dma_wait3A_251 = tpu.memref_slice %arg7[%add3A_245, %dma_wait3A_250] : memref<10240x64xf32, #tpu.memory_space<hbm>> -> memref<128x64xf32, #tpu.memory_space<hbm>>
        %dma_wait3A_252 = arith.constant 0 : i32
        %dma_wait3A_253 = tpu.memref_slice %arg7[%add3A_245, %dma_wait3A_252] : memref<10240x64xf32, #tpu.memory_space<hbm>> -> memref<128x64xf32, #tpu.memory_space<hbm>>
        tpu.wait_dma2 semaphore(%run_scoped3A : memref<!tpu.dma_semaphore, #tpu.memory_space<semaphore_mem>>) src(%arg11 : memref<128x64xf32, #tpu.memory_space<vmem>>) dst(%dma_wait3A_253 : memref<128x64xf32, #tpu.memory_space<hbm>>)
        tpu.yield
      }) : () -> ()
    } else {
    }
    %eq3A_191 = arith.constant 1 : i32
    %eq3A_192 = arith.cmpi eq, %arg0, %eq3A_191 : i32
    %convert_element_type3A_193 = arith.extui %eq3A_192 : i1 to i32
    %cond3A_194 = arith.constant 0 : i32
    %cond3A_195 = arith.cmpi ne, %convert_element_type3A_193, %cond3A_194 : i32
    scf.if %cond3A_195 {
      %add3A_244 = arith.constant 0 : i32
      %add3A_245 = arith.addi %mul3A_0, %add3A_244 : i32
      "tpu.region"() ({
        %run_scoped3A = tpu.sem_alloc : memref<!tpu.dma_semaphore, #tpu.memory_space<semaphore_mem>>
        %dma_start3A_246 = arith.constant 0 : i32
        %dma_start3A_247 = tpu.memref_slice %arg8[%add3A_245, %dma_start3A_246] : memref<10240x64xf32, #tpu.memory_space<hbm>> -> memref<128x64xf32, #tpu.memory_space<hbm>>
        %dma_start3A_248 = arith.constant 0 : i32
        %dma_start3A_249 = tpu.memref_slice %arg8[%add3A_245, %dma_start3A_248] : memref<10240x64xf32, #tpu.memory_space<hbm>> -> memref<128x64xf32, #tpu.memory_space<hbm>>
        tpu.enqueue_dma source(%arg11 : memref<128x64xf32, #tpu.memory_space<vmem>>) target(%dma_start3A_249 : memref<128x64xf32, #tpu.memory_space<hbm>>) target_semaphore(%run_scoped3A : memref<!tpu.dma_semaphore, #tpu.memory_space<semaphore_mem>>)
        %dma_wait3A_250 = arith.constant 0 : i32
        %dma_wait3A_251 = tpu.memref_slice %arg8[%add3A_245, %dma_wait3A_250] : memref<10240x64xf32, #tpu.memory_space<hbm>> -> memref<128x64xf32, #tpu.memory_space<hbm>>
        %dma_wait3A_252 = arith.constant 0 : i32
        %dma_wait3A_253 = tpu.memref_slice %arg8[%add3A_245, %dma_wait3A_252] : memref<10240x64xf32, #tpu.memory_space<hbm>> -> memref<128x64xf32, #tpu.memory_space<hbm>>
        tpu.wait_dma2 semaphore(%run_scoped3A : memref<!tpu.dma_semaphore, #tpu.memory_space<semaphore_mem>>) src(%arg11 : memref<128x64xf32, #tpu.memory_space<vmem>>) dst(%dma_wait3A_253 : memref<128x64xf32, #tpu.memory_space<hbm>>)
        tpu.yield
      }) : () -> ()
    } else {
    }
    %add3A_196 = arith.constant 128 : i32
    %add3A_197 = arith.addi %mul3A_0, %add3A_196 : i32
    "tpu.region"() ({
      %run_scoped3A = tpu.sem_alloc : memref<!tpu.dma_semaphore, #tpu.memory_space<semaphore_mem>>
      %dma_start3A_244 = arith.constant 0 : i32
      %dma_start3A_245 = tpu.memref_slice %arg16[%add3A_197, %dma_start3A_244] : memref<10240x64xf32, #tpu.memory_space<vmem_shared>> -> memref<128x64xf32, #tpu.memory_space<vmem_shared>>
      %dma_start3A_246 = arith.constant 0 : i32
      %dma_start3A_247 = tpu.memref_slice %arg16[%add3A_197, %dma_start3A_246] : memref<10240x64xf32, #tpu.memory_space<vmem_shared>> -> memref<128x64xf32, #tpu.memory_space<vmem_shared>>
      tpu.enqueue_dma source(%dma_start3A_247 : memref<128x64xf32, #tpu.memory_space<vmem_shared>>) target(%arg12 : memref<128x64xf32, #tpu.memory_space<vmem>>) target_semaphore(%run_scoped3A : memref<!tpu.dma_semaphore, #tpu.memory_space<semaphore_mem>>)
      %dma_wait3A_248 = arith.constant 0 : i32
      %dma_wait3A_249 = tpu.memref_slice %arg16[%add3A_197, %dma_wait3A_248] : memref<10240x64xf32, #tpu.memory_space<vmem_shared>> -> memref<128x64xf32, #tpu.memory_space<vmem_shared>>
      %dma_wait3A_250 = arith.constant 0 : i32
      %dma_wait3A_251 = tpu.memref_slice %arg16[%add3A_197, %dma_wait3A_250] : memref<10240x64xf32, #tpu.memory_space<vmem_shared>> -> memref<128x64xf32, #tpu.memory_space<vmem_shared>>
      tpu.wait_dma2 semaphore(%run_scoped3A : memref<!tpu.dma_semaphore, #tpu.memory_space<semaphore_mem>>) src(%dma_wait3A_251 : memref<128x64xf32, #tpu.memory_space<vmem_shared>>) dst(%arg12 : memref<128x64xf32, #tpu.memory_space<vmem>>)
      tpu.yield
    }) : () -> ()
    %eq3A_198 = arith.constant 0 : i32
    %eq3A_199 = arith.cmpi eq, %arg0, %eq3A_198 : i32
    %convert_element_type3A_200 = arith.extui %eq3A_199 : i1 to i32
    %cond3A_201 = arith.constant 0 : i32
    %cond3A_202 = arith.cmpi ne, %convert_element_type3A_200, %cond3A_201 : i32
    scf.if %cond3A_202 {
      %add3A_244 = arith.constant 128 : i32
      %add3A_245 = arith.addi %mul3A_0, %add3A_244 : i32
      "tpu.region"() ({
        %run_scoped3A = tpu.sem_alloc : memref<!tpu.dma_semaphore, #tpu.memory_space<semaphore_mem>>
        %dma_start3A_246 = arith.constant 0 : i32
        %dma_start3A_247 = tpu.memref_slice %arg7[%add3A_245, %dma_start3A_246] : memref<10240x64xf32, #tpu.memory_space<hbm>> -> memref<128x64xf32, #tpu.memory_space<hbm>>
        %dma_start3A_248 = arith.constant 0 : i32
        %dma_start3A_249 = tpu.memref_slice %arg7[%add3A_245, %dma_start3A_248] : memref<10240x64xf32, #tpu.memory_space<hbm>> -> memref<128x64xf32, #tpu.memory_space<hbm>>
        tpu.enqueue_dma source(%arg12 : memref<128x64xf32, #tpu.memory_space<vmem>>) target(%dma_start3A_249 : memref<128x64xf32, #tpu.memory_space<hbm>>) target_semaphore(%run_scoped3A : memref<!tpu.dma_semaphore, #tpu.memory_space<semaphore_mem>>)
        %dma_wait3A_250 = arith.constant 0 : i32
        %dma_wait3A_251 = tpu.memref_slice %arg7[%add3A_245, %dma_wait3A_250] : memref<10240x64xf32, #tpu.memory_space<hbm>> -> memref<128x64xf32, #tpu.memory_space<hbm>>
        %dma_wait3A_252 = arith.constant 0 : i32
        %dma_wait3A_253 = tpu.memref_slice %arg7[%add3A_245, %dma_wait3A_252] : memref<10240x64xf32, #tpu.memory_space<hbm>> -> memref<128x64xf32, #tpu.memory_space<hbm>>
        tpu.wait_dma2 semaphore(%run_scoped3A : memref<!tpu.dma_semaphore, #tpu.memory_space<semaphore_mem>>) src(%arg12 : memref<128x64xf32, #tpu.memory_space<vmem>>) dst(%dma_wait3A_253 : memref<128x64xf32, #tpu.memory_space<hbm>>)
        tpu.yield
      }) : () -> ()
    } else {
    }
    %eq3A_203 = arith.constant 1 : i32
    %eq3A_204 = arith.cmpi eq, %arg0, %eq3A_203 : i32
    %convert_element_type3A_205 = arith.extui %eq3A_204 : i1 to i32
    %cond3A_206 = arith.constant 0 : i32
    %cond3A_207 = arith.cmpi ne, %convert_element_type3A_205, %cond3A_206 : i32
    scf.if %cond3A_207 {
      %add3A_244 = arith.constant 128 : i32
      %add3A_245 = arith.addi %mul3A_0, %add3A_244 : i32
      "tpu.region"() ({
        %run_scoped3A = tpu.sem_alloc : memref<!tpu.dma_semaphore, #tpu.memory_space<semaphore_mem>>
        %dma_start3A_246 = arith.constant 0 : i32
        %dma_start3A_247 = tpu.memref_slice %arg8[%add3A_245, %dma_start3A_246] : memref<10240x64xf32, #tpu.memory_space<hbm>> -> memref<128x64xf32, #tpu.memory_space<hbm>>
        %dma_start3A_248 = arith.constant 0 : i32
        %dma_start3A_249 = tpu.memref_slice %arg8[%add3A_245, %dma_start3A_248] : memref<10240x64xf32, #tpu.memory_space<hbm>> -> memref<128x64xf32, #tpu.memory_space<hbm>>
        tpu.enqueue_dma source(%arg12 : memref<128x64xf32, #tpu.memory_space<vmem>>) target(%dma_start3A_249 : memref<128x64xf32, #tpu.memory_space<hbm>>) target_semaphore(%run_scoped3A : memref<!tpu.dma_semaphore, #tpu.memory_space<semaphore_mem>>)
        %dma_wait3A_250 = arith.constant 0 : i32
        %dma_wait3A_251 = tpu.memref_slice %arg8[%add3A_245, %dma_wait3A_250] : memref<10240x64xf32, #tpu.memory_space<hbm>> -> memref<128x64xf32, #tpu.memory_space<hbm>>
        %dma_wait3A_252 = arith.constant 0 : i32
        %dma_wait3A_253 = tpu.memref_slice %arg8[%add3A_245, %dma_wait3A_252] : memref<10240x64xf32, #tpu.memory_space<hbm>> -> memref<128x64xf32, #tpu.memory_space<hbm>>
        tpu.wait_dma2 semaphore(%run_scoped3A : memref<!tpu.dma_semaphore, #tpu.memory_space<semaphore_mem>>) src(%arg12 : memref<128x64xf32, #tpu.memory_space<vmem>>) dst(%dma_wait3A_253 : memref<128x64xf32, #tpu.memory_space<hbm>>)
        tpu.yield
      }) : () -> ()
    } else {
    }
    %add3A_208 = arith.constant 256 : i32
    %add3A_209 = arith.addi %mul3A_0, %add3A_208 : i32
    "tpu.region"() ({
      %run_scoped3A = tpu.sem_alloc : memref<!tpu.dma_semaphore, #tpu.memory_space<semaphore_mem>>
      %dma_start3A_244 = arith.constant 0 : i32
      %dma_start3A_245 = tpu.memref_slice %arg16[%add3A_209, %dma_start3A_244] : memref<10240x64xf32, #tpu.memory_space<vmem_shared>> -> memref<128x64xf32, #tpu.memory_space<vmem_shared>>
      %dma_start3A_246 = arith.constant 0 : i32
      %dma_start3A_247 = tpu.memref_slice %arg16[%add3A_209, %dma_start3A_246] : memref<10240x64xf32, #tpu.memory_space<vmem_shared>> -> memref<128x64xf32, #tpu.memory_space<vmem_shared>>
      tpu.enqueue_dma source(%dma_start3A_247 : memref<128x64xf32, #tpu.memory_space<vmem_shared>>) target(%arg13 : memref<128x64xf32, #tpu.memory_space<vmem>>) target_semaphore(%run_scoped3A : memref<!tpu.dma_semaphore, #tpu.memory_space<semaphore_mem>>)
      %dma_wait3A_248 = arith.constant 0 : i32
      %dma_wait3A_249 = tpu.memref_slice %arg16[%add3A_209, %dma_wait3A_248] : memref<10240x64xf32, #tpu.memory_space<vmem_shared>> -> memref<128x64xf32, #tpu.memory_space<vmem_shared>>
      %dma_wait3A_250 = arith.constant 0 : i32
      %dma_wait3A_251 = tpu.memref_slice %arg16[%add3A_209, %dma_wait3A_250] : memref<10240x64xf32, #tpu.memory_space<vmem_shared>> -> memref<128x64xf32, #tpu.memory_space<vmem_shared>>
      tpu.wait_dma2 semaphore(%run_scoped3A : memref<!tpu.dma_semaphore, #tpu.memory_space<semaphore_mem>>) src(%dma_wait3A_251 : memref<128x64xf32, #tpu.memory_space<vmem_shared>>) dst(%arg13 : memref<128x64xf32, #tpu.memory_space<vmem>>)
      tpu.yield
    }) : () -> ()
    %eq3A_210 = arith.constant 0 : i32
    %eq3A_211 = arith.cmpi eq, %arg0, %eq3A_210 : i32
    %convert_element_type3A_212 = arith.extui %eq3A_211 : i1 to i32
    %cond3A_213 = arith.constant 0 : i32
    %cond3A_214 = arith.cmpi ne, %convert_element_type3A_212, %cond3A_213 : i32
    scf.if %cond3A_214 {
      %add3A_244 = arith.constant 256 : i32
      %add3A_245 = arith.addi %mul3A_0, %add3A_244 : i32
      "tpu.region"() ({
        %run_scoped3A = tpu.sem_alloc : memref<!tpu.dma_semaphore, #tpu.memory_space<semaphore_mem>>
        %dma_start3A_246 = arith.constant 0 : i32
        %dma_start3A_247 = tpu.memref_slice %arg7[%add3A_245, %dma_start3A_246] : memref<10240x64xf32, #tpu.memory_space<hbm>> -> memref<128x64xf32, #tpu.memory_space<hbm>>
        %dma_start3A_248 = arith.constant 0 : i32
        %dma_start3A_249 = tpu.memref_slice %arg7[%add3A_245, %dma_start3A_248] : memref<10240x64xf32, #tpu.memory_space<hbm>> -> memref<128x64xf32, #tpu.memory_space<hbm>>
        tpu.enqueue_dma source(%arg13 : memref<128x64xf32, #tpu.memory_space<vmem>>) target(%dma_start3A_249 : memref<128x64xf32, #tpu.memory_space<hbm>>) target_semaphore(%run_scoped3A : memref<!tpu.dma_semaphore, #tpu.memory_space<semaphore_mem>>)
        %dma_wait3A_250 = arith.constant 0 : i32
        %dma_wait3A_251 = tpu.memref_slice %arg7[%add3A_245, %dma_wait3A_250] : memref<10240x64xf32, #tpu.memory_space<hbm>> -> memref<128x64xf32, #tpu.memory_space<hbm>>
        %dma_wait3A_252 = arith.constant 0 : i32
        %dma_wait3A_253 = tpu.memref_slice %arg7[%add3A_245, %dma_wait3A_252] : memref<10240x64xf32, #tpu.memory_space<hbm>> -> memref<128x64xf32, #tpu.memory_space<hbm>>
        tpu.wait_dma2 semaphore(%run_scoped3A : memref<!tpu.dma_semaphore, #tpu.memory_space<semaphore_mem>>) src(%arg13 : memref<128x64xf32, #tpu.memory_space<vmem>>) dst(%dma_wait3A_253 : memref<128x64xf32, #tpu.memory_space<hbm>>)
        tpu.yield
      }) : () -> ()
    } else {
    }
    %eq3A_215 = arith.constant 1 : i32
    %eq3A_216 = arith.cmpi eq, %arg0, %eq3A_215 : i32
    %convert_element_type3A_217 = arith.extui %eq3A_216 : i1 to i32
    %cond3A_218 = arith.constant 0 : i32
    %cond3A_219 = arith.cmpi ne, %convert_element_type3A_217, %cond3A_218 : i32
    scf.if %cond3A_219 {
      %add3A_244 = arith.constant 256 : i32
      %add3A_245 = arith.addi %mul3A_0, %add3A_244 : i32
      "tpu.region"() ({
        %run_scoped3A = tpu.sem_alloc : memref<!tpu.dma_semaphore, #tpu.memory_space<semaphore_mem>>
        %dma_start3A_246 = arith.constant 0 : i32
        %dma_start3A_247 = tpu.memref_slice %arg8[%add3A_245, %dma_start3A_246] : memref<10240x64xf32, #tpu.memory_space<hbm>> -> memref<128x64xf32, #tpu.memory_space<hbm>>
        %dma_start3A_248 = arith.constant 0 : i32
        %dma_start3A_249 = tpu.memref_slice %arg8[%add3A_245, %dma_start3A_248] : memref<10240x64xf32, #tpu.memory_space<hbm>> -> memref<128x64xf32, #tpu.memory_space<hbm>>
        tpu.enqueue_dma source(%arg13 : memref<128x64xf32, #tpu.memory_space<vmem>>) target(%dma_start3A_249 : memref<128x64xf32, #tpu.memory_space<hbm>>) target_semaphore(%run_scoped3A : memref<!tpu.dma_semaphore, #tpu.memory_space<semaphore_mem>>)
        %dma_wait3A_250 = arith.constant 0 : i32
        %dma_wait3A_251 = tpu.memref_slice %arg8[%add3A_245, %dma_wait3A_250] : memref<10240x64xf32, #tpu.memory_space<hbm>> -> memref<128x64xf32, #tpu.memory_space<hbm>>
        %dma_wait3A_252 = arith.constant 0 : i32
        %dma_wait3A_253 = tpu.memref_slice %arg8[%add3A_245, %dma_wait3A_252] : memref<10240x64xf32, #tpu.memory_space<hbm>> -> memref<128x64xf32, #tpu.memory_space<hbm>>
        tpu.wait_dma2 semaphore(%run_scoped3A : memref<!tpu.dma_semaphore, #tpu.memory_space<semaphore_mem>>) src(%arg13 : memref<128x64xf32, #tpu.memory_space<vmem>>) dst(%dma_wait3A_253 : memref<128x64xf32, #tpu.memory_space<hbm>>)
        tpu.yield
      }) : () -> ()
    } else {
    }
    %add3A_220 = arith.constant 384 : i32
    %add3A_221 = arith.addi %mul3A_0, %add3A_220 : i32
    "tpu.region"() ({
      %run_scoped3A = tpu.sem_alloc : memref<!tpu.dma_semaphore, #tpu.memory_space<semaphore_mem>>
      %dma_start3A_244 = arith.constant 0 : i32
      %dma_start3A_245 = tpu.memref_slice %arg16[%add3A_221, %dma_start3A_244] : memref<10240x64xf32, #tpu.memory_space<vmem_shared>> -> memref<128x64xf32, #tpu.memory_space<vmem_shared>>
      %dma_start3A_246 = arith.constant 0 : i32
      %dma_start3A_247 = tpu.memref_slice %arg16[%add3A_221, %dma_start3A_246] : memref<10240x64xf32, #tpu.memory_space<vmem_shared>> -> memref<128x64xf32, #tpu.memory_space<vmem_shared>>
      tpu.enqueue_dma source(%dma_start3A_247 : memref<128x64xf32, #tpu.memory_space<vmem_shared>>) target(%arg14 : memref<128x64xf32, #tpu.memory_space<vmem>>) target_semaphore(%run_scoped3A : memref<!tpu.dma_semaphore, #tpu.memory_space<semaphore_mem>>)
      %dma_wait3A_248 = arith.constant 0 : i32
      %dma_wait3A_249 = tpu.memref_slice %arg16[%add3A_221, %dma_wait3A_248] : memref<10240x64xf32, #tpu.memory_space<vmem_shared>> -> memref<128x64xf32, #tpu.memory_space<vmem_shared>>
      %dma_wait3A_250 = arith.constant 0 : i32
      %dma_wait3A_251 = tpu.memref_slice %arg16[%add3A_221, %dma_wait3A_250] : memref<10240x64xf32, #tpu.memory_space<vmem_shared>> -> memref<128x64xf32, #tpu.memory_space<vmem_shared>>
      tpu.wait_dma2 semaphore(%run_scoped3A : memref<!tpu.dma_semaphore, #tpu.memory_space<semaphore_mem>>) src(%dma_wait3A_251 : memref<128x64xf32, #tpu.memory_space<vmem_shared>>) dst(%arg14 : memref<128x64xf32, #tpu.memory_space<vmem>>)
      tpu.yield
    }) : () -> ()
    %eq3A_222 = arith.constant 0 : i32
    %eq3A_223 = arith.cmpi eq, %arg0, %eq3A_222 : i32
    %convert_element_type3A_224 = arith.extui %eq3A_223 : i1 to i32
    %cond3A_225 = arith.constant 0 : i32
    %cond3A_226 = arith.cmpi ne, %convert_element_type3A_224, %cond3A_225 : i32
    scf.if %cond3A_226 {
      %add3A_244 = arith.constant 384 : i32
      %add3A_245 = arith.addi %mul3A_0, %add3A_244 : i32
      "tpu.region"() ({
        %run_scoped3A = tpu.sem_alloc : memref<!tpu.dma_semaphore, #tpu.memory_space<semaphore_mem>>
        %dma_start3A_246 = arith.constant 0 : i32
        %dma_start3A_247 = tpu.memref_slice %arg7[%add3A_245, %dma_start3A_246] : memref<10240x64xf32, #tpu.memory_space<hbm>> -> memref<128x64xf32, #tpu.memory_space<hbm>>
        %dma_start3A_248 = arith.constant 0 : i32
        %dma_start3A_249 = tpu.memref_slice %arg7[%add3A_245, %dma_start3A_248] : memref<10240x64xf32, #tpu.memory_space<hbm>> -> memref<128x64xf32, #tpu.memory_space<hbm>>
        tpu.enqueue_dma source(%arg14 : memref<128x64xf32, #tpu.memory_space<vmem>>) target(%dma_start3A_249 : memref<128x64xf32, #tpu.memory_space<hbm>>) target_semaphore(%run_scoped3A : memref<!tpu.dma_semaphore, #tpu.memory_space<semaphore_mem>>)
        %dma_wait3A_250 = arith.constant 0 : i32
        %dma_wait3A_251 = tpu.memref_slice %arg7[%add3A_245, %dma_wait3A_250] : memref<10240x64xf32, #tpu.memory_space<hbm>> -> memref<128x64xf32, #tpu.memory_space<hbm>>
        %dma_wait3A_252 = arith.constant 0 : i32
        %dma_wait3A_253 = tpu.memref_slice %arg7[%add3A_245, %dma_wait3A_252] : memref<10240x64xf32, #tpu.memory_space<hbm>> -> memref<128x64xf32, #tpu.memory_space<hbm>>
        tpu.wait_dma2 semaphore(%run_scoped3A : memref<!tpu.dma_semaphore, #tpu.memory_space<semaphore_mem>>) src(%arg14 : memref<128x64xf32, #tpu.memory_space<vmem>>) dst(%dma_wait3A_253 : memref<128x64xf32, #tpu.memory_space<hbm>>)
        tpu.yield
      }) : () -> ()
    } else {
    }
    %eq3A_227 = arith.constant 1 : i32
    %eq3A_228 = arith.cmpi eq, %arg0, %eq3A_227 : i32
    %convert_element_type3A_229 = arith.extui %eq3A_228 : i1 to i32
    %cond3A_230 = arith.constant 0 : i32
    %cond3A_231 = arith.cmpi ne, %convert_element_type3A_229, %cond3A_230 : i32
    scf.if %cond3A_231 {
      %add3A_244 = arith.constant 384 : i32
      %add3A_245 = arith.addi %mul3A_0, %add3A_244 : i32
      "tpu.region"() ({
        %run_scoped3A = tpu.sem_alloc : memref<!tpu.dma_semaphore, #tpu.memory_space<semaphore_mem>>
        %dma_start3A_246 = arith.constant 0 : i32
        %dma_start3A_247 = tpu.memref_slice %arg8[%add3A_245, %dma_start3A_246] : memref<10240x64xf32, #tpu.memory_space<hbm>> -> memref<128x64xf32, #tpu.memory_space<hbm>>
        %dma_start3A_248 = arith.constant 0 : i32
        %dma_start3A_249 = tpu.memref_slice %arg8[%add3A_245, %dma_start3A_248] : memref<10240x64xf32, #tpu.memory_space<hbm>> -> memref<128x64xf32, #tpu.memory_space<hbm>>
        tpu.enqueue_dma source(%arg14 : memref<128x64xf32, #tpu.memory_space<vmem>>) target(%dma_start3A_249 : memref<128x64xf32, #tpu.memory_space<hbm>>) target_semaphore(%run_scoped3A : memref<!tpu.dma_semaphore, #tpu.memory_space<semaphore_mem>>)
        %dma_wait3A_250 = arith.constant 0 : i32
        %dma_wait3A_251 = tpu.memref_slice %arg8[%add3A_245, %dma_wait3A_250] : memref<10240x64xf32, #tpu.memory_space<hbm>> -> memref<128x64xf32, #tpu.memory_space<hbm>>
        %dma_wait3A_252 = arith.constant 0 : i32
        %dma_wait3A_253 = tpu.memref_slice %arg8[%add3A_245, %dma_wait3A_252] : memref<10240x64xf32, #tpu.memory_space<hbm>> -> memref<128x64xf32, #tpu.memory_space<hbm>>
        tpu.wait_dma2 semaphore(%run_scoped3A : memref<!tpu.dma_semaphore, #tpu.memory_space<semaphore_mem>>) src(%arg14 : memref<128x64xf32, #tpu.memory_space<vmem>>) dst(%dma_wait3A_253 : memref<128x64xf32, #tpu.memory_space<hbm>>)
        tpu.yield
      }) : () -> ()
    } else {
    }
    %add3A_232 = arith.constant 512 : i32
    %add3A_233 = arith.addi %mul3A_0, %add3A_232 : i32
    "tpu.region"() ({
      %run_scoped3A = tpu.sem_alloc : memref<!tpu.dma_semaphore, #tpu.memory_space<semaphore_mem>>
      %dma_start3A_244 = arith.constant 0 : i32
      %dma_start3A_245 = tpu.memref_slice %arg16[%add3A_233, %dma_start3A_244] : memref<10240x64xf32, #tpu.memory_space<vmem_shared>> -> memref<128x64xf32, #tpu.memory_space<vmem_shared>>
      %dma_start3A_246 = arith.constant 0 : i32
      %dma_start3A_247 = tpu.memref_slice %arg16[%add3A_233, %dma_start3A_246] : memref<10240x64xf32, #tpu.memory_space<vmem_shared>> -> memref<128x64xf32, #tpu.memory_space<vmem_shared>>
      tpu.enqueue_dma source(%dma_start3A_247 : memref<128x64xf32, #tpu.memory_space<vmem_shared>>) target(%arg15 : memref<128x64xf32, #tpu.memory_space<vmem>>) target_semaphore(%run_scoped3A : memref<!tpu.dma_semaphore, #tpu.memory_space<semaphore_mem>>)
      %dma_wait3A_248 = arith.constant 0 : i32
      %dma_wait3A_249 = tpu.memref_slice %arg16[%add3A_233, %dma_wait3A_248] : memref<10240x64xf32, #tpu.memory_space<vmem_shared>> -> memref<128x64xf32, #tpu.memory_space<vmem_shared>>
      %dma_wait3A_250 = arith.constant 0 : i32
      %dma_wait3A_251 = tpu.memref_slice %arg16[%add3A_233, %dma_wait3A_250] : memref<10240x64xf32, #tpu.memory_space<vmem_shared>> -> memref<128x64xf32, #tpu.memory_space<vmem_shared>>
      tpu.wait_dma2 semaphore(%run_scoped3A : memref<!tpu.dma_semaphore, #tpu.memory_space<semaphore_mem>>) src(%dma_wait3A_251 : memref<128x64xf32, #tpu.memory_space<vmem_shared>>) dst(%arg15 : memref<128x64xf32, #tpu.memory_space<vmem>>)
      tpu.yield
    }) : () -> ()
    %eq3A_234 = arith.constant 0 : i32
    %eq3A_235 = arith.cmpi eq, %arg0, %eq3A_234 : i32
    %convert_element_type3A_236 = arith.extui %eq3A_235 : i1 to i32
    %cond3A_237 = arith.constant 0 : i32
    %cond3A_238 = arith.cmpi ne, %convert_element_type3A_236, %cond3A_237 : i32
    scf.if %cond3A_238 {
      %add3A_244 = arith.constant 512 : i32
      %add3A_245 = arith.addi %mul3A_0, %add3A_244 : i32
      "tpu.region"() ({
        %run_scoped3A = tpu.sem_alloc : memref<!tpu.dma_semaphore, #tpu.memory_space<semaphore_mem>>
        %dma_start3A_246 = arith.constant 0 : i32
        %dma_start3A_247 = tpu.memref_slice %arg7[%add3A_245, %dma_start3A_246] : memref<10240x64xf32, #tpu.memory_space<hbm>> -> memref<128x64xf32, #tpu.memory_space<hbm>>
        %dma_start3A_248 = arith.constant 0 : i32
        %dma_start3A_249 = tpu.memref_slice %arg7[%add3A_245, %dma_start3A_248] : memref<10240x64xf32, #tpu.memory_space<hbm>> -> memref<128x64xf32, #tpu.memory_space<hbm>>
        tpu.enqueue_dma source(%arg15 : memref<128x64xf32, #tpu.memory_space<vmem>>) target(%dma_start3A_249 : memref<128x64xf32, #tpu.memory_space<hbm>>) target_semaphore(%run_scoped3A : memref<!tpu.dma_semaphore, #tpu.memory_space<semaphore_mem>>)
        %dma_wait3A_250 = arith.constant 0 : i32
        %dma_wait3A_251 = tpu.memref_slice %arg7[%add3A_245, %dma_wait3A_250] : memref<10240x64xf32, #tpu.memory_space<hbm>> -> memref<128x64xf32, #tpu.memory_space<hbm>>
        %dma_wait3A_252 = arith.constant 0 : i32
        %dma_wait3A_253 = tpu.memref_slice %arg7[%add3A_245, %dma_wait3A_252] : memref<10240x64xf32, #tpu.memory_space<hbm>> -> memref<128x64xf32, #tpu.memory_space<hbm>>
        tpu.wait_dma2 semaphore(%run_scoped3A : memref<!tpu.dma_semaphore, #tpu.memory_space<semaphore_mem>>) src(%arg15 : memref<128x64xf32, #tpu.memory_space<vmem>>) dst(%dma_wait3A_253 : memref<128x64xf32, #tpu.memory_space<hbm>>)
        tpu.yield
      }) : () -> ()
    } else {
    }
    %eq3A_239 = arith.constant 1 : i32
    %eq3A_240 = arith.cmpi eq, %arg0, %eq3A_239 : i32
    %convert_element_type3A_241 = arith.extui %eq3A_240 : i1 to i32
    %cond3A_242 = arith.constant 0 : i32
    %cond3A_243 = arith.cmpi ne, %convert_element_type3A_241, %cond3A_242 : i32
    scf.if %cond3A_243 {
      %add3A_244 = arith.constant 512 : i32
      %add3A_245 = arith.addi %mul3A_0, %add3A_244 : i32
      "tpu.region"() ({
        %run_scoped3A = tpu.sem_alloc : memref<!tpu.dma_semaphore, #tpu.memory_space<semaphore_mem>>
        %dma_start3A_246 = arith.constant 0 : i32
        %dma_start3A_247 = tpu.memref_slice %arg8[%add3A_245, %dma_start3A_246] : memref<10240x64xf32, #tpu.memory_space<hbm>> -> memref<128x64xf32, #tpu.memory_space<hbm>>
        %dma_start3A_248 = arith.constant 0 : i32
        %dma_start3A_249 = tpu.memref_slice %arg8[%add3A_245, %dma_start3A_248] : memref<10240x64xf32, #tpu.memory_space<hbm>> -> memref<128x64xf32, #tpu.memory_space<hbm>>
        tpu.enqueue_dma source(%arg15 : memref<128x64xf32, #tpu.memory_space<vmem>>) target(%dma_start3A_249 : memref<128x64xf32, #tpu.memory_space<hbm>>) target_semaphore(%run_scoped3A : memref<!tpu.dma_semaphore, #tpu.memory_space<semaphore_mem>>)
        %dma_wait3A_250 = arith.constant 0 : i32
        %dma_wait3A_251 = tpu.memref_slice %arg8[%add3A_245, %dma_wait3A_250] : memref<10240x64xf32, #tpu.memory_space<hbm>> -> memref<128x64xf32, #tpu.memory_space<hbm>>
        %dma_wait3A_252 = arith.constant 0 : i32
        %dma_wait3A_253 = tpu.memref_slice %arg8[%add3A_245, %dma_wait3A_252] : memref<10240x64xf32, #tpu.memory_space<hbm>> -> memref<128x64xf32, #tpu.memory_space<hbm>>
        tpu.wait_dma2 semaphore(%run_scoped3A : memref<!tpu.dma_semaphore, #tpu.memory_space<semaphore_mem>>) src(%arg15 : memref<128x64xf32, #tpu.memory_space<vmem>>) dst(%dma_wait3A_253 : memref<128x64xf32, #tpu.memory_space<hbm>>)
        tpu.yield
      }) : () -> ()
    } else {
    }
    return
  }
}

module attributes {stable_mosaic.version = 14 : i64} {
  func.func @_tc_h1_body(%arg0: memref<2x10240x1xf32, #tpu.memory_space<vmem>>, %arg1: memref<10240x1xf32, #tpu.memory_space<vmem>>, %arg2: memref<10240x1xf32, #tpu.memory_space<vmem>>, %arg3: memref<1x128xf32, #tpu.memory_space<vmem>>, %arg4: memref<1x128xf32, #tpu.memory_space<vmem>>, %arg5: memref<10240x64xf32, #tpu.memory_space<vmem>>, %arg6: memref<10240x64xf32, #tpu.memory_space<vmem>>, %arg7: memref<10240x1xf32, #tpu.memory_space<vmem>>) attributes {dimension_semantics = [], scalar_prefetch = 0 : i64, scratch_operands = 0 : i64, tpu.core_type = #tpu.core_type<tc>} {
    %get3A = arith.constant 0 : index
    %get3A_0 = arith.constant 0 : index
    %get3A_1 = vector.load %arg1[%get3A, %get3A_0] : memref<10240x1xf32, #tpu.memory_space<vmem>>, vector<10240x1xf32>
    %max3A = arith.constant 1.000000e+00 : f32
    %max3A_2 = vector.broadcast %max3A : f32 to vector<10240x1xf32>
    %max3A_3 = arith.maximumf %get3A_1, %max3A_2 : vector<10240x1xf32>
    %rsqrt3A = math.rsqrt %max3A_3 : vector<10240x1xf32>
    %get3A_4 = arith.constant 0 : index
    %get3A_5 = arith.constant 0 : index
    %get3A_6 = vector.load %arg2[%get3A_4, %get3A_5] : memref<10240x1xf32, #tpu.memory_space<vmem>>, vector<10240x1xf32>
    %max3A_7 = arith.constant 1.000000e+00 : f32
    %max3A_8 = vector.broadcast %max3A_7 : f32 to vector<10240x1xf32>
    %max3A_9 = arith.maximumf %get3A_6, %max3A_8 : vector<10240x1xf32>
    %rsqrt3A_10 = math.rsqrt %max3A_9 : vector<10240x1xf32>
    %get3A_11 = arith.constant 0 : index
    %get3A_12 = arith.constant 0 : index
    %get3A_13 = arith.constant 0 : index
    %get3A_14 = vector.load %arg0[%get3A_11, %get3A_12, %get3A_13] : memref<2x10240x1xf32, #tpu.memory_space<vmem>>, vector<2x10240x1xf32>
    %reduce_sum3A = arith.constant dense<0.000000e+00> : vector<10240x1xf32>
    %reduce_sum3A_15 = vector.multi_reduction <add>, %get3A_14, %reduce_sum3A [0] : vector<2x10240x1xf32> to vector<10240x1xf32>
    %mul3A = arith.mulf %reduce_sum3A_15, %rsqrt3A : vector<10240x1xf32>
    %get3A_16 = arith.constant 0 : index
    %get3A_17 = arith.constant 0 : index
    %get3A_18 = vector.load %arg3[%get3A_16, %get3A_17] : memref<1x128xf32, #tpu.memory_space<vmem>>, vector<1x128xf32>
    %mul3A_19 = vector.broadcast %mul3A : vector<10240x1xf32> to vector<10240x128xf32>
    %mul3A_20 = vector.broadcast %get3A_18 : vector<1x128xf32> to vector<10240x128xf32>
    %mul3A_21 = arith.mulf %mul3A_19, %mul3A_20 : vector<10240x128xf32>
    %get3A_22 = arith.constant 0 : index
    %get3A_23 = arith.constant 0 : index
    %get3A_24 = vector.load %arg4[%get3A_22, %get3A_23] : memref<1x128xf32, #tpu.memory_space<vmem>>, vector<1x128xf32>
    %add3A = vector.broadcast %get3A_24 : vector<1x128xf32> to vector<10240x128xf32>
    %add3A_25 = arith.addf %mul3A_21, %add3A : vector<10240x128xf32>
    %max3A_26 = arith.constant 0.000000e+00 : f32
    %max3A_27 = vector.broadcast %max3A_26 : f32 to vector<10240x128xf32>
    %max3A_28 = arith.maximumf %add3A_25, %max3A_27 : vector<10240x128xf32>
    %mul3A_29 = vector.broadcast %rsqrt3A_10 : vector<10240x1xf32> to vector<10240x128xf32>
    %mul3A_30 = arith.mulf %max3A_28, %mul3A_29 : vector<10240x128xf32>
    %slice3A = vector.extract_strided_slice %mul3A_30 {offsets = [0, 0], sizes = [10240, 64], strides = [1, 1]} : vector<10240x128xf32> to vector<10240x64xf32>
    %swap3A = arith.constant 0 : index
    %swap3A_31 = arith.constant 0 : index
    %swap3A_32 = vector.load %arg5[%swap3A, %swap3A_31] : memref<10240x64xf32, #tpu.memory_space<vmem>>, vector<10240x64xf32>
    tpu.vector_store %arg5[%swap3A, %swap3A_31], %slice3A {strides = array<i32>} : memref<10240x64xf32, #tpu.memory_space<vmem>>, vector<10240x64xf32>,
    %slice3A_33 = vector.extract_strided_slice %mul3A_30 {offsets = [0, 64], sizes = [10240, 64], strides = [1, 1]} : vector<10240x128xf32> to vector<10240x64xf32>
    %swap3A_34 = arith.constant 0 : index
    %swap3A_35 = arith.constant 0 : index
    %swap3A_36 = vector.load %arg6[%swap3A_34, %swap3A_35] : memref<10240x64xf32, #tpu.memory_space<vmem>>, vector<10240x64xf32>
    tpu.vector_store %arg6[%swap3A_34, %swap3A_35], %slice3A_33 {strides = array<i32>} : memref<10240x64xf32, #tpu.memory_space<vmem>>, vector<10240x64xf32>,
    %swap3A_37 = arith.constant 0 : index
    %swap3A_38 = arith.constant 0 : index
    %swap3A_39 = vector.load %arg7[%swap3A_37, %swap3A_38] : memref<10240x1xf32, #tpu.memory_space<vmem>>, vector<10240x1xf32>
    tpu.vector_store %arg7[%swap3A_37, %swap3A_38], %rsqrt3A {strides = array<i32>} : memref<10240x1xf32, #tpu.memory_space<vmem>>, vector<10240x1xf32>,
    return
  }
}

module attributes {stable_mosaic.version = 14 : i64} {
  func.func @_tc_head_body(%arg0: memref<10240x64xf32, #tpu.memory_space<vmem>>, %arg1: memref<10240x64xf32, #tpu.memory_space<vmem>>, %arg2: memref<10240x1xf32, #tpu.memory_space<vmem>>, %arg3: memref<128x128xf32, #tpu.memory_space<vmem>>, %arg4: memref<1x128xf32, #tpu.memory_space<vmem>>, %arg5: memref<128x512xf32, #tpu.memory_space<vmem>>, %arg6: memref<1x512xf32, #tpu.memory_space<vmem>>, %arg7: memref<512x1024xf32, #tpu.memory_space<vmem>>, %arg8: memref<1x1024xf32, #tpu.memory_space<vmem>>, %arg9: memref<1024x1024xf32, #tpu.memory_space<vmem>>, %arg10: memref<1x1024xf32, #tpu.memory_space<vmem>>, %arg11: memref<1024x512xf32, #tpu.memory_space<vmem>>, %arg12: memref<1x512xf32, #tpu.memory_space<vmem>>, %arg13: memref<512x10xf32, #tpu.memory_space<vmem>>, %arg14: memref<1x10xf32, #tpu.memory_space<vmem>>, %arg15: memref<1x10xf32, #tpu.memory_space<vmem>>) attributes {dimension_semantics = [], scalar_prefetch = 0 : i64, scratch_operands = 0 : i64, tpu.core_type = #tpu.core_type<tc>} {
    %get3A = arith.constant 0 : index
    %get3A_0 = arith.constant 0 : index
    %get3A_1 = vector.load %arg0[%get3A, %get3A_0] : memref<10240x64xf32, #tpu.memory_space<vmem>>, vector<10240x64xf32>
    %get3A_2 = arith.constant 0 : index
    %get3A_3 = arith.constant 0 : index
    %get3A_4 = vector.load %arg1[%get3A_2, %get3A_3] : memref<10240x64xf32, #tpu.memory_space<vmem>>, vector<10240x64xf32>
    %concatenate3A = tpu.concatenate %get3A_1, %get3A_4 in 1 : vector<10240x64xf32>, vector<10240x64xf32> -> vector<10240x128xf32>
    %get3A_5 = arith.constant 0 : index
    %get3A_6 = arith.constant 0 : index
    %get3A_7 = vector.load %arg2[%get3A_5, %get3A_6] : memref<10240x1xf32, #tpu.memory_space<vmem>>, vector<10240x1xf32>
    %mul3A = vector.broadcast %get3A_7 : vector<10240x1xf32> to vector<10240x128xf32>
    %mul3A_8 = arith.mulf %concatenate3A, %mul3A : vector<10240x128xf32>
    %get3A_9 = arith.constant 0 : index
    %get3A_10 = arith.constant 0 : index
    %get3A_11 = vector.load %arg3[%get3A_9, %get3A_10] : memref<128x128xf32, #tpu.memory_space<vmem>>, vector<128x128xf32>
    %dot_general3A = arith.constant dense<0.000000e+00> : vector<10240x128xf32>
    %dot_general3A_12 = tpu.matmul %mul3A_8, %get3A_11, %dot_general3A {dimension_numbers = #tpu.dot_dimension_numbers<[1], [0], [0], [1], [0, 0, 1, 1], [], []>, transpose_lhs_hint = false} : vector<10240x128xf32>, vector<128x128xf32>, vector<10240x128xf32> -> vector<10240x128xf32>
    %get3A_13 = arith.constant 0 : index
    %get3A_14 = arith.constant 0 : index
    %get3A_15 = vector.load %arg4[%get3A_13, %get3A_14] : memref<1x128xf32, #tpu.memory_space<vmem>>, vector<1x128xf32>
    %add3A = vector.broadcast %get3A_15 : vector<1x128xf32> to vector<10240x128xf32>
    %add3A_16 = arith.addf %dot_general3A_12, %add3A : vector<10240x128xf32>
    %max3A = arith.constant 0.000000e+00 : f32
    %max3A_17 = vector.broadcast %max3A : f32 to vector<10240x128xf32>
    %max3A_18 = arith.maximumf %add3A_16, %max3A_17 : vector<10240x128xf32>
    %iota3A = tpu.iota {dimensions = array<i32: 0>} : vector<10240x1xi32>
    %lt3A = arith.constant 10000 : i32
    %lt3A_19 = vector.broadcast %lt3A : i32 to vector<10240x1xi32>
    %lt3A_20 = arith.cmpi slt, %iota3A, %lt3A_19 : vector<10240x1xi32>
    %jit3A = arith.constant 0.000000e+00 : f32
    %broadcast_in_dim3A = vector.shape_cast %lt3A_20 : vector<10240x1xi1> to vector<10240x1xi1>
    %broadcast_in_dim3A_21 = vector.broadcast %broadcast_in_dim3A : vector<10240x1xi1> to vector<10240x128xi1>
    %broadcast_in_dim3A_22 = vector.broadcast %jit3A : f32 to vector<10240x128xf32>
    %select_n3A = arith.select %broadcast_in_dim3A_21, %max3A_18, %broadcast_in_dim3A_22 : vector<10240x128xi1>, vector<10240x128xf32>
    %reduce_sum3A = arith.constant dense<0.000000e+00> : vector<128xf32>
    %reduce_sum3A_23 = vector.multi_reduction <add>, %select_n3A, %reduce_sum3A [0] : vector<10240x128xf32> to vector<128xf32>
    %broadcast_in_dim3A_24 = vector.shape_cast %reduce_sum3A_23 : vector<128xf32> to vector<1x128xf32>
    %mul3A_25 = arith.constant 9.99999974E-5 : f32
    %mul3A_26 = vector.broadcast %mul3A_25 : f32 to vector<1x128xf32>
    %mul3A_27 = arith.mulf %broadcast_in_dim3A_24, %mul3A_26 : vector<1x128xf32>
    %get3A_28 = arith.constant 0 : index
    %get3A_29 = arith.constant 0 : index
    %get3A_30 = vector.load %arg5[%get3A_28, %get3A_29] : memref<128x512xf32, #tpu.memory_space<vmem>>, vector<128x512xf32>
    %dot_general3A_31 = arith.constant dense<0.000000e+00> : vector<1x512xf32>
    %dot_general3A_32 = tpu.matmul %mul3A_27, %get3A_30, %dot_general3A_31 {dimension_numbers = #tpu.dot_dimension_numbers<[1], [0], [0], [1], [0, 0, 1, 1], [], []>, transpose_lhs_hint = false} : vector<1x128xf32>, vector<128x512xf32>, vector<1x512xf32> -> vector<1x512xf32>
    %get3A_33 = arith.constant 0 : index
    %get3A_34 = arith.constant 0 : index
    %get3A_35 = vector.load %arg6[%get3A_33, %get3A_34] : memref<1x512xf32, #tpu.memory_space<vmem>>, vector<1x512xf32>
    %add3A_36 = arith.addf %dot_general3A_32, %get3A_35 : vector<1x512xf32>
    %max3A_37 = arith.constant 0.000000e+00 : f32
    %max3A_38 = vector.broadcast %max3A_37 : f32 to vector<1x512xf32>
    %max3A_39 = arith.maximumf %add3A_36, %max3A_38 : vector<1x512xf32>
    %get3A_40 = arith.constant 0 : index
    %get3A_41 = arith.constant 0 : index
    %get3A_42 = vector.load %arg7[%get3A_40, %get3A_41] : memref<512x1024xf32, #tpu.memory_space<vmem>>, vector<512x1024xf32>
    %dot_general3A_43 = arith.constant dense<0.000000e+00> : vector<1x1024xf32>
    %dot_general3A_44 = tpu.matmul %max3A_39, %get3A_42, %dot_general3A_43 {dimension_numbers = #tpu.dot_dimension_numbers<[1], [0], [0], [1], [0, 0, 1, 1], [], []>, transpose_lhs_hint = false} : vector<1x512xf32>, vector<512x1024xf32>, vector<1x1024xf32> -> vector<1x1024xf32>
    %get3A_45 = arith.constant 0 : index
    %get3A_46 = arith.constant 0 : index
    %get3A_47 = vector.load %arg8[%get3A_45, %get3A_46] : memref<1x1024xf32, #tpu.memory_space<vmem>>, vector<1x1024xf32>
    %add3A_48 = arith.addf %dot_general3A_44, %get3A_47 : vector<1x1024xf32>
    %max3A_49 = arith.constant 0.000000e+00 : f32
    %max3A_50 = vector.broadcast %max3A_49 : f32 to vector<1x1024xf32>
    %max3A_51 = arith.maximumf %add3A_48, %max3A_50 : vector<1x1024xf32>
    %get3A_52 = arith.constant 0 : index
    %get3A_53 = arith.constant 0 : index
    %get3A_54 = vector.load %arg9[%get3A_52, %get3A_53] : memref<1024x1024xf32, #tpu.memory_space<vmem>>, vector<1024x1024xf32>
    %dot_general3A_55 = arith.constant dense<0.000000e+00> : vector<1x1024xf32>
    %dot_general3A_56 = tpu.matmul %max3A_51, %get3A_54, %dot_general3A_55 {dimension_numbers = #tpu.dot_dimension_numbers<[1], [0], [0], [1], [0, 0, 1, 1], [], []>, transpose_lhs_hint = false} : vector<1x1024xf32>, vector<1024x1024xf32>, vector<1x1024xf32> -> vector<1x1024xf32>
    %get3A_57 = arith.constant 0 : index
    %get3A_58 = arith.constant 0 : index
    %get3A_59 = vector.load %arg10[%get3A_57, %get3A_58] : memref<1x1024xf32, #tpu.memory_space<vmem>>, vector<1x1024xf32>
    %add3A_60 = arith.addf %dot_general3A_56, %get3A_59 : vector<1x1024xf32>
    %max3A_61 = arith.constant 0.000000e+00 : f32
    %max3A_62 = vector.broadcast %max3A_61 : f32 to vector<1x1024xf32>
    %max3A_63 = arith.maximumf %add3A_60, %max3A_62 : vector<1x1024xf32>
    %get3A_64 = arith.constant 0 : index
    %get3A_65 = arith.constant 0 : index
    %get3A_66 = vector.load %arg11[%get3A_64, %get3A_65] : memref<1024x512xf32, #tpu.memory_space<vmem>>, vector<1024x512xf32>
    %dot_general3A_67 = arith.constant dense<0.000000e+00> : vector<1x512xf32>
    %dot_general3A_68 = tpu.matmul %max3A_63, %get3A_66, %dot_general3A_67 {dimension_numbers = #tpu.dot_dimension_numbers<[1], [0], [0], [1], [0, 0, 1, 1], [], []>, transpose_lhs_hint = false} : vector<1x1024xf32>, vector<1024x512xf32>, vector<1x512xf32> -> vector<1x512xf32>
    %get3A_69 = arith.constant 0 : index
    %get3A_70 = arith.constant 0 : index
    %get3A_71 = vector.load %arg12[%get3A_69, %get3A_70] : memref<1x512xf32, #tpu.memory_space<vmem>>, vector<1x512xf32>
    %add3A_72 = arith.addf %dot_general3A_68, %get3A_71 : vector<1x512xf32>
    %max3A_73 = arith.constant 0.000000e+00 : f32
    %max3A_74 = vector.broadcast %max3A_73 : f32 to vector<1x512xf32>
    %max3A_75 = arith.maximumf %add3A_72, %max3A_74 : vector<1x512xf32>
    %get3A_76 = arith.constant 0 : index
    %get3A_77 = arith.constant 0 : index
    %get3A_78 = vector.load %arg13[%get3A_76, %get3A_77] : memref<512x10xf32, #tpu.memory_space<vmem>>, vector<512x10xf32>
    %dot_general3A_79 = arith.constant dense<0.000000e+00> : vector<1x10xf32>
    %dot_general3A_80 = tpu.matmul %max3A_75, %get3A_78, %dot_general3A_79 {dimension_numbers = #tpu.dot_dimension_numbers<[1], [0], [0], [1], [0, 0, 1, 1], [], []>, transpose_lhs_hint = false} : vector<1x512xf32>, vector<512x10xf32>, vector<1x10xf32> -> vector<1x10xf32>
    %get3A_81 = arith.constant 0 : index
    %get3A_82 = arith.constant 0 : index
    %get3A_83 = vector.load %arg14[%get3A_81, %get3A_82] : memref<1x10xf32, #tpu.memory_space<vmem>>, vector<1x10xf32>
    %add3A_84 = arith.addf %dot_general3A_80, %get3A_83 : vector<1x10xf32>
    %reduce_max3A = arith.constant dense<0xFF800000> : vector<1xf32>
    %reduce_max3A_85 = vector.multi_reduction <maximumf>, %add3A_84, %reduce_max3A [1] : vector<1x10xf32> to vector<1xf32>
    %broadcast_in_dim3A_86 = vector.shape_cast %reduce_max3A_85 : vector<1xf32> to vector<1x1xf32>
    %sub3A = vector.broadcast %broadcast_in_dim3A_86 : vector<1x1xf32> to vector<1x10xf32>
    %sub3A_87 = arith.subf %add3A_84, %sub3A : vector<1x10xf32>
    %exp3A = math.exp %sub3A_87 : vector<1x10xf32>
    %reduce_sum3A_88 = arith.constant dense<0.000000e+00> : vector<1xf32>
    %reduce_sum3A_89 = vector.multi_reduction <add>, %exp3A, %reduce_sum3A_88 [1] : vector<1x10xf32> to vector<1xf32>
    %broadcast_in_dim3A_90 = vector.shape_cast %reduce_sum3A_89 : vector<1xf32> to vector<1x1xf32>
    %div3A = vector.broadcast %broadcast_in_dim3A_90 : vector<1x1xf32> to vector<1x10xf32>
    %div3A_91 = arith.divf %exp3A, %div3A : vector<1x10xf32>
    %swap3A = arith.constant 0 : index
    %swap3A_92 = arith.constant 0 : index
    %swap3A_93 = vector.load %arg15[%swap3A, %swap3A_92] : memref<1x10xf32, #tpu.memory_space<vmem>>, vector<1x10xf32>
    tpu.vector_store %arg15[%swap3A, %swap3A_92], %div3A_91 {strides = array<i32>} : memref<1x10xf32, #tpu.memory_space<vmem>>, vector<1x10xf32>,
    return
  }
}

</mosaic_0001>

<sc_bundles>
// kernel: kernel.6.cloned.1.call-start
scs
__scs_entry_jumppad:
0x0: {  	(pc) =	sbr.rel $0x88, $3  }
0x1: {  	(tag) =	ssettag $0x0;
	lr =	simm.s32 $0x1  }
0x2: {  	[smem:$0x3F92] =	sst lr;
	_ =	strace $0xD0000000  }
0x3: {  	_ = 	snop  }
0x4: {  	_ = 	snop  }
0x5: {  	_ = 	snop  }
0x6: {  	_ = 	snop  }
0x7: {  	_ = 	snop  }
__scs_overlays_trampoline_lowered:
0x8: {  	[smem:$0x3FA1] =	sst s0  }
0x9: {  	[smem:$0x3FA2] =	sst s1  }
0xa: {  	[smem:$0x3FA3] =	sst s2  }
0xb: {  	[smem:$0x3FA4] =	sst s3  }
0xc: {  	[smem:$0x3FA5] =	sst s4  }
0xd: {  	[smem:$0x3FA6] =	sst s5  }
0xe: {  	[smem:$0x3FA7] =	sst s6  }
0xf: {  	[smem:$0x3FA8] =	sst s7  }
0x10: {  	[smem:$0x3FA9] =	sst s8  }
0x11: {  	[smem:$0x3FAA] =	sst s9;
	s0 =	simm.s32 @!p0 $0x0  }
0x12: {  	s1 =	sld [smem:$0x3F90];
	s0 =	simm.s32 @p0 $0x1  }
0x13: {  	[smem:$0x3FAB] =	sst s0;
	s0 =	simm.s32 @!p1 $0x0  }
0x14: {  	s2 =	sld [smem:$0x3F8F];
	s0 =	simm.s32 @p1 $0x1  }
0x15: {  	[smem:$0x3FAC] =	sst s0;
	s0 =	simm.s32 @!p2 $0x0  }
0x16: {  	s3 =	sld [smem:$0x3FDB];
	s0 =	simm.s32 @p2 $0x1  }
0x17: {  	s4 =	simm.s32 $0x1BF5;
	[smem:$0x3FAE] =	sst s0  }
0x18: {  	s0 =	sld [smem:$0x3F91];
	_ =	swait.ge [sflag:s4], $0x0  }
0x19: {  	s7 =	sld [smem:$0x3F92]  }
0x1a: {  	s8 =	sadd.s32 $0xFFFFE003, lr  }
0x1b: {  	s9 =	sadd.s32 $0xFFFFFEF7, lr;
	s5 =	simm.s32 $0xFFFFFFFF;
	p2 =	slt.u32 s8, $0xFFFFF086  }
0x1c: {  	p1 =	slt.u32 s9, $0xF7A;
	s5 =	simm.s32 @!p2 $0x0  }
0x1d: {  	s5 =	simm.s32 @p1 $0x1;
	p0 =	seq.s32 s7, s2  }
0x1e: {  	s7 =	smul.u32 @!p0 $0xF7A, s2;
	p2 =	seq.s32 @!p0 s5, $0x0  }
0x1f: {  	s9 =	smul.u32 $0xF7A, s1;
	s8 =	simm.s32 @!p0 $0x1BF5;
	p2 =	por !p2, p0  }
0x20: {  	[sflag:s8] =	ssyncset.s32 @!p0 $0xFFFFF086;
	s6 =	sadd.s32 @!p0 s3, s7;
	s7 =	simm.s32 @!p0 $0x108  }
0x21: {  	s3 =	sadd.s32 s3, s9;
	s6 =	sadd.s32 @!p0 $0x88, s6;
	s7 =	simm.s32 @p2 $0x1082  }
0x22: {  	[simem:s7], [sflag:s8] =	dma.local @!p0 [hbm:s6], $0xF7A  }
0x23: {  	s9 =	sor.u32 $0xD0000000, s2;
	s6 =	simm.s32 $0x108;
	_ =	swait.ge @!p0 [sflag:s8], $0x0  }
0x24: {  	s3 =	sadd.s32 $0x88, s3;
	s6 =	simm.s32 @!p1 $0x1082;
	[sflag:s4] =	ssyncset.s32 $0xFFFFF086  }
0x25: {  	[simem:s6], [sflag:s4] =	dma.local [hbm:s3], $0xF7A  }
0x26: {  	[smem:$0x3F92] =	sst s1;
	(tag) =	ssettag s2;
	_ =	strace s9  }
0x27: {  	s1 =	sld [smem:$0x3FA2]  }
0x28: {  	s2 =	sld [smem:$0x3FA3]  }
0x29: {  	s4 =	sld [smem:$0x3FA5]  }
0x2a: {  	p0 =	seq.s32 s5, $0x0;
	s5 =	sld [smem:$0x3FA6]  }
0x2b: {  	s6 =	sld [smem:$0x3FA7]  }
0x2c: {  	s7 =	sld [smem:$0x3FA8]  }
0x2d: {  	s3 =	simm.s32 $0x108;
	s8 =	sld [smem:$0x3FA9]  }
0x2e: {  	s3 =	simm.s32 @!p0 $0x1082;
	s9 =	sld [smem:$0x3FAA]  }
0x2f: {  	lr =	sadd.s32 s0, s3;
	s0 =	sld [smem:$0x3FA1]  }
0x30: {  	s3 =	sld [smem:$0x3FA4]  }
0x31: {  	[smem:$0x3FAD] =	sst s10  }
0x32: {  	s10 =	sld [smem:$0x3FAB];
	_ =	sdelay $0x3  }
0x33: {  	p0 =	seq.s32 s10, $0x1;
	s10 =	sld [smem:$0x3FAD];
	_ =	sdelay $0x3  }
0x34: {  	[smem:$0x3FAD] =	sst s10  }
0x35: {  	s10 =	sld [smem:$0x3FAC];
	_ =	sdelay $0x3  }
0x36: {  	p1 =	seq.s32 s10, $0x1;
	s10 =	sld [smem:$0x3FAD];
	_ =	sdelay $0x3  }
0x37: {  	[smem:$0x3FAD] =	sst s10  }
0x38: {  	s10 =	sld [smem:$0x3FAE]  }
0x39: {  	_ = 	snop;
	(pc) =	sbr.ind lr, $3  }
0x3a: {  	_ = 	snop  }
0x3b: {  	_ = 	snop  }
0x3c: {  	p2 =	seq.s32 s10, $0x1;
	s10 =	sld [smem:$0x3FAD]  }
0x3d: {  	_ =	shalt  }
0x3e: {  	_ =	shalt  }
0x3f: {  	_ =	shalt  }
0x40: {  	_ =	shalt  }
0x41: {  	_ =	shalt  }
0x42: {  	_ =	shalt  }
0x43: {  	_ =	shalt  }
0x44: {  	_ =	shalt  }
0x45: {  	_ =	shalt  }
0x46: {  	_ =	shalt  }
0x47: {  	_ =	shalt  }
0x48: {  	_ =	shalt  }
0x49: {  	_ =	shalt  }
0x4a: {  	_ =	shalt  }
0x4b: {  	_ =	shalt  }
0x4c: {  	_ =	shalt  }
0x4d: {  	_ =	shalt  }
0x4e: {  	_ =	shalt  }
0x4f: {  	_ =	shalt  }
0x50: {  	_ =	shalt  }
0x51: {  	_ =	shalt  }
0x52: {  	_ =	shalt  }
0x53: {  	_ =	shalt  }
0x54: {  	_ =	shalt  }
0x55: {  	_ =	shalt  }
0x56: {  	_ =	shalt  }
0x57: {  	_ =	shalt  }
0x58: {  	_ =	shalt  }
0x59: {  	_ =	shalt  }
0x5a: {  	_ =	shalt  }
0x5b: {  	_ =	shalt  }
0x5c: {  	_ =	shalt  }
0x5d: {  	_ =	shalt  }
0x5e: {  	_ =	shalt  }
0x5f: {  	_ =	shalt  }
0x60: {  	_ =	shalt  }
0x61: {  	_ =	shalt  }
0x62: {  	_ =	shalt  }
0x63: {  	_ =	shalt  }
0x64: {  	_ =	shalt  }
0x65: {  	_ =	shalt  }
0x66: {  	_ =	shalt  }
0x67: {  	_ =	shalt  }
0x68: {  	_ =	shalt  }
0x69: {  	_ =	shalt  }
0x6a: {  	_ =	shalt  }
0x6b: {  	_ =	shalt  }
0x6c: {  	_ =	shalt  }
0x6d: {  	_ =	shalt  }
0x6e: {  	_ =	shalt  }
0x6f: {  	_ =	shalt  }
0x70: {  	_ =	shalt  }
0x71: {  	_ =	shalt  }
0x72: {  	_ =	shalt  }
0x73: {  	_ =	shalt  }
0x74: {  	_ =	shalt  }
0x75: {  	_ =	shalt  }
0x76: {  	_ =	shalt  }
0x77: {  	_ =	shalt  }
0x78: {  	_ =	shalt  }
0x79: {  	_ =	shalt  }
0x7a: {  	_ =	shalt  }
0x7b: {  	_ =	shalt  }
0x7c: {  	_ =	shalt  }
0x7d: {  	_ =	shalt  }
0x7e: {  	_ =	shalt  }
0x7f: {  	_ =	shalt  }
0x80: {  	_ =	shalt  }
0x81: {  	_ =	shalt  }
0x82: {  	_ =	shalt  }
0x83: {  	_ =	shalt  }
0x84: {  	_ =	shalt  }
0x85: {  	_ =	shalt  }
0x86: {  	_ =	shalt  }
0x87: {  	_ =	shalt  }
.Lfunc_end0:
.L_simem_size_0:
called_computation_lowered:
.L_overlay_start_0:
0x88: {  	s2 =	sld [smem:$0x3FD9]  }
0x89: {  	s3 =	sld [smem:$0x3FFE];
	_ =	sdelay $0x1  }
0x8a: {  	s1 =	srdreg.scid  }
0x8b: {  	s0 =	sand.u32 $0x1, s1  }
0x8c: {  	s16 =	sshll.u32 s0, $0xA;
	s2 =	sadd.s32 s3, s2  }
0x8d: {  	s2 =	sadd.s32 s2, s16  }
0x8e: {  	[smem:$0x3FB9] =	sst s2  }
0x8f: {  	_ = 	snop  }
0x90: {  	(tm) =	ssettm $0x1  }
0x91: {  	s17 =	sld [smem:$0x3FFB];
	_ =	sdelay $0x3  }
0x92: {  	_ =	strace s17  }
0x93: {  	s2 =	sld [smem:$0x3FFC];
	_ =	sdelay $0x3  }
0x94: {  	_ =	strace s2  }
0x95: {  	s2 =	sld [smem:$0x3FFD];
	_ =	sdelay $0x3  }
0x96: {  	_ =	strace s2  }
0x97: {  	_ =	strace $0x8FFFFFFF  }
0x98: {  	s18 =	sld [smem:$0x3FDB];
	_ =	sdelay $0x1  }
0x99: {  	s19 =	simm.s32 $_scs_section_size  }
0x9a: {  	s4 =	simm.s32 $_size__tile_overlayer_lowered;
	s5 =	simm.s32 $_tile_overlayer_lowered  }
0x9b: {  	s22 =	simm.s32 $0x1BFF;
	s21 =	sshll.u32 s5, $0x1;
	s2 =	sadd.s32 s19, s18  }
0x9c: {  	s6 =	simm.s32 $0x0;
	s20 =	sshll.u32 s4, $0x1;
	s4 =	sadd.s32 s21, s2  }
0x9d: {  	[timem:s6], [sflag:s22] =	dma.local [hbm:s4], s20  }
0x9e: {  	_ =	swait.ge [sflag:s22], s20  }
0x9f: {  	s3 =	ssub.s32 $0x0, s20;
	[sflag:s22] =	ssyncset.done $0x0  }
0xa0: {  	[sflag:s22] =	ssyncadd.s32 s3;
	_ =	sdelay $0x1  }
0xa1: {  	s23 =	simm.s32 $0x1B8B  }
0xa2: {  	_ =	swait.ge [sflag:s23], $0x1  }
0xa3: {  	[sflag:s23] =	ssyncset.done $0x0  }
0xa4: {  	s25 =	simm.s32 $0x1B8E;
	s24 =	sld [smem:$0x3FFE];
	[sflag:s23] =	ssyncadd.s32 $0xFFFFFFFF  }
0xa5: {  	s26 =	simm.s32 $execute0_lowered;
	[smem:$0x3FD2] =	sst s25  }
0xa6: {  	s4 =	sshll.u32 s26, $0x1;
	_ =	strace $0x80000046;
	[dreg:$0x1] =	wrdreg $0xFFFFFFFF  }
0xa7: {  	s28 =	simm.s32 $_size_execute0_lowered;
	s2 =	sadd.s32 s2, s4;
	[dreg:$0x0] =	wrdreg $0x0  }
0xa8: {  	s4 =	sshll.u32 s28, $0x1;
	[dreg:$0x2] =	wrdreg s2  }
0xa9: {  	[dreg:$0x3] =	wrdreg s4  }
0xaa: {  	[dreg:$0x4] =	wrdreg $0xC0  }
0xab: {  	_ =	task [dreg:s6], $0x5FFFF  }
0xac: {  	[dreg:$0x1] =	wrdreg $0xFFFFFFFF  }
0xad: {  	[dreg:$0x0] =	wrdreg $0x60  }
0xae: {  	[dreg:$0x2] =	wrdreg s24  }
0xaf: {  	[dreg:$0x3] =	wrdreg $0x119400  }
0xb0: {  	[dreg:$0x4] =	wrdreg $0x141400  }
0xb1: {  	[dreg:$0x5] =	wrdreg $0x169400  }
0xb2: {  	[dreg:$0x6] =	wrdreg $0x9  }
0xb3: {  	_ =	task.clear_ibuf [dreg:s6], $0x7FFFF;
	_ =	strace $0x90000046  }
0xb4: {  	s29 =	simm.s32 $0x9;
	_ =	strace $0x80000048  }
0xb5: {  	_ =	swait.ge [sflag:s29], $0x1  }
0xb6: {  	[sflag:s29] =	ssyncadd.s32 $0xFFFFFFFF  }
0xb7: {  	_ =	strace $0x90000048  }
0xb8: {  	_ =	sfence  }
0xb9: {  	s30 =	sld [smem:$0x0];
	_ =	sdelay $0x2  }
0xba: {  	s31 =	sshll.u32 s1, $0xD;
	s1 =	sshrl.u32 s1, $0x2  }
0xbb: {  	s3 =	sand.u32 $0x4000, s31;
	s1 =	sadd.s32 s1, s30  }
0xbc: {  	s0 =	sor.u32 s3, s0;
	s1 =	sshll.u32 s1, $0x11  }
0xbd: {  	s0 =	sor.u32 s1, s0  }
0xbe: {  	s0 =	sadd.s32 $0x8F2B, s0  }
0xbf: {  	[sflag:s0] =	ssyncadd.remote.s32 $0x1  }
0xc0: {  	_ =	sfence.sel $0xFFFF  }
0xc1: {  	[dreg:$0x0] =	wrdreg $0xFFFFFFFF;
	(pc) =	sbr.abs _section_cstart, $3  }
0xc2: {  	[dreg:$0x1] =	wrdreg $0xFFFFFFFF  }
0xc3: {  	_ =	task.clear_ibuf [dreg:s6], $0x2FFFF;
	_ =	strace $0x9FFFFFFF  }
0xc4: {  	(tm) =	ssettm $0x7FFFFFFF  }
0xc5: {  	_ =	shalt  }
tec
execute0_lowered:
.L_overlay_start_1:
0x0: {  	(tag) =	ssettag $0x1  }
0x1: {  	s4 =	rddreg [dreg:$0x0]  }
0x2: {  	s9 =	rddreg [dreg:$0x1]  }
0x3: {  	s10 =	rddreg [dreg:$0x2]  }
0x4: {  	s2 =	rddreg [dreg:$0x3]  }
0x5: {  	s0 =	rddreg [dreg:$0x4]  }
0x6: {  	s1 =	stileid.u32;
	s6 =	srdreg.scid;
	s3 =	simm.s32 $0x0  }
0x7: {  	s20 =	simm.s32 $0x1;
	s21 =	simm.s32 $0x4E20;
	s22 =	simm.s32 $0xC440  }
0x8: {  	s23 =	simm.s32 $0x116C0;
	s24 =	simm.s32 $0x11440;
	s5 =	smul.u32 $0x9C4, s1  }
0x9: {  	s25 =	simm.s32 $0xEC40;
	s26 =	simm.s32 $0x0;
	s11 =	smul.u32 $0x280, s1  }
0xa: {  	s14 =	sand.u32 $0x1, s6;
	[smem:$0x7FF] =	sst s3;
	s8 =	smul.u32 $0x2800, s1  }
0xb: {  	s15 =	sadd.s32 $0x17800, s4;
	s16 =	sadd.s32 $0x17E00, s4;
	s6 =	smul.u32 $0x2800, s14  }
0xc: {  	_ =	strace $0x80000047;
	s7 =	ssub.s32 $0x2, s14;
	p0 =	seq.s32 s14, $0x1  }
0xd: {  	s19 =	smul.u32 $0x9C40, s14;
	s5 =	sadd.s32 s5, s4;
	s31 =	sshrl.u32 s7, $0x1  }
0xe: {  	s18 =	sshrl.u32 s11, $0x3;
	s15 =	smov.u32 @p0 s16;
	s16 =	simm.s32 $0x9C40  }
0xf: {  	s6 =	sadd.s32 s11, s6;
	s17 =	ssub.s32 s7, s31;
	s7 =	sadd.s32 s8, s10  }
0x10: {  	s10 =	sadd.s32 s11, s10;
	s15 =	sadd.s32 s15, s18;
	s19 =	sshrl.u32 s19, $0x2  }
0x11: {  	s16 =	simm.s32 @!p0 $0x116C0;
	s6 =	sshrl.u32 s6, $0x3;
	s18 =	sadd.s32 $0x40, s19  }
0x12: {  	s19 =	sadd.s32 $0x4E60, s19;
	s13 =	sadd.s32 s6, s4;
	s4 =	sadd.s32 $0xD000, s5  }
0x13: {  	s5 =	sadd.s32 $0x3200, s5;
	s6 =	sadd.s32 s8, s9;
	s8 =	smul.u32 $0x2710, s14  }
0x14: {  	s9 =	sadd.s32 s11, s9;
	s11 =	sadd.s32 s11, s2;
	s14 =	smax.u32 s17, $0x1  }
0x15: {  	v0 =	vimm.f32 $0.0e+00;
	v1 =	vimm.f32 $1.000000000e+00;
	s17 =	simm.s32 $0x9C40;
	s13 =	sadd.s32 $0x16E00, s13;
	s12 =	sadd.s32 $0x2700, s8  }
.LBB2_1:
0x16: {  	[tilespmem:s3], [sflag:$0x1] =	stream.linear.gather [hbm4b:s4+s3], $0x4E20, $0x38;
	[tilespmem:$0x16BC0] =	vst v63  }
0x17: {  	_ =	swait.ge [sflag:s20], $0x4E20  }
0x18: {  	[sflag:s20] =	ssyncset.done $0x0  }
0x19: {  	[sflag:s20] =	ssyncadd.s32 $0xFFFFB1E0  }
0x1a: {  	[tilespmem:s21], [sflag:$0x1] =	stream.linear.gather [hbm4b:s5+s3], $0x4E20, $0x38;
	[tilespmem:$0x16BC0] =	vst v63  }
0x1b: {  	_ =	swait.ge [sflag:s20], $0x4E20  }
0x1c: {  	[sflag:s20] =	ssyncset.done $0x0  }
0x1d: {  	s28 =	simm.s32 $0x9C80;
	[sflag:s20] =	ssyncadd.s32 $0xFFFFB1E0  }
0x1e: {  	[tilespmem:s28+$0xFFFFFFC0] =	vst v0  }
0x1f: {  	[tilespmem:s28+$0x30] =	vst v0  }
0x20: {  	[tilespmem:s28+$0x20] =	vst v0  }
0x21: {  	[tilespmem:s28+$0x10] =	vst v0  }
0x22: {  	[tilespmem:s28+$0x0] =	vst v0  }
0x23: {  	[tilespmem:s28+$0xFFFFFFF0] =	vst v0  }
0x24: {  	s29 =	simm.s32 $0x0;
	[tilespmem:s28+$0xFFFFFFE0] =	vst v0  }
.LBB2_2:
0x25: {  	s29 =	sadd.s32 $0x8, s29;
	[tilespmem:s28+$0xFFFFFFD0] =	vst v0;
	s28 =	sadd.s32 $0x80, s28;
	s30 =	simm.s32 $0xC480  }
0x26: {  	[tilespmem:s28+$0xFFFFFFC0] =	vst v0;
	p0 =	slt.u32 s29, $0x278  }
0x27: {  	[tilespmem:s28+$0x30] =	vst v0  }
.Ltmp0:
0x28: {  	[tilespmem:s28+$0x20] =	vst v0;
	(pc) =	sbr.rel @p0 .LBB2_2-.Ltmp0, $4  }
0x29: {  	[tilespmem:s28+$0x10] =	vst v0  }
0x2a: {  	[tilespmem:s28+$0x0] =	vst v0  }
0x2b: {  	[tilespmem:s28+$0xFFFFFFF0] =	vst v0  }
0x2c: {  	[tilespmem:s28+$0xFFFFFFE0] =	vst v0  }
0x2d: {  	[tilespmem:s28+$0xFFFFFFD0] =	vst v0  }
0x2e: {  	[tilespmem:s30+$0xFFFFFFC0] =	vst v0  }
0x2f: {  	[tilespmem:s30+$0x30] =	vst v0  }
0x30: {  	[tilespmem:s30+$0x20] =	vst v0  }
0x31: {  	[tilespmem:s30+$0x10] =	vst v0  }
0x32: {  	[tilespmem:s30+$0x0] =	vst v0  }
0x33: {  	[tilespmem:s30+$0xFFFFFFF0] =	vst v0  }
0x34: {  	s31 =	simm.s32 $0x0;
	s28 =	simm.s32 $0x40;
	s29 =	simm.s32 $0x4E60;
	[tilespmem:s30+$0xFFFFFFE0] =	vst v0  }
.LBB2_4:
0x35: {  	s31 =	sadd.s32 $0x8, s31;
	[tilespmem:s30+$0xFFFFFFD0] =	vst v0;
	s30 =	sadd.s32 $0x80, s30  }
0x36: {  	[tilespmem:s30+$0xFFFFFFC0] =	vst v0;
	p0 =	slt.u32 s31, $0x278  }
0x37: {  	[tilespmem:s30+$0x30] =	vst v0  }
.Ltmp1:
0x38: {  	[tilespmem:s30+$0x20] =	vst v0;
	(pc) =	sbr.rel @p0 .LBB2_4-.Ltmp1, $4  }
0x39: {  	[tilespmem:s30+$0x10] =	vst v0  }
0x3a: {  	[tilespmem:s30+$0x0] =	vst v0  }
0x3b: {  	[tilespmem:s30+$0xFFFFFFF0] =	vst v0  }
0x3c: {  	[tilespmem:s30+$0xFFFFFFE0] =	vst v0  }
0x3d: {  	[tilespmem:s30+$0xFFFFFFD0] =	vst v0;
	s30 =	simm.s32 $0xFFFFFFF8  }
.LBB2_6:
0x3e: {  	v2 =	vld [tilespmem:s28+$0xFFFFFFC0]  }
0x3f: {  	v3 =	vld [tilespmem:s29+$0xFFFFFFC0];
	_ =	sdelay $0x6  }
0x40: {  	[tilespmem:v2+s22+$0x0] =	vst.idx.add.f32.msk $0xffff, v1  }
0x41: {  	[tilespmem:v3+s17+$0x0] =	vst.idx.add.f32.msk $0xffff, v1  }
0x42: {  	v2 =	vld [tilespmem:s28+$0xFFFFFFD0]  }
0x43: {  	v3 =	vld [tilespmem:s29+$0xFFFFFFD0];
	_ =	sdelay $0x6  }
0x44: {  	[tilespmem:v2+s22+$0x0] =	vst.idx.add.f32.msk $0xffff, v1  }
0x45: {  	[tilespmem:v3+s17+$0x0] =	vst.idx.add.f32.msk $0xffff, v1  }
0x46: {  	v2 =	vld [tilespmem:s28+$0xFFFFFFE0]  }
0x47: {  	v3 =	vld [tilespmem:s29+$0xFFFFFFE0];
	_ =	sdelay $0x6  }
0x48: {  	[tilespmem:v2+s22+$0x0] =	vst.idx.add.f32.msk $0xffff, v1  }
0x49: {  	[tilespmem:v3+s17+$0x0] =	vst.idx.add.f32.msk $0xffff, v1  }
0x4a: {  	v2 =	vld [tilespmem:s28+$0xFFFFFFF0]  }
0x4b: {  	v3 =	vld [tilespmem:s29+$0xFFFFFFF0];
	_ =	sdelay $0x6  }
0x4c: {  	[tilespmem:v2+s22+$0x0] =	vst.idx.add.f32.msk $0xffff, v1  }
0x4d: {  	[tilespmem:v3+s17+$0x0] =	vst.idx.add.f32.msk $0xffff, v1  }
0x4e: {  	v2 =	vld [tilespmem:s28+$0x0]  }
0x4f: {  	v3 =	vld [tilespmem:s29+$0x0];
	_ =	sdelay $0x6  }
0x50: {  	[tilespmem:v2+s22+$0x0] =	vst.idx.add.f32.msk $0xffff, v1  }
0x51: {  	[tilespmem:v3+s17+$0x0] =	vst.idx.add.f32.msk $0xffff, v1  }
0x52: {  	v2 =	vld [tilespmem:s28+$0x10]  }
0x53: {  	v3 =	vld [tilespmem:s29+$0x10];
	_ =	sdelay $0x6  }
0x54: {  	[tilespmem:v2+s22+$0x0] =	vst.idx.add.f32.msk $0xffff, v1  }
0x55: {  	[tilespmem:v3+s17+$0x0] =	vst.idx.add.f32.msk $0xffff, v1  }
0x56: {  	v2 =	vld [tilespmem:s28+$0x20]  }
0x57: {  	v3 =	vld [tilespmem:s29+$0x20];
	_ =	sdelay $0x6  }
0x58: {  	[tilespmem:v2+s22+$0x0] =	vst.idx.add.f32.msk $0xffff, v1  }
0x59: {  	[tilespmem:v3+s17+$0x0] =	vst.idx.add.f32.msk $0xffff, v1  }
0x5a: {  	v2 =	vld [tilespmem:s28+$0x30]  }
0x5b: {  	v3 =	vld [tilespmem:s29+$0x30];
	_ =	sdelay $0x1  }
0x5c: {  	s30 =	sadd.s32 $0x8, s30  }
0x5d: {  	p0 =	slt.u32 s30, $0x4D8  }
.Ltmp2:
0x5e: {  	_ = 	snop;
	(pc) =	sbr.rel @p0 .LBB2_6-.Ltmp2, $3  }
0x5f: {  	_ =	sdelay $0x1  }
0x60: {  	[tilespmem:v2+s22+$0x0] =	vst.idx.add.f32.msk $0xffff, v1  }
0x61: {  	s28 =	sadd.s32 $0x80, s28;
	s29 =	sadd.s32 $0x80, s29;
	[tilespmem:v3+s17+$0x0] =	vst.idx.add.f32.msk $0xffff, v1  }
0x62: {  	v2 =	vld [tilespmem:$0x4E00]  }
0x63: {  	v3 =	vld [tilespmem:$0x9C20];
	_ =	sdelay $0x6  }
0x64: {  	[tilespmem:v2+s22+$0x0] =	vst.idx.add.f32.msk $0xffff, v1  }
0x65: {  	[tilespmem:v3+s17+$0x0] =	vst.idx.add.f32.msk $0xffff, v1  }
0x66: {  	v2 =	vld [tilespmem:$0x4E10]  }
0x67: {  	v3 =	vld [tilespmem:$0x9C30];
	_ =	sdelay $0x6  }
0x68: {  	[tilespmem:v2+s22+$0x0] =	vst.idx.add.f32.msk $0xffff, v1  }
0x69: {  	[tilespmem:v3+s17+$0x0] =	vst.idx.add.f32.msk $0xffff, v1  }
0x6a: {  	[spmem:s6] =	stream.linear.scatter [tilespmem:s17], [sflag:$0x1], $0x2800, $0x38;
	[tilespmem:$0x16BC0] =	vst v63  }
0x6b: {  	_ =	swait.ge [sflag:s20], $0x2800  }
0x6c: {  	[sflag:s20] =	ssyncset.done $0x0  }
0x6d: {  	[sflag:s20] =	ssyncadd.s32 $0xFFFFD800  }
0x6e: {  	[spmem:s7] =	stream.linear.scatter [tilespmem:s22], [sflag:$0x1], $0x2800, $0x38;
	[tilespmem:$0x16BC0] =	vst v63  }
0x6f: {  	_ =	swait.ge [sflag:s20], $0x2800  }
0x70: {  	[sflag:s20] =	ssyncset.done $0x0  }
0x71: {  	[sflag:s20] =	ssyncadd.s32 $0xFFFFD800  }
0x72: {  	[bflag:$0x0] =	sbarrier.arrive $0xFFFF  }
0x73: {  	[tilespmem:s23], [sflag:$0x1] =	stream.linear.gather [spmem:s9], $0x280, $0x38;
	[tilespmem:$0x16BC0] =	vst v63  }
0x74: {  	_ =	swait.ge [sflag:s20], $0x280  }
0x75: {  	[sflag:s20] =	ssyncset.done $0x0  }
0x76: {  	s28 =	simm.s32 $0xA000;
	[sflag:s20] =	ssyncadd.s32 $0xFFFFFD80  }
.LBB2_8:
0x77: {  	s29 =	sshra.s32 s28, $0x2  }
0x78: {  	s29 =	sadd.s32 s29, s9  }
0x79: {  	[tilespmem:s24], [sflag:$0x1] =	stream.linear.gather [spmem:s29], $0x280, $0x38;
	[tilespmem:$0x16BC0] =	vst v63  }
0x7a: {  	_ =	swait.ge [sflag:s20], $0x280  }
0x7b: {  	[sflag:s20] =	ssyncset.done $0x0  }
0x7c: {  	[sflag:s20] =	ssyncadd.s32 $0xFFFFFD80  }
0x7d: {  	v2 =	vld [tilespmem:$0x116C0]  }
0x7e: {  	v3 =	vld [tilespmem:$0x11440]  }
0x7f: {  	v4 =	vld [tilespmem:$0x116D0]  }
0x80: {  	v5 =	vld [tilespmem:$0x11450]  }
0x81: {  	v6 =	vld [tilespmem:$0x116E0]  }
0x82: {  	v7 =	vld [tilespmem:$0x11460]  }
0x83: {  	v8 =	vld [tilespmem:$0x116F0]  }
0x84: {  	v9 =	vld [tilespmem:$0x11470]  }
0x85: {  	v10 =	vld [tilespmem:$0x11700]  }
0x86: {  	v11 =	vld [tilespmem:$0x11480]  }
0x87: {  	v12 =	vld [tilespmem:$0x11710]  }
0x88: {  	v13 =	vld [tilespmem:$0x11490]  }
0x89: {  	v14 =	vld [tilespmem:$0x11720]  }
0x8a: {  	v15 =	vld [tilespmem:$0x114A0]  }
0x8b: {  	v16 =	vld [tilespmem:$0x11730]  }
0x8c: {  	v17 =	vld [tilespmem:$0x114B0]  }
0x8d: {  	v18 =	vld [tilespmem:$0x11740]  }
0x8e: {  	v19 =	vld [tilespmem:$0x114C0]  }
0x8f: {  	v20 =	vld [tilespmem:$0x11750]  }
0x90: {  	v21 =	vld [tilespmem:$0x114D0]  }
0x91: {  	v22 =	vld [tilespmem:$0x11760]  }
0x92: {  	v23 =	vld [tilespmem:$0x114E0]  }
0x93: {  	v24 =	vld [tilespmem:$0x11770]  }
0x94: {  	v25 =	vld [tilespmem:$0x114F0]  }
0x95: {  	v26 =	vld [tilespmem:$0x11780]  }
0x96: {  	v27 =	vld [tilespmem:$0x11500]  }
0x97: {  	v28 =	vld [tilespmem:$0x11790]  }
0x98: {  	v29 =	vld [tilespmem:$0x11510]  }
0x99: {  	v30 =	vld [tilespmem:$0x117A0]  }
0x9a: {  	v31 =	vld [tilespmem:$0x11520]  }
0x9b: {  	v32 =	vld [tilespmem:$0x117B0]  }
0x9c: {  	v33 =	vld [tilespmem:$0x11530]  }
0x9d: {  	v34 =	vld [tilespmem:$0x117C0]  }
0x9e: {  	v35 =	vld [tilespmem:$0x11540]  }
0x9f: {  	v36 =	vld [tilespmem:$0x117D0]  }
0xa0: {  	v37 =	vld [tilespmem:$0x11550]  }
0xa1: {  	v38 =	vld [tilespmem:$0x117E0]  }
0xa2: {  	v39 =	vld [tilespmem:$0x11560]  }
0xa3: {  	v40 =	vld [tilespmem:$0x117F0]  }
0xa4: {  	v41 =	vld [tilespmem:$0x11570]  }
0xa5: {  	v42 =	vld [tilespmem:$0x11800]  }
0xa6: {  	v43 =	vld [tilespmem:$0x11580]  }
0xa7: {  	v44 =	vld [tilespmem:$0x11810]  }
0xa8: {  	v45 =	vld [tilespmem:$0x11590]  }
0xa9: {  	v46 =	vld [tilespmem:$0x11820]  }
0xaa: {  	v47 =	vld [tilespmem:$0x11830];
	v2 =	vadd.f32 v3, v2  }
0xab: {  	v48 =	vld [tilespmem:$0x115B0];
	v4 =	vadd.f32 v5, v4  }
0xac: {  	v50 =	vld [tilespmem:$0x11840];
	[tilespmem:$0x116C0] =	vst v2;
	v2 =	vadd.f32 v7, v6  }
0xad: {  	v51 =	vld [tilespmem:$0x115C0];
	v49 =	vadd.f32 v9, v8;
	[tilespmem:$0x116D0] =	vst v4  }
0xae: {  	v53 =	vld [tilespmem:$0x11850];
	[tilespmem:$0x116E0] =	vst v2;
	v2 =	vadd.f32 v11, v10  }
0xaf: {  	v54 =	vld [tilespmem:$0x115D0];
	v52 =	vadd.f32 v13, v12;
	[tilespmem:$0x116F0] =	vst v49  }
0xb0: {  	v56 =	vld [tilespmem:$0x11860];
	[tilespmem:$0x11700] =	vst v2;
	v2 =	vadd.f32 v15, v14  }
0xb1: {  	v57 =	vld [tilespmem:$0x115E0];
	v55 =	vadd.f32 v17, v16;
	[tilespmem:$0x11710] =	vst v52  }
0xb2: {  	v59 =	vld [tilespmem:$0x11870];
	[tilespmem:$0x11720] =	vst v2;
	v2 =	vadd.f32 v19, v18  }
0xb3: {  	v60 =	vld [tilespmem:$0x115F0];
	v58 =	vadd.f32 v21, v20;
	[tilespmem:$0x11730] =	vst v55  }
0xb4: {  	v62 =	vld [tilespmem:$0x11880];
	[tilespmem:$0x11740] =	vst v2;
	v2 =	vadd.f32 v23, v22  }
0xb5: {  	v63 =	vld [tilespmem:$0x11600];
	v61 =	vadd.f32 v25, v24;
	[tilespmem:$0x11750] =	vst v58  }
0xb6: {  	v3 =	vld [tilespmem:$0x115A0];
	[tilespmem:$0x11760] =	vst v2;
	v2 =	vadd.f32 v27, v26  }
0xb7: {  	v28 =	vadd.f32 v29, v28;
	v29 =	vld [tilespmem:$0x11890];
	[tilespmem:$0x11770] =	vst v61  }
0xb8: {  	v32 =	vadd.f32 v33, v32;
	v33 =	vld [tilespmem:$0x118A0];
	[tilespmem:$0x11780] =	vst v2;
	v2 =	vadd.f32 v31, v30  }
0xb9: {  	v36 =	vadd.f32 v37, v36;
	v37 =	vld [tilespmem:$0x118B0];
	[tilespmem:$0x11790] =	vst v28  }
0xba: {  	v40 =	vadd.f32 v41, v40;
	v41 =	vld [tilespmem:$0x118C0];
	[tilespmem:$0x117A0] =	vst v2;
	v2 =	vadd.f32 v35, v34  }
0xbb: {  	v44 =	vadd.f32 v45, v44;
	v45 =	vld [tilespmem:$0x118D0];
	[tilespmem:$0x117B0] =	vst v32  }
0xbc: {  	v47 =	vadd.f32 v48, v47;
	v48 =	vld [tilespmem:$0x118E0];
	[tilespmem:$0x117C0] =	vst v2;
	v2 =	vadd.f32 v39, v38  }
0xbd: {  	[tilespmem:$0x117D0] =	vst v36;
	v49 =	vld [tilespmem:$0x11660]  }
0xbe: {  	v52 =	vld [tilespmem:$0x11670];
	[tilespmem:$0x117E0] =	vst v2;
	v2 =	vadd.f32 v43, v42  }
0xbf: {  	[tilespmem:$0x117F0] =	vst v40;
	v55 =	vld [tilespmem:$0x11680]  }
0xc0: {  	v58 =	vld [tilespmem:$0x11690];
	[tilespmem:$0x11800] =	vst v2;
	v2 =	vadd.f32 v3, v46  }
0xc1: {  	[tilespmem:$0x11810] =	vst v44;
	v39 =	vld [tilespmem:$0x11630]  }
0xc2: {  	v61 =	vld [tilespmem:$0x116A0];
	[tilespmem:$0x11820] =	vst v2;
	v2 =	vadd.f32 v51, v50  }
0xc3: {  	[tilespmem:$0x11830] =	vst v47;
	v31 =	vld [tilespmem:$0x11610];
	v50 =	vadd.f32 v54, v53  }
0xc4: {  	v35 =	vld [tilespmem:$0x11620];
	v53 =	vadd.f32 v60, v59;
	[tilespmem:$0x11840] =	vst v2  }
0xc5: {  	v3 =	vld [tilespmem:$0x11650];
	v2 =	vadd.f32 v57, v56;
	[tilespmem:$0x11850] =	vst v50  }
0xc6: {  	v43 =	vld [tilespmem:$0x11640];
	v59 =	vadd.f32 v39, v37;
	[tilespmem:$0x11870] =	vst v53  }
0xc7: {  	v51 =	vld [tilespmem:$0x118F0];
	[tilespmem:$0x11860] =	vst v2;
	v2 =	vadd.f32 v63, v62  }
0xc8: {  	v54 =	vld [tilespmem:$0x11900];
	v56 =	vadd.f32 v31, v29;
	[tilespmem:$0x118B0] =	vst v59  }
0xc9: {  	v57 =	vld [tilespmem:$0x11910];
	[tilespmem:$0x11880] =	vst v2;
	v2 =	vadd.f32 v35, v33  }
0xca: {  	v3 =	vadd.f32 v3, v45;
	[tilespmem:$0x11890] =	vst v56;
	v62 =	vld [tilespmem:$0x11930]  }
0xcb: {  	v63 =	vld [tilespmem:$0x116B0];
	[tilespmem:$0x118A0] =	vst v2;
	v2 =	vadd.f32 v43, v41  }
0xcc: {  	v60 =	vld [tilespmem:$0x11920];
	[tilespmem:$0x118D0] =	vst v3;
	v3 =	vadd.f32 v52, v51  }
0xcd: {  	[tilespmem:$0x118C0] =	vst v2;
	v2 =	vadd.f32 v49, v48  }
0xce: {  	p0 =	sne.s32 s28, $0x96000;
	[tilespmem:$0x118F0] =	vst v3;
	v3 =	vadd.f32 v58, v57  }
.Ltmp3:
0xcf: {  	[tilespmem:$0x118E0] =	vst v2;
	v2 =	vadd.f32 v55, v54;
	(pc) =	sbr.rel @p0 .LBB2_8-.Ltmp3, $4  }
0xd0: {  	[tilespmem:$0x11910] =	vst v3;
	v3 =	vadd.f32 v63, v62  }
0xd1: {  	[tilespmem:$0x11900] =	vst v2;
	v2 =	vadd.f32 v61, v60  }
0xd2: {  	[tilespmem:$0x11930] =	vst v3  }
0xd3: {  	s28 =	sadd.s32 $0xA000, s28;
	[tilespmem:$0x11920] =	vst v2  }
0xd4: {  	[tilespmem:s17], [sflag:$0x1] =	stream.linear.gather [spmem:s10], $0x280, $0x38;
	[tilespmem:$0x16BC0] =	vst v63  }
0xd5: {  	_ =	swait.ge [sflag:s20], $0x280  }
0xd6: {  	[sflag:s20] =	ssyncset.done $0x0  }
0xd7: {  	s28 =	simm.s32 $0xA000;
	[sflag:s20] =	ssyncadd.s32 $0xFFFFFD80  }
.LBB2_10:
0xd8: {  	s29 =	sshra.s32 s28, $0x2  }
0xd9: {  	s29 =	sadd.s32 s29, s10  }
0xda: {  	[tilespmem:s24], [sflag:$0x1] =	stream.linear.gather [spmem:s29], $0x280, $0x38;
	[tilespmem:$0x16BC0] =	vst v63  }
0xdb: {  	_ =	swait.ge [sflag:s20], $0x280  }
0xdc: {  	[sflag:s20] =	ssyncset.done $0x0  }
0xdd: {  	[sflag:s20] =	ssyncadd.s32 $0xFFFFFD80  }
0xde: {  	v2 =	vld [tilespmem:$0x9C40]  }
0xdf: {  	v3 =	vld [tilespmem:$0x11440]  }
0xe0: {  	v4 =	vld [tilespmem:$0x9C50]  }
0xe1: {  	v5 =	vld [tilespmem:$0x11450]  }
0xe2: {  	v6 =	vld [tilespmem:$0x9C60]  }
0xe3: {  	v7 =	vld [tilespmem:$0x11460]  }
0xe4: {  	v8 =	vld [tilespmem:$0x9C70]  }
0xe5: {  	v9 =	vld [tilespmem:$0x11470]  }
0xe6: {  	v10 =	vld [tilespmem:$0x9C80]  }
0xe7: {  	v11 =	vld [tilespmem:$0x11480]  }
0xe8: {  	v12 =	vld [tilespmem:$0x9C90]  }
0xe9: {  	v13 =	vld [tilespmem:$0x11490]  }
0xea: {  	v14 =	vld [tilespmem:$0x9CA0]  }
0xeb: {  	v15 =	vld [tilespmem:$0x114A0]  }
0xec: {  	v16 =	vld [tilespmem:$0x9CB0]  }
0xed: {  	v17 =	vld [tilespmem:$0x114B0]  }
0xee: {  	v18 =	vld [tilespmem:$0x9CC0]  }
0xef: {  	v19 =	vld [tilespmem:$0x114C0]  }
0xf0: {  	v20 =	vld [tilespmem:$0x9CD0]  }
0xf1: {  	v21 =	vld [tilespmem:$0x114D0]  }
0xf2: {  	v22 =	vld [tilespmem:$0x9CE0]  }
0xf3: {  	v23 =	vld [tilespmem:$0x114E0]  }
0xf4: {  	v24 =	vld [tilespmem:$0x9CF0]  }
0xf5: {  	v25 =	vld [tilespmem:$0x114F0]  }
0xf6: {  	v26 =	vld [tilespmem:$0x9D00]  }
0xf7: {  	v27 =	vld [tilespmem:$0x11500]  }
0xf8: {  	v28 =	vld [tilespmem:$0x9D10]  }
0xf9: {  	v29 =	vld [tilespmem:$0x11510]  }
0xfa: {  	v30 =	vld [tilespmem:$0x9D20]  }
0xfb: {  	v31 =	vld [tilespmem:$0x11520]  }
0xfc: {  	v32 =	vld [tilespmem:$0x9D30]  }
0xfd: {  	v33 =	vld [tilespmem:$0x11530]  }
0xfe: {  	v34 =	vld [tilespmem:$0x9D40]  }
0xff: {  	v35 =	vld [tilespmem:$0x11540]  }
0x100: {  	v36 =	vld [tilespmem:$0x9D50]  }
0x101: {  	v37 =	vld [tilespmem:$0x11550]  }
0x102: {  	v38 =	vld [tilespmem:$0x9D60]  }
0x103: {  	v39 =	vld [tilespmem:$0x11560]  }
0x104: {  	v40 =	vld [tilespmem:$0x9D70]  }
0x105: {  	v41 =	vld [tilespmem:$0x11570]  }
0x106: {  	v42 =	vld [tilespmem:$0x9D80]  }
0x107: {  	v43 =	vld [tilespmem:$0x11580]  }
0x108: {  	v44 =	vld [tilespmem:$0x9D90]  }
0x109: {  	v45 =	vld [tilespmem:$0x11590]  }
0x10a: {  	v46 =	vld [tilespmem:$0x9DA0]  }
0x10b: {  	v47 =	vld [tilespmem:$0x9DB0];
	v2 =	vadd.f32 v3, v2  }
0x10c: {  	v48 =	vld [tilespmem:$0x115B0];
	v4 =	vadd.f32 v5, v4  }
0x10d: {  	v50 =	vld [tilespmem:$0x9DC0];
	[tilespmem:$0x9C40] =	vst v2;
	v2 =	vadd.f32 v7, v6  }
0x10e: {  	v51 =	vld [tilespmem:$0x115C0];
	v49 =	vadd.f32 v9, v8;
	[tilespmem:$0x9C50] =	vst v4  }
0x10f: {  	v53 =	vld [tilespmem:$0x9DD0];
	[tilespmem:$0x9C60] =	vst v2;
	v2 =	vadd.f32 v11, v10  }
0x110: {  	v54 =	vld [tilespmem:$0x115D0];
	v52 =	vadd.f32 v13, v12;
	[tilespmem:$0x9C70] =	vst v49  }
0x111: {  	v56 =	vld [tilespmem:$0x9DE0];
	[tilespmem:$0x9C80] =	vst v2;
	v2 =	vadd.f32 v15, v14  }
0x112: {  	v57 =	vld [tilespmem:$0x115E0];
	v55 =	vadd.f32 v17, v16;
	[tilespmem:$0x9C90] =	vst v52  }
0x113: {  	v59 =	vld [tilespmem:$0x9DF0];
	[tilespmem:$0x9CA0] =	vst v2;
	v2 =	vadd.f32 v19, v18  }
0x114: {  	v60 =	vld [tilespmem:$0x115F0];
	v58 =	vadd.f32 v21, v20;
	[tilespmem:$0x9CB0] =	vst v55  }
0x115: {  	v62 =	vld [tilespmem:$0x9E00];
	[tilespmem:$0x9CC0] =	vst v2;
	v2 =	vadd.f32 v23, v22  }
0x116: {  	v63 =	vld [tilespmem:$0x11600];
	v61 =	vadd.f32 v25, v24;
	[tilespmem:$0x9CD0] =	vst v58  }
0x117: {  	v3 =	vld [tilespmem:$0x115A0];
	[tilespmem:$0x9CE0] =	vst v2;
	v2 =	vadd.f32 v27, v26  }
0x118: {  	v28 =	vadd.f32 v29, v28;
	v29 =	vld [tilespmem:$0x9E10];
	[tilespmem:$0x9CF0] =	vst v61  }
0x119: {  	v32 =	vadd.f32 v33, v32;
	v33 =	vld [tilespmem:$0x9E20];
	[tilespmem:$0x9D00] =	vst v2;
	v2 =	vadd.f32 v31, v30  }
0x11a: {  	v36 =	vadd.f32 v37, v36;
	v37 =	vld [tilespmem:$0x9E30];
	[tilespmem:$0x9D10] =	vst v28  }
0x11b: {  	v40 =	vadd.f32 v41, v40;
	v41 =	vld [tilespmem:$0x9E40];
	[tilespmem:$0x9D20] =	vst v2;
	v2 =	vadd.f32 v35, v34  }
0x11c: {  	v44 =	vadd.f32 v45, v44;
	v45 =	vld [tilespmem:$0x9E50];
	[tilespmem:$0x9D30] =	vst v32  }
0x11d: {  	v47 =	vadd.f32 v48, v47;
	v48 =	vld [tilespmem:$0x9E60];
	[tilespmem:$0x9D40] =	vst v2;
	v2 =	vadd.f32 v39, v38  }
0x11e: {  	[tilespmem:$0x9D50] =	vst v36;
	v49 =	vld [tilespmem:$0x11660]  }
0x11f: {  	v52 =	vld [tilespmem:$0x11670];
	[tilespmem:$0x9D60] =	vst v2;
	v2 =	vadd.f32 v43, v42  }
0x120: {  	[tilespmem:$0x9D70] =	vst v40;
	v55 =	vld [tilespmem:$0x11680]  }
0x121: {  	v58 =	vld [tilespmem:$0x11690];
	[tilespmem:$0x9D80] =	vst v2;
	v2 =	vadd.f32 v3, v46  }
0x122: {  	[tilespmem:$0x9D90] =	vst v44;
	v39 =	vld [tilespmem:$0x11630]  }
0x123: {  	v61 =	vld [tilespmem:$0x116A0];
	[tilespmem:$0x9DA0] =	vst v2;
	v2 =	vadd.f32 v51, v50  }
0x124: {  	[tilespmem:$0x9DB0] =	vst v47;
	v31 =	vld [tilespmem:$0x11610];
	v50 =	vadd.f32 v54, v53  }
0x125: {  	v35 =	vld [tilespmem:$0x11620];
	v53 =	vadd.f32 v60, v59;
	[tilespmem:$0x9DC0] =	vst v2  }
0x126: {  	v3 =	vld [tilespmem:$0x11650];
	v2 =	vadd.f32 v57, v56;
	[tilespmem:$0x9DD0] =	vst v50  }
0x127: {  	v43 =	vld [tilespmem:$0x11640];
	v59 =	vadd.f32 v39, v37;
	[tilespmem:$0x9DF0] =	vst v53  }
0x128: {  	v51 =	vld [tilespmem:$0x9E70];
	[tilespmem:$0x9DE0] =	vst v2;
	v2 =	vadd.f32 v63, v62  }
0x129: {  	v54 =	vld [tilespmem:$0x9E80];
	v56 =	vadd.f32 v31, v29;
	[tilespmem:$0x9E30] =	vst v59  }
0x12a: {  	v57 =	vld [tilespmem:$0x9E90];
	[tilespmem:$0x9E00] =	vst v2;
	v2 =	vadd.f32 v35, v33  }
0x12b: {  	v3 =	vadd.f32 v3, v45;
	[tilespmem:$0x9E10] =	vst v56;
	v62 =	vld [tilespmem:$0x9EB0]  }
0x12c: {  	v63 =	vld [tilespmem:$0x116B0];
	[tilespmem:$0x9E20] =	vst v2;
	v2 =	vadd.f32 v43, v41  }
0x12d: {  	v60 =	vld [tilespmem:$0x9EA0];
	[tilespmem:$0x9E50] =	vst v3;
	v3 =	vadd.f32 v52, v51  }
0x12e: {  	[tilespmem:$0x9E40] =	vst v2;
	v2 =	vadd.f32 v49, v48  }
0x12f: {  	p0 =	sne.s32 s28, $0x96000;
	[tilespmem:$0x9E70] =	vst v3;
	v3 =	vadd.f32 v58, v57  }
.Ltmp4:
0x130: {  	[tilespmem:$0x9E60] =	vst v2;
	v2 =	vadd.f32 v55, v54;
	(pc) =	sbr.rel @p0 .LBB2_10-.Ltmp4, $4  }
0x131: {  	[tilespmem:$0x9E90] =	vst v3;
	v3 =	vadd.f32 v63, v62  }
0x132: {  	[tilespmem:$0x9E80] =	vst v2;
	v2 =	vadd.f32 v61, v60  }
0x133: {  	[tilespmem:$0x9EB0] =	vst v3  }
0x134: {  	s28 =	sadd.s32 $0xA000, s28;
	[tilespmem:$0x9EA0] =	vst v2  }
0x135: {  	[hbm4b:s15+s3] =	stream.linear.scatter [tilespmem:s16], [sflag:$0x1], $0x280, $0x38;
	[tilespmem:$0x16BC0] =	vst v63  }
0x136: {  	_ =	swait.ge [sflag:s20], $0x280  }
0x137: {  	[sflag:s20] =	ssyncset.done $0x0  }
0x138: {  	s30 =	simm.s32 $0x9C80;
	[sflag:s20] =	ssyncadd.s32 $0xFFFFFD80  }
0x139: {  	v2 =	vld [tilespmem:s30+$0xFFFFFFC0];
	_ =	sdelay $0x4  }
0x13a: {  	v2 =	vmax.f32 v2, $1.000000000e+00  }
0x13b: {  	v3 =	vshra.s32 v2, $0x1;
	v2 =	vmul.f32 $5.000000000e-01, v2  }
0x13c: {  	v3 =	vsub.s32 $0x5F3759DF, v3  }
0x13d: {  	v4 =	vmul.f32 v3, v2;
	_ =	sdelay $0x1  }
0x13e: {  	v4 =	vmul.f32 v3, v4;
	_ =	sdelay $0x1  }
0x13f: {  	v4 =	vsub.f32 $1.500000000e+00, v4;
	_ =	sdelay $0x1  }
0x140: {  	v3 =	vmul.f32 v3, v4;
	_ =	sdelay $0x1  }
0x141: {  	v4 =	vmul.f32 v3, v2;
	_ =	sdelay $0x1  }
0x142: {  	v4 =	vmul.f32 v4, v3;
	_ =	sdelay $0x1  }
0x143: {  	v4 =	vsub.f32 $1.500000000e+00, v4;
	_ =	sdelay $0x1  }
0x144: {  	v3 =	vmul.f32 v4, v3;
	_ =	sdelay $0x1  }
0x145: {  	v2 =	vmul.f32 v3, v2;
	_ =	sdelay $0x1  }
0x146: {  	s28 =	simm.s32 $0x11700;
	v2 =	vmul.f32 v2, v3  }
0x147: {  	v49 =	vld [tilespmem:s28+$0xFFFFFFC0]  }
0x148: {  	v2 =	vsub.f32 $1.500000000e+00, v2;
	_ =	sdelay $0x1  }
0x149: {  	v2 =	vmul.f32 v2, v3;
	_ =	sdelay $0x1  }
0x14a: {  	v2 =	vmul.f32 v2, v49  }
0x14b: {  	s29 =	simm.s32 $0x11480  }
0x14c: {  	[tilespmem:s29+$0xFFFFFFC0] =	vst v2  }
0x14d: {  	v2 =	vld [tilespmem:s30+$0xFFFFFFD0];
	_ =	sdelay $0x4  }
0x14e: {  	v2 =	vmax.f32 v2, $1.000000000e+00  }
0x14f: {  	v3 =	vshra.s32 v2, $0x1;
	v2 =	vmul.f32 $5.000000000e-01, v2  }
0x150: {  	v3 =	vsub.s32 $0x5F3759DF, v3  }
0x151: {  	v50 =	vmul.f32 v3, v2;
	_ =	sdelay $0x1  }
0x152: {  	v4 =	vmul.f32 v3, v50;
	_ =	sdelay $0x1  }
0x153: {  	v4 =	vsub.f32 $1.500000000e+00, v4;
	_ =	sdelay $0x1  }
0x154: {  	v3 =	vmul.f32 v3, v4;
	_ =	sdelay $0x1  }
0x155: {  	v4 =	vmul.f32 v3, v2;
	_ =	sdelay $0x1  }
0x156: {  	v4 =	vmul.f32 v4, v3;
	_ =	sdelay $0x1  }
0x157: {  	v4 =	vsub.f32 $1.500000000e+00, v4;
	_ =	sdelay $0x1  }
0x158: {  	v3 =	vmul.f32 v4, v3;
	_ =	sdelay $0x1  }
0x159: {  	v2 =	vmul.f32 v3, v2;
	_ =	sdelay $0x1  }
0x15a: {  	v2 =	vmul.f32 v2, v3  }
0x15b: {  	v51 =	vld [tilespmem:s28+$0xFFFFFFD0]  }
0x15c: {  	v2 =	vsub.f32 $1.500000000e+00, v2;
	_ =	sdelay $0x1  }
0x15d: {  	v2 =	vmul.f32 v2, v3;
	_ =	sdelay $0x1  }
0x15e: {  	v2 =	vmul.f32 v2, v51;
	_ =	sdelay $0x1  }
0x15f: {  	[tilespmem:s29+$0xFFFFFFD0] =	vst v2  }
0x160: {  	v2 =	vld [tilespmem:s30+$0xFFFFFFE0];
	_ =	sdelay $0x4  }
0x161: {  	v2 =	vmax.f32 v2, $1.000000000e+00  }
0x162: {  	v3 =	vshra.s32 v2, $0x1;
	v2 =	vmul.f32 $5.000000000e-01, v2  }
0x163: {  	v3 =	vsub.s32 $0x5F3759DF, v3  }
0x164: {  	v52 =	vmul.f32 v3, v2;
	_ =	sdelay $0x1  }
0x165: {  	v4 =	vmul.f32 v3, v52;
	_ =	sdelay $0x1  }
0x166: {  	v4 =	vsub.f32 $1.500000000e+00, v4;
	_ =	sdelay $0x1  }
0x167: {  	v3 =	vmul.f32 v3, v4;
	_ =	sdelay $0x1  }
0x168: {  	v4 =	vmul.f32 v3, v2;
	_ =	sdelay $0x1  }
0x169: {  	v4 =	vmul.f32 v4, v3;
	_ =	sdelay $0x1  }
0x16a: {  	v4 =	vsub.f32 $1.500000000e+00, v4;
	_ =	sdelay $0x1  }
0x16b: {  	v3 =	vmul.f32 v4, v3;
	_ =	sdelay $0x1  }
0x16c: {  	v2 =	vmul.f32 v3, v2;
	_ =	sdelay $0x1  }
0x16d: {  	v2 =	vmul.f32 v2, v3  }
0x16e: {  	v53 =	vld [tilespmem:s28+$0xFFFFFFE0]  }
0x16f: {  	v2 =	vsub.f32 $1.500000000e+00, v2;
	_ =	sdelay $0x1  }
0x170: {  	v2 =	vmul.f32 v2, v3;
	_ =	sdelay $0x1  }
0x171: {  	v2 =	vmul.f32 v2, v53;
	_ =	sdelay $0x1  }
0x172: {  	[tilespmem:s29+$0xFFFFFFE0] =	vst v2  }
0x173: {  	v2 =	vld [tilespmem:s30+$0xFFFFFFF0];
	_ =	sdelay $0x4  }
0x174: {  	v2 =	vmax.f32 v2, $1.000000000e+00  }
0x175: {  	v3 =	vshra.s32 v2, $0x1;
	v2 =	vmul.f32 $5.000000000e-01, v2  }
0x176: {  	v3 =	vsub.s32 $0x5F3759DF, v3  }
0x177: {  	v54 =	vmul.f32 v3, v2;
	_ =	sdelay $0x1  }
0x178: {  	v4 =	vmul.f32 v3, v54;
	_ =	sdelay $0x1  }
0x179: {  	v4 =	vsub.f32 $1.500000000e+00, v4;
	_ =	sdelay $0x1  }
0x17a: {  	v3 =	vmul.f32 v3, v4;
	_ =	sdelay $0x1  }
0x17b: {  	v4 =	vmul.f32 v3, v2;
	_ =	sdelay $0x1  }
0x17c: {  	v4 =	vmul.f32 v4, v3;
	_ =	sdelay $0x1  }
0x17d: {  	v4 =	vsub.f32 $1.500000000e+00, v4;
	_ =	sdelay $0x1  }
0x17e: {  	v3 =	vmul.f32 v4, v3;
	_ =	sdelay $0x1  }
0x17f: {  	v2 =	vmul.f32 v3, v2;
	_ =	sdelay $0x1  }
0x180: {  	v2 =	vmul.f32 v2, v3  }
0x181: {  	v55 =	vld [tilespmem:s28+$0xFFFFFFF0]  }
0x182: {  	v2 =	vsub.f32 $1.500000000e+00, v2;
	_ =	sdelay $0x1  }
0x183: {  	v2 =	vmul.f32 v2, v3;
	_ =	sdelay $0x1  }
0x184: {  	v2 =	vmul.f32 v2, v55;
	_ =	sdelay $0x1  }
0x185: {  	[tilespmem:s29+$0xFFFFFFF0] =	vst v2  }
0x186: {  	v2 =	vld [tilespmem:s30+$0x0];
	_ =	sdelay $0x4  }
0x187: {  	v2 =	vmax.f32 v2, $1.000000000e+00  }
0x188: {  	v3 =	vshra.s32 v2, $0x1;
	v2 =	vmul.f32 $5.000000000e-01, v2  }
0x189: {  	v3 =	vsub.s32 $0x5F3759DF, v3  }
0x18a: {  	v56 =	vmul.f32 v3, v2;
	_ =	sdelay $0x1  }
0x18b: {  	v4 =	vmul.f32 v3, v56;
	_ =	sdelay $0x1  }
0x18c: {  	v4 =	vsub.f32 $1.500000000e+00, v4;
	_ =	sdelay $0x1  }
0x18d: {  	v3 =	vmul.f32 v3, v4;
	_ =	sdelay $0x1  }
0x18e: {  	v4 =	vmul.f32 v3, v2;
	_ =	sdelay $0x1  }
0x18f: {  	v4 =	vmul.f32 v4, v3;
	_ =	sdelay $0x1  }
0x190: {  	v4 =	vsub.f32 $1.500000000e+00, v4;
	_ =	sdelay $0x1  }
0x191: {  	v3 =	vmul.f32 v4, v3;
	_ =	sdelay $0x1  }
0x192: {  	v2 =	vmul.f32 v3, v2;
	_ =	sdelay $0x1  }
0x193: {  	v2 =	vmul.f32 v2, v3  }
0x194: {  	v57 =	vld [tilespmem:s28+$0x0]  }
0x195: {  	v2 =	vsub.f32 $1.500000000e+00, v2;
	_ =	sdelay $0x1  }
0x196: {  	v2 =	vmul.f32 v2, v3;
	_ =	sdelay $0x1  }
0x197: {  	v2 =	vmul.f32 v2, v57;
	_ =	sdelay $0x1  }
0x198: {  	[tilespmem:s29+$0x0] =	vst v2  }
0x199: {  	v2 =	vld [tilespmem:s30+$0x10];
	_ =	sdelay $0x4  }
0x19a: {  	v2 =	vmax.f32 v2, $1.000000000e+00  }
0x19b: {  	v3 =	vshra.s32 v2, $0x1;
	v2 =	vmul.f32 $5.000000000e-01, v2  }
0x19c: {  	v3 =	vsub.s32 $0x5F3759DF, v3  }
0x19d: {  	v58 =	vmul.f32 v3, v2;
	_ =	sdelay $0x1  }
0x19e: {  	v4 =	vmul.f32 v3, v58;
	_ =	sdelay $0x1  }
0x19f: {  	v4 =	vsub.f32 $1.500000000e+00, v4;
	_ =	sdelay $0x1  }
0x1a0: {  	v3 =	vmul.f32 v3, v4;
	_ =	sdelay $0x1  }
0x1a1: {  	v4 =	vmul.f32 v3, v2;
	_ =	sdelay $0x1  }
0x1a2: {  	v4 =	vmul.f32 v4, v3;
	_ =	sdelay $0x1  }
0x1a3: {  	v4 =	vsub.f32 $1.500000000e+00, v4;
	_ =	sdelay $0x1  }
0x1a4: {  	v3 =	vmul.f32 v4, v3;
	_ =	sdelay $0x1  }
0x1a5: {  	v2 =	vmul.f32 v3, v2;
	_ =	sdelay $0x1  }
0x1a6: {  	v2 =	vmul.f32 v2, v3  }
0x1a7: {  	v59 =	vld [tilespmem:s28+$0x10]  }
0x1a8: {  	v2 =	vsub.f32 $1.500000000e+00, v2;
	_ =	sdelay $0x1  }
0x1a9: {  	v2 =	vmul.f32 v2, v3;
	_ =	sdelay $0x1  }
0x1aa: {  	v2 =	vmul.f32 v2, v59;
	_ =	sdelay $0x1  }
0x1ab: {  	[tilespmem:s29+$0x10] =	vst v2  }
0x1ac: {  	v2 =	vld [tilespmem:s30+$0x20];
	_ =	sdelay $0x4  }
0x1ad: {  	v2 =	vmax.f32 v2, $1.000000000e+00  }
0x1ae: {  	v3 =	vshra.s32 v2, $0x1;
	v2 =	vmul.f32 $5.000000000e-01, v2  }
0x1af: {  	v3 =	vsub.s32 $0x5F3759DF, v3  }
0x1b0: {  	v60 =	vmul.f32 v3, v2;
	_ =	sdelay $0x1  }
0x1b1: {  	v4 =	vmul.f32 v3, v60;
	_ =	sdelay $0x1  }
0x1b2: {  	v4 =	vsub.f32 $1.500000000e+00, v4;
	_ =	sdelay $0x1  }
0x1b3: {  	v3 =	vmul.f32 v3, v4;
	_ =	sdelay $0x1  }
0x1b4: {  	v4 =	vmul.f32 v3, v2;
	_ =	sdelay $0x1  }
0x1b5: {  	v4 =	vmul.f32 v4, v3;
	_ =	sdelay $0x1  }
0x1b6: {  	v4 =	vsub.f32 $1.500000000e+00, v4;
	_ =	sdelay $0x1  }
0x1b7: {  	v3 =	vmul.f32 v4, v3;
	_ =	sdelay $0x1  }
0x1b8: {  	v2 =	vmul.f32 v3, v2;
	_ =	sdelay $0x1  }
0x1b9: {  	v2 =	vmul.f32 v2, v3  }
0x1ba: {  	v61 =	vld [tilespmem:s28+$0x20]  }
0x1bb: {  	v2 =	vsub.f32 $1.500000000e+00, v2;
	_ =	sdelay $0x1  }
0x1bc: {  	v2 =	vmul.f32 v2, v3;
	_ =	sdelay $0x1  }
0x1bd: {  	v2 =	vmul.f32 v2, v61;
	_ =	sdelay $0x1  }
0x1be: {  	[tilespmem:s29+$0x20] =	vst v2  }
0x1bf: {  	v2 =	vld [tilespmem:s30+$0x30];
	_ =	sdelay $0x4  }
0x1c0: {  	v2 =	vmax.f32 v2, $1.000000000e+00  }
0x1c1: {  	v3 =	vshra.s32 v2, $0x1;
	v2 =	vmul.f32 $5.000000000e-01, v2  }
0x1c2: {  	v3 =	vsub.s32 $0x5F3759DF, v3  }
0x1c3: {  	v62 =	vmul.f32 v3, v2;
	_ =	sdelay $0x1  }
0x1c4: {  	v4 =	vmul.f32 v3, v62;
	_ =	sdelay $0x1  }
0x1c5: {  	v4 =	vsub.f32 $1.500000000e+00, v4;
	_ =	sdelay $0x1  }
0x1c6: {  	v3 =	vmul.f32 v3, v4;
	_ =	sdelay $0x1  }
0x1c7: {  	v4 =	vmul.f32 v3, v2;
	_ =	sdelay $0x1  }
0x1c8: {  	v4 =	vmul.f32 v4, v3;
	_ =	sdelay $0x1  }
0x1c9: {  	v4 =	vsub.f32 $1.500000000e+00, v4;
	_ =	sdelay $0x1  }
0x1ca: {  	v3 =	vmul.f32 v4, v3;
	_ =	sdelay $0x1  }
0x1cb: {  	v2 =	vmul.f32 v3, v2;
	_ =	sdelay $0x1  }
0x1cc: {  	v2 =	vmul.f32 v2, v3  }
0x1cd: {  	v63 =	vld [tilespmem:s28+$0x30]  }
0x1ce: {  	v2 =	vsub.f32 $1.500000000e+00, v2;
	_ =	sdelay $0x1  }
0x1cf: {  	v2 =	vmul.f32 v2, v3;
	_ =	sdelay $0x1  }
0x1d0: {  	v2 =	vmul.f32 v2, v63;
	_ =	sdelay $0x1  }
0x1d1: {  	s31 =	simm.s32 $0x9D00;
	s30 =	simm.s32 $0x0;
	[tilespmem:s29+$0x30] =	vst v2  }
.LBB2_12:
0x1d2: {  	v2 =	vld [tilespmem:s31+$0xFFFFFFC0];
	s30 =	sadd.s32 $0x8, s30;
	s28 =	sadd.s32 $0x80, s28  }
0x1d3: {  	v3 =	vld [tilespmem:s28+$0xFFFFFFC0];
	p0 =	slt.u32 s30, $0x20;
	_ =	sdelay $0x3  }
0x1d4: {  	v2 =	vmax.f32 v2, $1.000000000e+00  }
0x1d5: {  	v4 =	vshra.s32 v2, $0x1;
	v2 =	vmul.f32 $5.000000000e-01, v2  }
0x1d6: {  	v4 =	vsub.s32 $0x5F3759DF, v4  }
0x1d7: {  	v5 =	vmul.f32 v4, v2;
	_ =	sdelay $0x1  }
0x1d8: {  	v5 =	vmul.f32 v4, v5;
	_ =	sdelay $0x1  }
0x1d9: {  	v5 =	vsub.f32 $1.500000000e+00, v5;
	_ =	sdelay $0x1  }
0x1da: {  	v4 =	vmul.f32 v4, v5;
	_ =	sdelay $0x1  }
0x1db: {  	v5 =	vmul.f32 v4, v2;
	_ =	sdelay $0x1  }
0x1dc: {  	v5 =	vmul.f32 v5, v4;
	_ =	sdelay $0x1  }
0x1dd: {  	v5 =	vsub.f32 $1.500000000e+00, v5;
	_ =	sdelay $0x1  }
0x1de: {  	v4 =	vmul.f32 v5, v4;
	_ =	sdelay $0x1  }
0x1df: {  	v2 =	vmul.f32 v4, v2;
	_ =	sdelay $0x1  }
0x1e0: {  	v2 =	vmul.f32 v2, v4;
	_ =	sdelay $0x1  }
0x1e1: {  	v2 =	vsub.f32 $1.500000000e+00, v2;
	_ =	sdelay $0x1  }
0x1e2: {  	v2 =	vmul.f32 v2, v4;
	_ =	sdelay $0x1  }
0x1e3: {  	v2 =	vmul.f32 v2, v3  }
0x1e4: {  	s29 =	sadd.s32 $0x80, s29  }
0x1e5: {  	[tilespmem:s29+$0xFFFFFFC0] =	vst v2  }
0x1e6: {  	v2 =	vld [tilespmem:s31+$0xFFFFFFD0];
	_ =	sdelay $0x4  }
0x1e7: {  	v2 =	vmax.f32 v2, $1.000000000e+00  }
0x1e8: {  	v3 =	vshra.s32 v2, $0x1;
	v2 =	vmul.f32 $5.000000000e-01, v2  }
0x1e9: {  	v3 =	vsub.s32 $0x5F3759DF, v3  }
0x1ea: {  	v4 =	vmul.f32 v3, v2;
	_ =	sdelay $0x1  }
0x1eb: {  	v4 =	vmul.f32 v3, v4;
	_ =	sdelay $0x1  }
0x1ec: {  	v4 =	vsub.f32 $1.500000000e+00, v4;
	_ =	sdelay $0x1  }
0x1ed: {  	v3 =	vmul.f32 v3, v4;
	_ =	sdelay $0x1  }
0x1ee: {  	v4 =	vmul.f32 v3, v2;
	_ =	sdelay $0x1  }
0x1ef: {  	v4 =	vmul.f32 v4, v3;
	_ =	sdelay $0x1  }
0x1f0: {  	v4 =	vsub.f32 $1.500000000e+00, v4;
	_ =	sdelay $0x1  }
0x1f1: {  	v3 =	vmul.f32 v4, v3;
	_ =	sdelay $0x1  }
0x1f2: {  	v2 =	vmul.f32 v3, v2;
	_ =	sdelay $0x1  }
0x1f3: {  	v2 =	vmul.f32 v2, v3  }
0x1f4: {  	v4 =	vld [tilespmem:s28+$0xFFFFFFD0]  }
0x1f5: {  	v2 =	vsub.f32 $1.500000000e+00, v2;
	_ =	sdelay $0x1  }
0x1f6: {  	v2 =	vmul.f32 v2, v3;
	_ =	sdelay $0x1  }
0x1f7: {  	v2 =	vmul.f32 v2, v4;
	_ =	sdelay $0x1  }
0x1f8: {  	[tilespmem:s29+$0xFFFFFFD0] =	vst v2  }
0x1f9: {  	v2 =	vld [tilespmem:s31+$0xFFFFFFE0];
	_ =	sdelay $0x4  }
0x1fa: {  	v2 =	vmax.f32 v2, $1.000000000e+00  }
0x1fb: {  	v3 =	vshra.s32 v2, $0x1;
	v2 =	vmul.f32 $5.000000000e-01, v2  }
0x1fc: {  	v3 =	vsub.s32 $0x5F3759DF, v3  }
0x1fd: {  	v4 =	vmul.f32 v3, v2;
	_ =	sdelay $0x1  }
0x1fe: {  	v4 =	vmul.f32 v3, v4;
	_ =	sdelay $0x1  }
0x1ff: {  	v4 =	vsub.f32 $1.500000000e+00, v4;
	_ =	sdelay $0x1  }
0x200: {  	v3 =	vmul.f32 v3, v4;
	_ =	sdelay $0x1  }
0x201: {  	v4 =	vmul.f32 v3, v2;
	_ =	sdelay $0x1  }
0x202: {  	v4 =	vmul.f32 v4, v3;
	_ =	sdelay $0x1  }
0x203: {  	v4 =	vsub.f32 $1.500000000e+00, v4;
	_ =	sdelay $0x1  }
0x204: {  	v3 =	vmul.f32 v4, v3;
	_ =	sdelay $0x1  }
0x205: {  	v2 =	vmul.f32 v3, v2;
	_ =	sdelay $0x1  }
0x206: {  	v2 =	vmul.f32 v2, v3  }
0x207: {  	v4 =	vld [tilespmem:s28+$0xFFFFFFE0]  }
0x208: {  	v2 =	vsub.f32 $1.500000000e+00, v2;
	_ =	sdelay $0x1  }
0x209: {  	v2 =	vmul.f32 v2, v3;
	_ =	sdelay $0x1  }
0x20a: {  	v2 =	vmul.f32 v2, v4;
	_ =	sdelay $0x1  }
0x20b: {  	[tilespmem:s29+$0xFFFFFFE0] =	vst v2  }
0x20c: {  	v2 =	vld [tilespmem:s31+$0xFFFFFFF0];
	_ =	sdelay $0x4  }
0x20d: {  	v2 =	vmax.f32 v2, $1.000000000e+00  }
0x20e: {  	v3 =	vshra.s32 v2, $0x1;
	v2 =	vmul.f32 $5.000000000e-01, v2  }
0x20f: {  	v3 =	vsub.s32 $0x5F3759DF, v3  }
0x210: {  	v4 =	vmul.f32 v3, v2;
	_ =	sdelay $0x1  }
0x211: {  	v4 =	vmul.f32 v3, v4;
	_ =	sdelay $0x1  }
0x212: {  	v4 =	vsub.f32 $1.500000000e+00, v4;
	_ =	sdelay $0x1  }
0x213: {  	v3 =	vmul.f32 v3, v4;
	_ =	sdelay $0x1  }
0x214: {  	v4 =	vmul.f32 v3, v2;
	_ =	sdelay $0x1  }
0x215: {  	v4 =	vmul.f32 v4, v3;
	_ =	sdelay $0x1  }
0x216: {  	v4 =	vsub.f32 $1.500000000e+00, v4;
	_ =	sdelay $0x1  }
0x217: {  	v3 =	vmul.f32 v4, v3;
	_ =	sdelay $0x1  }
0x218: {  	v2 =	vmul.f32 v3, v2;
	_ =	sdelay $0x1  }
0x219: {  	v2 =	vmul.f32 v2, v3  }
0x21a: {  	v4 =	vld [tilespmem:s28+$0xFFFFFFF0]  }
0x21b: {  	v2 =	vsub.f32 $1.500000000e+00, v2;
	_ =	sdelay $0x1  }
0x21c: {  	v2 =	vmul.f32 v2, v3;
	_ =	sdelay $0x1  }
0x21d: {  	v2 =	vmul.f32 v2, v4;
	_ =	sdelay $0x1  }
0x21e: {  	[tilespmem:s29+$0xFFFFFFF0] =	vst v2  }
0x21f: {  	v2 =	vld [tilespmem:s31+$0x0]  }
0x220: {  	v3 =	vld [tilespmem:s28+$0x0];
	_ =	sdelay $0x3  }
0x221: {  	v2 =	vmax.f32 v2, $1.000000000e+00  }
0x222: {  	v4 =	vshra.s32 v2, $0x1;
	v2 =	vmul.f32 $5.000000000e-01, v2  }
0x223: {  	v4 =	vsub.s32 $0x5F3759DF, v4  }
0x224: {  	v5 =	vmul.f32 v4, v2;
	_ =	sdelay $0x1  }
0x225: {  	v5 =	vmul.f32 v4, v5;
	_ =	sdelay $0x1  }
0x226: {  	v5 =	vsub.f32 $1.500000000e+00, v5;
	_ =	sdelay $0x1  }
0x227: {  	v4 =	vmul.f32 v4, v5;
	_ =	sdelay $0x1  }
0x228: {  	v5 =	vmul.f32 v4, v2;
	_ =	sdelay $0x1  }
0x229: {  	v5 =	vmul.f32 v5, v4;
	_ =	sdelay $0x1  }
0x22a: {  	v5 =	vsub.f32 $1.500000000e+00, v5;
	_ =	sdelay $0x1  }
0x22b: {  	v4 =	vmul.f32 v5, v4;
	_ =	sdelay $0x1  }
0x22c: {  	v2 =	vmul.f32 v4, v2;
	_ =	sdelay $0x1  }
0x22d: {  	v2 =	vmul.f32 v2, v4;
	_ =	sdelay $0x1  }
0x22e: {  	v2 =	vsub.f32 $1.500000000e+00, v2;
	_ =	sdelay $0x1  }
0x22f: {  	v2 =	vmul.f32 v2, v4;
	_ =	sdelay $0x1  }
0x230: {  	v2 =	vmul.f32 v2, v3;
	_ =	sdelay $0x1  }
0x231: {  	[tilespmem:s29+$0x0] =	vst v2  }
0x232: {  	v2 =	vld [tilespmem:s31+$0x10]  }
0x233: {  	v3 =	vld [tilespmem:s28+$0x10];
	_ =	sdelay $0x3  }
0x234: {  	v2 =	vmax.f32 v2, $1.000000000e+00  }
0x235: {  	v4 =	vshra.s32 v2, $0x1;
	v2 =	vmul.f32 $5.000000000e-01, v2  }
0x236: {  	v4 =	vsub.s32 $0x5F3759DF, v4  }
0x237: {  	v5 =	vmul.f32 v4, v2;
	_ =	sdelay $0x1  }
0x238: {  	v5 =	vmul.f32 v4, v5;
	_ =	sdelay $0x1  }
0x239: {  	v5 =	vsub.f32 $1.500000000e+00, v5;
	_ =	sdelay $0x1  }
0x23a: {  	v4 =	vmul.f32 v4, v5;
	_ =	sdelay $0x1  }
0x23b: {  	v5 =	vmul.f32 v4, v2;
	_ =	sdelay $0x1  }
0x23c: {  	v5 =	vmul.f32 v5, v4;
	_ =	sdelay $0x1  }
0x23d: {  	v5 =	vsub.f32 $1.500000000e+00, v5;
	_ =	sdelay $0x1  }
0x23e: {  	v4 =	vmul.f32 v5, v4;
	_ =	sdelay $0x1  }
0x23f: {  	v2 =	vmul.f32 v4, v2;
	_ =	sdelay $0x1  }
0x240: {  	v2 =	vmul.f32 v2, v4;
	_ =	sdelay $0x1  }
0x241: {  	v2 =	vsub.f32 $1.500000000e+00, v2;
	_ =	sdelay $0x1  }
0x242: {  	v2 =	vmul.f32 v2, v4;
	_ =	sdelay $0x1  }
0x243: {  	v2 =	vmul.f32 v2, v3;
	_ =	sdelay $0x1  }
0x244: {  	[tilespmem:s29+$0x10] =	vst v2  }
0x245: {  	v2 =	vld [tilespmem:s31+$0x20]  }
0x246: {  	v3 =	vld [tilespmem:s28+$0x20];
	_ =	sdelay $0x3  }
0x247: {  	v2 =	vmax.f32 v2, $1.000000000e+00  }
0x248: {  	v4 =	vshra.s32 v2, $0x1;
	v2 =	vmul.f32 $5.000000000e-01, v2  }
0x249: {  	v4 =	vsub.s32 $0x5F3759DF, v4  }
0x24a: {  	v5 =	vmul.f32 v4, v2;
	_ =	sdelay $0x1  }
0x24b: {  	v5 =	vmul.f32 v4, v5;
	_ =	sdelay $0x1  }
0x24c: {  	v5 =	vsub.f32 $1.500000000e+00, v5;
	_ =	sdelay $0x1  }
0x24d: {  	v4 =	vmul.f32 v4, v5;
	_ =	sdelay $0x1  }
0x24e: {  	v5 =	vmul.f32 v4, v2;
	_ =	sdelay $0x1  }
0x24f: {  	v5 =	vmul.f32 v5, v4;
	_ =	sdelay $0x1  }
0x250: {  	v5 =	vsub.f32 $1.500000000e+00, v5;
	_ =	sdelay $0x1  }
0x251: {  	v4 =	vmul.f32 v5, v4;
	_ =	sdelay $0x1  }
0x252: {  	v2 =	vmul.f32 v4, v2;
	_ =	sdelay $0x1  }
0x253: {  	v2 =	vmul.f32 v2, v4;
	_ =	sdelay $0x1  }
0x254: {  	v2 =	vsub.f32 $1.500000000e+00, v2;
	_ =	sdelay $0x1  }
0x255: {  	v2 =	vmul.f32 v2, v4;
	_ =	sdelay $0x1  }
0x256: {  	v2 =	vmul.f32 v2, v3;
	_ =	sdelay $0x1  }
0x257: {  	[tilespmem:s29+$0x20] =	vst v2  }
0x258: {  	v2 =	vld [tilespmem:s31+$0x30]  }
0x259: {  	v3 =	vld [tilespmem:s28+$0x30];
	_ =	sdelay $0x3  }
0x25a: {  	v2 =	vmax.f32 v2, $1.000000000e+00  }
0x25b: {  	v4 =	vshra.s32 v2, $0x1;
	v2 =	vmul.f32 $5.000000000e-01, v2  }
0x25c: {  	v4 =	vsub.s32 $0x5F3759DF, v4  }
0x25d: {  	v5 =	vmul.f32 v4, v2;
	_ =	sdelay $0x1  }
0x25e: {  	v5 =	vmul.f32 v4, v5;
	_ =	sdelay $0x1  }
0x25f: {  	v5 =	vsub.f32 $1.500000000e+00, v5;
	_ =	sdelay $0x1  }
0x260: {  	v4 =	vmul.f32 v4, v5;
	_ =	sdelay $0x1  }
0x261: {  	v5 =	vmul.f32 v4, v2;
	_ =	sdelay $0x1  }
0x262: {  	v5 =	vmul.f32 v5, v4;
	_ =	sdelay $0x1  }
0x263: {  	v5 =	vsub.f32 $1.500000000e+00, v5;
	_ =	sdelay $0x1  }
0x264: {  	v4 =	vmul.f32 v5, v4;
	_ =	sdelay $0x1  }
0x265: {  	v2 =	vmul.f32 v4, v2;
	_ =	sdelay $0x1  }
0x266: {  	v2 =	vmul.f32 v2, v4;
	_ =	sdelay $0x1  }
0x267: {  	v2 =	vsub.f32 $1.500000000e+00, v2;
	_ =	sdelay $0x1  }
.Ltmp5:
0x268: {  	v2 =	vmul.f32 v2, v4;
	(pc) =	sbr.rel @p0 .LBB2_12-.Ltmp5, $3  }
0x269: {  	_ = 	snop  }
0x26a: {  	v2 =	vmul.f32 v2, v3;
	_ =	sdelay $0x1  }
0x26b: {  	s31 =	sadd.s32 $0x80, s31;
	[tilespmem:s29+$0x30] =	vst v2  }
0x26c: {  	[spmem:s11] =	stream.linear.scatter [tilespmem:s24], [sflag:$0x1], $0x280, $0x38;
	[tilespmem:$0x16BC0] =	vst v63  }
0x26d: {  	_ =	swait.ge [sflag:s20], $0x280  }
0x26e: {  	[sflag:s20] =	ssyncset.done $0x0  }
0x26f: {  	[sflag:s20] =	ssyncadd.s32 $0xFFFFFD80  }
0x270: {  	[bflag:$0x0] =	sbarrier.arrive $0xFFFF  }
0x271: {  	[tilespmem:s25], [sflag:$0x1] =	stream.linear.gather [spmem:s2], $0x2800, $0x38;
	[tilespmem:$0x16BC0] =	vst v63  }
0x272: {  	_ =	swait.ge [sflag:s20], $0x2800  }
0x273: {  	[sflag:s20] =	ssyncset.done $0x0  }
0x274: {  	s29 =	simm.s32 $0xC480;
	[sflag:s20] =	ssyncadd.s32 $0xFFFFD800  }
0x275: {  	[tilespmem:s29+$0xFFFFFFC0] =	vst v0  }
0x276: {  	[tilespmem:s29+$0x30] =	vst v0  }
0x277: {  	[tilespmem:s29+$0x20] =	vst v0  }
0x278: {  	[tilespmem:s29+$0x10] =	vst v0  }
0x279: {  	[tilespmem:s29+$0x0] =	vst v0  }
0x27a: {  	[tilespmem:s29+$0xFFFFFFF0] =	vst v0  }
0x27b: {  	s28 =	simm.s32 $0xFFFFFFF8;
	s30 =	simm.s32 $0x0;
	[tilespmem:s29+$0xFFFFFFE0] =	vst v0  }
.LBB2_14:
0x27c: {  	s30 =	sadd.s32 $0x8, s30;
	[tilespmem:s29+$0xFFFFFFD0] =	vst v0;
	s29 =	sadd.s32 $0x80, s29  }
0x27d: {  	[tilespmem:s29+$0xFFFFFFC0] =	vst v0;
	p0 =	slt.u32 s30, $0x278  }
0x27e: {  	[tilespmem:s29+$0x30] =	vst v0  }
.Ltmp6:
0x27f: {  	[tilespmem:s29+$0x20] =	vst v0;
	(pc) =	sbr.rel @p0 .LBB2_14-.Ltmp6, $4  }
0x280: {  	[tilespmem:s29+$0x10] =	vst v0  }
0x281: {  	[tilespmem:s29+$0x0] =	vst v0  }
0x282: {  	[tilespmem:s29+$0xFFFFFFF0] =	vst v0  }
0x283: {  	[tilespmem:s29+$0xFFFFFFE0] =	vst v0  }
0x284: {  	[tilespmem:s29+$0xFFFFFFD0] =	vst v0;
	s29 =	smov.u32 s19;
	s30 =	smov.u32 s18  }
.LBB2_16:
0x285: {  	v2 =	vld [tilespmem:s30+$0xFFFFFFC0];
	_ =	sdelay $0x4  }
0x286: {  	v3 =	vld [tilespmem:s29+$0xFFFFFFC0];
	_ =	sdelay $0x2  }
0x287: {  	v2 =	vld.idx.msk [tilespmem:v2+s25+$0x0], $0xffff;
	_ =	sdelay $0x4  }
0x288: {  	[tilespmem:v3+s22+$0x0] =	vst.idx.add.f32.msk $0xffff, v2  }
0x289: {  	v2 =	vld [tilespmem:s30+$0xFFFFFFD0];
	_ =	sdelay $0x4  }
0x28a: {  	v3 =	vld [tilespmem:s29+$0xFFFFFFD0];
	_ =	sdelay $0x2  }
0x28b: {  	v2 =	vld.idx.msk [tilespmem:v2+s25+$0x0], $0xffff;
	_ =	sdelay $0x4  }
0x28c: {  	[tilespmem:v3+s22+$0x0] =	vst.idx.add.f32.msk $0xffff, v2  }
0x28d: {  	v2 =	vld [tilespmem:s30+$0xFFFFFFE0];
	_ =	sdelay $0x4  }
0x28e: {  	v3 =	vld [tilespmem:s29+$0xFFFFFFE0];
	_ =	sdelay $0x2  }
0x28f: {  	v2 =	vld.idx.msk [tilespmem:v2+s25+$0x0], $0xffff;
	_ =	sdelay $0x4  }
0x290: {  	[tilespmem:v3+s22+$0x0] =	vst.idx.add.f32.msk $0xffff, v2  }
0x291: {  	v2 =	vld [tilespmem:s30+$0xFFFFFFF0];
	_ =	sdelay $0x4  }
0x292: {  	v3 =	vld [tilespmem:s29+$0xFFFFFFF0];
	_ =	sdelay $0x2  }
0x293: {  	v2 =	vld.idx.msk [tilespmem:v2+s25+$0x0], $0xffff;
	_ =	sdelay $0x4  }
0x294: {  	[tilespmem:v3+s22+$0x0] =	vst.idx.add.f32.msk $0xffff, v2  }
0x295: {  	v2 =	vld [tilespmem:s30+$0x0];
	_ =	sdelay $0x4  }
0x296: {  	v3 =	vld [tilespmem:s29+$0x0];
	_ =	sdelay $0x2  }
0x297: {  	v2 =	vld.idx.msk [tilespmem:v2+s25+$0x0], $0xffff;
	_ =	sdelay $0x4  }
0x298: {  	[tilespmem:v3+s22+$0x0] =	vst.idx.add.f32.msk $0xffff, v2  }
0x299: {  	v2 =	vld [tilespmem:s30+$0x10];
	_ =	sdelay $0x4  }
0x29a: {  	v3 =	vld [tilespmem:s29+$0x10];
	_ =	sdelay $0x2  }
0x29b: {  	v2 =	vld.idx.msk [tilespmem:v2+s25+$0x0], $0xffff;
	_ =	sdelay $0x4  }
0x29c: {  	[tilespmem:v3+s22+$0x0] =	vst.idx.add.f32.msk $0xffff, v2  }
0x29d: {  	v2 =	vld [tilespmem:s30+$0x20];
	_ =	sdelay $0x4  }
0x29e: {  	v3 =	vld [tilespmem:s29+$0x20];
	_ =	sdelay $0x2  }
0x29f: {  	v2 =	vld.idx.msk [tilespmem:v2+s25+$0x0], $0xffff;
	_ =	sdelay $0x4  }
0x2a0: {  	[tilespmem:v3+s22+$0x0] =	vst.idx.add.f32.msk $0xffff, v2  }
0x2a1: {  	v2 =	vld [tilespmem:s30+$0x30];
	_ =	sdelay $0x4  }
0x2a2: {  	v3 =	vld [tilespmem:s29+$0x30];
	_ =	sdelay $0x1  }
0x2a3: {  	s28 =	sadd.s32 $0x8, s28  }
0x2a4: {  	p0 =	slt.u32 s28, $0x268;
	v2 =	vld.idx.msk [tilespmem:v2+s25+$0x0], $0xffff  }
.Ltmp7:
0x2a5: {  	_ = 	snop;
	(pc) =	sbr.rel @p0 .LBB2_16-.Ltmp7, $2  }
0x2a6: {  	_ =	sdelay $0x2  }
0x2a7: {  	s30 =	sadd.s32 $0x80, s30;
	s29 =	sadd.s32 $0x80, s29;
	[tilespmem:v3+s22+$0x0] =	vst.idx.add.f32.msk $0xffff, v2  }
0x2a8: {  	v2 =	vld [tilespmem:s8+$0x2700];
	_ =	sdelay $0x4  }
0x2a9: {  	v3 =	vld [tilespmem:s12+$0x4E20];
	_ =	sdelay $0x2  }
0x2aa: {  	v2 =	vld.idx.msk [tilespmem:v2+s25+$0x0], $0xffff;
	_ =	sdelay $0x4  }
0x2ab: {  	[tilespmem:v3+s22+$0x0] =	vst.idx.add.f32.msk $0xffff, v2  }
0x2ac: {  	[spmem:s6] =	stream.linear.scatter [tilespmem:s22], [sflag:$0x1], $0x2800, $0x38;
	[tilespmem:$0x16BC0] =	vst v63  }
0x2ad: {  	_ =	swait.ge [sflag:s20], $0x2800  }
0x2ae: {  	[sflag:s20] =	ssyncset.done $0x0  }
0x2af: {  	[sflag:s20] =	ssyncadd.s32 $0xFFFFD800  }
0x2b0: {  	[bflag:$0x0] =	sbarrier.arrive $0xFFFF  }
0x2b1: {  	[tilespmem:s23], [sflag:$0x1] =	stream.linear.gather [spmem:s9], $0x280, $0x38;
	[tilespmem:$0x16BC0] =	vst v63  }
0x2b2: {  	_ =	swait.ge [sflag:s20], $0x280  }
0x2b3: {  	[sflag:s20] =	ssyncset.done $0x0  }
0x2b4: {  	s28 =	simm.s32 $0xA000;
	[sflag:s20] =	ssyncadd.s32 $0xFFFFFD80  }
.LBB2_18:
0x2b5: {  	s29 =	sshra.s32 s28, $0x2  }
0x2b6: {  	s29 =	sadd.s32 s29, s9  }
0x2b7: {  	[tilespmem:s24], [sflag:$0x1] =	stream.linear.gather [spmem:s29], $0x280, $0x38;
	[tilespmem:$0x16BC0] =	vst v63  }
0x2b8: {  	_ =	swait.ge [sflag:s20], $0x280  }
0x2b9: {  	[sflag:s20] =	ssyncset.done $0x0  }
0x2ba: {  	[sflag:s20] =	ssyncadd.s32 $0xFFFFFD80  }
0x2bb: {  	v2 =	vld [tilespmem:$0x116C0]  }
0x2bc: {  	v3 =	vld [tilespmem:$0x11440]  }
0x2bd: {  	v4 =	vld [tilespmem:$0x116D0]  }
0x2be: {  	v5 =	vld [tilespmem:$0x11450]  }
0x2bf: {  	v6 =	vld [tilespmem:$0x116E0]  }
0x2c0: {  	v7 =	vld [tilespmem:$0x11460]  }
0x2c1: {  	v8 =	vld [tilespmem:$0x116F0]  }
0x2c2: {  	v9 =	vld [tilespmem:$0x11470]  }
0x2c3: {  	v10 =	vld [tilespmem:$0x11700]  }
0x2c4: {  	v11 =	vld [tilespmem:$0x11480]  }
0x2c5: {  	v12 =	vld [tilespmem:$0x11710]  }
0x2c6: {  	v13 =	vld [tilespmem:$0x11490]  }
0x2c7: {  	v14 =	vld [tilespmem:$0x11720]  }
0x2c8: {  	v15 =	vld [tilespmem:$0x114A0]  }
0x2c9: {  	v16 =	vld [tilespmem:$0x11730]  }
0x2ca: {  	v17 =	vld [tilespmem:$0x114B0]  }
0x2cb: {  	v18 =	vld [tilespmem:$0x11740]  }
0x2cc: {  	v19 =	vld [tilespmem:$0x114C0]  }
0x2cd: {  	v20 =	vld [tilespmem:$0x11750]  }
0x2ce: {  	v21 =	vld [tilespmem:$0x114D0]  }
0x2cf: {  	v22 =	vld [tilespmem:$0x11760]  }
0x2d0: {  	v23 =	vld [tilespmem:$0x114E0]  }
0x2d1: {  	v24 =	vld [tilespmem:$0x11770]  }
0x2d2: {  	v25 =	vld [tilespmem:$0x114F0]  }
0x2d3: {  	v26 =	vld [tilespmem:$0x11780]  }
0x2d4: {  	v27 =	vld [tilespmem:$0x11500]  }
0x2d5: {  	v28 =	vld [tilespmem:$0x11790]  }
0x2d6: {  	v29 =	vld [tilespmem:$0x11510]  }
0x2d7: {  	v30 =	vld [tilespmem:$0x117A0]  }
0x2d8: {  	v31 =	vld [tilespmem:$0x11520]  }
0x2d9: {  	v32 =	vld [tilespmem:$0x117B0]  }
0x2da: {  	v33 =	vld [tilespmem:$0x11530]  }
0x2db: {  	v34 =	vld [tilespmem:$0x117C0]  }
0x2dc: {  	v35 =	vld [tilespmem:$0x11540]  }
0x2dd: {  	v36 =	vld [tilespmem:$0x117D0]  }
0x2de: {  	v37 =	vld [tilespmem:$0x11550]  }
0x2df: {  	v38 =	vld [tilespmem:$0x117E0]  }
0x2e0: {  	v39 =	vld [tilespmem:$0x11560]  }
0x2e1: {  	v40 =	vld [tilespmem:$0x117F0]  }
0x2e2: {  	v41 =	vld [tilespmem:$0x11570]  }
0x2e3: {  	v42 =	vld [tilespmem:$0x11800]  }
0x2e4: {  	v43 =	vld [tilespmem:$0x11580]  }
0x2e5: {  	v44 =	vld [tilespmem:$0x11810]  }
0x2e6: {  	v45 =	vld [tilespmem:$0x11590]  }
0x2e7: {  	v46 =	vld [tilespmem:$0x11820]  }
0x2e8: {  	v47 =	vld [tilespmem:$0x11830];
	v2 =	vadd.f32 v3, v2  }
0x2e9: {  	v48 =	vld [tilespmem:$0x115B0];
	v4 =	vadd.f32 v5, v4  }
0x2ea: {  	v50 =	vld [tilespmem:$0x11840];
	[tilespmem:$0x116C0] =	vst v2;
	v2 =	vadd.f32 v7, v6  }
0x2eb: {  	v51 =	vld [tilespmem:$0x115C0];
	v49 =	vadd.f32 v9, v8;
	[tilespmem:$0x116D0] =	vst v4  }
0x2ec: {  	v53 =	vld [tilespmem:$0x11850];
	[tilespmem:$0x116E0] =	vst v2;
	v2 =	vadd.f32 v11, v10  }
0x2ed: {  	v54 =	vld [tilespmem:$0x115D0];
	v52 =	vadd.f32 v13, v12;
	[tilespmem:$0x116F0] =	vst v49  }
0x2ee: {  	v56 =	vld [tilespmem:$0x11860];
	[tilespmem:$0x11700] =	vst v2;
	v2 =	vadd.f32 v15, v14  }
0x2ef: {  	v57 =	vld [tilespmem:$0x115E0];
	v55 =	vadd.f32 v17, v16;
	[tilespmem:$0x11710] =	vst v52  }
0x2f0: {  	v59 =	vld [tilespmem:$0x11870];
	[tilespmem:$0x11720] =	vst v2;
	v2 =	vadd.f32 v19, v18  }
0x2f1: {  	v60 =	vld [tilespmem:$0x115F0];
	v58 =	vadd.f32 v21, v20;
	[tilespmem:$0x11730] =	vst v55  }
0x2f2: {  	v62 =	vld [tilespmem:$0x11880];
	[tilespmem:$0x11740] =	vst v2;
	v2 =	vadd.f32 v23, v22  }
0x2f3: {  	v63 =	vld [tilespmem:$0x11600];
	v61 =	vadd.f32 v25, v24;
	[tilespmem:$0x11750] =	vst v58  }
0x2f4: {  	v3 =	vld [tilespmem:$0x115A0];
	[tilespmem:$0x11760] =	vst v2;
	v2 =	vadd.f32 v27, v26  }
0x2f5: {  	v28 =	vadd.f32 v29, v28;
	v29 =	vld [tilespmem:$0x11890];
	[tilespmem:$0x11770] =	vst v61  }
0x2f6: {  	v32 =	vadd.f32 v33, v32;
	v33 =	vld [tilespmem:$0x118A0];
	[tilespmem:$0x11780] =	vst v2;
	v2 =	vadd.f32 v31, v30  }
0x2f7: {  	v36 =	vadd.f32 v37, v36;
	v37 =	vld [tilespmem:$0x118B0];
	[tilespmem:$0x11790] =	vst v28  }
0x2f8: {  	v40 =	vadd.f32 v41, v40;
	v41 =	vld [tilespmem:$0x118C0];
	[tilespmem:$0x117A0] =	vst v2;
	v2 =	vadd.f32 v35, v34  }
0x2f9: {  	v44 =	vadd.f32 v45, v44;
	v45 =	vld [tilespmem:$0x118D0];
	[tilespmem:$0x117B0] =	vst v32  }
0x2fa: {  	v47 =	vadd.f32 v48, v47;
	v48 =	vld [tilespmem:$0x118E0];
	[tilespmem:$0x117C0] =	vst v2;
	v2 =	vadd.f32 v39, v38  }
0x2fb: {  	[tilespmem:$0x117D0] =	vst v36;
	v49 =	vld [tilespmem:$0x11660]  }
0x2fc: {  	v52 =	vld [tilespmem:$0x11670];
	[tilespmem:$0x117E0] =	vst v2;
	v2 =	vadd.f32 v43, v42  }
0x2fd: {  	[tilespmem:$0x117F0] =	vst v40;
	v55 =	vld [tilespmem:$0x11680]  }
0x2fe: {  	v58 =	vld [tilespmem:$0x11690];
	[tilespmem:$0x11800] =	vst v2;
	v2 =	vadd.f32 v3, v46  }
0x2ff: {  	[tilespmem:$0x11810] =	vst v44;
	v39 =	vld [tilespmem:$0x11630]  }
0x300: {  	v61 =	vld [tilespmem:$0x116A0];
	[tilespmem:$0x11820] =	vst v2;
	v2 =	vadd.f32 v51, v50  }
0x301: {  	[tilespmem:$0x11830] =	vst v47;
	v31 =	vld [tilespmem:$0x11610];
	v50 =	vadd.f32 v54, v53  }
0x302: {  	v35 =	vld [tilespmem:$0x11620];
	v53 =	vadd.f32 v60, v59;
	[tilespmem:$0x11840] =	vst v2  }
0x303: {  	v3 =	vld [tilespmem:$0x11650];
	v2 =	vadd.f32 v57, v56;
	[tilespmem:$0x11850] =	vst v50  }
0x304: {  	v43 =	vld [tilespmem:$0x11640];
	v59 =	vadd.f32 v39, v37;
	[tilespmem:$0x11870] =	vst v53  }
0x305: {  	v51 =	vld [tilespmem:$0x118F0];
	[tilespmem:$0x11860] =	vst v2;
	v2 =	vadd.f32 v63, v62  }
0x306: {  	v54 =	vld [tilespmem:$0x11900];
	v56 =	vadd.f32 v31, v29;
	[tilespmem:$0x118B0] =	vst v59  }
0x307: {  	v57 =	vld [tilespmem:$0x11910];
	[tilespmem:$0x11880] =	vst v2;
	v2 =	vadd.f32 v35, v33  }
0x308: {  	v3 =	vadd.f32 v3, v45;
	[tilespmem:$0x11890] =	vst v56;
	v62 =	vld [tilespmem:$0x11930]  }
0x309: {  	v63 =	vld [tilespmem:$0x116B0];
	[tilespmem:$0x118A0] =	vst v2;
	v2 =	vadd.f32 v43, v41  }
0x30a: {  	v60 =	vld [tilespmem:$0x11920];
	[tilespmem:$0x118D0] =	vst v3;
	v3 =	vadd.f32 v52, v51  }
0x30b: {  	[tilespmem:$0x118C0] =	vst v2;
	v2 =	vadd.f32 v49, v48  }
0x30c: {  	p0 =	sne.s32 s28, $0x96000;
	[tilespmem:$0x118F0] =	vst v3;
	v3 =	vadd.f32 v58, v57  }
.Ltmp8:
0x30d: {  	[tilespmem:$0x118E0] =	vst v2;
	v2 =	vadd.f32 v55, v54;
	(pc) =	sbr.rel @p0 .LBB2_18-.Ltmp8, $4  }
0x30e: {  	[tilespmem:$0x11910] =	vst v3;
	v3 =	vadd.f32 v63, v62  }
0x30f: {  	[tilespmem:$0x11900] =	vst v2;
	v2 =	vadd.f32 v61, v60  }
0x310: {  	[tilespmem:$0x11930] =	vst v3  }
0x311: {  	s28 =	sadd.s32 $0xA000, s28;
	[tilespmem:$0x11920] =	vst v2  }
0x312: {  	s26 =	sadd.s32 $0x1, s26  }
0x313: {  	p0 =	sne.s32 s26, s14  }
.Ltmp9:
0x314: {  	_ = 	snop;
	(pc) =	sbr.rel @p0 .LBB2_1-.Ltmp9, $4  }
0x315: {  	[hbm4b:s13+s3] =	stream.linear.scatter [tilespmem:s23], [sflag:$0x1], $0x280, $0x38;
	[tilespmem:$0x16BC0] =	vst v63  }
0x316: {  	_ =	swait.ge [sflag:s20], $0x280  }
0x317: {  	[sflag:s20] =	ssyncset.done $0x0  }
0x318: {  	[sflag:s20] =	ssyncadd.s32 $0xFFFFFD80  }
0x319: {  	_ =	sfence.sel $0x180000  }
0x31a: {  	[bflag:$0x0] =	sbarrier.arrive $0xFFFF  }
0x31b: {  	p0 =	sne.s32 s1, $0x0;
	_ =	strace $0x90000047  }
0x31c: {  	s0 =	sadd.s32 @!p0 $0x100000, s0;
	[bflag:$0x2] =	sbarrier.arrive $0xFFFF  }
0x31d: {  	[sflag:s0] =	ssyncadd.tile.s32 @!p0 $0x1;
	_ =	shalt  }
.Lfunc_end2:
_tile_overlayer_lowered:
.L_overlay_start_2:
0x31e: {  	(tag) =	ssettag $0x2  }
0x31f: {  	s0 =	rddreg [dreg:$0x0];
	s2 =	stileid.u32  }
0x320: {  	s1 =	rddreg [dreg:$0x1];
	p0 =	sne.s32 s2, $0x0  }
0x321: {  	s3 =	rddreg [dreg:$0x2];
	[bflag:$0x3] =	sbarrier.arrive $0xFFFF;
	s2 =	simm.s32 @!p0 $0x1C01  }
0x322: {  	[timem:s3], [sflag:s2] =	dma.local @!p0 [hbm:s0], s1  }
0x323: {  	s0 =	simm.s32 @!p0 $0x1  }
0x324: {  	_ =	swait.ge @!p0 [sflag:s0], s1  }
0x325: {  	s1 =	ssub.s32 @!p0 $0x0, s1;
	[sflag:s0] =	ssyncset.done @!p0 $0x0  }
0x326: {  	[sflag:s0] =	ssyncadd.s32 @!p0 s1  }
0x327: {  	[bflag:$0x3] =	sbarrier.arrive $0xFFFF  }
0x328: {  	_ =	shalt  }

// kernel: kernel.9.cloned.1.call-start
scs
__scs_entry_jumppad:
0x0: {  	(pc) =	sbr.rel $0x88, $3  }
0x1: {  	(tag) =	ssettag $0x0;
	lr =	simm.s32 $0x1  }
0x2: {  	[smem:$0x3F92] =	sst lr;
	_ =	strace $0xD0000000  }
0x3: {  	_ = 	snop  }
0x4: {  	_ = 	snop  }
0x5: {  	_ = 	snop  }
0x6: {  	_ = 	snop  }
0x7: {  	_ = 	snop  }
__scs_overlays_trampoline_lowered:
0x8: {  	[smem:$0x3FA1] =	sst s0  }
0x9: {  	[smem:$0x3FA2] =	sst s1  }
0xa: {  	[smem:$0x3FA3] =	sst s2  }
0xb: {  	[smem:$0x3FA4] =	sst s3  }
0xc: {  	[smem:$0x3FA5] =	sst s4  }
0xd: {  	[smem:$0x3FA6] =	sst s5  }
0xe: {  	[smem:$0x3FA7] =	sst s6  }
0xf: {  	[smem:$0x3FA8] =	sst s7  }
0x10: {  	[smem:$0x3FA9] =	sst s8  }
0x11: {  	[smem:$0x3FAA] =	sst s9;
	s0 =	simm.s32 @!p0 $0x0  }
0x12: {  	s1 =	sld [smem:$0x3F90];
	s0 =	simm.s32 @p0 $0x1  }
0x13: {  	[smem:$0x3FAB] =	sst s0;
	s0 =	simm.s32 @!p1 $0x0  }
0x14: {  	s2 =	sld [smem:$0x3F8F];
	s0 =	simm.s32 @p1 $0x1  }
0x15: {  	[smem:$0x3FAC] =	sst s0;
	s0 =	simm.s32 @!p2 $0x0  }
0x16: {  	s3 =	sld [smem:$0x3FDB];
	s0 =	simm.s32 @p2 $0x1  }
0x17: {  	s4 =	simm.s32 $0x1BF5;
	[smem:$0x3FAE] =	sst s0  }
0x18: {  	s0 =	sld [smem:$0x3F91];
	_ =	swait.ge [sflag:s4], $0x0  }
0x19: {  	s7 =	sld [smem:$0x3F92]  }
0x1a: {  	s8 =	sadd.s32 $0xFFFFE003, lr  }
0x1b: {  	s9 =	sadd.s32 $0xFFFFFEF7, lr;
	s5 =	simm.s32 $0xFFFFFFFF;
	p2 =	slt.u32 s8, $0xFFFFF086  }
0x1c: {  	p1 =	slt.u32 s9, $0xF7A;
	s5 =	simm.s32 @!p2 $0x0  }
0x1d: {  	s5 =	simm.s32 @p1 $0x1;
	p0 =	seq.s32 s7, s2  }
0x1e: {  	s7 =	smul.u32 @!p0 $0xF7A, s2;
	p2 =	seq.s32 @!p0 s5, $0x0  }
0x1f: {  	s9 =	smul.u32 $0xF7A, s1;
	s8 =	simm.s32 @!p0 $0x1BF5;
	p2 =	por !p2, p0  }
0x20: {  	[sflag:s8] =	ssyncset.s32 @!p0 $0xFFFFF086;
	s6 =	sadd.s32 @!p0 s3, s7;
	s7 =	simm.s32 @!p0 $0x108  }
0x21: {  	s3 =	sadd.s32 s3, s9;
	s6 =	sadd.s32 @!p0 $0x88, s6;
	s7 =	simm.s32 @p2 $0x1082  }
0x22: {  	[simem:s7], [sflag:s8] =	dma.local @!p0 [hbm:s6], $0xF7A  }
0x23: {  	s9 =	sor.u32 $0xD0000000, s2;
	s6 =	simm.s32 $0x108;
	_ =	swait.ge @!p0 [sflag:s8], $0x0  }
0x24: {  	s3 =	sadd.s32 $0x88, s3;
	s6 =	simm.s32 @!p1 $0x1082;
	[sflag:s4] =	ssyncset.s32 $0xFFFFF086  }
0x25: {  	[simem:s6], [sflag:s4] =	dma.local [hbm:s3], $0xF7A  }
0x26: {  	[smem:$0x3F92] =	sst s1;
	(tag) =	ssettag s2;
	_ =	strace s9  }
0x27: {  	s1 =	sld [smem:$0x3FA2]  }
0x28: {  	s2 =	sld [smem:$0x3FA3]  }
0x29: {  	s4 =	sld [smem:$0x3FA5]  }
0x2a: {  	p0 =	seq.s32 s5, $0x0;
	s5 =	sld [smem:$0x3FA6]  }
0x2b: {  	s6 =	sld [smem:$0x3FA7]  }
0x2c: {  	s7 =	sld [smem:$0x3FA8]  }
0x2d: {  	s3 =	simm.s32 $0x108;
	s8 =	sld [smem:$0x3FA9]  }
0x2e: {  	s3 =	simm.s32 @!p0 $0x1082;
	s9 =	sld [smem:$0x3FAA]  }
0x2f: {  	lr =	sadd.s32 s0, s3;
	s0 =	sld [smem:$0x3FA1]  }
0x30: {  	s3 =	sld [smem:$0x3FA4]  }
0x31: {  	[smem:$0x3FAD] =	sst s10  }
0x32: {  	s10 =	sld [smem:$0x3FAB];
	_ =	sdelay $0x3  }
0x33: {  	p0 =	seq.s32 s10, $0x1;
	s10 =	sld [smem:$0x3FAD];
	_ =	sdelay $0x3  }
0x34: {  	[smem:$0x3FAD] =	sst s10  }
0x35: {  	s10 =	sld [smem:$0x3FAC];
	_ =	sdelay $0x3  }
0x36: {  	p1 =	seq.s32 s10, $0x1;
	s10 =	sld [smem:$0x3FAD];
	_ =	sdelay $0x3  }
0x37: {  	[smem:$0x3FAD] =	sst s10  }
0x38: {  	s10 =	sld [smem:$0x3FAE]  }
0x39: {  	_ = 	snop;
	(pc) =	sbr.ind lr, $3  }
0x3a: {  	_ = 	snop  }
0x3b: {  	_ = 	snop  }
0x3c: {  	p2 =	seq.s32 s10, $0x1;
	s10 =	sld [smem:$0x3FAD]  }
0x3d: {  	_ =	shalt  }
0x3e: {  	_ =	shalt  }
0x3f: {  	_ =	shalt  }
0x40: {  	_ =	shalt  }
0x41: {  	_ =	shalt  }
0x42: {  	_ =	shalt  }
0x43: {  	_ =	shalt  }
0x44: {  	_ =	shalt  }
0x45: {  	_ =	shalt  }
0x46: {  	_ =	shalt  }
0x47: {  	_ =	shalt  }
0x48: {  	_ =	shalt  }
0x49: {  	_ =	shalt  }
0x4a: {  	_ =	shalt  }
0x4b: {  	_ =	shalt  }
0x4c: {  	_ =	shalt  }
0x4d: {  	_ =	shalt  }
0x4e: {  	_ =	shalt  }
0x4f: {  	_ =	shalt  }
0x50: {  	_ =	shalt  }
0x51: {  	_ =	shalt  }
0x52: {  	_ =	shalt  }
0x53: {  	_ =	shalt  }
0x54: {  	_ =	shalt  }
0x55: {  	_ =	shalt  }
0x56: {  	_ =	shalt  }
0x57: {  	_ =	shalt  }
0x58: {  	_ =	shalt  }
0x59: {  	_ =	shalt  }
0x5a: {  	_ =	shalt  }
0x5b: {  	_ =	shalt  }
0x5c: {  	_ =	shalt  }
0x5d: {  	_ =	shalt  }
0x5e: {  	_ =	shalt  }
0x5f: {  	_ =	shalt  }
0x60: {  	_ =	shalt  }
0x61: {  	_ =	shalt  }
0x62: {  	_ =	shalt  }
0x63: {  	_ =	shalt  }
0x64: {  	_ =	shalt  }
0x65: {  	_ =	shalt  }
0x66: {  	_ =	shalt  }
0x67: {  	_ =	shalt  }
0x68: {  	_ =	shalt  }
0x69: {  	_ =	shalt  }
0x6a: {  	_ =	shalt  }
0x6b: {  	_ =	shalt  }
0x6c: {  	_ =	shalt  }
0x6d: {  	_ =	shalt  }
0x6e: {  	_ =	shalt  }
0x6f: {  	_ =	shalt  }
0x70: {  	_ =	shalt  }
0x71: {  	_ =	shalt  }
0x72: {  	_ =	shalt  }
0x73: {  	_ =	shalt  }
0x74: {  	_ =	shalt  }
0x75: {  	_ =	shalt  }
0x76: {  	_ =	shalt  }
0x77: {  	_ =	shalt  }
0x78: {  	_ =	shalt  }
0x79: {  	_ =	shalt  }
0x7a: {  	_ =	shalt  }
0x7b: {  	_ =	shalt  }
0x7c: {  	_ =	shalt  }
0x7d: {  	_ =	shalt  }
0x7e: {  	_ =	shalt  }
0x7f: {  	_ =	shalt  }
0x80: {  	_ =	shalt  }
0x81: {  	_ =	shalt  }
0x82: {  	_ =	shalt  }
0x83: {  	_ =	shalt  }
0x84: {  	_ =	shalt  }
0x85: {  	_ =	shalt  }
0x86: {  	_ =	shalt  }
0x87: {  	_ =	shalt  }
.Lfunc_end0:
.L_simem_size_0:
called_computation.1_lowered:
.L_overlay_start_0:
0x88: {  	s2 =	sld [smem:$0x3FD9]  }
0x89: {  	s3 =	sld [smem:$0x3FFE];
	_ =	sdelay $0x1  }
0x8a: {  	s1 =	srdreg.scid  }
0x8b: {  	s0 =	sand.u32 $0x1, s1  }
0x8c: {  	s16 =	sshll.u32 s0, $0xA;
	s2 =	sadd.s32 s3, s2  }
0x8d: {  	s2 =	sadd.s32 s2, s16  }
0x8e: {  	[smem:$0x3FB9] =	sst s2  }
0x8f: {  	_ = 	snop  }
0x90: {  	(tm) =	ssettm $0x1  }
0x91: {  	s17 =	sld [smem:$0x3FFB];
	_ =	sdelay $0x3  }
0x92: {  	_ =	strace s17  }
0x93: {  	s2 =	sld [smem:$0x3FFC];
	_ =	sdelay $0x3  }
0x94: {  	_ =	strace s2  }
0x95: {  	s2 =	sld [smem:$0x3FFD];
	_ =	sdelay $0x3  }
0x96: {  	_ =	strace s2  }
0x97: {  	_ =	strace $0x8FFFFFFF  }
0x98: {  	s18 =	sld [smem:$0x3FDB];
	_ =	sdelay $0x1  }
0x99: {  	s19 =	simm.s32 $_scs_section_size  }
0x9a: {  	s4 =	simm.s32 $_size__tile_overlayer_lowered;
	s5 =	simm.s32 $_tile_overlayer_lowered  }
0x9b: {  	s22 =	simm.s32 $0x1BFF;
	s21 =	sshll.u32 s5, $0x1;
	s2 =	sadd.s32 s19, s18  }
0x9c: {  	s6 =	simm.s32 $0x0;
	s20 =	sshll.u32 s4, $0x1;
	s4 =	sadd.s32 s21, s2  }
0x9d: {  	[timem:s6], [sflag:s22] =	dma.local [hbm:s4], s20  }
0x9e: {  	_ =	swait.ge [sflag:s22], s20  }
0x9f: {  	s3 =	ssub.s32 $0x0, s20;
	[sflag:s22] =	ssyncset.done $0x0  }
0xa0: {  	[sflag:s22] =	ssyncadd.s32 s3;
	_ =	sdelay $0x1  }
0xa1: {  	s23 =	simm.s32 $0x1B8B  }
0xa2: {  	_ =	swait.ge [sflag:s23], $0x1  }
0xa3: {  	[sflag:s23] =	ssyncset.done $0x0  }
0xa4: {  	s25 =	simm.s32 $0x1B8E;
	s24 =	sld [smem:$0x3FFE];
	[sflag:s23] =	ssyncadd.s32 $0xFFFFFFFF  }
0xa5: {  	s26 =	simm.s32 $execute0_lowered;
	[smem:$0x3FD2] =	sst s25  }
0xa6: {  	s4 =	sshll.u32 s26, $0x1;
	_ =	strace $0x80000049;
	[dreg:$0x1] =	wrdreg $0xFFFFFFFF  }
0xa7: {  	s28 =	simm.s32 $_size_execute0_lowered;
	s2 =	sadd.s32 s2, s4;
	[dreg:$0x0] =	wrdreg $0x0  }
0xa8: {  	s4 =	sshll.u32 s28, $0x1;
	[dreg:$0x2] =	wrdreg s2  }
0xa9: {  	[dreg:$0x3] =	wrdreg s4  }
0xaa: {  	[dreg:$0x4] =	wrdreg $0xC0  }
0xab: {  	_ =	task [dreg:s6], $0x5FFFF  }
0xac: {  	[dreg:$0x1] =	wrdreg $0xFFFFFFFF  }
0xad: {  	[dreg:$0x0] =	wrdreg $0x60  }
0xae: {  	[dreg:$0x2] =	wrdreg s24  }
0xaf: {  	[dreg:$0x3] =	wrdreg $0x140000  }
0xb0: {  	[dreg:$0x4] =	wrdreg $0x9  }
0xb1: {  	_ =	task.clear_ibuf [dreg:s6], $0x5FFFF;
	_ =	strace $0x90000049  }
0xb2: {  	s29 =	simm.s32 $0x9;
	_ =	strace $0x8000004B  }
0xb3: {  	_ =	swait.ge [sflag:s29], $0x1  }
0xb4: {  	[sflag:s29] =	ssyncadd.s32 $0xFFFFFFFF  }
0xb5: {  	_ =	strace $0x9000004B  }
0xb6: {  	_ =	sfence  }
0xb7: {  	s30 =	sld [smem:$0x0];
	_ =	sdelay $0x2  }
0xb8: {  	s31 =	sshll.u32 s1, $0xD;
	s1 =	sshrl.u32 s1, $0x2  }
0xb9: {  	s3 =	sand.u32 $0x4000, s31;
	s1 =	sadd.s32 s1, s30  }
0xba: {  	s0 =	sor.u32 s3, s0;
	s1 =	sshll.u32 s1, $0x11  }
0xbb: {  	s0 =	sor.u32 s1, s0  }
0xbc: {  	s0 =	sadd.s32 $0x8F2B, s0  }
0xbd: {  	[sflag:s0] =	ssyncadd.remote.s32 $0x1  }
0xbe: {  	_ =	sfence.sel $0xFFFF  }
0xbf: {  	[dreg:$0x0] =	wrdreg $0xFFFFFFFF;
	(pc) =	sbr.abs _section_cstart, $3  }
0xc0: {  	[dreg:$0x1] =	wrdreg $0xFFFFFFFF  }
0xc1: {  	_ =	task.clear_ibuf [dreg:s6], $0x2FFFF;
	_ =	strace $0x9FFFFFFF  }
0xc2: {  	(tm) =	ssettm $0x7FFFFFFF  }
0xc3: {  	_ =	shalt  }
tec
execute0_lowered:
.L_overlay_start_1:
0x0: {  	(tag) =	ssettag $0x1  }
0x1: {  	s0 =	rddreg [dreg:$0x0]  }
0x2: {  	s2 =	rddreg [dreg:$0x1];
	s8 =	stileid.u32  }
0x3: {  	s3 =	simm.s32 $0x0;
	s6 =	srdreg.scid;
	s28 =	simm.s32 $0xC000  }
0x4: {  	s30 =	simm.s32 $0xE000;
	s29 =	simm.s32 $0x3;
	s31 =	simm.s32 $0x4  }
0x5: {  	s1 =	smul.u32 $0xA00, s8;
	[smem:$0x7FF] =	sst s3;
	s4 =	sadd.s32 $0x54400, s0  }
0x6: {  	s5 =	sadd.s32 $0x3200, s0;
	s6 =	sand.u32 $0x1, s6;
	s7 =	sadd.s32 $0x17200, s0  }
0x7: {  	s9 =	sadd.s32 $0x7C400, s0;
	_ =	strace $0x8000004A;
	[dreg:$0x3] =	wrdreg s7  }
0x8: {  	s8 =	smul.u32 $0xA000, s8;
	s16 =	ssub.s32 $0x2, s6;
	[dreg:$0x4] =	wrdreg s9  }
0x9: {  	p0 =	seq.s32 s6, $0x0;
	s7 =	simm.s32 $0x12000;
	s1 =	sadd.s32 s1, s0  }
0xa: {  	s0 =	sadd.s32 $0x68400, s0;
	s17 =	sshrl.u32 s16, $0x1;
	s20 =	sadd.s32 s8, s2  }
0xb: {  	s18 =	sadd.s32 $0x2000, s8;
	s14 =	sadd.s32 $0x4000, s8;
	s15 =	sadd.s32 $0x6000, s8  }
0xc: {  	s21 =	sshrl.u32 s8, $0x3;
	[dreg:$0x5] =	wrdreg s0;
	s0 =	ssub.s32 s16, s17  }
0xd: {  	s22 =	sadd.s32 s18, s2;
	s12 =	sadd.s32 s14, s2;
	s13 =	sadd.s32 s15, s2  }
0xe: {  	s16 =	sadd.s32 $0x8000, s8;
	s19 =	sadd.s32 $0x22400, s1;
	s1 =	sadd.s32 $0x18400, s1  }
0xf: {  	[dreg:$0xa] =	wrdreg s21;
	s23 =	sshrl.u32 s18, $0x3;
	s24 =	sshrl.u32 s14, $0x3  }
0x10: {  	s25 =	sshrl.u32 s15, $0x3;
	s21 =	smov.u32 s5;
	[dreg:$0x8] =	wrdreg s19  }
0x11: {  	s8 =	simm.s32 $0x1;
	s14 =	simm.s32 $0x7;
	[dreg:$0x9] =	wrdreg s1  }
0x12: {  	s15 =	simm.s32 $0x8;
	s17 =	simm.s32 $0xA;
	[dreg:$0xb] =	wrdreg s23  }
0x13: {  	s18 =	simm.s32 $0x0;
	s10 =	sadd.s32 s16, s2;
	[dreg:$0xc] =	wrdreg s24  }
0x14: {  	[dreg:$0xd] =	wrdreg s25;
	s26 =	sshrl.u32 s16, $0x3;
	s0 =	smax.u32 s0, $0x1  }
.Ltmp0:
0x15: {  	s21 =	smov.u32 @p0 s4;
	s23 =	simm.s32 $0xA000;
	(pc) =	sbr.rel .LBB2_1-.Ltmp0, $4  }
0x16: {  	s24 =	simm.s32 $0xB;
	p0 =	sne.s32 s6, $0x0;
	[dreg:$0x7] =	wrdreg s13  }
0x17: {  	s25 =	simm.s32 $0x2;
	s1 =	simm.s32 $0x5;
	[dreg:$0xe] =	wrdreg s26  }
0x18: {  	s6 =	simm.s32 $0x6;
	s16 =	simm.s32 $0x9;
	[dreg:$0xf] =	wrdreg s0  }
0x19: {  	s26 =	simm.s32 $0x80;
	s0 =	simm.s32 $0x10000;
	[dreg:$0x6] =	wrdreg s10  }
.LBB2_7:
0x1a: {  	s19 =	rddreg [dreg:$0x5]  }
.LBB2_8:
0x1b: {  	_ =	swait.ge [sflag:s8], $0x2000  }
0x1c: {  	[sflag:s8] =	ssyncset.done $0x0  }
0x1d: {  	s9 =	simm.s32 $0x9D80;
	[sflag:s8] =	ssyncadd.s32 $0xFFFFE000  }
0x1e: {  	[spmem:s2] =	stream.indirect.scatter.add.f32 [tilespmem:s23], [sflag:$0x6], $0x40, s9, s26, $0xb8;
	[tilespmem:$0x1E000] =	vst v63  }
0x1f: {  	_ =	swait.ge [sflag:s25], $0x2000  }
0x20: {  	[sflag:s25] =	ssyncset.done $0x0  }
0x21: {  	s22 =	simm.s32 $0x9E00;
	[sflag:s25] =	ssyncadd.s32 $0xFFFFE000  }
0x22: {  	[spmem:s2] =	stream.indirect.scatter.add.f32 [tilespmem:s28], [sflag:$0x7], $0x40, s22, s26, $0xb8;
	[tilespmem:$0x1E000] =	vst v63  }
0x23: {  	_ =	swait.ge [sflag:s29], $0x2000  }
0x24: {  	[sflag:s29] =	ssyncset.done $0x0  }
0x25: {  	s10 =	simm.s32 $0x9E80;
	[sflag:s29] =	ssyncadd.s32 $0xFFFFE000  }
0x26: {  	[spmem:s2] =	stream.indirect.scatter.add.f32 [tilespmem:s30], [sflag:$0x8], $0x40, s10, s26, $0xb8;
	[tilespmem:$0x1E000] =	vst v63  }
0x27: {  	_ =	swait.ge [sflag:s31], $0x2000  }
0x28: {  	[sflag:s31] =	ssyncset.done $0x0  }
0x29: {  	s20 =	simm.s32 $0x9F00;
	[sflag:s31] =	ssyncadd.s32 $0xFFFFE000  }
0x2a: {  	[spmem:s2] =	stream.indirect.scatter.add.f32 [tilespmem:s0], [sflag:$0x9], $0x40, s20, s26, $0xb8;
	[tilespmem:$0x1E000] =	vst v63  }
0x2b: {  	_ =	swait.ge [sflag:s1], $0x2000  }
0x2c: {  	[sflag:s1] =	ssyncset.done $0x0  }
0x2d: {  	s22 =	simm.s32 $0x9F80;
	[sflag:s1] =	ssyncadd.s32 $0xFFFFE000  }
0x2e: {  	[spmem:s2] =	stream.indirect.scatter.add.f32 [tilespmem:s7], [sflag:$0xA], $0x40, s22, s26, $0xb8;
	[tilespmem:$0x1E000] =	vst v63  }
0x2f: {  	_ =	swait.ge [sflag:s6], $0x2000  }
0x30: {  	[sflag:s6] =	ssyncset.done $0x0  }
0x31: {  	[sflag:s6] =	ssyncadd.s32 $0xFFFFE000  }
0x32: {  	_ =	swait.ge [sflag:s14], $0x2000  }
0x33: {  	[sflag:s14] =	ssyncset.done $0x0  }
0x34: {  	[sflag:s14] =	ssyncadd.s32 $0xFFFFE000  }
0x35: {  	_ =	swait.ge [sflag:s15], $0x2000  }
0x36: {  	[sflag:s15] =	ssyncset.done $0x0  }
0x37: {  	[sflag:s15] =	ssyncadd.s32 $0xFFFFE000  }
0x38: {  	_ =	swait.ge [sflag:s16], $0x2000  }
0x39: {  	[sflag:s16] =	ssyncset.done $0x0  }
0x3a: {  	[sflag:s16] =	ssyncadd.s32 $0xFFFFE000  }
0x3b: {  	_ =	swait.ge [sflag:s17], $0x2000  }
0x3c: {  	[sflag:s17] =	ssyncset.done $0x0  }
0x3d: {  	[sflag:s17] =	ssyncadd.s32 $0xFFFFE000  }
0x3e: {  	[bflag:$0x0] =	sbarrier.arrive $0xFFFF  }
0x3f: {  	[tilespmem:s23], [sflag:$0xB] =	stream.linear.gather [spmem:s11], $0x2000, $0x38;
	[tilespmem:$0x1E000] =	vst v63  }
0x40: {  	_ =	swait.ge [sflag:s24], $0x2000  }
0x41: {  	[sflag:s24] =	ssyncset.done $0x0;
	s10 =	rddreg [dreg:$0xa]  }
0x42: {  	[sflag:s24] =	ssyncadd.s32 $0xFFFFE000;
	s9 =	sadd.s32 s19, s10  }
0x43: {  	[hbm4b:s9+s3] =	stream.linear.scatter [tilespmem:s23], [sflag:$0xB], $0x2000, $0x38;
	[tilespmem:$0x1E000] =	vst v63  }
0x44: {  	_ =	swait.ge [sflag:s24], $0x2000  }
0x45: {  	[sflag:s24] =	ssyncset.done $0x0  }
0x46: {  	[sflag:s24] =	ssyncadd.s32 $0xFFFFE000  }
0x47: {  	[tilespmem:s28], [sflag:$0xB] =	stream.linear.gather [spmem:s13], $0x2000, $0x38;
	[tilespmem:$0x1E000] =	vst v63  }
0x48: {  	_ =	swait.ge [sflag:s24], $0x2000  }
0x49: {  	s20 =	smov.u32 s11;
	[sflag:s24] =	ssyncset.done $0x0;
	s11 =	rddreg [dreg:$0xb]  }
0x4a: {  	[sflag:s24] =	ssyncadd.s32 $0xFFFFE000;
	s9 =	sadd.s32 s19, s11  }
0x4b: {  	[hbm4b:s9+s3] =	stream.linear.scatter [tilespmem:s28], [sflag:$0xB], $0x2000, $0x38;
	[tilespmem:$0x1E000] =	vst v63  }
0x4c: {  	_ =	swait.ge [sflag:s24], $0x2000  }
0x4d: {  	[sflag:s24] =	ssyncset.done $0x0  }
0x4e: {  	[sflag:s24] =	ssyncadd.s32 $0xFFFFE000  }
0x4f: {  	[tilespmem:s30], [sflag:$0xB] =	stream.linear.gather [spmem:s12], $0x2000, $0x38;
	[tilespmem:$0x1E000] =	vst v63  }
0x50: {  	_ =	swait.ge [sflag:s24], $0x2000  }
0x51: {  	s22 =	smov.u32 s13;
	[sflag:s24] =	ssyncset.done $0x0;
	s13 =	rddreg [dreg:$0xc]  }
0x52: {  	[sflag:s24] =	ssyncadd.s32 $0xFFFFE000;
	s9 =	sadd.s32 s19, s13  }
0x53: {  	[hbm4b:s9+s3] =	stream.linear.scatter [tilespmem:s30], [sflag:$0xB], $0x2000, $0x38;
	[tilespmem:$0x1E000] =	vst v63  }
0x54: {  	_ =	swait.ge [sflag:s24], $0x2000  }
0x55: {  	[sflag:s24] =	ssyncset.done $0x0  }
0x56: {  	s13 =	rddreg [dreg:$0x7];
	[sflag:s24] =	ssyncadd.s32 $0xFFFFE000  }
0x57: {  	[tilespmem:s0], [sflag:$0xB] =	stream.linear.gather [spmem:s13], $0x2000, $0x38;
	[tilespmem:$0x1E000] =	vst v63  }
0x58: {  	_ =	swait.ge [sflag:s24], $0x2000  }
0x59: {  	[sflag:s24] =	ssyncset.done $0x0;
	s10 =	rddreg [dreg:$0xd]  }
0x5a: {  	[sflag:s24] =	ssyncadd.s32 $0xFFFFE000;
	s9 =	sadd.s32 s19, s10  }
0x5b: {  	[hbm4b:s9+s3] =	stream.linear.scatter [tilespmem:s0], [sflag:$0xB], $0x2000, $0x38;
	[tilespmem:$0x1E000] =	vst v63  }
0x5c: {  	_ =	swait.ge [sflag:s24], $0x2000  }
0x5d: {  	[sflag:s24] =	ssyncset.done $0x0  }
0x5e: {  	s10 =	rddreg [dreg:$0x6];
	[sflag:s24] =	ssyncadd.s32 $0xFFFFE000  }
0x5f: {  	[tilespmem:s7], [sflag:$0xB] =	stream.linear.gather [spmem:s10], $0x2000, $0x38;
	[tilespmem:$0x1E000] =	vst v63  }
0x60: {  	_ =	swait.ge [sflag:s24], $0x2000  }
0x61: {  	[sflag:s24] =	ssyncset.done $0x0;
	s11 =	rddreg [dreg:$0xe]  }
0x62: {  	[sflag:s24] =	ssyncadd.s32 $0xFFFFE000;
	s9 =	sadd.s32 s19, s11  }
0x63: {  	[hbm4b:s9+s3] =	stream.linear.scatter [tilespmem:s7], [sflag:$0xB], $0x2000, $0x38;
	[tilespmem:$0x1E000] =	vst v63  }
0x64: {  	_ =	swait.ge [sflag:s24], $0x2000  }
0x65: {  	s18 =	sadd.s32 $0x1, s18;
	s19 =	rddreg [dreg:$0xf]  }
0x66: {  	p1 =	sne.s32 s18, s19  }
.Ltmp1:
0x67: {  	_ = 	snop;
	(pc) =	sbr.rel @!p1 .LBB2_9-.Ltmp1, $3  }
0x68: {  	_ =	sdelay $0x1  }
0x69: {  	[sflag:s24] =	ssyncset.done $0x0  }
0x6a: {  	[sflag:s24] =	ssyncadd.s32 $0xFFFFE000  }
.LBB2_1:
0x6b: {  	s9 =	rddreg [dreg:$0x3]  }
0x6c: {  	[tilespmem:s23], [sflag:$0xB] =	stream.linear.gather [hbm4b:s9+s3], $0x2000, $0x38;
	[tilespmem:$0x1E000] =	vst v63  }
0x6d: {  	_ =	swait.ge [sflag:s24], $0x2000  }
0x6e: {  	[sflag:s24] =	ssyncset.done $0x0  }
0x6f: {  	[sflag:s24] =	ssyncadd.s32 $0xFFFFE000  }
0x70: {  	[spmem:s20] =	stream.linear.scatter [tilespmem:s23], [sflag:$0xB], $0x2000, $0x38;
	[tilespmem:$0x1E000] =	vst v63  }
0x71: {  	_ =	swait.ge [sflag:s24], $0x2000  }
0x72: {  	[sflag:s24] =	ssyncset.done $0x0  }
0x73: {  	[sflag:s24] =	ssyncadd.s32 $0xFFFFE000  }
0x74: {  	[spmem:s22] =	stream.linear.scatter [tilespmem:s23], [sflag:$0xB], $0x2000, $0x38;
	[tilespmem:$0x1E000] =	vst v63  }
0x75: {  	_ =	swait.ge [sflag:s24], $0x2000  }
0x76: {  	[sflag:s24] =	ssyncset.done $0x0  }
0x77: {  	[sflag:s24] =	ssyncadd.s32 $0xFFFFE000  }
0x78: {  	[spmem:s12] =	stream.linear.scatter [tilespmem:s23], [sflag:$0xB], $0x2000, $0x38;
	[tilespmem:$0x1E000] =	vst v63  }
0x79: {  	_ =	swait.ge [sflag:s24], $0x2000  }
0x7a: {  	[sflag:s24] =	ssyncset.done $0x0  }
0x7b: {  	s19 =	smov.u32 s13;
	[sflag:s24] =	ssyncadd.s32 $0xFFFFE000  }
0x7c: {  	[spmem:s19] =	stream.linear.scatter [tilespmem:s23], [sflag:$0xB], $0x2000, $0x38;
	[tilespmem:$0x1E000] =	vst v63  }
0x7d: {  	_ =	swait.ge [sflag:s24], $0x2000  }
0x7e: {  	[sflag:s24] =	ssyncset.done $0x0  }
0x7f: {  	[sflag:s24] =	ssyncadd.s32 $0xFFFFE000  }
0x80: {  	[spmem:s10] =	stream.linear.scatter [tilespmem:s23], [sflag:$0xB], $0x2000, $0x38;
	[tilespmem:$0x1E000] =	vst v63  }
0x81: {  	_ =	swait.ge [sflag:s24], $0x2000  }
0x82: {  	[sflag:s24] =	ssyncset.done $0x0  }
0x83: {  	s19 =	rddreg [dreg:$0x8];
	[sflag:s24] =	ssyncadd.s32 $0xFFFFE000  }
0x84: {  	[tilespmem:s3], [sflag:$0xB] =	stream.linear.gather [hbm4b:s19+s3], $0x5000, $0x38;
	[tilespmem:$0x1E000] =	vst v63  }
0x85: {  	_ =	swait.ge [sflag:s24], $0x5000  }
0x86: {  	s11 =	smov.u32 s20;
	s13 =	smov.u32 s22;
	[sflag:s24] =	ssyncset.done $0x0  }
0x87: {  	s22 =	simm.s32 $0x5000;
	s20 =	rddreg [dreg:$0x9];
	[sflag:s24] =	ssyncadd.s32 $0xFFFFB000  }
0x88: {  	[tilespmem:s22], [sflag:$0xB] =	stream.linear.gather [hbm4b:s20+s3], $0x5000, $0x38;
	[tilespmem:$0x1E000] =	vst v63  }
0x89: {  	_ =	swait.ge [sflag:s24], $0x5000  }
0x8a: {  	[sflag:s24] =	ssyncset.done $0x0  }
0x8b: {  	[sflag:s24] =	ssyncadd.s32 $0xFFFFB000  }
0x8c: {  	[bflag:$0x0] =	sbarrier.arrive $0xFFFF  }
0x8d: {  	[tilespmem:s23], [sflag:$0x1] =	stream.indirect.gather [hbm4b:s21+s26], $0x40, s3, s26, $0xb8;
	[tilespmem:$0x1E000] =	vst v63  }
0x8e: {  	_ = 	snop  }
0x8f: {  	[tilespmem:s28], [sflag:$0x2] =	stream.indirect.gather [hbm4b:s21+s26], $0x40, s26, s26, $0xb8;
	[tilespmem:$0x1E000] =	vst v63  }
0x90: {  	s19 =	simm.s32 $0x100  }
0x91: {  	[tilespmem:s30], [sflag:$0x3] =	stream.indirect.gather [hbm4b:s21+s26], $0x40, s19, s26, $0xb8;
	[tilespmem:$0x1E000] =	vst v63  }
.Ltmp2:
0x92: {  	_ = 	snop;
	(pc) =	sbr.rel .LBB2_2-.Ltmp2, $4  }
0x93: {  	s20 =	simm.s32 $0x180  }
0x94: {  	[tilespmem:s0], [sflag:$0x4] =	stream.indirect.gather [hbm4b:s21+s26], $0x40, s20, s26, $0xb8;
	[tilespmem:$0x1E000] =	vst v63  }
0x95: {  	s22 =	simm.s32 $0x200;
	s19 =	simm.s32 $0x1E;
	s20 =	simm.s32 $0x0  }
0x96: {  	[tilespmem:s7], [sflag:$0x5] =	stream.indirect.gather [hbm4b:s21+s26], $0x40, s22, s26, $0xb8;
	[tilespmem:$0x1E000] =	vst v63  }
.LBB2_6:
0x97: {  	p1 =	sne.s32 s19, $0x0  }
.Ltmp3:
0x98: {  	_ = 	snop;
	(pc) =	sbr.rel @!p1 .LBB2_7-.Ltmp3, $2  }
0x99: {  	_ =	sdelay $0x2  }
0x9a: {  	[tilespmem:s7], [sflag:$0x5] =	stream.indirect.gather [hbm4b:s5+s26], $0x40, s22, s26, $0xb8;
	[tilespmem:$0x1E000] =	vst v63  }
.LBB2_5:
0x9b: {  	s19 =	sadd.s32 $0xFFFFFFFF, s19;
	s20 =	sadd.s32 $0xA00, s20  }
.LBB2_2:
0x9c: {  	_ =	swait.ge [sflag:s8], $0x2000  }
0x9d: {  	s22 =	sshra.s32 s20, $0x2;
	[sflag:s8] =	ssyncset.done $0x0  }
0x9e: {  	s9 =	sadd.s32 $0x5000, s22;
	[sflag:s8] =	ssyncadd.s32 $0xFFFFE000  }
0x9f: {  	[spmem:s2] =	stream.indirect.scatter.add.f32 [tilespmem:s23], [sflag:$0x6], $0x40, s9, s26, $0xb8;
	[tilespmem:$0x1E000] =	vst v63  }
0xa0: {  	_ =	swait.ge [sflag:s25], $0x2000  }
0xa1: {  	[sflag:s25] =	ssyncset.done $0x0  }
0xa2: {  	s10 =	sadd.s32 $0x5080, s22;
	[sflag:s25] =	ssyncadd.s32 $0xFFFFE000  }
0xa3: {  	[spmem:s2] =	stream.indirect.scatter.add.f32 [tilespmem:s28], [sflag:$0x7], $0x40, s10, s26, $0xb8;
	[tilespmem:$0x1E000] =	vst v63  }
0xa4: {  	_ =	swait.ge [sflag:s29], $0x2000  }
0xa5: {  	[sflag:s29] =	ssyncset.done $0x0  }
0xa6: {  	s10 =	sadd.s32 $0x5100, s22;
	[sflag:s29] =	ssyncadd.s32 $0xFFFFE000  }
0xa7: {  	[spmem:s2] =	stream.indirect.scatter.add.f32 [tilespmem:s30], [sflag:$0x8], $0x40, s10, s26, $0xb8;
	[tilespmem:$0x1E000] =	vst v63  }
0xa8: {  	_ =	swait.ge [sflag:s31], $0x2000  }
0xa9: {  	[sflag:s31] =	ssyncset.done $0x0  }
0xaa: {  	s10 =	sadd.s32 $0x5180, s22;
	[sflag:s31] =	ssyncadd.s32 $0xFFFFE000  }
0xab: {  	[spmem:s2] =	stream.indirect.scatter.add.f32 [tilespmem:s0], [sflag:$0x9], $0x40, s10, s26, $0xb8;
	[tilespmem:$0x1E000] =	vst v63  }
0xac: {  	_ =	swait.ge [sflag:s1], $0x2000  }
0xad: {  	[sflag:s1] =	ssyncset.done $0x0  }
0xae: {  	s10 =	sadd.s32 $0x5200, s22;
	[sflag:s1] =	ssyncadd.s32 $0xFFFFE000  }
0xaf: {  	[spmem:s2] =	stream.indirect.scatter.add.f32 [tilespmem:s7], [sflag:$0xA], $0x40, s10, s26, $0xb8;
	[tilespmem:$0x1E000] =	vst v63  }
0xb0: {  	_ =	swait.ge [sflag:s6], $0x2000  }
0xb1: {  	[sflag:s6] =	ssyncset.done $0x0  }
0xb2: {  	s10 =	sadd.s32 $0x280, s22;
	[sflag:s6] =	ssyncadd.s32 $0xFFFFE000  }
0xb3: {  	[tilespmem:s23], [sflag:$0x1] =	stream.indirect.gather [hbm4b:s21+s26], $0x40, s10, s26, $0xb8;
	[tilespmem:$0x1E000] =	vst v63  }
0xb4: {  	_ =	swait.ge [sflag:s14], $0x2000  }
0xb5: {  	[sflag:s14] =	ssyncset.done $0x0  }
0xb6: {  	s10 =	sadd.s32 $0x300, s22;
	[sflag:s14] =	ssyncadd.s32 $0xFFFFE000  }
0xb7: {  	[tilespmem:s28], [sflag:$0x2] =	stream.indirect.gather [hbm4b:s21+s26], $0x40, s10, s26, $0xb8;
	[tilespmem:$0x1E000] =	vst v63  }
0xb8: {  	_ =	swait.ge [sflag:s15], $0x2000  }
0xb9: {  	[sflag:s15] =	ssyncset.done $0x0  }
0xba: {  	s10 =	sadd.s32 $0x380, s22;
	[sflag:s15] =	ssyncadd.s32 $0xFFFFE000  }
0xbb: {  	[tilespmem:s30], [sflag:$0x3] =	stream.indirect.gather [hbm4b:s21+s26], $0x40, s10, s26, $0xb8;
	[tilespmem:$0x1E000] =	vst v63  }
0xbc: {  	_ =	swait.ge [sflag:s16], $0x2000  }
0xbd: {  	[sflag:s16] =	ssyncset.done $0x0  }
.Ltmp4:
0xbe: {  	s10 =	sadd.s32 $0x400, s22;
	[sflag:s16] =	ssyncadd.s32 $0xFFFFE000;
	(pc) =	sbr.rel @p0 .LBB2_6-.Ltmp4, $4  }
0xbf: {  	[tilespmem:s0], [sflag:$0x4] =	stream.indirect.gather [hbm4b:s21+s26], $0x40, s10, s26, $0xb8;
	[tilespmem:$0x1E000] =	vst v63  }
0xc0: {  	_ =	swait.ge [sflag:s17], $0x2000  }
0xc1: {  	[sflag:s17] =	ssyncset.done $0x0  }
0xc2: {  	s22 =	sadd.s32 $0x480, s22;
	[sflag:s17] =	ssyncadd.s32 $0xFFFFE000  }
0xc3: {  	p1 =	seq.s32 s19, $0x0  }
.Ltmp5:
0xc4: {  	_ = 	snop;
	(pc) =	sbr.rel @!p1 .LBB2_5-.Ltmp5, $2  }
0xc5: {  	_ =	sdelay $0x2  }
0xc6: {  	[tilespmem:s7], [sflag:$0x5] =	stream.indirect.gather [hbm4b:s4+s26], $0x40, s22, s26, $0xb8;
	[tilespmem:$0x1E000] =	vst v63  }
.Ltmp6:
0xc7: {  	(pc) =	sbr.rel .LBB2_8-.Ltmp6, $2  }
0xc8: {  	_ =	sdelay $0x2  }
0xc9: {  	s19 =	rddreg [dreg:$0x4]  }
.LBB2_9:
0xca: {  	_ =	sfence.sel $0x180000  }
0xcb: {  	[bflag:$0x0] =	sbarrier.arrive $0xFFFF  }
0xcc: {  	_ =	strace $0x9000004A  }
0xcd: {  	s0 =	stileid.u32;
	[bflag:$0x2] =	sbarrier.arrive $0xFFFF  }
0xce: {  	p0 =	sne.s32 s0, $0x0;
	s0 =	rddreg [dreg:$0x2]  }
0xcf: {  	s0 =	sadd.s32 @!p0 $0x100000, s0  }
0xd0: {  	[sflag:s0] =	ssyncadd.tile.s32 @!p0 $0x1;
	_ =	shalt  }
.Lfunc_end2:
_tile_overlayer_lowered:
.L_overlay_start_2:
0xd1: {  	(tag) =	ssettag $0x2  }
0xd2: {  	s0 =	rddreg [dreg:$0x0];
	s2 =	stileid.u32  }
0xd3: {  	s1 =	rddreg [dreg:$0x1];
	p0 =	sne.s32 s2, $0x0  }
0xd4: {  	s3 =	rddreg [dreg:$0x2];
	[bflag:$0x3] =	sbarrier.arrive $0xFFFF;
	s2 =	simm.s32 @!p0 $0x1C0B  }
0xd5: {  	[timem:s3], [sflag:s2] =	dma.local @!p0 [hbm:s0], s1  }
0xd6: {  	s0 =	simm.s32 @!p0 $0xB  }
0xd7: {  	_ =	swait.ge @!p0 [sflag:s0], s1  }
0xd8: {  	s1 =	ssub.s32 @!p0 $0x0, s1;
	[sflag:s0] =	ssyncset.done @!p0 $0x0  }
0xd9: {  	[sflag:s0] =	ssyncadd.s32 @!p0 s1  }
0xda: {  	[bflag:$0x3] =	sbarrier.arrive $0xFFFF  }
0xdb: {  	_ =	shalt  }

</sc_bundles>
